<compile_context>
chip_gen: v7x
topology: tpu7x:2x2x1
jax: 0.10.2.dev20260603
libtpu: 0.0.44.dev20260713+nightly
codegen_flags: <defaults>
</compile_context>

<pallas_src>
import functools

import jax
import jax.numpy as jnp
from jax import lax
from jax.experimental import pallas as pl
from jax.experimental.pallas import tpu as pltpu
from jax.experimental.pallas import tpu_sc as plsc

S, R, C = 38, 340, 24
NUM_LAYERS = 4
EPS = 1e-5
B = 256
N = B * (S + R)
E = N * 16
NS = 16
NC = 2
RPT = N // NS
EPT = E // NS
EPW = E // (NS * NC)
KA = 864
NBUF = 2
KD = 1512
RB = 2016


def _leaky(v):
    return jnp.where(v >= 0, v, 0.2 * v)



RCH = 864


def _deg_body(dst_hbm, zeros_hbm, ones_hbm, out_hbm, dstA, dstB, onesb, zbuf,
              semA, semB, acc):
    s = lax.axis_index("s")
    pltpu.sync_copy(zeros_hbm, zbuf)
    pltpu.sync_copy(ones_hbm, onesb)
    for j in range(RPT // RCH):
        pltpu.sync_copy(zbuf, acc.at[pl.ds(s * RPT + j * RCH, RCH)])
    plsc.subcore_barrier()
    base = s * (E // NS)
    nchunk = E // NS // KD

    def ld(i, buf, sem, start):
        d = pltpu.async_copy if start else pltpu.make_async_copy
        r = d(dst_hbm.at[pl.ds(base + i * KD, KD)], buf, sem)
        if not start:
            r.wait()

    ld(0, dstA, semA, True)

    def pair(j, carry):
        ld(2 * j + 1, dstB, semB, True)
        ld(2 * j, dstA, semA, False)
        pltpu.sync_copy(onesb, acc.at[dstA], add=True)

        @pl.when(j < nchunk // 2 - 1)
        def _():
            ld(2 * j + 2, dstA, semA, True)

        ld(2 * j + 1, dstB, semB, False)
        pltpu.sync_copy(onesb, acc.at[dstB], add=True)
        return carry

    lax.fori_loop(0, nchunk // 2, pair, 0)
    plsc.subcore_barrier()
    for j in range(RPT // RCH):
        pltpu.sync_copy(acc.at[pl.ds(s * RPT + j * RCH, RCH)], zbuf)
        pltpu.sync_copy(zbuf, out_hbm.at[pl.ds(s * RPT + j * RCH, RCH)])


def _agg_body(src_hbm, dst_hbm, h2_hbm, zeros_hbm, out_hbm, *sc):
    srcb = sc[0:NBUF]
    dstb = sc[NBUF:2 * NBUF]
    rows = sc[2 * NBUF:3 * NBUF]
    semI = sc[3 * NBUF:4 * NBUF]
    semG = sc[4 * NBUF:5 * NBUF]
    acc = sc[5 * NBUF]
    s = lax.axis_index("s")

    pltpu.sync_copy(zeros_hbm, rows[0])
    nz = RPT // RCH
    for j in range(nz):
        pltpu.async_copy(rows[0].at[pl.ds(0, RCH)],
                         acc.at[pl.ds(s * RPT + j * RCH, RCH)], semG[0])
    for j in range(nz):
        pltpu.make_async_copy(rows[0].at[pl.ds(0, RCH)],
                              acc.at[pl.ds(s * RPT + j * RCH, RCH)],
                              semG[0]).wait()

    plsc.subcore_barrier()
    base = s * (E // NS)
    nchunk = E // NS // KA
    ngrp = nchunk // NBUF

    def fire_idx(i, k):
        off = base + i * KA
        pltpu.async_copy(src_hbm.at[pl.ds(off, KA)], srcb[k], semI[k])
        pltpu.async_copy(dst_hbm.at[pl.ds(off, KA)], dstb[k], semI[k])

    def wait_idx(i, k):
        off = base + i * KA
        pltpu.make_async_copy(src_hbm.at[pl.ds(off, KA)], srcb[k],
                              semI[k]).wait()
        pltpu.make_async_copy(dst_hbm.at[pl.ds(off, KA)], dstb[k],
                              semI[k]).wait()

    def fire_gather(k):
        pltpu.async_copy(h2_hbm.at[srcb[k]], rows[k], semG[k])

    def wait_gather(k):
        pltpu.make_async_copy(h2_hbm.at[srcb[k]], rows[k], semG[k]).wait()

    for k in range(NBUF):
        fire_idx(k, k)
    wait_idx(0, 0)
    fire_gather(0)

    def grp(g, carry):
        for k in range(NBUF):
            kn = (k + 1) % NBUF

            def issue_next(gg):
                wait_idx(gg * NBUF + k + 1, kn)
                fire_gather(kn)

            if k < NBUF - 1:
                issue_next(g)
            else:
                @pl.when(g < ngrp - 1)
                def _():
                    issue_next(g)
            wait_gather(k)
            pltpu.sync_copy(rows[k], acc.at[dstb[k]], add=True)

            @pl.when(g < ngrp - 1)
            def _():
                fire_idx((g + 1) * NBUF + k, k)
        return carry

    lax.fori_loop(0, ngrp, grp, 0)
    plsc.subcore_barrier()

    def wb_ld(j, start):
        b = j % 2
        d = pltpu.async_copy if start else pltpu.make_async_copy
        r = d(acc.at[pl.ds(s * RPT + j * RCH, RCH)], rows[b], semG[b])
        if not start:
            r.wait()

    def wb_st(j, start):
        b = j % 2
        d = pltpu.async_copy if start else pltpu.make_async_copy
        r = d(rows[b], out_hbm.at[pl.ds(s * RPT + j * RCH, RCH)], semI[b])
        if not start:
            r.wait()

    nz2 = RPT // RCH
    wb_ld(0, True)
    wb_ld(1, True)
    for j in range(nz2):
        wb_ld(j, False)
        wb_st(j, True)
        if j + 2 < nz2:
            wb_st(j, False)
            wb_ld(j + 2, True)
        else:
            wb_st(j, False)


def _agg_call(src, dst, h2):
    fn = pl.kernel(
        _agg_body,
        out_type=jax.ShapeDtypeStruct((N, 32), jnp.bfloat16),
        mesh=_sc_mesh(),
        scratch_types=(
            [pltpu.VMEM((KA,), jnp.int32) for _ in range(2 * NBUF)]
            + [pltpu.VMEM((KA, 32), jnp.bfloat16) for _ in range(NBUF)]
            + [pltpu.SemaphoreType.DMA for _ in range(2 * NBUF)]
            + [pltpu.VMEM_SHARED((N, 32), jnp.bfloat16)]
        ),
        compiler_params=pltpu.CompilerParams(use_tc_tiling_on_sc=False),
    )
    return fn(src, dst, h2, jnp.zeros((RCH, 32), jnp.bfloat16))


def _sc_mesh():
    return plsc.VectorSubcoreMesh(core_axis_name="c", subcore_axis_name="s",
                                  num_cores=1)


def _deg_call(dst):
    fn = pl.kernel(
        _deg_body,
        out_type=jax.ShapeDtypeStruct((N,), jnp.float32),
        mesh=_sc_mesh(),
        scratch_types=[
            pltpu.VMEM((KD,), jnp.int32),
            pltpu.VMEM((KD,), jnp.int32),
            pltpu.VMEM((KD,), jnp.float32),
            pltpu.VMEM((RCH,), jnp.float32),
            pltpu.SemaphoreType.DMA,
            pltpu.SemaphoreType.DMA,
            pltpu.VMEM_SHARED((N,), jnp.float32),
        ],
        compiler_params=pltpu.CompilerParams(use_tc_tiling_on_sc=False),
    )
    return fn(dst, jnp.zeros((RCH,), jnp.float32), jnp.ones((KD,), jnp.float32))



PG = 16
SBK = B * S // PG
RBK = B * R // PG


def _stats_body(sx_ref, rx_ref, ss_ref, rs_ref):
    i = pl.program_id(0)
    sx = sx_ref[...]
    rflat = rx_ref[...][:, :3]

    @pl.when(i == 0)
    def _():
        ss_ref[...] = jnp.zeros_like(ss_ref)
        rs_ref[...] = jnp.zeros_like(rs_ref)

    ss_ref[0, :] += jnp.sum(sx, axis=0)
    ss_ref[1, :] += jnp.sum(sx * sx, axis=0)
    rs_ref[0, :] += jnp.sum(rflat, axis=0)
    rs_ref[1, :] += jnp.sum(rflat * rflat, axis=0)


def _stats_call(s_x, r_x):
    return pl.pallas_call(
        _stats_body,
        grid=(PG,),
        in_specs=[
            pl.BlockSpec((SBK, 4), lambda i: (i, 0)),
            pl.BlockSpec((RBK, 8), lambda i: (i, 0)),
        ],
        out_specs=[
            pl.BlockSpec((2, 4), lambda i: (0, 0)),
            pl.BlockSpec((2, 3), lambda i: (0, 0)),
        ],
        out_shape=[
            jax.ShapeDtypeStruct((2, 4), jnp.float32),
            jax.ShapeDtypeStruct((2, 3), jnp.float32),
        ],
    )(s_x, r_x)


def _prologue_body(sx_ref, rx_ref, ss_ref, rs_ref, bnsw, bnsb, bnrw, bnrb,
                   lsw, lrw, s_out, r_out, ox_out):
    ns = float(B * S)
    mu = ss_ref[0, :] / ns
    var = ss_ref[1, :] / ns - mu * mu
    sn = (sx_ref[...] - mu) / jnp.sqrt(var + EPS) * bnsw[0] + bnsb[0]
    s_out[...] = _leaky(jnp.dot(sn, lsw[...].T, preferred_element_type=jnp.float32))

    rx = rx_ref[...]
    nr = float(B * R)
    mu_r = rs_ref[0, :] / nr
    var_r = rs_ref[1, :] / nr - mu_r * mu_r
    rn = (rx[:, :3] - mu_r) / jnp.sqrt(var_r + EPS) * bnrw[0] + bnrb[0]
    r_out[...] = _leaky(jnp.dot(rn, lrw[...].T, preferred_element_type=jnp.float32))

    ox_out[...] = rx.reshape(RBK // R, R, 8)[:, 0, 3:8]


def _prologue_call(s_x, r_x, bn_s_w, bn_s_b, bn_r_w, bn_r_b, lin_s_W, lin_r_W):
    sstats, rstats = _stats_call(s_x, r_x)
    return pl.pallas_call(
        _prologue_body,
        grid=(PG,),
        in_specs=[
            pl.BlockSpec((SBK, 4), lambda i: (i, 0)),
            pl.BlockSpec((RBK, 8), lambda i: (i, 0)),
            pl.BlockSpec((2, 4), lambda i: (0, 0)),
            pl.BlockSpec((2, 3), lambda i: (0, 0)),
            pl.BlockSpec((1, 4), lambda i: (0, 0)),
            pl.BlockSpec((1, 4), lambda i: (0, 0)),
            pl.BlockSpec((1, 3), lambda i: (0, 0)),
            pl.BlockSpec((1, 3), lambda i: (0, 0)),
            pl.BlockSpec((C, 4), lambda i: (0, 0)),
            pl.BlockSpec((C, 3), lambda i: (0, 0)),
        ],
        out_specs=[
            pl.BlockSpec((SBK, C), lambda i: (i, 0)),
            pl.BlockSpec((RBK, C), lambda i: (i, 0)),
            pl.BlockSpec((RBK // R, 5), lambda i: (i, 0)),
        ],
        out_shape=[
            jax.ShapeDtypeStruct((B * S, C), jnp.float32),
            jax.ShapeDtypeStruct((B * R, C), jnp.float32),
            jax.ShapeDtypeStruct((B, 5), jnp.float32),
        ],
    )(s_x, r_x, sstats, rstats, bn_s_w.reshape(1, 4), bn_s_b.reshape(1, 4),
      bn_r_w.reshape(1, 3), bn_r_b.reshape(1, 3), lin_s_W, lin_r_W)


def _split_h(h, h2_ref):
    rb = h.shape[0]
    h2_ref[...] = jnp.concatenate(
        [h, jnp.zeros((rb, 8), jnp.float32)], axis=1).astype(jnp.bfloat16)


def _dense0_body(x_ref, deg0_ref, w_ref, dinv_ref, h2_ref):
    deg = 1.0 + deg0_ref[:, 0]
    dinv = lax.rsqrt(deg)
    dinv_ref[:, 0] = dinv
    h = jnp.dot(x_ref[...], w_ref[...].T, preferred_element_type=jnp.float32)
    _split_h(h * dinv[:, None], h2_ref)


def _dense0_call(x0, deg0, W0):
    grid = (N // RB,)
    return pl.pallas_call(
        _dense0_body,
        grid=grid,
        in_specs=[
            pl.BlockSpec((RB, C), lambda i: (i, 0)),
            pl.BlockSpec((RB, 1), lambda i: (i, 0)),
            pl.BlockSpec((C, C), lambda i: (0, 0)),
        ],
        out_specs=[
            pl.BlockSpec((RB, 1), lambda i: (i, 0)),
            pl.BlockSpec((RB, 32), lambda i: (i, 0)),
        ],
        out_shape=[
            jax.ShapeDtypeStruct((N, 1), jnp.float32),
            jax.ShapeDtypeStruct((N, 32), jnp.bfloat16),
        ],
    )(x0, deg0.reshape(N, 1), W0)


def _dense_body(x_ref, agg0_ref, hp_ref, dinv_ref, b_ref, w_ref,
                xn_ref, h2_ref):
    dinv = dinv_ref[:, 0]
    agg = (agg0_ref[...].astype(jnp.float32)
           + hp_ref[...].astype(jnp.float32))[:, :C]
    xn = x_ref[...] + _leaky(dinv[:, None] * agg + b_ref[0])
    xn_ref[...] = xn
    h = jnp.dot(xn, w_ref[...].T, preferred_element_type=jnp.float32)
    _split_h(h * dinv[:, None], h2_ref)


def _dense_call(x, agg0, hp, dinv, b, Wnext):
    grid = (N // RB,)
    return pl.pallas_call(
        _dense_body,
        grid=grid,
        in_specs=[
            pl.BlockSpec((RB, C), lambda i: (i, 0)),
            pl.BlockSpec((RB, 32), lambda i: (i, 0)),
            pl.BlockSpec((RB, 32), lambda i: (i, 0)),
            pl.BlockSpec((RB, 1), lambda i: (i, 0)),
            pl.BlockSpec((1, C), lambda i: (0, 0)),
            pl.BlockSpec((C, C), lambda i: (0, 0)),
        ],
        out_specs=[
            pl.BlockSpec((RB, C), lambda i: (i, 0)),
            pl.BlockSpec((RB, 32), lambda i: (i, 0)),
        ],
        out_shape=[
            jax.ShapeDtypeStruct((N, C), jnp.float32),
            jax.ShapeDtypeStruct((N, 32), jnp.bfloat16),
        ],
    )(x, agg0, hp, dinv, b.reshape(1, C), Wnext)


def _dense_last_body(x_ref, agg0_ref, hp_ref, dinv_ref, b_ref, xn_ref):
    dinv = dinv_ref[:, 0]
    agg = (agg0_ref[...].astype(jnp.float32)
           + hp_ref[...].astype(jnp.float32))[:, :C]
    xn_ref[...] = x_ref[...] + _leaky(dinv[:, None] * agg + b_ref[0])


def _dense_last_call(x, agg0, hp, dinv, b):
    grid = (N // RB,)
    return pl.pallas_call(
        _dense_last_body,
        grid=grid,
        in_specs=[
            pl.BlockSpec((RB, C), lambda i: (i, 0)),
            pl.BlockSpec((RB, 32), lambda i: (i, 0)),
            pl.BlockSpec((RB, 32), lambda i: (i, 0)),
            pl.BlockSpec((RB, 1), lambda i: (i, 0)),
            pl.BlockSpec((1, C), lambda i: (0, 0)),
        ],
        out_specs=pl.BlockSpec((RB, C), lambda i: (i, 0)),
        out_shape=jax.ShapeDtypeStruct((N, C), jnp.float32),
    )(x, agg0, hp, dinv, b.reshape(1, C))


def _readout_body(x_ref, ox_ref, lrw, lrb, w1, b1, w2, b2, out_ref):
    xg = jnp.mean(x_ref[...], axis=2)
    logits = jnp.dot(xg, lrw[...].T, preferred_element_type=jnp.float32) + lrb[0]
    exl = jnp.exp(logits)
    p = exl / (jnp.sum(exl, axis=1, keepdims=True) + 1.0)
    o = _leaky(jnp.dot(ox_ref[...], w1[...].T, preferred_element_type=jnp.float32) + b1[0])
    o = jnp.dot(o, w2[...].T, preferred_element_type=jnp.float32) + b2[0]
    out_ref[...] = p * jnp.exp(o)


def _readout_call(x4, o_x, linr_W, linr_b, lino_W1, lino_b1, lino_W2, lino_b2):
    BB = 32
    grid = (B // BB,)
    return pl.pallas_call(
        _readout_body,
        grid=grid,
        in_specs=[
            pl.BlockSpec((BB, S + R, C), lambda i: (i, 0, 0)),
            pl.BlockSpec((BB, 5), lambda i: (i, 0)),
            pl.BlockSpec((7, S + R), lambda i: (0, 0)),
            pl.BlockSpec((1, 7), lambda i: (0, 0)),
            pl.BlockSpec((C, 5), lambda i: (0, 0)),
            pl.BlockSpec((1, C), lambda i: (0, 0)),
            pl.BlockSpec((7, C), lambda i: (0, 0)),
            pl.BlockSpec((1, 7), lambda i: (0, 0)),
        ],
        out_specs=pl.BlockSpec((BB, 7), lambda i: (i, 0)),
        out_shape=jax.ShapeDtypeStruct((B, 7), jnp.float32),
    )(x4.reshape(B, S + R, C), o_x, linr_W, linr_b.reshape(1, 7),
      lino_W1, lino_b1.reshape(1, C), lino_W2, lino_b2.reshape(1, 7))



def kernel(s_x, r_x, edge_index, bn_s_w, bn_s_b, bn_r_w, bn_r_b, lin_s_W,
           lin_r_W, conv_W, conv_b, linr_W, linr_b, lino_W1, lino_b1,
           lino_W2, lino_b2):
    src = edge_index[0]
    dst = edge_index[1]

    degp = _deg_call(dst)
    s_emb, r_emb, o_x = _prologue_call(
        s_x, r_x, bn_s_w, bn_s_b, bn_r_w, bn_r_b, lin_s_W, lin_r_W)
    x = jnp.concatenate(
        [s_emb.reshape(B, S, C), r_emb.reshape(B, R, C)], axis=1).reshape(N, C)

    dinv, h2 = _dense0_call(x, degp, conv_W[0])
    for l in range(NUM_LAYERS):
        agg = _agg_call(src, dst, h2)
        if l < NUM_LAYERS - 1:
            x, h2 = _dense_call(x, agg, h2, dinv, conv_b[l], conv_W[l + 1])
        else:
            x = _dense_last_call(x, agg, h2, dinv, conv_b[l])

    return _readout_call(x, o_x, linr_W, linr_b,
                         lino_W1, lino_b1, lino_W2, lino_b2)

# --- scband reference (transcript-rebuilt; emitter-appended) ---
"""Pipeline reference for scband-schet-net-48610439856560 (READ-ONLY COPY).

The authoritative reference and input builder live on the scoring server;
editing this copy changes nothing except your own understanding.
"""

import jax, jax.numpy as jnp
import numpy as np

S, R, C = 38, 340, 24
NUM_LAYERS = 4
EPS = 1e-5


def leaky(v):
    return jnp.where(v >= 0, v, 0.2 * v)


def batch_norm(x, w, b):
    mu = jnp.mean(x, axis=0)
    var = jnp.var(x, axis=0)
    return (x - mu) / jnp.sqrt(var + EPS) * w + b


def gcn_conv(x, src, dst, W, b):
    n = x.shape[0]
    h = x @ W.T
    deg = jnp.zeros((n,), x.dtype).at[dst].add(1.0)
    dinv = jnp.where(deg > 0, 1.0 / jnp.sqrt(deg), 0.0)
    norm = dinv[src] * dinv[dst]
    msg = h[src] * norm[:, None]
    out = jnp.zeros_like(h).at[dst].add(msg)
    return out + b


def setup_inputs(seed: int = 0):
    key = jax.random.key(seed)
    ks = jax.random.split(key, 16)
    B = 256
    N = B * (S + R)
    E = N * 16
    inp = {}
    inp["s_x"] = jax.random.normal(ks[0], (B * S, 4), dtype=jnp.float32)
    inp["r_x"] = jax.random.normal(ks[1], (B * R, 8), dtype=jnp.float32)
    inp["edge_index"] = jax.random.randint(ks[2], (2, E), 0, N, dtype=jnp.int32)
    inp["bn_s_w"] = jnp.ones((4,), jnp.float32)
    inp["bn_s_b"] = jnp.zeros((4,), jnp.float32)
    inp["bn_r_w"] = jnp.ones((3,), jnp.float32)
    inp["bn_r_b"] = jnp.zeros((3,), jnp.float32)
    inp["lin_s_W"] = jax.random.normal(ks[3], (C, 4), dtype=jnp.float32) * 0.3
    inp["lin_r_W"] = jax.random.normal(ks[4], (C, 3), dtype=jnp.float32) * 0.3
    inp["conv_W"] = jax.random.normal(ks[5], (NUM_LAYERS, C, C), dtype=jnp.float32) * 0.2
    inp["conv_b"] = jnp.zeros((NUM_LAYERS, C), jnp.float32)
    inp["linr_W"] = jax.random.normal(ks[6], (7, S + R), dtype=jnp.float32) * 0.05
    inp["linr_b"] = jnp.zeros((7,), jnp.float32)
    inp["lino_W1"] = jax.random.normal(ks[7], (C, 5), dtype=jnp.float32) * 0.3
    inp["lino_b1"] = jnp.zeros((C,), jnp.float32)
    inp["lino_W2"] = jax.random.normal(ks[8], (7, C), dtype=jnp.float32) * 0.2
    inp["lino_b2"] = jnp.zeros((7,), jnp.float32)
    return inp


def reference(s_x, r_x, edge_index, bn_s_w, bn_s_b, bn_r_w, bn_r_b, lin_s_W, lin_r_W, conv_W, conv_b, linr_W, linr_b, lino_W1, lino_b1, lino_W2, lino_b2):
    r_full = r_x.reshape(-1, R, 3 + 5)
    o_x = r_full[:, 0, 3:]
    r_flat = r_full[:, :, :3].reshape(-1, 3)
    s = leaky(batch_norm(s_x, bn_s_w, bn_s_b) @ lin_s_W.T)
    r = leaky(batch_norm(r_flat, bn_r_w, bn_r_b) @ lin_r_W.T)
    x = jnp.concatenate([s.reshape(-1, S, C), r.reshape(-1, R, C)], axis=1).reshape(-1, C)
    n = x.shape[0]
    loop = jnp.arange(n, dtype=edge_index.dtype)
    src = jnp.concatenate([edge_index[0], loop])
    dst = jnp.concatenate([edge_index[1], loop])
    for i in range(NUM_LAYERS):
        x = x + leaky(gcn_conv(x, src, dst, conv_W[i], conv_b[i]))
    xg = x.reshape(-1, S + R, C).mean(axis=2)
    logits = xg @ linr_W.T + linr_b
    ex = jnp.exp(logits)
    p = ex / (jnp.sum(ex, axis=1, keepdims=True) + 1.0)
    o = leaky(o_x @ lino_W1.T + lino_b1) @ lino_W2.T + lino_b2
    o = jnp.exp(o)
    return p * o

if __name__ == "__main__":
    import jax
    _d = setup_inputs()
    print(jax.jit(kernel)(*tuple(_d.values())))

</pallas_src>

<mosaic_0001>
#map = affine_map<(d0, d1) -> (0)>
#map1 = affine_map<(d0, d1) -> (0, 0)>
module attributes {stable_mosaic.version = 14 : i64} {
  func.func @_agg_body(%arg0: i32, %arg1: i32, %arg2: memref<1548288xi32, #tpu.memory_space<hbm>>, %arg3: memref<1548288xi32, #tpu.memory_space<hbm>>, %arg4: memref<96768x32xbf16, #tpu.memory_space<hbm>>, %arg5: memref<864x32xbf16, #tpu.memory_space<hbm>>, %arg6: memref<96768x32xbf16, #tpu.memory_space<hbm>>, %arg7: memref<864xi32, #tpu.memory_space<vmem>>, %arg8: memref<864xi32, #tpu.memory_space<vmem>>, %arg9: memref<864xi32, #tpu.memory_space<vmem>>, %arg10: memref<864xi32, #tpu.memory_space<vmem>>, %arg11: memref<864x32xbf16, #tpu.memory_space<vmem>>, %arg12: memref<864x32xbf16, #tpu.memory_space<vmem>>, %arg13: memref<!tpu.dma_semaphore, #tpu.memory_space<semaphore_mem>>, %arg14: memref<!tpu.dma_semaphore, #tpu.memory_space<semaphore_mem>>, %arg15: memref<!tpu.dma_semaphore, #tpu.memory_space<semaphore_mem>>, %arg16: memref<!tpu.dma_semaphore, #tpu.memory_space<semaphore_mem>>, %arg17: memref<96768x32xbf16, #tpu.memory_space<vmem_shared>>) attributes {dimension_semantics = [#tpu.dimension_semantics<core_parallel>, #tpu.dimension_semantics<subcore_parallel>], iteration_bounds = array<i64: 1, 16>, scalar_prefetch = 0 : i64, scratch_operands = 11 : i64, tpu.core_type = #tpu.core_type<sc_vector_subcore>, window_params = [{transform_indices = #map}, {transform_indices = #map}, {transform_indices = #map1}, {transform_indices = #map1}, {transform_indices = #map1}]} {
    "tpu.region"() ({
      %run_scoped3A = tpu.sem_alloc : memref<!tpu.dma_semaphore, #tpu.memory_space<semaphore_mem>>
      tpu.enqueue_dma source(%arg5 : memref<864x32xbf16, #tpu.memory_space<hbm>>) target(%arg11 : memref<864x32xbf16, #tpu.memory_space<vmem>>) target_semaphore(%run_scoped3A : memref<!tpu.dma_semaphore, #tpu.memory_space<semaphore_mem>>)
      tpu.wait_dma2 semaphore(%run_scoped3A : memref<!tpu.dma_semaphore, #tpu.memory_space<semaphore_mem>>) src(%arg5 : memref<864x32xbf16, #tpu.memory_space<hbm>>) dst(%arg11 : memref<864x32xbf16, #tpu.memory_space<vmem>>)
      tpu.yield
    }) : () -> ()
    %mul3A = arith.constant 6048 : i32
    %mul3A_0 = arith.muli %arg1, %mul3A : i32
    %add3A = arith.constant 0 : i32
    %add3A_1 = arith.addi %mul3A_0, %add3A : i32
    %dma_start3A = arith.constant 0 : i32
    %dma_start3A_2 = arith.constant 0 : i32
    %dma_start3A_3 = tpu.memref_slice %arg11[%dma_start3A, %dma_start3A_2] : memref<864x32xbf16, #tpu.memory_space<vmem>> -> memref<864x32xbf16, #tpu.memory_space<vmem>>
    %dma_start3A_4 = arith.constant 0 : i32
    %dma_start3A_5 = tpu.memref_slice %arg17[%add3A_1, %dma_start3A_4] : memref<96768x32xbf16, #tpu.memory_space<vmem_shared>> -> memref<864x32xbf16, #tpu.memory_space<vmem_shared>>
    %dma_start3A_6 = arith.constant 0 : i32
    %dma_start3A_7 = tpu.memref_slice %arg17[%add3A_1, %dma_start3A_6] : memref<96768x32xbf16, #tpu.memory_space<vmem_shared>> -> memref<864x32xbf16, #tpu.memory_space<vmem_shared>>
    %dma_start3A_8 = arith.constant 0 : i32
    %dma_start3A_9 = arith.constant 0 : i32
    %dma_start3A_10 = tpu.memref_slice %arg11[%dma_start3A_8, %dma_start3A_9] : memref<864x32xbf16, #tpu.memory_space<vmem>> -> memref<864x32xbf16, #tpu.memory_space<vmem>>
    tpu.enqueue_dma source(%dma_start3A_10 : memref<864x32xbf16, #tpu.memory_space<vmem>>) target(%dma_start3A_7 : memref<864x32xbf16, #tpu.memory_space<vmem_shared>>) target_semaphore(%arg15 : memref<!tpu.dma_semaphore, #tpu.memory_space<semaphore_mem>>)
    %mul3A_11 = arith.constant 6048 : i32
    %mul3A_12 = arith.muli %arg1, %mul3A_11 : i32
    %add3A_13 = arith.constant 864 : i32
    %add3A_14 = arith.addi %mul3A_12, %add3A_13 : i32
    %dma_start3A_15 = arith.constant 0 : i32
    %dma_start3A_16 = arith.constant 0 : i32
    %dma_start3A_17 = tpu.memref_slice %arg11[%dma_start3A_15, %dma_start3A_16] : memref<864x32xbf16, #tpu.memory_space<vmem>> -> memref<864x32xbf16, #tpu.memory_space<vmem>>
    %dma_start3A_18 = arith.constant 0 : i32
    %dma_start3A_19 = tpu.memref_slice %arg17[%add3A_14, %dma_start3A_18] : memref<96768x32xbf16, #tpu.memory_space<vmem_shared>> -> memref<864x32xbf16, #tpu.memory_space<vmem_shared>>
    %dma_start3A_20 = arith.constant 0 : i32
    %dma_start3A_21 = tpu.memref_slice %arg17[%add3A_14, %dma_start3A_20] : memref<96768x32xbf16, #tpu.memory_space<vmem_shared>> -> memref<864x32xbf16, #tpu.memory_space<vmem_shared>>
    %dma_start3A_22 = arith.constant 0 : i32
    %dma_start3A_23 = arith.constant 0 : i32
    %dma_start3A_24 = tpu.memref_slice %arg11[%dma_start3A_22, %dma_start3A_23] : memref<864x32xbf16, #tpu.memory_space<vmem>> -> memref<864x32xbf16, #tpu.memory_space<vmem>>
    tpu.enqueue_dma source(%dma_start3A_24 : memref<864x32xbf16, #tpu.memory_space<vmem>>) target(%dma_start3A_21 : memref<864x32xbf16, #tpu.memory_space<vmem_shared>>) target_semaphore(%arg15 : memref<!tpu.dma_semaphore, #tpu.memory_space<semaphore_mem>>)
    %mul3A_25 = arith.constant 6048 : i32
    %mul3A_26 = arith.muli %arg1, %mul3A_25 : i32
    %add3A_27 = arith.constant 1728 : i32
    %add3A_28 = arith.addi %mul3A_26, %add3A_27 : i32
    %dma_start3A_29 = arith.constant 0 : i32
    %dma_start3A_30 = arith.constant 0 : i32
    %dma_start3A_31 = tpu.memref_slice %arg11[%dma_start3A_29, %dma_start3A_30] : memref<864x32xbf16, #tpu.memory_space<vmem>> -> memref<864x32xbf16, #tpu.memory_space<vmem>>
    %dma_start3A_32 = arith.constant 0 : i32
    %dma_start3A_33 = tpu.memref_slice %arg17[%add3A_28, %dma_start3A_32] : memref<96768x32xbf16, #tpu.memory_space<vmem_shared>> -> memref<864x32xbf16, #tpu.memory_space<vmem_shared>>
    %dma_start3A_34 = arith.constant 0 : i32
    %dma_start3A_35 = tpu.memref_slice %arg17[%add3A_28, %dma_start3A_34] : memref<96768x32xbf16, #tpu.memory_space<vmem_shared>> -> memref<864x32xbf16, #tpu.memory_space<vmem_shared>>
    %dma_start3A_36 = arith.constant 0 : i32
    %dma_start3A_37 = arith.constant 0 : i32
    %dma_start3A_38 = tpu.memref_slice %arg11[%dma_start3A_36, %dma_start3A_37] : memref<864x32xbf16, #tpu.memory_space<vmem>> -> memref<864x32xbf16, #tpu.memory_space<vmem>>
    tpu.enqueue_dma source(%dma_start3A_38 : memref<864x32xbf16, #tpu.memory_space<vmem>>) target(%dma_start3A_35 : memref<864x32xbf16, #tpu.memory_space<vmem_shared>>) target_semaphore(%arg15 : memref<!tpu.dma_semaphore, #tpu.memory_space<semaphore_mem>>)
    %mul3A_39 = arith.constant 6048 : i32
    %mul3A_40 = arith.muli %arg1, %mul3A_39 : i32
    %add3A_41 = arith.constant 2592 : i32
    %add3A_42 = arith.addi %mul3A_40, %add3A_41 : i32
    %dma_start3A_43 = arith.constant 0 : i32
    %dma_start3A_44 = arith.constant 0 : i32
    %dma_start3A_45 = tpu.memref_slice %arg11[%dma_start3A_43, %dma_start3A_44] : memref<864x32xbf16, #tpu.memory_space<vmem>> -> memref<864x32xbf16, #tpu.memory_space<vmem>>
    %dma_start3A_46 = arith.constant 0 : i32
    %dma_start3A_47 = tpu.memref_slice %arg17[%add3A_42, %dma_start3A_46] : memref<96768x32xbf16, #tpu.memory_space<vmem_shared>> -> memref<864x32xbf16, #tpu.memory_space<vmem_shared>>
    %dma_start3A_48 = arith.constant 0 : i32
    %dma_start3A_49 = tpu.memref_slice %arg17[%add3A_42, %dma_start3A_48] : memref<96768x32xbf16, #tpu.memory_space<vmem_shared>> -> memref<864x32xbf16, #tpu.memory_space<vmem_shared>>
    %dma_start3A_50 = arith.constant 0 : i32
    %dma_start3A_51 = arith.constant 0 : i32
    %dma_start3A_52 = tpu.memref_slice %arg11[%dma_start3A_50, %dma_start3A_51] : memref<864x32xbf16, #tpu.memory_space<vmem>> -> memref<864x32xbf16, #tpu.memory_space<vmem>>
    tpu.enqueue_dma source(%dma_start3A_52 : memref<864x32xbf16, #tpu.memory_space<vmem>>) target(%dma_start3A_49 : memref<864x32xbf16, #tpu.memory_space<vmem_shared>>) target_semaphore(%arg15 : memref<!tpu.dma_semaphore, #tpu.memory_space<semaphore_mem>>)
    %mul3A_53 = arith.constant 6048 : i32
    %mul3A_54 = arith.muli %arg1, %mul3A_53 : i32
    %add3A_55 = arith.constant 3456 : i32
    %add3A_56 = arith.addi %mul3A_54, %add3A_55 : i32
    %dma_start3A_57 = arith.constant 0 : i32
    %dma_start3A_58 = arith.constant 0 : i32
    %dma_start3A_59 = tpu.memref_slice %arg11[%dma_start3A_57, %dma_start3A_58] : memref<864x32xbf16, #tpu.memory_space<vmem>> -> memref<864x32xbf16, #tpu.memory_space<vmem>>
    %dma_start3A_60 = arith.constant 0 : i32
    %dma_start3A_61 = tpu.memref_slice %arg17[%add3A_56, %dma_start3A_60] : memref<96768x32xbf16, #tpu.memory_space<vmem_shared>> -> memref<864x32xbf16, #tpu.memory_space<vmem_shared>>
    %dma_start3A_62 = arith.constant 0 : i32
    %dma_start3A_63 = tpu.memref_slice %arg17[%add3A_56, %dma_start3A_62] : memref<96768x32xbf16, #tpu.memory_space<vmem_shared>> -> memref<864x32xbf16, #tpu.memory_space<vmem_shared>>
    %dma_start3A_64 = arith.constant 0 : i32
    %dma_start3A_65 = arith.constant 0 : i32
    %dma_start3A_66 = tpu.memref_slice %arg11[%dma_start3A_64, %dma_start3A_65] : memref<864x32xbf16, #tpu.memory_space<vmem>> -> memref<864x32xbf16, #tpu.memory_space<vmem>>
    tpu.enqueue_dma source(%dma_start3A_66 : memref<864x32xbf16, #tpu.memory_space<vmem>>) target(%dma_start3A_63 : memref<864x32xbf16, #tpu.memory_space<vmem_shared>>) target_semaphore(%arg15 : memref<!tpu.dma_semaphore, #tpu.memory_space<semaphore_mem>>)
    %mul3A_67 = arith.constant 6048 : i32
    %mul3A_68 = arith.muli %arg1, %mul3A_67 : i32
    %add3A_69 = arith.constant 4320 : i32
    %add3A_70 = arith.addi %mul3A_68, %add3A_69 : i32
    %dma_start3A_71 = arith.constant 0 : i32
    %dma_start3A_72 = arith.constant 0 : i32
    %dma_start3A_73 = tpu.memref_slice %arg11[%dma_start3A_71, %dma_start3A_72] : memref<864x32xbf16, #tpu.memory_space<vmem>> -> memref<864x32xbf16, #tpu.memory_space<vmem>>
    %dma_start3A_74 = arith.constant 0 : i32
    %dma_start3A_75 = tpu.memref_slice %arg17[%add3A_70, %dma_start3A_74] : memref<96768x32xbf16, #tpu.memory_space<vmem_shared>> -> memref<864x32xbf16, #tpu.memory_space<vmem_shared>>
    %dma_start3A_76 = arith.constant 0 : i32
    %dma_start3A_77 = tpu.memref_slice %arg17[%add3A_70, %dma_start3A_76] : memref<96768x32xbf16, #tpu.memory_space<vmem_shared>> -> memref<864x32xbf16, #tpu.memory_space<vmem_shared>>
    %dma_start3A_78 = arith.constant 0 : i32
    %dma_start3A_79 = arith.constant 0 : i32
    %dma_start3A_80 = tpu.memref_slice %arg11[%dma_start3A_78, %dma_start3A_79] : memref<864x32xbf16, #tpu.memory_space<vmem>> -> memref<864x32xbf16, #tpu.memory_space<vmem>>
    tpu.enqueue_dma source(%dma_start3A_80 : memref<864x32xbf16, #tpu.memory_space<vmem>>) target(%dma_start3A_77 : memref<864x32xbf16, #tpu.memory_space<vmem_shared>>) target_semaphore(%arg15 : memref<!tpu.dma_semaphore, #tpu.memory_space<semaphore_mem>>)
    %mul3A_81 = arith.constant 6048 : i32
    %mul3A_82 = arith.muli %arg1, %mul3A_81 : i32
    %add3A_83 = arith.constant 5184 : i32
    %add3A_84 = arith.addi %mul3A_82, %add3A_83 : i32
    %dma_start3A_85 = arith.constant 0 : i32
    %dma_start3A_86 = arith.constant 0 : i32
    %dma_start3A_87 = tpu.memref_slice %arg11[%dma_start3A_85, %dma_start3A_86] : memref<864x32xbf16, #tpu.memory_space<vmem>> -> memref<864x32xbf16, #tpu.memory_space<vmem>>
    %dma_start3A_88 = arith.constant 0 : i32
    %dma_start3A_89 = tpu.memref_slice %arg17[%add3A_84, %dma_start3A_88] : memref<96768x32xbf16, #tpu.memory_space<vmem_shared>> -> memref<864x32xbf16, #tpu.memory_space<vmem_shared>>
    %dma_start3A_90 = arith.constant 0 : i32
    %dma_start3A_91 = tpu.memref_slice %arg17[%add3A_84, %dma_start3A_90] : memref<96768x32xbf16, #tpu.memory_space<vmem_shared>> -> memref<864x32xbf16, #tpu.memory_space<vmem_shared>>
    %dma_start3A_92 = arith.constant 0 : i32
    %dma_start3A_93 = arith.constant 0 : i32
    %dma_start3A_94 = tpu.memref_slice %arg11[%dma_start3A_92, %dma_start3A_93] : memref<864x32xbf16, #tpu.memory_space<vmem>> -> memref<864x32xbf16, #tpu.memory_space<vmem>>
    tpu.enqueue_dma source(%dma_start3A_94 : memref<864x32xbf16, #tpu.memory_space<vmem>>) target(%dma_start3A_91 : memref<864x32xbf16, #tpu.memory_space<vmem_shared>>) target_semaphore(%arg15 : memref<!tpu.dma_semaphore, #tpu.memory_space<semaphore_mem>>)
    %mul3A_95 = arith.constant 6048 : i32
    %mul3A_96 = arith.muli %arg1, %mul3A_95 : i32
    %add3A_97 = arith.constant 0 : i32
    %add3A_98 = arith.addi %mul3A_96, %add3A_97 : i32
    %dma_wait3A = arith.constant 0 : i32
    %dma_wait3A_99 = arith.constant 0 : i32
    %dma_wait3A_100 = tpu.memref_slice %arg11[%dma_wait3A, %dma_wait3A_99] : memref<864x32xbf16, #tpu.memory_space<vmem>> -> memref<864x32xbf16, #tpu.memory_space<vmem>>
    %dma_wait3A_101 = arith.constant 0 : i32
    %dma_wait3A_102 = tpu.memref_slice %arg17[%add3A_98, %dma_wait3A_101] : memref<96768x32xbf16, #tpu.memory_space<vmem_shared>> -> memref<864x32xbf16, #tpu.memory_space<vmem_shared>>
    %dma_wait3A_103 = arith.constant 0 : i32
    %dma_wait3A_104 = tpu.memref_slice %arg17[%add3A_98, %dma_wait3A_103] : memref<96768x32xbf16, #tpu.memory_space<vmem_shared>> -> memref<864x32xbf16, #tpu.memory_space<vmem_shared>>
    %dma_wait3A_105 = arith.constant 0 : i32
    %dma_wait3A_106 = arith.constant 0 : i32
    %dma_wait3A_107 = tpu.memref_slice %arg11[%dma_wait3A_105, %dma_wait3A_106] : memref<864x32xbf16, #tpu.memory_space<vmem>> -> memref<864x32xbf16, #tpu.memory_space<vmem>>
    tpu.wait_dma2 semaphore(%arg15 : memref<!tpu.dma_semaphore, #tpu.memory_space<semaphore_mem>>) src(%dma_wait3A_107 : memref<864x32xbf16, #tpu.memory_space<vmem>>) dst(%dma_wait3A_104 : memref<864x32xbf16, #tpu.memory_space<vmem_shared>>)
    %mul3A_108 = arith.constant 6048 : i32
    %mul3A_109 = arith.muli %arg1, %mul3A_108 : i32
    %add3A_110 = arith.constant 864 : i32
    %add3A_111 = arith.addi %mul3A_109, %add3A_110 : i32
    %dma_wait3A_112 = arith.constant 0 : i32
    %dma_wait3A_113 = arith.constant 0 : i32
    %dma_wait3A_114 = tpu.memref_slice %arg11[%dma_wait3A_112, %dma_wait3A_113] : memref<864x32xbf16, #tpu.memory_space<vmem>> -> memref<864x32xbf16, #tpu.memory_space<vmem>>
    %dma_wait3A_115 = arith.constant 0 : i32
    %dma_wait3A_116 = tpu.memref_slice %arg17[%add3A_111, %dma_wait3A_115] : memref<96768x32xbf16, #tpu.memory_space<vmem_shared>> -> memref<864x32xbf16, #tpu.memory_space<vmem_shared>>
    %dma_wait3A_117 = arith.constant 0 : i32
    %dma_wait3A_118 = tpu.memref_slice %arg17[%add3A_111, %dma_wait3A_117] : memref<96768x32xbf16, #tpu.memory_space<vmem_shared>> -> memref<864x32xbf16, #tpu.memory_space<vmem_shared>>
    %dma_wait3A_119 = arith.constant 0 : i32
    %dma_wait3A_120 = arith.constant 0 : i32
    %dma_wait3A_121 = tpu.memref_slice %arg11[%dma_wait3A_119, %dma_wait3A_120] : memref<864x32xbf16, #tpu.memory_space<vmem>> -> memref<864x32xbf16, #tpu.memory_space<vmem>>
    tpu.wait_dma2 semaphore(%arg15 : memref<!tpu.dma_semaphore, #tpu.memory_space<semaphore_mem>>) src(%dma_wait3A_121 : memref<864x32xbf16, #tpu.memory_space<vmem>>) dst(%dma_wait3A_118 : memref<864x32xbf16, #tpu.memory_space<vmem_shared>>)
    %mul3A_122 = arith.constant 6048 : i32
    %mul3A_123 = arith.muli %arg1, %mul3A_122 : i32
    %add3A_124 = arith.constant 1728 : i32
    %add3A_125 = arith.addi %mul3A_123, %add3A_124 : i32
    %dma_wait3A_126 = arith.constant 0 : i32
    %dma_wait3A_127 = arith.constant 0 : i32
    %dma_wait3A_128 = tpu.memref_slice %arg11[%dma_wait3A_126, %dma_wait3A_127] : memref<864x32xbf16, #tpu.memory_space<vmem>> -> memref<864x32xbf16, #tpu.memory_space<vmem>>
    %dma_wait3A_129 = arith.constant 0 : i32
    %dma_wait3A_130 = tpu.memref_slice %arg17[%add3A_125, %dma_wait3A_129] : memref<96768x32xbf16, #tpu.memory_space<vmem_shared>> -> memref<864x32xbf16, #tpu.memory_space<vmem_shared>>
    %dma_wait3A_131 = arith.constant 0 : i32
    %dma_wait3A_132 = tpu.memref_slice %arg17[%add3A_125, %dma_wait3A_131] : memref<96768x32xbf16, #tpu.memory_space<vmem_shared>> -> memref<864x32xbf16, #tpu.memory_space<vmem_shared>>
    %dma_wait3A_133 = arith.constant 0 : i32
    %dma_wait3A_134 = arith.constant 0 : i32
    %dma_wait3A_135 = tpu.memref_slice %arg11[%dma_wait3A_133, %dma_wait3A_134] : memref<864x32xbf16, #tpu.memory_space<vmem>> -> memref<864x32xbf16, #tpu.memory_space<vmem>>
    tpu.wait_dma2 semaphore(%arg15 : memref<!tpu.dma_semaphore, #tpu.memory_space<semaphore_mem>>) src(%dma_wait3A_135 : memref<864x32xbf16, #tpu.memory_space<vmem>>) dst(%dma_wait3A_132 : memref<864x32xbf16, #tpu.memory_space<vmem_shared>>)
    %mul3A_136 = arith.constant 6048 : i32
    %mul3A_137 = arith.muli %arg1, %mul3A_136 : i32
    %add3A_138 = arith.constant 2592 : i32
    %add3A_139 = arith.addi %mul3A_137, %add3A_138 : i32
    %dma_wait3A_140 = arith.constant 0 : i32
    %dma_wait3A_141 = arith.constant 0 : i32
    %dma_wait3A_142 = tpu.memref_slice %arg11[%dma_wait3A_140, %dma_wait3A_141] : memref<864x32xbf16, #tpu.memory_space<vmem>> -> memref<864x32xbf16, #tpu.memory_space<vmem>>
    %dma_wait3A_143 = arith.constant 0 : i32
    %dma_wait3A_144 = tpu.memref_slice %arg17[%add3A_139, %dma_wait3A_143] : memref<96768x32xbf16, #tpu.memory_space<vmem_shared>> -> memref<864x32xbf16, #tpu.memory_space<vmem_shared>>
    %dma_wait3A_145 = arith.constant 0 : i32
    %dma_wait3A_146 = tpu.memref_slice %arg17[%add3A_139, %dma_wait3A_145] : memref<96768x32xbf16, #tpu.memory_space<vmem_shared>> -> memref<864x32xbf16, #tpu.memory_space<vmem_shared>>
    %dma_wait3A_147 = arith.constant 0 : i32
    %dma_wait3A_148 = arith.constant 0 : i32
    %dma_wait3A_149 = tpu.memref_slice %arg11[%dma_wait3A_147, %dma_wait3A_148] : memref<864x32xbf16, #tpu.memory_space<vmem>> -> memref<864x32xbf16, #tpu.memory_space<vmem>>
    tpu.wait_dma2 semaphore(%arg15 : memref<!tpu.dma_semaphore, #tpu.memory_space<semaphore_mem>>) src(%dma_wait3A_149 : memref<864x32xbf16, #tpu.memory_space<vmem>>) dst(%dma_wait3A_146 : memref<864x32xbf16, #tpu.memory_space<vmem_shared>>)
    %mul3A_150 = arith.constant 6048 : i32
    %mul3A_151 = arith.muli %arg1, %mul3A_150 : i32
    %add3A_152 = arith.constant 3456 : i32
    %add3A_153 = arith.addi %mul3A_151, %add3A_152 : i32
    %dma_wait3A_154 = arith.constant 0 : i32
    %dma_wait3A_155 = arith.constant 0 : i32
    %dma_wait3A_156 = tpu.memref_slice %arg11[%dma_wait3A_154, %dma_wait3A_155] : memref<864x32xbf16, #tpu.memory_space<vmem>> -> memref<864x32xbf16, #tpu.memory_space<vmem>>
    %dma_wait3A_157 = arith.constant 0 : i32
    %dma_wait3A_158 = tpu.memref_slice %arg17[%add3A_153, %dma_wait3A_157] : memref<96768x32xbf16, #tpu.memory_space<vmem_shared>> -> memref<864x32xbf16, #tpu.memory_space<vmem_shared>>
    %dma_wait3A_159 = arith.constant 0 : i32
    %dma_wait3A_160 = tpu.memref_slice %arg17[%add3A_153, %dma_wait3A_159] : memref<96768x32xbf16, #tpu.memory_space<vmem_shared>> -> memref<864x32xbf16, #tpu.memory_space<vmem_shared>>
    %dma_wait3A_161 = arith.constant 0 : i32
    %dma_wait3A_162 = arith.constant 0 : i32
    %dma_wait3A_163 = tpu.memref_slice %arg11[%dma_wait3A_161, %dma_wait3A_162] : memref<864x32xbf16, #tpu.memory_space<vmem>> -> memref<864x32xbf16, #tpu.memory_space<vmem>>
    tpu.wait_dma2 semaphore(%arg15 : memref<!tpu.dma_semaphore, #tpu.memory_space<semaphore_mem>>) src(%dma_wait3A_163 : memref<864x32xbf16, #tpu.memory_space<vmem>>) dst(%dma_wait3A_160 : memref<864x32xbf16, #tpu.memory_space<vmem_shared>>)
    %mul3A_164 = arith.constant 6048 : i32
    %mul3A_165 = arith.muli %arg1, %mul3A_164 : i32
    %add3A_166 = arith.constant 4320 : i32
    %add3A_167 = arith.addi %mul3A_165, %add3A_166 : i32
    %dma_wait3A_168 = arith.constant 0 : i32
    %dma_wait3A_169 = arith.constant 0 : i32
    %dma_wait3A_170 = tpu.memref_slice %arg11[%dma_wait3A_168, %dma_wait3A_169] : memref<864x32xbf16, #tpu.memory_space<vmem>> -> memref<864x32xbf16, #tpu.memory_space<vmem>>
    %dma_wait3A_171 = arith.constant 0 : i32
    %dma_wait3A_172 = tpu.memref_slice %arg17[%add3A_167, %dma_wait3A_171] : memref<96768x32xbf16, #tpu.memory_space<vmem_shared>> -> memref<864x32xbf16, #tpu.memory_space<vmem_shared>>
    %dma_wait3A_173 = arith.constant 0 : i32
    %dma_wait3A_174 = tpu.memref_slice %arg17[%add3A_167, %dma_wait3A_173] : memref<96768x32xbf16, #tpu.memory_space<vmem_shared>> -> memref<864x32xbf16, #tpu.memory_space<vmem_shared>>
    %dma_wait3A_175 = arith.constant 0 : i32
    %dma_wait3A_176 = arith.constant 0 : i32
    %dma_wait3A_177 = tpu.memref_slice %arg11[%dma_wait3A_175, %dma_wait3A_176] : memref<864x32xbf16, #tpu.memory_space<vmem>> -> memref<864x32xbf16, #tpu.memory_space<vmem>>
    tpu.wait_dma2 semaphore(%arg15 : memref<!tpu.dma_semaphore, #tpu.memory_space<semaphore_mem>>) src(%dma_wait3A_177 : memref<864x32xbf16, #tpu.memory_space<vmem>>) dst(%dma_wait3A_174 : memref<864x32xbf16, #tpu.memory_space<vmem_shared>>)
    %mul3A_178 = arith.constant 6048 : i32
    %mul3A_179 = arith.muli %arg1, %mul3A_178 : i32
    %add3A_180 = arith.constant 5184 : i32
    %add3A_181 = arith.addi %mul3A_179, %add3A_180 : i32
    %dma_wait3A_182 = arith.constant 0 : i32
    %dma_wait3A_183 = arith.constant 0 : i32
    %dma_wait3A_184 = tpu.memref_slice %arg11[%dma_wait3A_182, %dma_wait3A_183] : memref<864x32xbf16, #tpu.memory_space<vmem>> -> memref<864x32xbf16, #tpu.memory_space<vmem>>
    %dma_wait3A_185 = arith.constant 0 : i32
    %dma_wait3A_186 = tpu.memref_slice %arg17[%add3A_181, %dma_wait3A_185] : memref<96768x32xbf16, #tpu.memory_space<vmem_shared>> -> memref<864x32xbf16, #tpu.memory_space<vmem_shared>>
    %dma_wait3A_187 = arith.constant 0 : i32
    %dma_wait3A_188 = tpu.memref_slice %arg17[%add3A_181, %dma_wait3A_187] : memref<96768x32xbf16, #tpu.memory_space<vmem_shared>> -> memref<864x32xbf16, #tpu.memory_space<vmem_shared>>
    %dma_wait3A_189 = arith.constant 0 : i32
    %dma_wait3A_190 = arith.constant 0 : i32
    %dma_wait3A_191 = tpu.memref_slice %arg11[%dma_wait3A_189, %dma_wait3A_190] : memref<864x32xbf16, #tpu.memory_space<vmem>> -> memref<864x32xbf16, #tpu.memory_space<vmem>>
    tpu.wait_dma2 semaphore(%arg15 : memref<!tpu.dma_semaphore, #tpu.memory_space<semaphore_mem>>) src(%dma_wait3A_191 : memref<864x32xbf16, #tpu.memory_space<vmem>>) dst(%dma_wait3A_188 : memref<864x32xbf16, #tpu.memory_space<vmem_shared>>)
    %barrier3A = arith.constant 0 : index
    tpu.barrier barrier_id(%barrier3A)
    %mul3A_192 = arith.constant 96768 : i32
    %mul3A_193 = arith.muli %arg1, %mul3A_192 : i32
    %add3A_194 = arith.constant 0 : i32
    %add3A_195 = arith.addi %mul3A_193, %add3A_194 : i32
    %dma_start3A_196 = tpu.memref_slice %arg2[%add3A_195] : memref<1548288xi32, #tpu.memory_space<hbm>> -> memref<864xi32, #tpu.memory_space<hbm>>
    %dma_start3A_197 = tpu.memref_slice %arg2[%add3A_195] : memref<1548288xi32, #tpu.memory_space<hbm>> -> memref<864xi32, #tpu.memory_space<hbm>>
    tpu.enqueue_dma source(%dma_start3A_197 : memref<864xi32, #tpu.memory_space<hbm>>) target(%arg7 : memref<864xi32, #tpu.memory_space<vmem>>) target_semaphore(%arg13 : memref<!tpu.dma_semaphore, #tpu.memory_space<semaphore_mem>>)
    %dma_start3A_198 = tpu.memref_slice %arg3[%add3A_195] : memref<1548288xi32, #tpu.memory_space<hbm>> -> memref<864xi32, #tpu.memory_space<hbm>>
    %dma_start3A_199 = tpu.memref_slice %arg3[%add3A_195] : memref<1548288xi32, #tpu.memory_space<hbm>> -> memref<864xi32, #tpu.memory_space<hbm>>
    tpu.enqueue_dma source(%dma_start3A_199 : memref<864xi32, #tpu.memory_space<hbm>>) target(%arg9 : memref<864xi32, #tpu.memory_space<vmem>>) target_semaphore(%arg13 : memref<!tpu.dma_semaphore, #tpu.memory_space<semaphore_mem>>)
    %add3A_200 = arith.constant 864 : i32
    %add3A_201 = arith.addi %mul3A_193, %add3A_200 : i32
    %dma_start3A_202 = tpu.memref_slice %arg2[%add3A_201] : memref<1548288xi32, #tpu.memory_space<hbm>> -> memref<864xi32, #tpu.memory_space<hbm>>
    %dma_start3A_203 = tpu.memref_slice %arg2[%add3A_201] : memref<1548288xi32, #tpu.memory_space<hbm>> -> memref<864xi32, #tpu.memory_space<hbm>>
    tpu.enqueue_dma source(%dma_start3A_203 : memref<864xi32, #tpu.memory_space<hbm>>) target(%arg8 : memref<864xi32, #tpu.memory_space<vmem>>) target_semaphore(%arg14 : memref<!tpu.dma_semaphore, #tpu.memory_space<semaphore_mem>>)
    %dma_start3A_204 = tpu.memref_slice %arg3[%add3A_201] : memref<1548288xi32, #tpu.memory_space<hbm>> -> memref<864xi32, #tpu.memory_space<hbm>>
    %dma_start3A_205 = tpu.memref_slice %arg3[%add3A_201] : memref<1548288xi32, #tpu.memory_space<hbm>> -> memref<864xi32, #tpu.memory_space<hbm>>
    tpu.enqueue_dma source(%dma_start3A_205 : memref<864xi32, #tpu.memory_space<hbm>>) target(%arg10 : memref<864xi32, #tpu.memory_space<vmem>>) target_semaphore(%arg14 : memref<!tpu.dma_semaphore, #tpu.memory_space<semaphore_mem>>)
    %add3A_206 = arith.constant 0 : i32
    %add3A_207 = arith.addi %mul3A_193, %add3A_206 : i32
    %dma_wait3A_208 = tpu.memref_slice %arg2[%add3A_207] : memref<1548288xi32, #tpu.memory_space<hbm>> -> memref<864xi32, #tpu.memory_space<hbm>>
    %dma_wait3A_209 = tpu.memref_slice %arg2[%add3A_207] : memref<1548288xi32, #tpu.memory_space<hbm>> -> memref<864xi32, #tpu.memory_space<hbm>>
    tpu.wait_dma2 semaphore(%arg13 : memref<!tpu.dma_semaphore, #tpu.memory_space<semaphore_mem>>) src(%dma_wait3A_209 : memref<864xi32, #tpu.memory_space<hbm>>) dst(%arg7 : memref<864xi32, #tpu.memory_space<vmem>>)
    %dma_wait3A_210 = tpu.memref_slice %arg3[%add3A_207] : memref<1548288xi32, #tpu.memory_space<hbm>> -> memref<864xi32, #tpu.memory_space<hbm>>
    %dma_wait3A_211 = tpu.memref_slice %arg3[%add3A_207] : memref<1548288xi32, #tpu.memory_space<hbm>> -> memref<864xi32, #tpu.memory_space<hbm>>
    tpu.wait_dma2 semaphore(%arg13 : memref<!tpu.dma_semaphore, #tpu.memory_space<semaphore_mem>>) src(%dma_wait3A_211 : memref<864xi32, #tpu.memory_space<hbm>>) dst(%arg9 : memref<864xi32, #tpu.memory_space<vmem>>)
    %dma_start3A_212 = arith.constant 0 : i32
    %dma_start3A_213 = arith.constant 0 : i32
    %dma_start3A_214 = tpu.memref_slice %arg4[%dma_start3A_212, %dma_start3A_213] : memref<96768x32xbf16, #tpu.memory_space<hbm>> -> memref<96768x32xbf16, #tpu.memory_space<hbm>>
    tpu.enqueue_indirect_dma source(%dma_start3A_214 : memref<96768x32xbf16, #tpu.memory_space<hbm>>) target(%arg11 : memref<864x32xbf16, #tpu.memory_space<vmem>>) offsets(%arg7 : memref<864xi32, #tpu.memory_space<vmem>>) semaphore(%arg15 : memref<!tpu.dma_semaphore, #tpu.memory_space<semaphore_mem>>)
    %scan3A = arith.constant 0 : i32
    %scan3A_215 = arith.constant 0 : i32
    %scan3A_216 = arith.constant 56 : i32
    %scan3A_217 = arith.addi %scan3A_215, %scan3A_216 : i32
    %scan3A_218 = arith.constant 1 : i32
    scf.for %scan3A_445 = %scan3A_215 to %scan3A_217 step %scan3A_218  : i32 {
      %mul3A_446 = arith.constant 2 : i32
      %mul3A_447 = arith.muli %scan3A_445, %mul3A_446 : i32
      %add3A_448 = arith.constant 0 : i32
      %add3A_449 = arith.addi %mul3A_447, %add3A_448 : i32
      %add3A_450 = arith.constant 1 : i32
      %add3A_451 = arith.addi %add3A_449, %add3A_450 : i32
      %mul3A_452 = arith.constant 864 : i32
      %mul3A_453 = arith.muli %add3A_451, %mul3A_452 : i32
      %add3A_454 = arith.addi %mul3A_193, %mul3A_453 : i32
      %dma_wait3A_455 = tpu.memref_slice %arg2[%add3A_454] : memref<1548288xi32, #tpu.memory_space<hbm>> -> memref<864xi32, #tpu.memory_space<hbm>>
      %dma_wait3A_456 = tpu.memref_slice %arg2[%add3A_454] : memref<1548288xi32, #tpu.memory_space<hbm>> -> memref<864xi32, #tpu.memory_space<hbm>>
      tpu.wait_dma2 semaphore(%arg14 : memref<!tpu.dma_semaphore, #tpu.memory_space<semaphore_mem>>) src(%dma_wait3A_456 : memref<864xi32, #tpu.memory_space<hbm>>) dst(%arg8 : memref<864xi32, #tpu.memory_space<vmem>>)
      %dma_wait3A_457 = tpu.memref_slice %arg3[%add3A_454] : memref<1548288xi32, #tpu.memory_space<hbm>> -> memref<864xi32, #tpu.memory_space<hbm>>
      %dma_wait3A_458 = tpu.memref_slice %arg3[%add3A_454] : memref<1548288xi32, #tpu.memory_space<hbm>> -> memref<864xi32, #tpu.memory_space<hbm>>
      tpu.wait_dma2 semaphore(%arg14 : memref<!tpu.dma_semaphore, #tpu.memory_space<semaphore_mem>>) src(%dma_wait3A_458 : memref<864xi32, #tpu.memory_space<hbm>>) dst(%arg10 : memref<864xi32, #tpu.memory_space<vmem>>)
      %dma_start3A_459 = arith.constant 0 : i32
      %dma_start3A_460 = arith.constant 0 : i32
      %dma_start3A_461 = tpu.memref_slice %arg4[%dma_start3A_459, %dma_start3A_460] : memref<96768x32xbf16, #tpu.memory_space<hbm>> -> memref<96768x32xbf16, #tpu.memory_space<hbm>>
      tpu.enqueue_indirect_dma source(%dma_start3A_461 : memref<96768x32xbf16, #tpu.memory_space<hbm>>) target(%arg12 : memref<864x32xbf16, #tpu.memory_space<vmem>>) offsets(%arg8 : memref<864xi32, #tpu.memory_space<vmem>>) semaphore(%arg16 : memref<!tpu.dma_semaphore, #tpu.memory_space<semaphore_mem>>)
      %dma_wait3A_462 = arith.constant 0 : i32
      %dma_wait3A_463 = arith.constant 0 : i32
      %dma_wait3A_464 = tpu.memref_slice %arg4[%dma_wait3A_462, %dma_wait3A_463] : memref<96768x32xbf16, #tpu.memory_space<hbm>> -> memref<96768x32xbf16, #tpu.memory_space<hbm>>
      tpu.wait_indirect_dma semaphore(%arg15 : memref<!tpu.dma_semaphore, #tpu.memory_space<semaphore_mem>>) src(%dma_wait3A_464 : memref<96768x32xbf16, #tpu.memory_space<hbm>>) dst(%arg11 : memref<864x32xbf16, #tpu.memory_space<vmem>>)
      "tpu.region"() ({
        %run_scoped3A = tpu.sem_alloc : memref<!tpu.dma_semaphore, #tpu.memory_space<semaphore_mem>>
        %dma_start3A_480 = arith.constant 0 : i32
        %dma_start3A_481 = arith.constant 0 : i32
        %dma_start3A_482 = tpu.memref_slice %arg17[%dma_start3A_480, %dma_start3A_481] : memref<96768x32xbf16, #tpu.memory_space<vmem_shared>> -> memref<96768x32xbf16, #tpu.memory_space<vmem_shared>>
        tpu.enqueue_indirect_dma source(%arg11 : memref<864x32xbf16, #tpu.memory_space<vmem>>) target(%dma_start3A_482 : memref<96768x32xbf16, #tpu.memory_space<vmem_shared>>) offsets(%arg9 : memref<864xi32, #tpu.memory_space<vmem>>) semaphore(%run_scoped3A : memref<!tpu.dma_semaphore, #tpu.memory_space<semaphore_mem>>) {add = true}
        %dma_wait3A_483 = arith.constant 0 : i32
        %dma_wait3A_484 = arith.constant 0 : i32
        %dma_wait3A_485 = tpu.memref_slice %arg17[%dma_wait3A_483, %dma_wait3A_484] : memref<96768x32xbf16, #tpu.memory_space<vmem_shared>> -> memref<96768x32xbf16, #tpu.memory_space<vmem_shared>>
        tpu.wait_indirect_dma semaphore(%run_scoped3A : memref<!tpu.dma_semaphore, #tpu.memory_space<semaphore_mem>>) src(%arg11 : memref<864x32xbf16, #tpu.memory_space<vmem>>) dst(%dma_wait3A_485 : memref<96768x32xbf16, #tpu.memory_space<vmem_shared>>)
        tpu.yield
      }) : () -> ()
      %lt3A = arith.constant 55 : i32
      %lt3A_465 = arith.cmpi slt, %scan3A_445, %lt3A : i32
      %convert_element_type3A = arith.extui %lt3A_465 : i1 to i32
      %cond3A = arith.constant 0 : i32
      %cond3A_466 = arith.cmpi ne, %convert_element_type3A, %cond3A : i32
      scf.if %cond3A_466 {
        %add3A_480 = arith.constant 1 : i32
        %add3A_481 = arith.addi %scan3A_445, %add3A_480 : i32
        %mul3A_482 = arith.constant 2 : i32
        %mul3A_483 = arith.muli %add3A_481, %mul3A_482 : i32
        %add3A_484 = arith.constant 0 : i32
        %add3A_485 = arith.addi %mul3A_483, %add3A_484 : i32
        %mul3A_486 = arith.constant 864 : i32
        %mul3A_487 = arith.muli %add3A_485, %mul3A_486 : i32
        %add3A_488 = arith.addi %mul3A_193, %mul3A_487 : i32
        %dma_start3A_489 = tpu.memref_slice %arg2[%add3A_488] : memref<1548288xi32, #tpu.memory_space<hbm>> -> memref<864xi32, #tpu.memory_space<hbm>>
        %dma_start3A_490 = tpu.memref_slice %arg2[%add3A_488] : memref<1548288xi32, #tpu.memory_space<hbm>> -> memref<864xi32, #tpu.memory_space<hbm>>
        tpu.enqueue_dma source(%dma_start3A_490 : memref<864xi32, #tpu.memory_space<hbm>>) target(%arg7 : memref<864xi32, #tpu.memory_space<vmem>>) target_semaphore(%arg13 : memref<!tpu.dma_semaphore, #tpu.memory_space<semaphore_mem>>)
        %dma_start3A_491 = tpu.memref_slice %arg3[%add3A_488] : memref<1548288xi32, #tpu.memory_space<hbm>> -> memref<864xi32, #tpu.memory_space<hbm>>
        %dma_start3A_492 = tpu.memref_slice %arg3[%add3A_488] : memref<1548288xi32, #tpu.memory_space<hbm>> -> memref<864xi32, #tpu.memory_space<hbm>>
        tpu.enqueue_dma source(%dma_start3A_492 : memref<864xi32, #tpu.memory_space<hbm>>) target(%arg9 : memref<864xi32, #tpu.memory_space<vmem>>) target_semaphore(%arg13 : memref<!tpu.dma_semaphore, #tpu.memory_space<semaphore_mem>>)
      } else {
      }
      %lt3A_467 = arith.constant 55 : i32
      %lt3A_468 = arith.cmpi slt, %scan3A_445, %lt3A_467 : i32
      %convert_element_type3A_469 = arith.extui %lt3A_468 : i1 to i32
      %cond3A_470 = arith.constant 0 : i32
      %cond3A_471 = arith.cmpi ne, %convert_element_type3A_469, %cond3A_470 : i32
      scf.if %cond3A_471 {
        %mul3A_480 = arith.constant 2 : i32
        %mul3A_481 = arith.muli %scan3A_445, %mul3A_480 : i32
        %add3A_482 = arith.constant 1 : i32
        %add3A_483 = arith.addi %mul3A_481, %add3A_482 : i32
        %add3A_484 = arith.constant 1 : i32
        %add3A_485 = arith.addi %add3A_483, %add3A_484 : i32
        %mul3A_486 = arith.constant 864 : i32
        %mul3A_487 = arith.muli %add3A_485, %mul3A_486 : i32
        %add3A_488 = arith.addi %mul3A_193, %mul3A_487 : i32
        %dma_wait3A_489 = tpu.memref_slice %arg2[%add3A_488] : memref<1548288xi32, #tpu.memory_space<hbm>> -> memref<864xi32, #tpu.memory_space<hbm>>
        %dma_wait3A_490 = tpu.memref_slice %arg2[%add3A_488] : memref<1548288xi32, #tpu.memory_space<hbm>> -> memref<864xi32, #tpu.memory_space<hbm>>
        tpu.wait_dma2 semaphore(%arg13 : memref<!tpu.dma_semaphore, #tpu.memory_space<semaphore_mem>>) src(%dma_wait3A_490 : memref<864xi32, #tpu.memory_space<hbm>>) dst(%arg7 : memref<864xi32, #tpu.memory_space<vmem>>)
        %dma_wait3A_491 = tpu.memref_slice %arg3[%add3A_488] : memref<1548288xi32, #tpu.memory_space<hbm>> -> memref<864xi32, #tpu.memory_space<hbm>>
        %dma_wait3A_492 = tpu.memref_slice %arg3[%add3A_488] : memref<1548288xi32, #tpu.memory_space<hbm>> -> memref<864xi32, #tpu.memory_space<hbm>>
        tpu.wait_dma2 semaphore(%arg13 : memref<!tpu.dma_semaphore, #tpu.memory_space<semaphore_mem>>) src(%dma_wait3A_492 : memref<864xi32, #tpu.memory_space<hbm>>) dst(%arg9 : memref<864xi32, #tpu.memory_space<vmem>>)
        %dma_start3A_493 = arith.constant 0 : i32
        %dma_start3A_494 = arith.constant 0 : i32
        %dma_start3A_495 = tpu.memref_slice %arg4[%dma_start3A_493, %dma_start3A_494] : memref<96768x32xbf16, #tpu.memory_space<hbm>> -> memref<96768x32xbf16, #tpu.memory_space<hbm>>
        tpu.enqueue_indirect_dma source(%dma_start3A_495 : memref<96768x32xbf16, #tpu.memory_space<hbm>>) target(%arg11 : memref<864x32xbf16, #tpu.memory_space<vmem>>) offsets(%arg7 : memref<864xi32, #tpu.memory_space<vmem>>) semaphore(%arg15 : memref<!tpu.dma_semaphore, #tpu.memory_space<semaphore_mem>>)
      } else {
      }
      %dma_wait3A_472 = arith.constant 0 : i32
      %dma_wait3A_473 = arith.constant 0 : i32
      %dma_wait3A_474 = tpu.memref_slice %arg4[%dma_wait3A_472, %dma_wait3A_473] : memref<96768x32xbf16, #tpu.memory_space<hbm>> -> memref<96768x32xbf16, #tpu.memory_space<hbm>>
      tpu.wait_indirect_dma semaphore(%arg16 : memref<!tpu.dma_semaphore, #tpu.memory_space<semaphore_mem>>) src(%dma_wait3A_474 : memref<96768x32xbf16, #tpu.memory_space<hbm>>) dst(%arg12 : memref<864x32xbf16, #tpu.memory_space<vmem>>)
      "tpu.region"() ({
        %run_scoped3A = tpu.sem_alloc : memref<!tpu.dma_semaphore, #tpu.memory_space<semaphore_mem>>
        %dma_start3A_480 = arith.constant 0 : i32
        %dma_start3A_481 = arith.constant 0 : i32
        %dma_start3A_482 = tpu.memref_slice %arg17[%dma_start3A_480, %dma_start3A_481] : memref<96768x32xbf16, #tpu.memory_space<vmem_shared>> -> memref<96768x32xbf16, #tpu.memory_space<vmem_shared>>
        tpu.enqueue_indirect_dma source(%arg12 : memref<864x32xbf16, #tpu.memory_space<vmem>>) target(%dma_start3A_482 : memref<96768x32xbf16, #tpu.memory_space<vmem_shared>>) offsets(%arg10 : memref<864xi32, #tpu.memory_space<vmem>>) semaphore(%run_scoped3A : memref<!tpu.dma_semaphore, #tpu.memory_space<semaphore_mem>>) {add = true}
        %dma_wait3A_483 = arith.constant 0 : i32
        %dma_wait3A_484 = arith.constant 0 : i32
        %dma_wait3A_485 = tpu.memref_slice %arg17[%dma_wait3A_483, %dma_wait3A_484] : memref<96768x32xbf16, #tpu.memory_space<vmem_shared>> -> memref<96768x32xbf16, #tpu.memory_space<vmem_shared>>
        tpu.wait_indirect_dma semaphore(%run_scoped3A : memref<!tpu.dma_semaphore, #tpu.memory_space<semaphore_mem>>) src(%arg12 : memref<864x32xbf16, #tpu.memory_space<vmem>>) dst(%dma_wait3A_485 : memref<96768x32xbf16, #tpu.memory_space<vmem_shared>>)
        tpu.yield
      }) : () -> ()
      %lt3A_475 = arith.constant 55 : i32
      %lt3A_476 = arith.cmpi slt, %scan3A_445, %lt3A_475 : i32
      %convert_element_type3A_477 = arith.extui %lt3A_476 : i1 to i32
      %cond3A_478 = arith.constant 0 : i32
      %cond3A_479 = arith.cmpi ne, %convert_element_type3A_477, %cond3A_478 : i32
      scf.if %cond3A_479 {
        %add3A_480 = arith.constant 1 : i32
        %add3A_481 = arith.addi %scan3A_445, %add3A_480 : i32
        %mul3A_482 = arith.constant 2 : i32
        %mul3A_483 = arith.muli %add3A_481, %mul3A_482 : i32
        %add3A_484 = arith.constant 1 : i32
        %add3A_485 = arith.addi %mul3A_483, %add3A_484 : i32
        %mul3A_486 = arith.constant 864 : i32
        %mul3A_487 = arith.muli %add3A_485, %mul3A_486 : i32
        %add3A_488 = arith.addi %mul3A_193, %mul3A_487 : i32
        %dma_start3A_489 = tpu.memref_slice %arg2[%add3A_488] : memref<1548288xi32, #tpu.memory_space<hbm>> -> memref<864xi32, #tpu.memory_space<hbm>>
        %dma_start3A_490 = tpu.memref_slice %arg2[%add3A_488] : memref<1548288xi32, #tpu.memory_space<hbm>> -> memref<864xi32, #tpu.memory_space<hbm>>
        tpu.enqueue_dma source(%dma_start3A_490 : memref<864xi32, #tpu.memory_space<hbm>>) target(%arg8 : memref<864xi32, #tpu.memory_space<vmem>>) target_semaphore(%arg14 : memref<!tpu.dma_semaphore, #tpu.memory_space<semaphore_mem>>)
        %dma_start3A_491 = tpu.memref_slice %arg3[%add3A_488] : memref<1548288xi32, #tpu.memory_space<hbm>> -> memref<864xi32, #tpu.memory_space<hbm>>
        %dma_start3A_492 = tpu.memref_slice %arg3[%add3A_488] : memref<1548288xi32, #tpu.memory_space<hbm>> -> memref<864xi32, #tpu.memory_space<hbm>>
        tpu.enqueue_dma source(%dma_start3A_492 : memref<864xi32, #tpu.memory_space<hbm>>) target(%arg10 : memref<864xi32, #tpu.memory_space<vmem>>) target_semaphore(%arg14 : memref<!tpu.dma_semaphore, #tpu.memory_space<semaphore_mem>>)
      } else {
      }
    }
    %scan3A_219 = arith.constant 56 : i32
    %barrier3A_220 = arith.constant 0 : index
    tpu.barrier barrier_id(%barrier3A_220)
    %mul3A_221 = arith.constant 6048 : i32
    %mul3A_222 = arith.muli %arg1, %mul3A_221 : i32
    %add3A_223 = arith.constant 0 : i32
    %add3A_224 = arith.addi %mul3A_222, %add3A_223 : i32
    %dma_start3A_225 = arith.constant 0 : i32
    %dma_start3A_226 = tpu.memref_slice %arg17[%add3A_224, %dma_start3A_225] : memref<96768x32xbf16, #tpu.memory_space<vmem_shared>> -> memref<864x32xbf16, #tpu.memory_space<vmem_shared>>
    %dma_start3A_227 = arith.constant 0 : i32
    %dma_start3A_228 = tpu.memref_slice %arg17[%add3A_224, %dma_start3A_227] : memref<96768x32xbf16, #tpu.memory_space<vmem_shared>> -> memref<864x32xbf16, #tpu.memory_space<vmem_shared>>
    tpu.enqueue_dma source(%dma_start3A_228 : memref<864x32xbf16, #tpu.memory_space<vmem_shared>>) target(%arg11 : memref<864x32xbf16, #tpu.memory_space<vmem>>) target_semaphore(%arg15 : memref<!tpu.dma_semaphore, #tpu.memory_space<semaphore_mem>>)
    %mul3A_229 = arith.constant 6048 : i32
    %mul3A_230 = arith.muli %arg1, %mul3A_229 : i32
    %add3A_231 = arith.constant 864 : i32
    %add3A_232 = arith.addi %mul3A_230, %add3A_231 : i32
    %dma_start3A_233 = arith.constant 0 : i32
    %dma_start3A_234 = tpu.memref_slice %arg17[%add3A_232, %dma_start3A_233] : memref<96768x32xbf16, #tpu.memory_space<vmem_shared>> -> memref<864x32xbf16, #tpu.memory_space<vmem_shared>>
    %dma_start3A_235 = arith.constant 0 : i32
    %dma_start3A_236 = tpu.memref_slice %arg17[%add3A_232, %dma_start3A_235] : memref<96768x32xbf16, #tpu.memory_space<vmem_shared>> -> memref<864x32xbf16, #tpu.memory_space<vmem_shared>>
    tpu.enqueue_dma source(%dma_start3A_236 : memref<864x32xbf16, #tpu.memory_space<vmem_shared>>) target(%arg12 : memref<864x32xbf16, #tpu.memory_space<vmem>>) target_semaphore(%arg16 : memref<!tpu.dma_semaphore, #tpu.memory_space<semaphore_mem>>)
    %mul3A_237 = arith.constant 6048 : i32
    %mul3A_238 = arith.muli %arg1, %mul3A_237 : i32
    %add3A_239 = arith.constant 0 : i32
    %add3A_240 = arith.addi %mul3A_238, %add3A_239 : i32
    %dma_wait3A_241 = arith.constant 0 : i32
    %dma_wait3A_242 = tpu.memref_slice %arg17[%add3A_240, %dma_wait3A_241] : memref<96768x32xbf16, #tpu.memory_space<vmem_shared>> -> memref<864x32xbf16, #tpu.memory_space<vmem_shared>>
    %dma_wait3A_243 = arith.constant 0 : i32
    %dma_wait3A_244 = tpu.memref_slice %arg17[%add3A_240, %dma_wait3A_243] : memref<96768x32xbf16, #tpu.memory_space<vmem_shared>> -> memref<864x32xbf16, #tpu.memory_space<vmem_shared>>
    tpu.wait_dma2 semaphore(%arg15 : memref<!tpu.dma_semaphore, #tpu.memory_space<semaphore_mem>>) src(%dma_wait3A_244 : memref<864x32xbf16, #tpu.memory_space<vmem_shared>>) dst(%arg11 : memref<864x32xbf16, #tpu.memory_space<vmem>>)
    %mul3A_245 = arith.constant 6048 : i32
    %mul3A_246 = arith.muli %arg1, %mul3A_245 : i32
    %add3A_247 = arith.constant 0 : i32
    %add3A_248 = arith.addi %mul3A_246, %add3A_247 : i32
    %dma_start3A_249 = arith.constant 0 : i32
    %dma_start3A_250 = tpu.memref_slice %arg6[%add3A_248, %dma_start3A_249] : memref<96768x32xbf16, #tpu.memory_space<hbm>> -> memref<864x32xbf16, #tpu.memory_space<hbm>>
    %dma_start3A_251 = arith.constant 0 : i32
    %dma_start3A_252 = tpu.memref_slice %arg6[%add3A_248, %dma_start3A_251] : memref<96768x32xbf16, #tpu.memory_space<hbm>> -> memref<864x32xbf16, #tpu.memory_space<hbm>>
    tpu.enqueue_dma source(%arg11 : memref<864x32xbf16, #tpu.memory_space<vmem>>) target(%dma_start3A_252 : memref<864x32xbf16, #tpu.memory_space<hbm>>) target_semaphore(%arg13 : memref<!tpu.dma_semaphore, #tpu.memory_space<semaphore_mem>>)
    %mul3A_253 = arith.constant 6048 : i32
    %mul3A_254 = arith.muli %arg1, %mul3A_253 : i32
    %add3A_255 = arith.constant 0 : i32
    %add3A_256 = arith.addi %mul3A_254, %add3A_255 : i32
    %dma_wait3A_257 = arith.constant 0 : i32
    %dma_wait3A_258 = tpu.memref_slice %arg6[%add3A_256, %dma_wait3A_257] : memref<96768x32xbf16, #tpu.memory_space<hbm>> -> memref<864x32xbf16, #tpu.memory_space<hbm>>
    %dma_wait3A_259 = arith.constant 0 : i32
    %dma_wait3A_260 = tpu.memref_slice %arg6[%add3A_256, %dma_wait3A_259] : memref<96768x32xbf16, #tpu.memory_space<hbm>> -> memref<864x32xbf16, #tpu.memory_space<hbm>>
    tpu.wait_dma2 semaphore(%arg13 : memref<!tpu.dma_semaphore, #tpu.memory_space<semaphore_mem>>) src(%arg11 : memref<864x32xbf16, #tpu.memory_space<vmem>>) dst(%dma_wait3A_260 : memref<864x32xbf16, #tpu.memory_space<hbm>>)
    %mul3A_261 = arith.constant 6048 : i32
    %mul3A_262 = arith.muli %arg1, %mul3A_261 : i32
    %add3A_263 = arith.constant 1728 : i32
    %add3A_264 = arith.addi %mul3A_262, %add3A_263 : i32
    %dma_start3A_265 = arith.constant 0 : i32
    %dma_start3A_266 = tpu.memref_slice %arg17[%add3A_264, %dma_start3A_265] : memref<96768x32xbf16, #tpu.memory_space<vmem_shared>> -> memref<864x32xbf16, #tpu.memory_space<vmem_shared>>
    %dma_start3A_267 = arith.constant 0 : i32
    %dma_start3A_268 = tpu.memref_slice %arg17[%add3A_264, %dma_start3A_267] : memref<96768x32xbf16, #tpu.memory_space<vmem_shared>> -> memref<864x32xbf16, #tpu.memory_space<vmem_shared>>
    tpu.enqueue_dma source(%dma_start3A_268 : memref<864x32xbf16, #tpu.memory_space<vmem_shared>>) target(%arg11 : memref<864x32xbf16, #tpu.memory_space<vmem>>) target_semaphore(%arg15 : memref<!tpu.dma_semaphore, #tpu.memory_space<semaphore_mem>>)
    %mul3A_269 = arith.constant 6048 : i32
    %mul3A_270 = arith.muli %arg1, %mul3A_269 : i32
    %add3A_271 = arith.constant 864 : i32
    %add3A_272 = arith.addi %mul3A_270, %add3A_271 : i32
    %dma_wait3A_273 = arith.constant 0 : i32
    %dma_wait3A_274 = tpu.memref_slice %arg17[%add3A_272, %dma_wait3A_273] : memref<96768x32xbf16, #tpu.memory_space<vmem_shared>> -> memref<864x32xbf16, #tpu.memory_space<vmem_shared>>
    %dma_wait3A_275 = arith.constant 0 : i32
    %dma_wait3A_276 = tpu.memref_slice %arg17[%add3A_272, %dma_wait3A_275] : memref<96768x32xbf16, #tpu.memory_space<vmem_shared>> -> memref<864x32xbf16, #tpu.memory_space<vmem_shared>>
    tpu.wait_dma2 semaphore(%arg16 : memref<!tpu.dma_semaphore, #tpu.memory_space<semaphore_mem>>) src(%dma_wait3A_276 : memref<864x32xbf16, #tpu.memory_space<vmem_shared>>) dst(%arg12 : memref<864x32xbf16, #tpu.memory_space<vmem>>)
    %mul3A_277 = arith.constant 6048 : i32
    %mul3A_278 = arith.muli %arg1, %mul3A_277 : i32
    %add3A_279 = arith.constant 864 : i32
    %add3A_280 = arith.addi %mul3A_278, %add3A_279 : i32
    %dma_start3A_281 = arith.constant 0 : i32
    %dma_start3A_282 = tpu.memref_slice %arg6[%add3A_280, %dma_start3A_281] : memref<96768x32xbf16, #tpu.memory_space<hbm>> -> memref<864x32xbf16, #tpu.memory_space<hbm>>
    %dma_start3A_283 = arith.constant 0 : i32
    %dma_start3A_284 = tpu.memref_slice %arg6[%add3A_280, %dma_start3A_283] : memref<96768x32xbf16, #tpu.memory_space<hbm>> -> memref<864x32xbf16, #tpu.memory_space<hbm>>
    tpu.enqueue_dma source(%arg12 : memref<864x32xbf16, #tpu.memory_space<vmem>>) target(%dma_start3A_284 : memref<864x32xbf16, #tpu.memory_space<hbm>>) target_semaphore(%arg14 : memref<!tpu.dma_semaphore, #tpu.memory_space<semaphore_mem>>)
    %mul3A_285 = arith.constant 6048 : i32
    %mul3A_286 = arith.muli %arg1, %mul3A_285 : i32
    %add3A_287 = arith.constant 864 : i32
    %add3A_288 = arith.addi %mul3A_286, %add3A_287 : i32
    %dma_wait3A_289 = arith.constant 0 : i32
    %dma_wait3A_290 = tpu.memref_slice %arg6[%add3A_288, %dma_wait3A_289] : memref<96768x32xbf16, #tpu.memory_space<hbm>> -> memref<864x32xbf16, #tpu.memory_space<hbm>>
    %dma_wait3A_291 = arith.constant 0 : i32
    %dma_wait3A_292 = tpu.memref_slice %arg6[%add3A_288, %dma_wait3A_291] : memref<96768x32xbf16, #tpu.memory_space<hbm>> -> memref<864x32xbf16, #tpu.memory_space<hbm>>
    tpu.wait_dma2 semaphore(%arg14 : memref<!tpu.dma_semaphore, #tpu.memory_space<semaphore_mem>>) src(%arg12 : memref<864x32xbf16, #tpu.memory_space<vmem>>) dst(%dma_wait3A_292 : memref<864x32xbf16, #tpu.memory_space<hbm>>)
    %mul3A_293 = arith.constant 6048 : i32
    %mul3A_294 = arith.muli %arg1, %mul3A_293 : i32
    %add3A_295 = arith.constant 2592 : i32
    %add3A_296 = arith.addi %mul3A_294, %add3A_295 : i32
    %dma_start3A_297 = arith.constant 0 : i32
    %dma_start3A_298 = tpu.memref_slice %arg17[%add3A_296, %dma_start3A_297] : memref<96768x32xbf16, #tpu.memory_space<vmem_shared>> -> memref<864x32xbf16, #tpu.memory_space<vmem_shared>>
    %dma_start3A_299 = arith.constant 0 : i32
    %dma_start3A_300 = tpu.memref_slice %arg17[%add3A_296, %dma_start3A_299] : memref<96768x32xbf16, #tpu.memory_space<vmem_shared>> -> memref<864x32xbf16, #tpu.memory_space<vmem_shared>>
    tpu.enqueue_dma source(%dma_start3A_300 : memref<864x32xbf16, #tpu.memory_space<vmem_shared>>) target(%arg12 : memref<864x32xbf16, #tpu.memory_space<vmem>>) target_semaphore(%arg16 : memref<!tpu.dma_semaphore, #tpu.memory_space<semaphore_mem>>)
    %mul3A_301 = arith.constant 6048 : i32
    %mul3A_302 = arith.muli %arg1, %mul3A_301 : i32
    %add3A_303 = arith.constant 1728 : i32
    %add3A_304 = arith.addi %mul3A_302, %add3A_303 : i32
    %dma_wait3A_305 = arith.constant 0 : i32
    %dma_wait3A_306 = tpu.memref_slice %arg17[%add3A_304, %dma_wait3A_305] : memref<96768x32xbf16, #tpu.memory_space<vmem_shared>> -> memref<864x32xbf16, #tpu.memory_space<vmem_shared>>
    %dma_wait3A_307 = arith.constant 0 : i32
    %dma_wait3A_308 = tpu.memref_slice %arg17[%add3A_304, %dma_wait3A_307] : memref<96768x32xbf16, #tpu.memory_space<vmem_shared>> -> memref<864x32xbf16, #tpu.memory_space<vmem_shared>>
    tpu.wait_dma2 semaphore(%arg15 : memref<!tpu.dma_semaphore, #tpu.memory_space<semaphore_mem>>) src(%dma_wait3A_308 : memref<864x32xbf16, #tpu.memory_space<vmem_shared>>) dst(%arg11 : memref<864x32xbf16, #tpu.memory_space<vmem>>)
    %mul3A_309 = arith.constant 6048 : i32
    %mul3A_310 = arith.muli %arg1, %mul3A_309 : i32
    %add3A_311 = arith.constant 1728 : i32
    %add3A_312 = arith.addi %mul3A_310, %add3A_311 : i32
    %dma_start3A_313 = arith.constant 0 : i32
    %dma_start3A_314 = tpu.memref_slice %arg6[%add3A_312, %dma_start3A_313] : memref<96768x32xbf16, #tpu.memory_space<hbm>> -> memref<864x32xbf16, #tpu.memory_space<hbm>>
    %dma_start3A_315 = arith.constant 0 : i32
    %dma_start3A_316 = tpu.memref_slice %arg6[%add3A_312, %dma_start3A_315] : memref<96768x32xbf16, #tpu.memory_space<hbm>> -> memref<864x32xbf16, #tpu.memory_space<hbm>>
    tpu.enqueue_dma source(%arg11 : memref<864x32xbf16, #tpu.memory_space<vmem>>) target(%dma_start3A_316 : memref<864x32xbf16, #tpu.memory_space<hbm>>) target_semaphore(%arg13 : memref<!tpu.dma_semaphore, #tpu.memory_space<semaphore_mem>>)
    %mul3A_317 = arith.constant 6048 : i32
    %mul3A_318 = arith.muli %arg1, %mul3A_317 : i32
    %add3A_319 = arith.constant 1728 : i32
    %add3A_320 = arith.addi %mul3A_318, %add3A_319 : i32
    %dma_wait3A_321 = arith.constant 0 : i32
    %dma_wait3A_322 = tpu.memref_slice %arg6[%add3A_320, %dma_wait3A_321] : memref<96768x32xbf16, #tpu.memory_space<hbm>> -> memref<864x32xbf16, #tpu.memory_space<hbm>>
    %dma_wait3A_323 = arith.constant 0 : i32
    %dma_wait3A_324 = tpu.memref_slice %arg6[%add3A_320, %dma_wait3A_323] : memref<96768x32xbf16, #tpu.memory_space<hbm>> -> memref<864x32xbf16, #tpu.memory_space<hbm>>
    tpu.wait_dma2 semaphore(%arg13 : memref<!tpu.dma_semaphore, #tpu.memory_space<semaphore_mem>>) src(%arg11 : memref<864x32xbf16, #tpu.memory_space<vmem>>) dst(%dma_wait3A_324 : memref<864x32xbf16, #tpu.memory_space<hbm>>)
    %mul3A_325 = arith.constant 6048 : i32
    %mul3A_326 = arith.muli %arg1, %mul3A_325 : i32
    %add3A_327 = arith.constant 3456 : i32
    %add3A_328 = arith.addi %mul3A_326, %add3A_327 : i32
    %dma_start3A_329 = arith.constant 0 : i32
    %dma_start3A_330 = tpu.memref_slice %arg17[%add3A_328, %dma_start3A_329] : memref<96768x32xbf16, #tpu.memory_space<vmem_shared>> -> memref<864x32xbf16, #tpu.memory_space<vmem_shared>>
    %dma_start3A_331 = arith.constant 0 : i32
    %dma_start3A_332 = tpu.memref_slice %arg17[%add3A_328, %dma_start3A_331] : memref<96768x32xbf16, #tpu.memory_space<vmem_shared>> -> memref<864x32xbf16, #tpu.memory_space<vmem_shared>>
    tpu.enqueue_dma source(%dma_start3A_332 : memref<864x32xbf16, #tpu.memory_space<vmem_shared>>) target(%arg11 : memref<864x32xbf16, #tpu.memory_space<vmem>>) target_semaphore(%arg15 : memref<!tpu.dma_semaphore, #tpu.memory_space<semaphore_mem>>)
    %mul3A_333 = arith.constant 6048 : i32
    %mul3A_334 = arith.muli %arg1, %mul3A_333 : i32
    %add3A_335 = arith.constant 2592 : i32
    %add3A_336 = arith.addi %mul3A_334, %add3A_335 : i32
    %dma_wait3A_337 = arith.constant 0 : i32
    %dma_wait3A_338 = tpu.memref_slice %arg17[%add3A_336, %dma_wait3A_337] : memref<96768x32xbf16, #tpu.memory_space<vmem_shared>> -> memref<864x32xbf16, #tpu.memory_space<vmem_shared>>
    %dma_wait3A_339 = arith.constant 0 : i32
    %dma_wait3A_340 = tpu.memref_slice %arg17[%add3A_336, %dma_wait3A_339] : memref<96768x32xbf16, #tpu.memory_space<vmem_shared>> -> memref<864x32xbf16, #tpu.memory_space<vmem_shared>>
    tpu.wait_dma2 semaphore(%arg16 : memref<!tpu.dma_semaphore, #tpu.memory_space<semaphore_mem>>) src(%dma_wait3A_340 : memref<864x32xbf16, #tpu.memory_space<vmem_shared>>) dst(%arg12 : memref<864x32xbf16, #tpu.memory_space<vmem>>)
    %mul3A_341 = arith.constant 6048 : i32
    %mul3A_342 = arith.muli %arg1, %mul3A_341 : i32
    %add3A_343 = arith.constant 2592 : i32
    %add3A_344 = arith.addi %mul3A_342, %add3A_343 : i32
    %dma_start3A_345 = arith.constant 0 : i32
    %dma_start3A_346 = tpu.memref_slice %arg6[%add3A_344, %dma_start3A_345] : memref<96768x32xbf16, #tpu.memory_space<hbm>> -> memref<864x32xbf16, #tpu.memory_space<hbm>>
    %dma_start3A_347 = arith.constant 0 : i32
    %dma_start3A_348 = tpu.memref_slice %arg6[%add3A_344, %dma_start3A_347] : memref<96768x32xbf16, #tpu.memory_space<hbm>> -> memref<864x32xbf16, #tpu.memory_space<hbm>>
    tpu.enqueue_dma source(%arg12 : memref<864x32xbf16, #tpu.memory_space<vmem>>) target(%dma_start3A_348 : memref<864x32xbf16, #tpu.memory_space<hbm>>) target_semaphore(%arg14 : memref<!tpu.dma_semaphore, #tpu.memory_space<semaphore_mem>>)
    %mul3A_349 = arith.constant 6048 : i32
    %mul3A_350 = arith.muli %arg1, %mul3A_349 : i32
    %add3A_351 = arith.constant 2592 : i32
    %add3A_352 = arith.addi %mul3A_350, %add3A_351 : i32
    %dma_wait3A_353 = arith.constant 0 : i32
    %dma_wait3A_354 = tpu.memref_slice %arg6[%add3A_352, %dma_wait3A_353] : memref<96768x32xbf16, #tpu.memory_space<hbm>> -> memref<864x32xbf16, #tpu.memory_space<hbm>>
    %dma_wait3A_355 = arith.constant 0 : i32
    %dma_wait3A_356 = tpu.memref_slice %arg6[%add3A_352, %dma_wait3A_355] : memref<96768x32xbf16, #tpu.memory_space<hbm>> -> memref<864x32xbf16, #tpu.memory_space<hbm>>
    tpu.wait_dma2 semaphore(%arg14 : memref<!tpu.dma_semaphore, #tpu.memory_space<semaphore_mem>>) src(%arg12 : memref<864x32xbf16, #tpu.memory_space<vmem>>) dst(%dma_wait3A_356 : memref<864x32xbf16, #tpu.memory_space<hbm>>)
    %mul3A_357 = arith.constant 6048 : i32
    %mul3A_358 = arith.muli %arg1, %mul3A_357 : i32
    %add3A_359 = arith.constant 4320 : i32
    %add3A_360 = arith.addi %mul3A_358, %add3A_359 : i32
    %dma_start3A_361 = arith.constant 0 : i32
    %dma_start3A_362 = tpu.memref_slice %arg17[%add3A_360, %dma_start3A_361] : memref<96768x32xbf16, #tpu.memory_space<vmem_shared>> -> memref<864x32xbf16, #tpu.memory_space<vmem_shared>>
    %dma_start3A_363 = arith.constant 0 : i32
    %dma_start3A_364 = tpu.memref_slice %arg17[%add3A_360, %dma_start3A_363] : memref<96768x32xbf16, #tpu.memory_space<vmem_shared>> -> memref<864x32xbf16, #tpu.memory_space<vmem_shared>>
    tpu.enqueue_dma source(%dma_start3A_364 : memref<864x32xbf16, #tpu.memory_space<vmem_shared>>) target(%arg12 : memref<864x32xbf16, #tpu.memory_space<vmem>>) target_semaphore(%arg16 : memref<!tpu.dma_semaphore, #tpu.memory_space<semaphore_mem>>)
    %mul3A_365 = arith.constant 6048 : i32
    %mul3A_366 = arith.muli %arg1, %mul3A_365 : i32
    %add3A_367 = arith.constant 3456 : i32
    %add3A_368 = arith.addi %mul3A_366, %add3A_367 : i32
    %dma_wait3A_369 = arith.constant 0 : i32
    %dma_wait3A_370 = tpu.memref_slice %arg17[%add3A_368, %dma_wait3A_369] : memref<96768x32xbf16, #tpu.memory_space<vmem_shared>> -> memref<864x32xbf16, #tpu.memory_space<vmem_shared>>
    %dma_wait3A_371 = arith.constant 0 : i32
    %dma_wait3A_372 = tpu.memref_slice %arg17[%add3A_368, %dma_wait3A_371] : memref<96768x32xbf16, #tpu.memory_space<vmem_shared>> -> memref<864x32xbf16, #tpu.memory_space<vmem_shared>>
    tpu.wait_dma2 semaphore(%arg15 : memref<!tpu.dma_semaphore, #tpu.memory_space<semaphore_mem>>) src(%dma_wait3A_372 : memref<864x32xbf16, #tpu.memory_space<vmem_shared>>) dst(%arg11 : memref<864x32xbf16, #tpu.memory_space<vmem>>)
    %mul3A_373 = arith.constant 6048 : i32
    %mul3A_374 = arith.muli %arg1, %mul3A_373 : i32
    %add3A_375 = arith.constant 3456 : i32
    %add3A_376 = arith.addi %mul3A_374, %add3A_375 : i32
    %dma_start3A_377 = arith.constant 0 : i32
    %dma_start3A_378 = tpu.memref_slice %arg6[%add3A_376, %dma_start3A_377] : memref<96768x32xbf16, #tpu.memory_space<hbm>> -> memref<864x32xbf16, #tpu.memory_space<hbm>>
    %dma_start3A_379 = arith.constant 0 : i32
    %dma_start3A_380 = tpu.memref_slice %arg6[%add3A_376, %dma_start3A_379] : memref<96768x32xbf16, #tpu.memory_space<hbm>> -> memref<864x32xbf16, #tpu.memory_space<hbm>>
    tpu.enqueue_dma source(%arg11 : memref<864x32xbf16, #tpu.memory_space<vmem>>) target(%dma_start3A_380 : memref<864x32xbf16, #tpu.memory_space<hbm>>) target_semaphore(%arg13 : memref<!tpu.dma_semaphore, #tpu.memory_space<semaphore_mem>>)
    %mul3A_381 = arith.constant 6048 : i32
    %mul3A_382 = arith.muli %arg1, %mul3A_381 : i32
    %add3A_383 = arith.constant 3456 : i32
    %add3A_384 = arith.addi %mul3A_382, %add3A_383 : i32
    %dma_wait3A_385 = arith.constant 0 : i32
    %dma_wait3A_386 = tpu.memref_slice %arg6[%add3A_384, %dma_wait3A_385] : memref<96768x32xbf16, #tpu.memory_space<hbm>> -> memref<864x32xbf16, #tpu.memory_space<hbm>>
    %dma_wait3A_387 = arith.constant 0 : i32
    %dma_wait3A_388 = tpu.memref_slice %arg6[%add3A_384, %dma_wait3A_387] : memref<96768x32xbf16, #tpu.memory_space<hbm>> -> memref<864x32xbf16, #tpu.memory_space<hbm>>
    tpu.wait_dma2 semaphore(%arg13 : memref<!tpu.dma_semaphore, #tpu.memory_space<semaphore_mem>>) src(%arg11 : memref<864x32xbf16, #tpu.memory_space<vmem>>) dst(%dma_wait3A_388 : memref<864x32xbf16, #tpu.memory_space<hbm>>)
    %mul3A_389 = arith.constant 6048 : i32
    %mul3A_390 = arith.muli %arg1, %mul3A_389 : i32
    %add3A_391 = arith.constant 5184 : i32
    %add3A_392 = arith.addi %mul3A_390, %add3A_391 : i32
    %dma_start3A_393 = arith.constant 0 : i32
    %dma_start3A_394 = tpu.memref_slice %arg17[%add3A_392, %dma_start3A_393] : memref<96768x32xbf16, #tpu.memory_space<vmem_shared>> -> memref<864x32xbf16, #tpu.memory_space<vmem_shared>>
    %dma_start3A_395 = arith.constant 0 : i32
    %dma_start3A_396 = tpu.memref_slice %arg17[%add3A_392, %dma_start3A_395] : memref<96768x32xbf16, #tpu.memory_space<vmem_shared>> -> memref<864x32xbf16, #tpu.memory_space<vmem_shared>>
    tpu.enqueue_dma source(%dma_start3A_396 : memref<864x32xbf16, #tpu.memory_space<vmem_shared>>) target(%arg11 : memref<864x32xbf16, #tpu.memory_space<vmem>>) target_semaphore(%arg15 : memref<!tpu.dma_semaphore, #tpu.memory_space<semaphore_mem>>)
    %mul3A_397 = arith.constant 6048 : i32
    %mul3A_398 = arith.muli %arg1, %mul3A_397 : i32
    %add3A_399 = arith.constant 4320 : i32
    %add3A_400 = arith.addi %mul3A_398, %add3A_399 : i32
    %dma_wait3A_401 = arith.constant 0 : i32
    %dma_wait3A_402 = tpu.memref_slice %arg17[%add3A_400, %dma_wait3A_401] : memref<96768x32xbf16, #tpu.memory_space<vmem_shared>> -> memref<864x32xbf16, #tpu.memory_space<vmem_shared>>
    %dma_wait3A_403 = arith.constant 0 : i32
    %dma_wait3A_404 = tpu.memref_slice %arg17[%add3A_400, %dma_wait3A_403] : memref<96768x32xbf16, #tpu.memory_space<vmem_shared>> -> memref<864x32xbf16, #tpu.memory_space<vmem_shared>>
    tpu.wait_dma2 semaphore(%arg16 : memref<!tpu.dma_semaphore, #tpu.memory_space<semaphore_mem>>) src(%dma_wait3A_404 : memref<864x32xbf16, #tpu.memory_space<vmem_shared>>) dst(%arg12 : memref<864x32xbf16, #tpu.memory_space<vmem>>)
    %mul3A_405 = arith.constant 6048 : i32
    %mul3A_406 = arith.muli %arg1, %mul3A_405 : i32
    %add3A_407 = arith.constant 4320 : i32
    %add3A_408 = arith.addi %mul3A_406, %add3A_407 : i32
    %dma_start3A_409 = arith.constant 0 : i32
    %dma_start3A_410 = tpu.memref_slice %arg6[%add3A_408, %dma_start3A_409] : memref<96768x32xbf16, #tpu.memory_space<hbm>> -> memref<864x32xbf16, #tpu.memory_space<hbm>>
    %dma_start3A_411 = arith.constant 0 : i32
    %dma_start3A_412 = tpu.memref_slice %arg6[%add3A_408, %dma_start3A_411] : memref<96768x32xbf16, #tpu.memory_space<hbm>> -> memref<864x32xbf16, #tpu.memory_space<hbm>>
    tpu.enqueue_dma source(%arg12 : memref<864x32xbf16, #tpu.memory_space<vmem>>) target(%dma_start3A_412 : memref<864x32xbf16, #tpu.memory_space<hbm>>) target_semaphore(%arg14 : memref<!tpu.dma_semaphore, #tpu.memory_space<semaphore_mem>>)
    %mul3A_413 = arith.constant 6048 : i32
    %mul3A_414 = arith.muli %arg1, %mul3A_413 : i32
    %add3A_415 = arith.constant 4320 : i32
    %add3A_416 = arith.addi %mul3A_414, %add3A_415 : i32
    %dma_wait3A_417 = arith.constant 0 : i32
    %dma_wait3A_418 = tpu.memref_slice %arg6[%add3A_416, %dma_wait3A_417] : memref<96768x32xbf16, #tpu.memory_space<hbm>> -> memref<864x32xbf16, #tpu.memory_space<hbm>>
    %dma_wait3A_419 = arith.constant 0 : i32
    %dma_wait3A_420 = tpu.memref_slice %arg6[%add3A_416, %dma_wait3A_419] : memref<96768x32xbf16, #tpu.memory_space<hbm>> -> memref<864x32xbf16, #tpu.memory_space<hbm>>
    tpu.wait_dma2 semaphore(%arg14 : memref<!tpu.dma_semaphore, #tpu.memory_space<semaphore_mem>>) src(%arg12 : memref<864x32xbf16, #tpu.memory_space<vmem>>) dst(%dma_wait3A_420 : memref<864x32xbf16, #tpu.memory_space<hbm>>)
    %mul3A_421 = arith.constant 6048 : i32
    %mul3A_422 = arith.muli %arg1, %mul3A_421 : i32
    %add3A_423 = arith.constant 5184 : i32
    %add3A_424 = arith.addi %mul3A_422, %add3A_423 : i32
    %dma_wait3A_425 = arith.constant 0 : i32
    %dma_wait3A_426 = tpu.memref_slice %arg17[%add3A_424, %dma_wait3A_425] : memref<96768x32xbf16, #tpu.memory_space<vmem_shared>> -> memref<864x32xbf16, #tpu.memory_space<vmem_shared>>
    %dma_wait3A_427 = arith.constant 0 : i32
    %dma_wait3A_428 = tpu.memref_slice %arg17[%add3A_424, %dma_wait3A_427] : memref<96768x32xbf16, #tpu.memory_space<vmem_shared>> -> memref<864x32xbf16, #tpu.memory_space<vmem_shared>>
    tpu.wait_dma2 semaphore(%arg15 : memref<!tpu.dma_semaphore, #tpu.memory_space<semaphore_mem>>) src(%dma_wait3A_428 : memref<864x32xbf16, #tpu.memory_space<vmem_shared>>) dst(%arg11 : memref<864x32xbf16, #tpu.memory_space<vmem>>)
    %mul3A_429 = arith.constant 6048 : i32
    %mul3A_430 = arith.muli %arg1, %mul3A_429 : i32
    %add3A_431 = arith.constant 5184 : i32
    %add3A_432 = arith.addi %mul3A_430, %add3A_431 : i32
    %dma_start3A_433 = arith.constant 0 : i32
    %dma_start3A_434 = tpu.memref_slice %arg6[%add3A_432, %dma_start3A_433] : memref<96768x32xbf16, #tpu.memory_space<hbm>> -> memref<864x32xbf16, #tpu.memory_space<hbm>>
    %dma_start3A_435 = arith.constant 0 : i32
    %dma_start3A_436 = tpu.memref_slice %arg6[%add3A_432, %dma_start3A_435] : memref<96768x32xbf16, #tpu.memory_space<hbm>> -> memref<864x32xbf16, #tpu.memory_space<hbm>>
    tpu.enqueue_dma source(%arg11 : memref<864x32xbf16, #tpu.memory_space<vmem>>) target(%dma_start3A_436 : memref<864x32xbf16, #tpu.memory_space<hbm>>) target_semaphore(%arg13 : memref<!tpu.dma_semaphore, #tpu.memory_space<semaphore_mem>>)
    %mul3A_437 = arith.constant 6048 : i32
    %mul3A_438 = arith.muli %arg1, %mul3A_437 : i32
    %add3A_439 = arith.constant 5184 : i32
    %add3A_440 = arith.addi %mul3A_438, %add3A_439 : i32
    %dma_wait3A_441 = arith.constant 0 : i32
    %dma_wait3A_442 = tpu.memref_slice %arg6[%add3A_440, %dma_wait3A_441] : memref<96768x32xbf16, #tpu.memory_space<hbm>> -> memref<864x32xbf16, #tpu.memory_space<hbm>>
    %dma_wait3A_443 = arith.constant 0 : i32
    %dma_wait3A_444 = tpu.memref_slice %arg6[%add3A_440, %dma_wait3A_443] : memref<96768x32xbf16, #tpu.memory_space<hbm>> -> memref<864x32xbf16, #tpu.memory_space<hbm>>
    tpu.wait_dma2 semaphore(%arg13 : memref<!tpu.dma_semaphore, #tpu.memory_space<semaphore_mem>>) src(%arg11 : memref<864x32xbf16, #tpu.memory_space<vmem>>) dst(%dma_wait3A_444 : memref<864x32xbf16, #tpu.memory_space<hbm>>)
    return
  }
}

#map = affine_map<(d0, d1) -> (0)>
module attributes {stable_mosaic.version = 14 : i64} {
  func.func @_deg_body(%arg0: i32, %arg1: i32, %arg2: memref<1548288xi32, #tpu.memory_space<hbm>>, %arg3: memref<864xf32, #tpu.memory_space<hbm>>, %arg4: memref<1512xf32, #tpu.memory_space<hbm>>, %arg5: memref<96768xf32, #tpu.memory_space<hbm>>, %arg6: memref<1512xi32, #tpu.memory_space<vmem>>, %arg7: memref<1512xi32, #tpu.memory_space<vmem>>, %arg8: memref<1512xf32, #tpu.memory_space<vmem>>, %arg9: memref<864xf32, #tpu.memory_space<vmem>>, %arg10: memref<!tpu.dma_semaphore, #tpu.memory_space<semaphore_mem>>, %arg11: memref<!tpu.dma_semaphore, #tpu.memory_space<semaphore_mem>>, %arg12: memref<96768xf32, #tpu.memory_space<vmem_shared>>) attributes {dimension_semantics = [#tpu.dimension_semantics<core_parallel>, #tpu.dimension_semantics<subcore_parallel>], iteration_bounds = array<i64: 1, 16>, scalar_prefetch = 0 : i64, scratch_operands = 7 : i64, tpu.core_type = #tpu.core_type<sc_vector_subcore>, window_params = [{transform_indices = #map}, {transform_indices = #map}, {transform_indices = #map}, {transform_indices = #map}]} {
    "tpu.region"() ({
      %run_scoped3A = tpu.sem_alloc : memref<!tpu.dma_semaphore, #tpu.memory_space<semaphore_mem>>
      tpu.enqueue_dma source(%arg3 : memref<864xf32, #tpu.memory_space<hbm>>) target(%arg9 : memref<864xf32, #tpu.memory_space<vmem>>) target_semaphore(%run_scoped3A : memref<!tpu.dma_semaphore, #tpu.memory_space<semaphore_mem>>)
      tpu.wait_dma2 semaphore(%run_scoped3A : memref<!tpu.dma_semaphore, #tpu.memory_space<semaphore_mem>>) src(%arg3 : memref<864xf32, #tpu.memory_space<hbm>>) dst(%arg9 : memref<864xf32, #tpu.memory_space<vmem>>)
      tpu.yield
    }) : () -> ()
    "tpu.region"() ({
      %run_scoped3A = tpu.sem_alloc : memref<!tpu.dma_semaphore, #tpu.memory_space<semaphore_mem>>
      tpu.enqueue_dma source(%arg4 : memref<1512xf32, #tpu.memory_space<hbm>>) target(%arg8 : memref<1512xf32, #tpu.memory_space<vmem>>) target_semaphore(%run_scoped3A : memref<!tpu.dma_semaphore, #tpu.memory_space<semaphore_mem>>)
      tpu.wait_dma2 semaphore(%run_scoped3A : memref<!tpu.dma_semaphore, #tpu.memory_space<semaphore_mem>>) src(%arg4 : memref<1512xf32, #tpu.memory_space<hbm>>) dst(%arg8 : memref<1512xf32, #tpu.memory_space<vmem>>)
      tpu.yield
    }) : () -> ()
    %mul3A = arith.constant 6048 : i32
    %mul3A_0 = arith.muli %arg1, %mul3A : i32
    %add3A = arith.constant 0 : i32
    %add3A_1 = arith.addi %mul3A_0, %add3A : i32
    "tpu.region"() ({
      %run_scoped3A = tpu.sem_alloc : memref<!tpu.dma_semaphore, #tpu.memory_space<semaphore_mem>>
      %dma_start3A_93 = tpu.memref_slice %arg12[%add3A_1] : memref<96768xf32, #tpu.memory_space<vmem_shared>> -> memref<864xf32, #tpu.memory_space<vmem_shared>>
      %dma_start3A_94 = tpu.memref_slice %arg12[%add3A_1] : memref<96768xf32, #tpu.memory_space<vmem_shared>> -> memref<864xf32, #tpu.memory_space<vmem_shared>>
      tpu.enqueue_dma source(%arg9 : memref<864xf32, #tpu.memory_space<vmem>>) target(%dma_start3A_94 : memref<864xf32, #tpu.memory_space<vmem_shared>>) target_semaphore(%run_scoped3A : memref<!tpu.dma_semaphore, #tpu.memory_space<semaphore_mem>>)
      %dma_wait3A = tpu.memref_slice %arg12[%add3A_1] : memref<96768xf32, #tpu.memory_space<vmem_shared>> -> memref<864xf32, #tpu.memory_space<vmem_shared>>
      %dma_wait3A_95 = tpu.memref_slice %arg12[%add3A_1] : memref<96768xf32, #tpu.memory_space<vmem_shared>> -> memref<864xf32, #tpu.memory_space<vmem_shared>>
      tpu.wait_dma2 semaphore(%run_scoped3A : memref<!tpu.dma_semaphore, #tpu.memory_space<semaphore_mem>>) src(%arg9 : memref<864xf32, #tpu.memory_space<vmem>>) dst(%dma_wait3A_95 : memref<864xf32, #tpu.memory_space<vmem_shared>>)
      tpu.yield
    }) : () -> ()
    %mul3A_2 = arith.constant 6048 : i32
    %mul3A_3 = arith.muli %arg1, %mul3A_2 : i32
    %add3A_4 = arith.constant 864 : i32
    %add3A_5 = arith.addi %mul3A_3, %add3A_4 : i32
    "tpu.region"() ({
      %run_scoped3A = tpu.sem_alloc : memref<!tpu.dma_semaphore, #tpu.memory_space<semaphore_mem>>
      %dma_start3A_93 = tpu.memref_slice %arg12[%add3A_5] : memref<96768xf32, #tpu.memory_space<vmem_shared>> -> memref<864xf32, #tpu.memory_space<vmem_shared>>
      %dma_start3A_94 = tpu.memref_slice %arg12[%add3A_5] : memref<96768xf32, #tpu.memory_space<vmem_shared>> -> memref<864xf32, #tpu.memory_space<vmem_shared>>
      tpu.enqueue_dma source(%arg9 : memref<864xf32, #tpu.memory_space<vmem>>) target(%dma_start3A_94 : memref<864xf32, #tpu.memory_space<vmem_shared>>) target_semaphore(%run_scoped3A : memref<!tpu.dma_semaphore, #tpu.memory_space<semaphore_mem>>)
      %dma_wait3A = tpu.memref_slice %arg12[%add3A_5] : memref<96768xf32, #tpu.memory_space<vmem_shared>> -> memref<864xf32, #tpu.memory_space<vmem_shared>>
      %dma_wait3A_95 = tpu.memref_slice %arg12[%add3A_5] : memref<96768xf32, #tpu.memory_space<vmem_shared>> -> memref<864xf32, #tpu.memory_space<vmem_shared>>
      tpu.wait_dma2 semaphore(%run_scoped3A : memref<!tpu.dma_semaphore, #tpu.memory_space<semaphore_mem>>) src(%arg9 : memref<864xf32, #tpu.memory_space<vmem>>) dst(%dma_wait3A_95 : memref<864xf32, #tpu.memory_space<vmem_shared>>)
      tpu.yield
    }) : () -> ()
    %mul3A_6 = arith.constant 6048 : i32
    %mul3A_7 = arith.muli %arg1, %mul3A_6 : i32
    %add3A_8 = arith.constant 1728 : i32
    %add3A_9 = arith.addi %mul3A_7, %add3A_8 : i32
    "tpu.region"() ({
      %run_scoped3A = tpu.sem_alloc : memref<!tpu.dma_semaphore, #tpu.memory_space<semaphore_mem>>
      %dma_start3A_93 = tpu.memref_slice %arg12[%add3A_9] : memref<96768xf32, #tpu.memory_space<vmem_shared>> -> memref<864xf32, #tpu.memory_space<vmem_shared>>
      %dma_start3A_94 = tpu.memref_slice %arg12[%add3A_9] : memref<96768xf32, #tpu.memory_space<vmem_shared>> -> memref<864xf32, #tpu.memory_space<vmem_shared>>
      tpu.enqueue_dma source(%arg9 : memref<864xf32, #tpu.memory_space<vmem>>) target(%dma_start3A_94 : memref<864xf32, #tpu.memory_space<vmem_shared>>) target_semaphore(%run_scoped3A : memref<!tpu.dma_semaphore, #tpu.memory_space<semaphore_mem>>)
      %dma_wait3A = tpu.memref_slice %arg12[%add3A_9] : memref<96768xf32, #tpu.memory_space<vmem_shared>> -> memref<864xf32, #tpu.memory_space<vmem_shared>>
      %dma_wait3A_95 = tpu.memref_slice %arg12[%add3A_9] : memref<96768xf32, #tpu.memory_space<vmem_shared>> -> memref<864xf32, #tpu.memory_space<vmem_shared>>
      tpu.wait_dma2 semaphore(%run_scoped3A : memref<!tpu.dma_semaphore, #tpu.memory_space<semaphore_mem>>) src(%arg9 : memref<864xf32, #tpu.memory_space<vmem>>) dst(%dma_wait3A_95 : memref<864xf32, #tpu.memory_space<vmem_shared>>)
      tpu.yield
    }) : () -> ()
    %mul3A_10 = arith.constant 6048 : i32
    %mul3A_11 = arith.muli %arg1, %mul3A_10 : i32
    %add3A_12 = arith.constant 2592 : i32
    %add3A_13 = arith.addi %mul3A_11, %add3A_12 : i32
    "tpu.region"() ({
      %run_scoped3A = tpu.sem_alloc : memref<!tpu.dma_semaphore, #tpu.memory_space<semaphore_mem>>
      %dma_start3A_93 = tpu.memref_slice %arg12[%add3A_13] : memref<96768xf32, #tpu.memory_space<vmem_shared>> -> memref<864xf32, #tpu.memory_space<vmem_shared>>
      %dma_start3A_94 = tpu.memref_slice %arg12[%add3A_13] : memref<96768xf32, #tpu.memory_space<vmem_shared>> -> memref<864xf32, #tpu.memory_space<vmem_shared>>
      tpu.enqueue_dma source(%arg9 : memref<864xf32, #tpu.memory_space<vmem>>) target(%dma_start3A_94 : memref<864xf32, #tpu.memory_space<vmem_shared>>) target_semaphore(%run_scoped3A : memref<!tpu.dma_semaphore, #tpu.memory_space<semaphore_mem>>)
      %dma_wait3A = tpu.memref_slice %arg12[%add3A_13] : memref<96768xf32, #tpu.memory_space<vmem_shared>> -> memref<864xf32, #tpu.memory_space<vmem_shared>>
      %dma_wait3A_95 = tpu.memref_slice %arg12[%add3A_13] : memref<96768xf32, #tpu.memory_space<vmem_shared>> -> memref<864xf32, #tpu.memory_space<vmem_shared>>
      tpu.wait_dma2 semaphore(%run_scoped3A : memref<!tpu.dma_semaphore, #tpu.memory_space<semaphore_mem>>) src(%arg9 : memref<864xf32, #tpu.memory_space<vmem>>) dst(%dma_wait3A_95 : memref<864xf32, #tpu.memory_space<vmem_shared>>)
      tpu.yield
    }) : () -> ()
    %mul3A_14 = arith.constant 6048 : i32
    %mul3A_15 = arith.muli %arg1, %mul3A_14 : i32
    %add3A_16 = arith.constant 3456 : i32
    %add3A_17 = arith.addi %mul3A_15, %add3A_16 : i32
    "tpu.region"() ({
      %run_scoped3A = tpu.sem_alloc : memref<!tpu.dma_semaphore, #tpu.memory_space<semaphore_mem>>
      %dma_start3A_93 = tpu.memref_slice %arg12[%add3A_17] : memref<96768xf32, #tpu.memory_space<vmem_shared>> -> memref<864xf32, #tpu.memory_space<vmem_shared>>
      %dma_start3A_94 = tpu.memref_slice %arg12[%add3A_17] : memref<96768xf32, #tpu.memory_space<vmem_shared>> -> memref<864xf32, #tpu.memory_space<vmem_shared>>
      tpu.enqueue_dma source(%arg9 : memref<864xf32, #tpu.memory_space<vmem>>) target(%dma_start3A_94 : memref<864xf32, #tpu.memory_space<vmem_shared>>) target_semaphore(%run_scoped3A : memref<!tpu.dma_semaphore, #tpu.memory_space<semaphore_mem>>)
      %dma_wait3A = tpu.memref_slice %arg12[%add3A_17] : memref<96768xf32, #tpu.memory_space<vmem_shared>> -> memref<864xf32, #tpu.memory_space<vmem_shared>>
      %dma_wait3A_95 = tpu.memref_slice %arg12[%add3A_17] : memref<96768xf32, #tpu.memory_space<vmem_shared>> -> memref<864xf32, #tpu.memory_space<vmem_shared>>
      tpu.wait_dma2 semaphore(%run_scoped3A : memref<!tpu.dma_semaphore, #tpu.memory_space<semaphore_mem>>) src(%arg9 : memref<864xf32, #tpu.memory_space<vmem>>) dst(%dma_wait3A_95 : memref<864xf32, #tpu.memory_space<vmem_shared>>)
      tpu.yield
    }) : () -> ()
    %mul3A_18 = arith.constant 6048 : i32
    %mul3A_19 = arith.muli %arg1, %mul3A_18 : i32
    %add3A_20 = arith.constant 4320 : i32
    %add3A_21 = arith.addi %mul3A_19, %add3A_20 : i32
    "tpu.region"() ({
      %run_scoped3A = tpu.sem_alloc : memref<!tpu.dma_semaphore, #tpu.memory_space<semaphore_mem>>
      %dma_start3A_93 = tpu.memref_slice %arg12[%add3A_21] : memref<96768xf32, #tpu.memory_space<vmem_shared>> -> memref<864xf32, #tpu.memory_space<vmem_shared>>
      %dma_start3A_94 = tpu.memref_slice %arg12[%add3A_21] : memref<96768xf32, #tpu.memory_space<vmem_shared>> -> memref<864xf32, #tpu.memory_space<vmem_shared>>
      tpu.enqueue_dma source(%arg9 : memref<864xf32, #tpu.memory_space<vmem>>) target(%dma_start3A_94 : memref<864xf32, #tpu.memory_space<vmem_shared>>) target_semaphore(%run_scoped3A : memref<!tpu.dma_semaphore, #tpu.memory_space<semaphore_mem>>)
      %dma_wait3A = tpu.memref_slice %arg12[%add3A_21] : memref<96768xf32, #tpu.memory_space<vmem_shared>> -> memref<864xf32, #tpu.memory_space<vmem_shared>>
      %dma_wait3A_95 = tpu.memref_slice %arg12[%add3A_21] : memref<96768xf32, #tpu.memory_space<vmem_shared>> -> memref<864xf32, #tpu.memory_space<vmem_shared>>
      tpu.wait_dma2 semaphore(%run_scoped3A : memref<!tpu.dma_semaphore, #tpu.memory_space<semaphore_mem>>) src(%arg9 : memref<864xf32, #tpu.memory_space<vmem>>) dst(%dma_wait3A_95 : memref<864xf32, #tpu.memory_space<vmem_shared>>)
      tpu.yield
    }) : () -> ()
    %mul3A_22 = arith.constant 6048 : i32
    %mul3A_23 = arith.muli %arg1, %mul3A_22 : i32
    %add3A_24 = arith.constant 5184 : i32
    %add3A_25 = arith.addi %mul3A_23, %add3A_24 : i32
    "tpu.region"() ({
      %run_scoped3A = tpu.sem_alloc : memref<!tpu.dma_semaphore, #tpu.memory_space<semaphore_mem>>
      %dma_start3A_93 = tpu.memref_slice %arg12[%add3A_25] : memref<96768xf32, #tpu.memory_space<vmem_shared>> -> memref<864xf32, #tpu.memory_space<vmem_shared>>
      %dma_start3A_94 = tpu.memref_slice %arg12[%add3A_25] : memref<96768xf32, #tpu.memory_space<vmem_shared>> -> memref<864xf32, #tpu.memory_space<vmem_shared>>
      tpu.enqueue_dma source(%arg9 : memref<864xf32, #tpu.memory_space<vmem>>) target(%dma_start3A_94 : memref<864xf32, #tpu.memory_space<vmem_shared>>) target_semaphore(%run_scoped3A : memref<!tpu.dma_semaphore, #tpu.memory_space<semaphore_mem>>)
      %dma_wait3A = tpu.memref_slice %arg12[%add3A_25] : memref<96768xf32, #tpu.memory_space<vmem_shared>> -> memref<864xf32, #tpu.memory_space<vmem_shared>>
      %dma_wait3A_95 = tpu.memref_slice %arg12[%add3A_25] : memref<96768xf32, #tpu.memory_space<vmem_shared>> -> memref<864xf32, #tpu.memory_space<vmem_shared>>
      tpu.wait_dma2 semaphore(%run_scoped3A : memref<!tpu.dma_semaphore, #tpu.memory_space<semaphore_mem>>) src(%arg9 : memref<864xf32, #tpu.memory_space<vmem>>) dst(%dma_wait3A_95 : memref<864xf32, #tpu.memory_space<vmem_shared>>)
      tpu.yield
    }) : () -> ()
    %barrier3A = arith.constant 0 : index
    tpu.barrier barrier_id(%barrier3A)
    %mul3A_26 = arith.constant 96768 : i32
    %mul3A_27 = arith.muli %arg1, %mul3A_26 : i32
    %add3A_28 = arith.constant 0 : i32
    %add3A_29 = arith.addi %mul3A_27, %add3A_28 : i32
    %dma_start3A = tpu.memref_slice %arg2[%add3A_29] : memref<1548288xi32, #tpu.memory_space<hbm>> -> memref<1512xi32, #tpu.memory_space<hbm>>
    %dma_start3A_30 = tpu.memref_slice %arg2[%add3A_29] : memref<1548288xi32, #tpu.memory_space<hbm>> -> memref<1512xi32, #tpu.memory_space<hbm>>
    tpu.enqueue_dma source(%dma_start3A_30 : memref<1512xi32, #tpu.memory_space<hbm>>) target(%arg6 : memref<1512xi32, #tpu.memory_space<vmem>>) target_semaphore(%arg10 : memref<!tpu.dma_semaphore, #tpu.memory_space<semaphore_mem>>)
    %scan3A = arith.constant 0 : i32
    %scan3A_31 = arith.constant 0 : i32
    %scan3A_32 = arith.constant 32 : i32
    %scan3A_33 = arith.addi %scan3A_31, %scan3A_32 : i32
    %scan3A_34 = arith.constant 1 : i32
    scf.for %scan3A_93 = %scan3A_31 to %scan3A_33 step %scan3A_34  : i32 {
      %mul3A_94 = arith.constant 2 : i32
      %mul3A_95 = arith.muli %mul3A_94, %scan3A_93 : i32
      %add3A_96 = arith.constant 1 : i32
      %add3A_97 = arith.addi %mul3A_95, %add3A_96 : i32
      %mul3A_98 = arith.constant 1512 : i32
      %mul3A_99 = arith.muli %add3A_97, %mul3A_98 : i32
      %add3A_100 = arith.addi %mul3A_27, %mul3A_99 : i32
      %dma_start3A_101 = tpu.memref_slice %arg2[%add3A_100] : memref<1548288xi32, #tpu.memory_space<hbm>> -> memref<1512xi32, #tpu.memory_space<hbm>>
      %dma_start3A_102 = tpu.memref_slice %arg2[%add3A_100] : memref<1548288xi32, #tpu.memory_space<hbm>> -> memref<1512xi32, #tpu.memory_space<hbm>>
      tpu.enqueue_dma source(%dma_start3A_102 : memref<1512xi32, #tpu.memory_space<hbm>>) target(%arg7 : memref<1512xi32, #tpu.memory_space<vmem>>) target_semaphore(%arg11 : memref<!tpu.dma_semaphore, #tpu.memory_space<semaphore_mem>>)
      %mul3A_103 = arith.constant 2 : i32
      %mul3A_104 = arith.muli %mul3A_103, %scan3A_93 : i32
      %mul3A_105 = arith.constant 1512 : i32
      %mul3A_106 = arith.muli %mul3A_104, %mul3A_105 : i32
      %add3A_107 = arith.addi %mul3A_27, %mul3A_106 : i32
      %dma_wait3A = tpu.memref_slice %arg2[%add3A_107] : memref<1548288xi32, #tpu.memory_space<hbm>> -> memref<1512xi32, #tpu.memory_space<hbm>>
      %dma_wait3A_108 = tpu.memref_slice %arg2[%add3A_107] : memref<1548288xi32, #tpu.memory_space<hbm>> -> memref<1512xi32, #tpu.memory_space<hbm>>
      tpu.wait_dma2 semaphore(%arg10 : memref<!tpu.dma_semaphore, #tpu.memory_space<semaphore_mem>>) src(%dma_wait3A_108 : memref<1512xi32, #tpu.memory_space<hbm>>) dst(%arg6 : memref<1512xi32, #tpu.memory_space<vmem>>)
      "tpu.region"() ({
        %run_scoped3A = tpu.sem_alloc : memref<!tpu.dma_semaphore, #tpu.memory_space<semaphore_mem>>
        %dma_start3A_120 = arith.constant 0 : i32
        %dma_start3A_121 = tpu.memref_slice %arg12[%dma_start3A_120] : memref<96768xf32, #tpu.memory_space<vmem_shared>> -> memref<96768xf32, #tpu.memory_space<vmem_shared>>
        tpu.enqueue_indirect_dma source(%arg8 : memref<1512xf32, #tpu.memory_space<vmem>>) target(%dma_start3A_121 : memref<96768xf32, #tpu.memory_space<vmem_shared>>) offsets(%arg6 : memref<1512xi32, #tpu.memory_space<vmem>>) semaphore(%run_scoped3A : memref<!tpu.dma_semaphore, #tpu.memory_space<semaphore_mem>>) {add = true}
        %dma_wait3A_122 = arith.constant 0 : i32
        %dma_wait3A_123 = tpu.memref_slice %arg12[%dma_wait3A_122] : memref<96768xf32, #tpu.memory_space<vmem_shared>> -> memref<96768xf32, #tpu.memory_space<vmem_shared>>
        tpu.wait_indirect_dma semaphore(%run_scoped3A : memref<!tpu.dma_semaphore, #tpu.memory_space<semaphore_mem>>) src(%arg8 : memref<1512xf32, #tpu.memory_space<vmem>>) dst(%dma_wait3A_123 : memref<96768xf32, #tpu.memory_space<vmem_shared>>)
        tpu.yield
      }) : () -> ()
      %lt3A = arith.constant 31 : i32
      %lt3A_109 = arith.cmpi slt, %scan3A_93, %lt3A : i32
      %convert_element_type3A = arith.extui %lt3A_109 : i1 to i32
      %cond3A = arith.constant 0 : i32
      %cond3A_110 = arith.cmpi ne, %convert_element_type3A, %cond3A : i32
      scf.if %cond3A_110 {
        %mul3A_120 = arith.constant 2 : i32
        %mul3A_121 = arith.muli %mul3A_120, %scan3A_93 : i32
        %add3A_122 = arith.constant 2 : i32
        %add3A_123 = arith.addi %mul3A_121, %add3A_122 : i32
        %mul3A_124 = arith.constant 1512 : i32
        %mul3A_125 = arith.muli %add3A_123, %mul3A_124 : i32
        %add3A_126 = arith.addi %mul3A_27, %mul3A_125 : i32
        %dma_start3A_127 = tpu.memref_slice %arg2[%add3A_126] : memref<1548288xi32, #tpu.memory_space<hbm>> -> memref<1512xi32, #tpu.memory_space<hbm>>
        %dma_start3A_128 = tpu.memref_slice %arg2[%add3A_126] : memref<1548288xi32, #tpu.memory_space<hbm>> -> memref<1512xi32, #tpu.memory_space<hbm>>
        tpu.enqueue_dma source(%dma_start3A_128 : memref<1512xi32, #tpu.memory_space<hbm>>) target(%arg6 : memref<1512xi32, #tpu.memory_space<vmem>>) target_semaphore(%arg10 : memref<!tpu.dma_semaphore, #tpu.memory_space<semaphore_mem>>)
      } else {
      }
      %mul3A_111 = arith.constant 2 : i32
      %mul3A_112 = arith.muli %mul3A_111, %scan3A_93 : i32
      %add3A_113 = arith.constant 1 : i32
      %add3A_114 = arith.addi %mul3A_112, %add3A_113 : i32
      %mul3A_115 = arith.constant 1512 : i32
      %mul3A_116 = arith.muli %add3A_114, %mul3A_115 : i32
      %add3A_117 = arith.addi %mul3A_27, %mul3A_116 : i32
      %dma_wait3A_118 = tpu.memref_slice %arg2[%add3A_117] : memref<1548288xi32, #tpu.memory_space<hbm>> -> memref<1512xi32, #tpu.memory_space<hbm>>
      %dma_wait3A_119 = tpu.memref_slice %arg2[%add3A_117] : memref<1548288xi32, #tpu.memory_space<hbm>> -> memref<1512xi32, #tpu.memory_space<hbm>>
      tpu.wait_dma2 semaphore(%arg11 : memref<!tpu.dma_semaphore, #tpu.memory_space<semaphore_mem>>) src(%dma_wait3A_119 : memref<1512xi32, #tpu.memory_space<hbm>>) dst(%arg7 : memref<1512xi32, #tpu.memory_space<vmem>>)
      "tpu.region"() ({
        %run_scoped3A = tpu.sem_alloc : memref<!tpu.dma_semaphore, #tpu.memory_space<semaphore_mem>>
        %dma_start3A_120 = arith.constant 0 : i32
        %dma_start3A_121 = tpu.memref_slice %arg12[%dma_start3A_120] : memref<96768xf32, #tpu.memory_space<vmem_shared>> -> memref<96768xf32, #tpu.memory_space<vmem_shared>>
        tpu.enqueue_indirect_dma source(%arg8 : memref<1512xf32, #tpu.memory_space<vmem>>) target(%dma_start3A_121 : memref<96768xf32, #tpu.memory_space<vmem_shared>>) offsets(%arg7 : memref<1512xi32, #tpu.memory_space<vmem>>) semaphore(%run_scoped3A : memref<!tpu.dma_semaphore, #tpu.memory_space<semaphore_mem>>) {add = true}
        %dma_wait3A_122 = arith.constant 0 : i32
        %dma_wait3A_123 = tpu.memref_slice %arg12[%dma_wait3A_122] : memref<96768xf32, #tpu.memory_space<vmem_shared>> -> memref<96768xf32, #tpu.memory_space<vmem_shared>>
        tpu.wait_indirect_dma semaphore(%run_scoped3A : memref<!tpu.dma_semaphore, #tpu.memory_space<semaphore_mem>>) src(%arg8 : memref<1512xf32, #tpu.memory_space<vmem>>) dst(%dma_wait3A_123 : memref<96768xf32, #tpu.memory_space<vmem_shared>>)
        tpu.yield
      }) : () -> ()
    }
    %scan3A_35 = arith.constant 32 : i32
    %barrier3A_36 = arith.constant 0 : index
    tpu.barrier barrier_id(%barrier3A_36)
    %mul3A_37 = arith.constant 6048 : i32
    %mul3A_38 = arith.muli %arg1, %mul3A_37 : i32
    %add3A_39 = arith.constant 0 : i32
    %add3A_40 = arith.addi %mul3A_38, %add3A_39 : i32
    "tpu.region"() ({
      %run_scoped3A = tpu.sem_alloc : memref<!tpu.dma_semaphore, #tpu.memory_space<semaphore_mem>>
      %dma_start3A_93 = tpu.memref_slice %arg12[%add3A_40] : memref<96768xf32, #tpu.memory_space<vmem_shared>> -> memref<864xf32, #tpu.memory_space<vmem_shared>>
      %dma_start3A_94 = tpu.memref_slice %arg12[%add3A_40] : memref<96768xf32, #tpu.memory_space<vmem_shared>> -> memref<864xf32, #tpu.memory_space<vmem_shared>>
      tpu.enqueue_dma source(%dma_start3A_94 : memref<864xf32, #tpu.memory_space<vmem_shared>>) target(%arg9 : memref<864xf32, #tpu.memory_space<vmem>>) target_semaphore(%run_scoped3A : memref<!tpu.dma_semaphore, #tpu.memory_space<semaphore_mem>>)
      %dma_wait3A = tpu.memref_slice %arg12[%add3A_40] : memref<96768xf32, #tpu.memory_space<vmem_shared>> -> memref<864xf32, #tpu.memory_space<vmem_shared>>
      %dma_wait3A_95 = tpu.memref_slice %arg12[%add3A_40] : memref<96768xf32, #tpu.memory_space<vmem_shared>> -> memref<864xf32, #tpu.memory_space<vmem_shared>>
      tpu.wait_dma2 semaphore(%run_scoped3A : memref<!tpu.dma_semaphore, #tpu.memory_space<semaphore_mem>>) src(%dma_wait3A_95 : memref<864xf32, #tpu.memory_space<vmem_shared>>) dst(%arg9 : memref<864xf32, #tpu.memory_space<vmem>>)
      tpu.yield
    }) : () -> ()
    %mul3A_41 = arith.constant 6048 : i32
    %mul3A_42 = arith.muli %arg1, %mul3A_41 : i32
    %add3A_43 = arith.constant 0 : i32
    %add3A_44 = arith.addi %mul3A_42, %add3A_43 : i32
    "tpu.region"() ({
      %run_scoped3A = tpu.sem_alloc : memref<!tpu.dma_semaphore, #tpu.memory_space<semaphore_mem>>
      %dma_start3A_93 = tpu.memref_slice %arg5[%add3A_44] : memref<96768xf32, #tpu.memory_space<hbm>> -> memref<864xf32, #tpu.memory_space<hbm>>
      %dma_start3A_94 = tpu.memref_slice %arg5[%add3A_44] : memref<96768xf32, #tpu.memory_space<hbm>> -> memref<864xf32, #tpu.memory_space<hbm>>
      tpu.enqueue_dma source(%arg9 : memref<864xf32, #tpu.memory_space<vmem>>) target(%dma_start3A_94 : memref<864xf32, #tpu.memory_space<hbm>>) target_semaphore(%run_scoped3A : memref<!tpu.dma_semaphore, #tpu.memory_space<semaphore_mem>>)
      %dma_wait3A = tpu.memref_slice %arg5[%add3A_44] : memref<96768xf32, #tpu.memory_space<hbm>> -> memref<864xf32, #tpu.memory_space<hbm>>
      %dma_wait3A_95 = tpu.memref_slice %arg5[%add3A_44] : memref<96768xf32, #tpu.memory_space<hbm>> -> memref<864xf32, #tpu.memory_space<hbm>>
      tpu.wait_dma2 semaphore(%run_scoped3A : memref<!tpu.dma_semaphore, #tpu.memory_space<semaphore_mem>>) src(%arg9 : memref<864xf32, #tpu.memory_space<vmem>>) dst(%dma_wait3A_95 : memref<864xf32, #tpu.memory_space<hbm>>)
      tpu.yield
    }) : () -> ()
    %mul3A_45 = arith.constant 6048 : i32
    %mul3A_46 = arith.muli %arg1, %mul3A_45 : i32
    %add3A_47 = arith.constant 864 : i32
    %add3A_48 = arith.addi %mul3A_46, %add3A_47 : i32
    "tpu.region"() ({
      %run_scoped3A = tpu.sem_alloc : memref<!tpu.dma_semaphore, #tpu.memory_space<semaphore_mem>>
      %dma_start3A_93 = tpu.memref_slice %arg12[%add3A_48] : memref<96768xf32, #tpu.memory_space<vmem_shared>> -> memref<864xf32, #tpu.memory_space<vmem_shared>>
      %dma_start3A_94 = tpu.memref_slice %arg12[%add3A_48] : memref<96768xf32, #tpu.memory_space<vmem_shared>> -> memref<864xf32, #tpu.memory_space<vmem_shared>>
      tpu.enqueue_dma source(%dma_start3A_94 : memref<864xf32, #tpu.memory_space<vmem_shared>>) target(%arg9 : memref<864xf32, #tpu.memory_space<vmem>>) target_semaphore(%run_scoped3A : memref<!tpu.dma_semaphore, #tpu.memory_space<semaphore_mem>>)
      %dma_wait3A = tpu.memref_slice %arg12[%add3A_48] : memref<96768xf32, #tpu.memory_space<vmem_shared>> -> memref<864xf32, #tpu.memory_space<vmem_shared>>
      %dma_wait3A_95 = tpu.memref_slice %arg12[%add3A_48] : memref<96768xf32, #tpu.memory_space<vmem_shared>> -> memref<864xf32, #tpu.memory_space<vmem_shared>>
      tpu.wait_dma2 semaphore(%run_scoped3A : memref<!tpu.dma_semaphore, #tpu.memory_space<semaphore_mem>>) src(%dma_wait3A_95 : memref<864xf32, #tpu.memory_space<vmem_shared>>) dst(%arg9 : memref<864xf32, #tpu.memory_space<vmem>>)
      tpu.yield
    }) : () -> ()
    %mul3A_49 = arith.constant 6048 : i32
    %mul3A_50 = arith.muli %arg1, %mul3A_49 : i32
    %add3A_51 = arith.constant 864 : i32
    %add3A_52 = arith.addi %mul3A_50, %add3A_51 : i32
    "tpu.region"() ({
      %run_scoped3A = tpu.sem_alloc : memref<!tpu.dma_semaphore, #tpu.memory_space<semaphore_mem>>
      %dma_start3A_93 = tpu.memref_slice %arg5[%add3A_52] : memref<96768xf32, #tpu.memory_space<hbm>> -> memref<864xf32, #tpu.memory_space<hbm>>
      %dma_start3A_94 = tpu.memref_slice %arg5[%add3A_52] : memref<96768xf32, #tpu.memory_space<hbm>> -> memref<864xf32, #tpu.memory_space<hbm>>
      tpu.enqueue_dma source(%arg9 : memref<864xf32, #tpu.memory_space<vmem>>) target(%dma_start3A_94 : memref<864xf32, #tpu.memory_space<hbm>>) target_semaphore(%run_scoped3A : memref<!tpu.dma_semaphore, #tpu.memory_space<semaphore_mem>>)
      %dma_wait3A = tpu.memref_slice %arg5[%add3A_52] : memref<96768xf32, #tpu.memory_space<hbm>> -> memref<864xf32, #tpu.memory_space<hbm>>
      %dma_wait3A_95 = tpu.memref_slice %arg5[%add3A_52] : memref<96768xf32, #tpu.memory_space<hbm>> -> memref<864xf32, #tpu.memory_space<hbm>>
      tpu.wait_dma2 semaphore(%run_scoped3A : memref<!tpu.dma_semaphore, #tpu.memory_space<semaphore_mem>>) src(%arg9 : memref<864xf32, #tpu.memory_space<vmem>>) dst(%dma_wait3A_95 : memref<864xf32, #tpu.memory_space<hbm>>)
      tpu.yield
    }) : () -> ()
    %mul3A_53 = arith.constant 6048 : i32
    %mul3A_54 = arith.muli %arg1, %mul3A_53 : i32
    %add3A_55 = arith.constant 1728 : i32
    %add3A_56 = arith.addi %mul3A_54, %add3A_55 : i32
    "tpu.region"() ({
      %run_scoped3A = tpu.sem_alloc : memref<!tpu.dma_semaphore, #tpu.memory_space<semaphore_mem>>
      %dma_start3A_93 = tpu.memref_slice %arg12[%add3A_56] : memref<96768xf32, #tpu.memory_space<vmem_shared>> -> memref<864xf32, #tpu.memory_space<vmem_shared>>
      %dma_start3A_94 = tpu.memref_slice %arg12[%add3A_56] : memref<96768xf32, #tpu.memory_space<vmem_shared>> -> memref<864xf32, #tpu.memory_space<vmem_shared>>
      tpu.enqueue_dma source(%dma_start3A_94 : memref<864xf32, #tpu.memory_space<vmem_shared>>) target(%arg9 : memref<864xf32, #tpu.memory_space<vmem>>) target_semaphore(%run_scoped3A : memref<!tpu.dma_semaphore, #tpu.memory_space<semaphore_mem>>)
      %dma_wait3A = tpu.memref_slice %arg12[%add3A_56] : memref<96768xf32, #tpu.memory_space<vmem_shared>> -> memref<864xf32, #tpu.memory_space<vmem_shared>>
      %dma_wait3A_95 = tpu.memref_slice %arg12[%add3A_56] : memref<96768xf32, #tpu.memory_space<vmem_shared>> -> memref<864xf32, #tpu.memory_space<vmem_shared>>
      tpu.wait_dma2 semaphore(%run_scoped3A : memref<!tpu.dma_semaphore, #tpu.memory_space<semaphore_mem>>) src(%dma_wait3A_95 : memref<864xf32, #tpu.memory_space<vmem_shared>>) dst(%arg9 : memref<864xf32, #tpu.memory_space<vmem>>)
      tpu.yield
    }) : () -> ()
    %mul3A_57 = arith.constant 6048 : i32
    %mul3A_58 = arith.muli %arg1, %mul3A_57 : i32
    %add3A_59 = arith.constant 1728 : i32
    %add3A_60 = arith.addi %mul3A_58, %add3A_59 : i32
    "tpu.region"() ({
      %run_scoped3A = tpu.sem_alloc : memref<!tpu.dma_semaphore, #tpu.memory_space<semaphore_mem>>
      %dma_start3A_93 = tpu.memref_slice %arg5[%add3A_60] : memref<96768xf32, #tpu.memory_space<hbm>> -> memref<864xf32, #tpu.memory_space<hbm>>
      %dma_start3A_94 = tpu.memref_slice %arg5[%add3A_60] : memref<96768xf32, #tpu.memory_space<hbm>> -> memref<864xf32, #tpu.memory_space<hbm>>
      tpu.enqueue_dma source(%arg9 : memref<864xf32, #tpu.memory_space<vmem>>) target(%dma_start3A_94 : memref<864xf32, #tpu.memory_space<hbm>>) target_semaphore(%run_scoped3A : memref<!tpu.dma_semaphore, #tpu.memory_space<semaphore_mem>>)
      %dma_wait3A = tpu.memref_slice %arg5[%add3A_60] : memref<96768xf32, #tpu.memory_space<hbm>> -> memref<864xf32, #tpu.memory_space<hbm>>
      %dma_wait3A_95 = tpu.memref_slice %arg5[%add3A_60] : memref<96768xf32, #tpu.memory_space<hbm>> -> memref<864xf32, #tpu.memory_space<hbm>>
      tpu.wait_dma2 semaphore(%run_scoped3A : memref<!tpu.dma_semaphore, #tpu.memory_space<semaphore_mem>>) src(%arg9 : memref<864xf32, #tpu.memory_space<vmem>>) dst(%dma_wait3A_95 : memref<864xf32, #tpu.memory_space<hbm>>)
      tpu.yield
    }) : () -> ()
    %mul3A_61 = arith.constant 6048 : i32
    %mul3A_62 = arith.muli %arg1, %mul3A_61 : i32
    %add3A_63 = arith.constant 2592 : i32
    %add3A_64 = arith.addi %mul3A_62, %add3A_63 : i32
    "tpu.region"() ({
      %run_scoped3A = tpu.sem_alloc : memref<!tpu.dma_semaphore, #tpu.memory_space<semaphore_mem>>
      %dma_start3A_93 = tpu.memref_slice %arg12[%add3A_64] : memref<96768xf32, #tpu.memory_space<vmem_shared>> -> memref<864xf32, #tpu.memory_space<vmem_shared>>
      %dma_start3A_94 = tpu.memref_slice %arg12[%add3A_64] : memref<96768xf32, #tpu.memory_space<vmem_shared>> -> memref<864xf32, #tpu.memory_space<vmem_shared>>
      tpu.enqueue_dma source(%dma_start3A_94 : memref<864xf32, #tpu.memory_space<vmem_shared>>) target(%arg9 : memref<864xf32, #tpu.memory_space<vmem>>) target_semaphore(%run_scoped3A : memref<!tpu.dma_semaphore, #tpu.memory_space<semaphore_mem>>)
      %dma_wait3A = tpu.memref_slice %arg12[%add3A_64] : memref<96768xf32, #tpu.memory_space<vmem_shared>> -> memref<864xf32, #tpu.memory_space<vmem_shared>>
      %dma_wait3A_95 = tpu.memref_slice %arg12[%add3A_64] : memref<96768xf32, #tpu.memory_space<vmem_shared>> -> memref<864xf32, #tpu.memory_space<vmem_shared>>
      tpu.wait_dma2 semaphore(%run_scoped3A : memref<!tpu.dma_semaphore, #tpu.memory_space<semaphore_mem>>) src(%dma_wait3A_95 : memref<864xf32, #tpu.memory_space<vmem_shared>>) dst(%arg9 : memref<864xf32, #tpu.memory_space<vmem>>)
      tpu.yield
    }) : () -> ()
    %mul3A_65 = arith.constant 6048 : i32
    %mul3A_66 = arith.muli %arg1, %mul3A_65 : i32
    %add3A_67 = arith.constant 2592 : i32
    %add3A_68 = arith.addi %mul3A_66, %add3A_67 : i32
    "tpu.region"() ({
      %run_scoped3A = tpu.sem_alloc : memref<!tpu.dma_semaphore, #tpu.memory_space<semaphore_mem>>
      %dma_start3A_93 = tpu.memref_slice %arg5[%add3A_68] : memref<96768xf32, #tpu.memory_space<hbm>> -> memref<864xf32, #tpu.memory_space<hbm>>
      %dma_start3A_94 = tpu.memref_slice %arg5[%add3A_68] : memref<96768xf32, #tpu.memory_space<hbm>> -> memref<864xf32, #tpu.memory_space<hbm>>
      tpu.enqueue_dma source(%arg9 : memref<864xf32, #tpu.memory_space<vmem>>) target(%dma_start3A_94 : memref<864xf32, #tpu.memory_space<hbm>>) target_semaphore(%run_scoped3A : memref<!tpu.dma_semaphore, #tpu.memory_space<semaphore_mem>>)
      %dma_wait3A = tpu.memref_slice %arg5[%add3A_68] : memref<96768xf32, #tpu.memory_space<hbm>> -> memref<864xf32, #tpu.memory_space<hbm>>
      %dma_wait3A_95 = tpu.memref_slice %arg5[%add3A_68] : memref<96768xf32, #tpu.memory_space<hbm>> -> memref<864xf32, #tpu.memory_space<hbm>>
      tpu.wait_dma2 semaphore(%run_scoped3A : memref<!tpu.dma_semaphore, #tpu.memory_space<semaphore_mem>>) src(%arg9 : memref<864xf32, #tpu.memory_space<vmem>>) dst(%dma_wait3A_95 : memref<864xf32, #tpu.memory_space<hbm>>)
      tpu.yield
    }) : () -> ()
    %mul3A_69 = arith.constant 6048 : i32
    %mul3A_70 = arith.muli %arg1, %mul3A_69 : i32
    %add3A_71 = arith.constant 3456 : i32
    %add3A_72 = arith.addi %mul3A_70, %add3A_71 : i32
    "tpu.region"() ({
      %run_scoped3A = tpu.sem_alloc : memref<!tpu.dma_semaphore, #tpu.memory_space<semaphore_mem>>
      %dma_start3A_93 = tpu.memref_slice %arg12[%add3A_72] : memref<96768xf32, #tpu.memory_space<vmem_shared>> -> memref<864xf32, #tpu.memory_space<vmem_shared>>
      %dma_start3A_94 = tpu.memref_slice %arg12[%add3A_72] : memref<96768xf32, #tpu.memory_space<vmem_shared>> -> memref<864xf32, #tpu.memory_space<vmem_shared>>
      tpu.enqueue_dma source(%dma_start3A_94 : memref<864xf32, #tpu.memory_space<vmem_shared>>) target(%arg9 : memref<864xf32, #tpu.memory_space<vmem>>) target_semaphore(%run_scoped3A : memref<!tpu.dma_semaphore, #tpu.memory_space<semaphore_mem>>)
      %dma_wait3A = tpu.memref_slice %arg12[%add3A_72] : memref<96768xf32, #tpu.memory_space<vmem_shared>> -> memref<864xf32, #tpu.memory_space<vmem_shared>>
      %dma_wait3A_95 = tpu.memref_slice %arg12[%add3A_72] : memref<96768xf32, #tpu.memory_space<vmem_shared>> -> memref<864xf32, #tpu.memory_space<vmem_shared>>
      tpu.wait_dma2 semaphore(%run_scoped3A : memref<!tpu.dma_semaphore, #tpu.memory_space<semaphore_mem>>) src(%dma_wait3A_95 : memref<864xf32, #tpu.memory_space<vmem_shared>>) dst(%arg9 : memref<864xf32, #tpu.memory_space<vmem>>)
      tpu.yield
    }) : () -> ()
    %mul3A_73 = arith.constant 6048 : i32
    %mul3A_74 = arith.muli %arg1, %mul3A_73 : i32
    %add3A_75 = arith.constant 3456 : i32
    %add3A_76 = arith.addi %mul3A_74, %add3A_75 : i32
    "tpu.region"() ({
      %run_scoped3A = tpu.sem_alloc : memref<!tpu.dma_semaphore, #tpu.memory_space<semaphore_mem>>
      %dma_start3A_93 = tpu.memref_slice %arg5[%add3A_76] : memref<96768xf32, #tpu.memory_space<hbm>> -> memref<864xf32, #tpu.memory_space<hbm>>
      %dma_start3A_94 = tpu.memref_slice %arg5[%add3A_76] : memref<96768xf32, #tpu.memory_space<hbm>> -> memref<864xf32, #tpu.memory_space<hbm>>
      tpu.enqueue_dma source(%arg9 : memref<864xf32, #tpu.memory_space<vmem>>) target(%dma_start3A_94 : memref<864xf32, #tpu.memory_space<hbm>>) target_semaphore(%run_scoped3A : memref<!tpu.dma_semaphore, #tpu.memory_space<semaphore_mem>>)
      %dma_wait3A = tpu.memref_slice %arg5[%add3A_76] : memref<96768xf32, #tpu.memory_space<hbm>> -> memref<864xf32, #tpu.memory_space<hbm>>
      %dma_wait3A_95 = tpu.memref_slice %arg5[%add3A_76] : memref<96768xf32, #tpu.memory_space<hbm>> -> memref<864xf32, #tpu.memory_space<hbm>>
      tpu.wait_dma2 semaphore(%run_scoped3A : memref<!tpu.dma_semaphore, #tpu.memory_space<semaphore_mem>>) src(%arg9 : memref<864xf32, #tpu.memory_space<vmem>>) dst(%dma_wait3A_95 : memref<864xf32, #tpu.memory_space<hbm>>)
      tpu.yield
    }) : () -> ()
    %mul3A_77 = arith.constant 6048 : i32
    %mul3A_78 = arith.muli %arg1, %mul3A_77 : i32
    %add3A_79 = arith.constant 4320 : i32
    %add3A_80 = arith.addi %mul3A_78, %add3A_79 : i32
    "tpu.region"() ({
      %run_scoped3A = tpu.sem_alloc : memref<!tpu.dma_semaphore, #tpu.memory_space<semaphore_mem>>
      %dma_start3A_93 = tpu.memref_slice %arg12[%add3A_80] : memref<96768xf32, #tpu.memory_space<vmem_shared>> -> memref<864xf32, #tpu.memory_space<vmem_shared>>
      %dma_start3A_94 = tpu.memref_slice %arg12[%add3A_80] : memref<96768xf32, #tpu.memory_space<vmem_shared>> -> memref<864xf32, #tpu.memory_space<vmem_shared>>
      tpu.enqueue_dma source(%dma_start3A_94 : memref<864xf32, #tpu.memory_space<vmem_shared>>) target(%arg9 : memref<864xf32, #tpu.memory_space<vmem>>) target_semaphore(%run_scoped3A : memref<!tpu.dma_semaphore, #tpu.memory_space<semaphore_mem>>)
      %dma_wait3A = tpu.memref_slice %arg12[%add3A_80] : memref<96768xf32, #tpu.memory_space<vmem_shared>> -> memref<864xf32, #tpu.memory_space<vmem_shared>>
      %dma_wait3A_95 = tpu.memref_slice %arg12[%add3A_80] : memref<96768xf32, #tpu.memory_space<vmem_shared>> -> memref<864xf32, #tpu.memory_space<vmem_shared>>
      tpu.wait_dma2 semaphore(%run_scoped3A : memref<!tpu.dma_semaphore, #tpu.memory_space<semaphore_mem>>) src(%dma_wait3A_95 : memref<864xf32, #tpu.memory_space<vmem_shared>>) dst(%arg9 : memref<864xf32, #tpu.memory_space<vmem>>)
      tpu.yield
    }) : () -> ()
    %mul3A_81 = arith.constant 6048 : i32
    %mul3A_82 = arith.muli %arg1, %mul3A_81 : i32
    %add3A_83 = arith.constant 4320 : i32
    %add3A_84 = arith.addi %mul3A_82, %add3A_83 : i32
    "tpu.region"() ({
      %run_scoped3A = tpu.sem_alloc : memref<!tpu.dma_semaphore, #tpu.memory_space<semaphore_mem>>
      %dma_start3A_93 = tpu.memref_slice %arg5[%add3A_84] : memref<96768xf32, #tpu.memory_space<hbm>> -> memref<864xf32, #tpu.memory_space<hbm>>
      %dma_start3A_94 = tpu.memref_slice %arg5[%add3A_84] : memref<96768xf32, #tpu.memory_space<hbm>> -> memref<864xf32, #tpu.memory_space<hbm>>
      tpu.enqueue_dma source(%arg9 : memref<864xf32, #tpu.memory_space<vmem>>) target(%dma_start3A_94 : memref<864xf32, #tpu.memory_space<hbm>>) target_semaphore(%run_scoped3A : memref<!tpu.dma_semaphore, #tpu.memory_space<semaphore_mem>>)
      %dma_wait3A = tpu.memref_slice %arg5[%add3A_84] : memref<96768xf32, #tpu.memory_space<hbm>> -> memref<864xf32, #tpu.memory_space<hbm>>
      %dma_wait3A_95 = tpu.memref_slice %arg5[%add3A_84] : memref<96768xf32, #tpu.memory_space<hbm>> -> memref<864xf32, #tpu.memory_space<hbm>>
      tpu.wait_dma2 semaphore(%run_scoped3A : memref<!tpu.dma_semaphore, #tpu.memory_space<semaphore_mem>>) src(%arg9 : memref<864xf32, #tpu.memory_space<vmem>>) dst(%dma_wait3A_95 : memref<864xf32, #tpu.memory_space<hbm>>)
      tpu.yield
    }) : () -> ()
    %mul3A_85 = arith.constant 6048 : i32
    %mul3A_86 = arith.muli %arg1, %mul3A_85 : i32
    %add3A_87 = arith.constant 5184 : i32
    %add3A_88 = arith.addi %mul3A_86, %add3A_87 : i32
    "tpu.region"() ({
      %run_scoped3A = tpu.sem_alloc : memref<!tpu.dma_semaphore, #tpu.memory_space<semaphore_mem>>
      %dma_start3A_93 = tpu.memref_slice %arg12[%add3A_88] : memref<96768xf32, #tpu.memory_space<vmem_shared>> -> memref<864xf32, #tpu.memory_space<vmem_shared>>
      %dma_start3A_94 = tpu.memref_slice %arg12[%add3A_88] : memref<96768xf32, #tpu.memory_space<vmem_shared>> -> memref<864xf32, #tpu.memory_space<vmem_shared>>
      tpu.enqueue_dma source(%dma_start3A_94 : memref<864xf32, #tpu.memory_space<vmem_shared>>) target(%arg9 : memref<864xf32, #tpu.memory_space<vmem>>) target_semaphore(%run_scoped3A : memref<!tpu.dma_semaphore, #tpu.memory_space<semaphore_mem>>)
      %dma_wait3A = tpu.memref_slice %arg12[%add3A_88] : memref<96768xf32, #tpu.memory_space<vmem_shared>> -> memref<864xf32, #tpu.memory_space<vmem_shared>>
      %dma_wait3A_95 = tpu.memref_slice %arg12[%add3A_88] : memref<96768xf32, #tpu.memory_space<vmem_shared>> -> memref<864xf32, #tpu.memory_space<vmem_shared>>
      tpu.wait_dma2 semaphore(%run_scoped3A : memref<!tpu.dma_semaphore, #tpu.memory_space<semaphore_mem>>) src(%dma_wait3A_95 : memref<864xf32, #tpu.memory_space<vmem_shared>>) dst(%arg9 : memref<864xf32, #tpu.memory_space<vmem>>)
      tpu.yield
    }) : () -> ()
    %mul3A_89 = arith.constant 6048 : i32
    %mul3A_90 = arith.muli %arg1, %mul3A_89 : i32
    %add3A_91 = arith.constant 5184 : i32
    %add3A_92 = arith.addi %mul3A_90, %add3A_91 : i32
    "tpu.region"() ({
      %run_scoped3A = tpu.sem_alloc : memref<!tpu.dma_semaphore, #tpu.memory_space<semaphore_mem>>
      %dma_start3A_93 = tpu.memref_slice %arg5[%add3A_92] : memref<96768xf32, #tpu.memory_space<hbm>> -> memref<864xf32, #tpu.memory_space<hbm>>
      %dma_start3A_94 = tpu.memref_slice %arg5[%add3A_92] : memref<96768xf32, #tpu.memory_space<hbm>> -> memref<864xf32, #tpu.memory_space<hbm>>
      tpu.enqueue_dma source(%arg9 : memref<864xf32, #tpu.memory_space<vmem>>) target(%dma_start3A_94 : memref<864xf32, #tpu.memory_space<hbm>>) target_semaphore(%run_scoped3A : memref<!tpu.dma_semaphore, #tpu.memory_space<semaphore_mem>>)
      %dma_wait3A = tpu.memref_slice %arg5[%add3A_92] : memref<96768xf32, #tpu.memory_space<hbm>> -> memref<864xf32, #tpu.memory_space<hbm>>
      %dma_wait3A_95 = tpu.memref_slice %arg5[%add3A_92] : memref<96768xf32, #tpu.memory_space<hbm>> -> memref<864xf32, #tpu.memory_space<hbm>>
      tpu.wait_dma2 semaphore(%run_scoped3A : memref<!tpu.dma_semaphore, #tpu.memory_space<semaphore_mem>>) src(%arg9 : memref<864xf32, #tpu.memory_space<vmem>>) dst(%dma_wait3A_95 : memref<864xf32, #tpu.memory_space<hbm>>)
      tpu.yield
    }) : () -> ()
    return
  }
}

#map = affine_map<(d0, d1) -> (0)>
#map1 = affine_map<(d0, d1) -> (0, 0)>
module attributes {stable_mosaic.version = 14 : i64} {
  func.func @_agg_body(%arg0: i32, %arg1: i32, %arg2: memref<1548288xi32, #tpu.memory_space<hbm>>, %arg3: memref<1548288xi32, #tpu.memory_space<hbm>>, %arg4: memref<96768x32xbf16, #tpu.memory_space<hbm>>, %arg5: memref<864x32xbf16, #tpu.memory_space<hbm>>, %arg6: memref<96768x32xbf16, #tpu.memory_space<hbm>>, %arg7: memref<864xi32, #tpu.memory_space<vmem>>, %arg8: memref<864xi32, #tpu.memory_space<vmem>>, %arg9: memref<864xi32, #tpu.memory_space<vmem>>, %arg10: memref<864xi32, #tpu.memory_space<vmem>>, %arg11: memref<864x32xbf16, #tpu.memory_space<vmem>>, %arg12: memref<864x32xbf16, #tpu.memory_space<vmem>>, %arg13: memref<!tpu.dma_semaphore, #tpu.memory_space<semaphore_mem>>, %arg14: memref<!tpu.dma_semaphore, #tpu.memory_space<semaphore_mem>>, %arg15: memref<!tpu.dma_semaphore, #tpu.memory_space<semaphore_mem>>, %arg16: memref<!tpu.dma_semaphore, #tpu.memory_space<semaphore_mem>>, %arg17: memref<96768x32xbf16, #tpu.memory_space<vmem_shared>>) attributes {dimension_semantics = [#tpu.dimension_semantics<core_parallel>, #tpu.dimension_semantics<subcore_parallel>], iteration_bounds = array<i64: 1, 16>, scalar_prefetch = 0 : i64, scratch_operands = 11 : i64, tpu.core_type = #tpu.core_type<sc_vector_subcore>, window_params = [{transform_indices = #map}, {transform_indices = #map}, {transform_indices = #map1}, {transform_indices = #map1}, {transform_indices = #map1}]} {
    "tpu.region"() ({
      %run_scoped3A = tpu.sem_alloc : memref<!tpu.dma_semaphore, #tpu.memory_space<semaphore_mem>>
      tpu.enqueue_dma source(%arg5 : memref<864x32xbf16, #tpu.memory_space<hbm>>) target(%arg11 : memref<864x32xbf16, #tpu.memory_space<vmem>>) target_semaphore(%run_scoped3A : memref<!tpu.dma_semaphore, #tpu.memory_space<semaphore_mem>>)
      tpu.wait_dma2 semaphore(%run_scoped3A : memref<!tpu.dma_semaphore, #tpu.memory_space<semaphore_mem>>) src(%arg5 : memref<864x32xbf16, #tpu.memory_space<hbm>>) dst(%arg11 : memref<864x32xbf16, #tpu.memory_space<vmem>>)
      tpu.yield
    }) : () -> ()
    %mul3A = arith.constant 6048 : i32
    %mul3A_0 = arith.muli %arg1, %mul3A : i32
    %add3A = arith.constant 0 : i32
    %add3A_1 = arith.addi %mul3A_0, %add3A : i32
    %dma_start3A = arith.constant 0 : i32
    %dma_start3A_2 = arith.constant 0 : i32
    %dma_start3A_3 = tpu.memref_slice %arg11[%dma_start3A, %dma_start3A_2] : memref<864x32xbf16, #tpu.memory_space<vmem>> -> memref<864x32xbf16, #tpu.memory_space<vmem>>
    %dma_start3A_4 = arith.constant 0 : i32
    %dma_start3A_5 = tpu.memref_slice %arg17[%add3A_1, %dma_start3A_4] : memref<96768x32xbf16, #tpu.memory_space<vmem_shared>> -> memref<864x32xbf16, #tpu.memory_space<vmem_shared>>
    %dma_start3A_6 = arith.constant 0 : i32
    %dma_start3A_7 = tpu.memref_slice %arg17[%add3A_1, %dma_start3A_6] : memref<96768x32xbf16, #tpu.memory_space<vmem_shared>> -> memref<864x32xbf16, #tpu.memory_space<vmem_shared>>
    %dma_start3A_8 = arith.constant 0 : i32
    %dma_start3A_9 = arith.constant 0 : i32
    %dma_start3A_10 = tpu.memref_slice %arg11[%dma_start3A_8, %dma_start3A_9] : memref<864x32xbf16, #tpu.memory_space<vmem>> -> memref<864x32xbf16, #tpu.memory_space<vmem>>
    tpu.enqueue_dma source(%dma_start3A_10 : memref<864x32xbf16, #tpu.memory_space<vmem>>) target(%dma_start3A_7 : memref<864x32xbf16, #tpu.memory_space<vmem_shared>>) target_semaphore(%arg15 : memref<!tpu.dma_semaphore, #tpu.memory_space<semaphore_mem>>)
    %mul3A_11 = arith.constant 6048 : i32
    %mul3A_12 = arith.muli %arg1, %mul3A_11 : i32
    %add3A_13 = arith.constant 864 : i32
    %add3A_14 = arith.addi %mul3A_12, %add3A_13 : i32
    %dma_start3A_15 = arith.constant 0 : i32
    %dma_start3A_16 = arith.constant 0 : i32
    %dma_start3A_17 = tpu.memref_slice %arg11[%dma_start3A_15, %dma_start3A_16] : memref<864x32xbf16, #tpu.memory_space<vmem>> -> memref<864x32xbf16, #tpu.memory_space<vmem>>
    %dma_start3A_18 = arith.constant 0 : i32
    %dma_start3A_19 = tpu.memref_slice %arg17[%add3A_14, %dma_start3A_18] : memref<96768x32xbf16, #tpu.memory_space<vmem_shared>> -> memref<864x32xbf16, #tpu.memory_space<vmem_shared>>
    %dma_start3A_20 = arith.constant 0 : i32
    %dma_start3A_21 = tpu.memref_slice %arg17[%add3A_14, %dma_start3A_20] : memref<96768x32xbf16, #tpu.memory_space<vmem_shared>> -> memref<864x32xbf16, #tpu.memory_space<vmem_shared>>
    %dma_start3A_22 = arith.constant 0 : i32
    %dma_start3A_23 = arith.constant 0 : i32
    %dma_start3A_24 = tpu.memref_slice %arg11[%dma_start3A_22, %dma_start3A_23] : memref<864x32xbf16, #tpu.memory_space<vmem>> -> memref<864x32xbf16, #tpu.memory_space<vmem>>
    tpu.enqueue_dma source(%dma_start3A_24 : memref<864x32xbf16, #tpu.memory_space<vmem>>) target(%dma_start3A_21 : memref<864x32xbf16, #tpu.memory_space<vmem_shared>>) target_semaphore(%arg15 : memref<!tpu.dma_semaphore, #tpu.memory_space<semaphore_mem>>)
    %mul3A_25 = arith.constant 6048 : i32
    %mul3A_26 = arith.muli %arg1, %mul3A_25 : i32
    %add3A_27 = arith.constant 1728 : i32
    %add3A_28 = arith.addi %mul3A_26, %add3A_27 : i32
    %dma_start3A_29 = arith.constant 0 : i32
    %dma_start3A_30 = arith.constant 0 : i32
    %dma_start3A_31 = tpu.memref_slice %arg11[%dma_start3A_29, %dma_start3A_30] : memref<864x32xbf16, #tpu.memory_space<vmem>> -> memref<864x32xbf16, #tpu.memory_space<vmem>>
    %dma_start3A_32 = arith.constant 0 : i32
    %dma_start3A_33 = tpu.memref_slice %arg17[%add3A_28, %dma_start3A_32] : memref<96768x32xbf16, #tpu.memory_space<vmem_shared>> -> memref<864x32xbf16, #tpu.memory_space<vmem_shared>>
    %dma_start3A_34 = arith.constant 0 : i32
    %dma_start3A_35 = tpu.memref_slice %arg17[%add3A_28, %dma_start3A_34] : memref<96768x32xbf16, #tpu.memory_space<vmem_shared>> -> memref<864x32xbf16, #tpu.memory_space<vmem_shared>>
    %dma_start3A_36 = arith.constant 0 : i32
    %dma_start3A_37 = arith.constant 0 : i32
    %dma_start3A_38 = tpu.memref_slice %arg11[%dma_start3A_36, %dma_start3A_37] : memref<864x32xbf16, #tpu.memory_space<vmem>> -> memref<864x32xbf16, #tpu.memory_space<vmem>>
    tpu.enqueue_dma source(%dma_start3A_38 : memref<864x32xbf16, #tpu.memory_space<vmem>>) target(%dma_start3A_35 : memref<864x32xbf16, #tpu.memory_space<vmem_shared>>) target_semaphore(%arg15 : memref<!tpu.dma_semaphore, #tpu.memory_space<semaphore_mem>>)
    %mul3A_39 = arith.constant 6048 : i32
    %mul3A_40 = arith.muli %arg1, %mul3A_39 : i32
    %add3A_41 = arith.constant 2592 : i32
    %add3A_42 = arith.addi %mul3A_40, %add3A_41 : i32
    %dma_start3A_43 = arith.constant 0 : i32
    %dma_start3A_44 = arith.constant 0 : i32
    %dma_start3A_45 = tpu.memref_slice %arg11[%dma_start3A_43, %dma_start3A_44] : memref<864x32xbf16, #tpu.memory_space<vmem>> -> memref<864x32xbf16, #tpu.memory_space<vmem>>
    %dma_start3A_46 = arith.constant 0 : i32
    %dma_start3A_47 = tpu.memref_slice %arg17[%add3A_42, %dma_start3A_46] : memref<96768x32xbf16, #tpu.memory_space<vmem_shared>> -> memref<864x32xbf16, #tpu.memory_space<vmem_shared>>
    %dma_start3A_48 = arith.constant 0 : i32
    %dma_start3A_49 = tpu.memref_slice %arg17[%add3A_42, %dma_start3A_48] : memref<96768x32xbf16, #tpu.memory_space<vmem_shared>> -> memref<864x32xbf16, #tpu.memory_space<vmem_shared>>
    %dma_start3A_50 = arith.constant 0 : i32
    %dma_start3A_51 = arith.constant 0 : i32
    %dma_start3A_52 = tpu.memref_slice %arg11[%dma_start3A_50, %dma_start3A_51] : memref<864x32xbf16, #tpu.memory_space<vmem>> -> memref<864x32xbf16, #tpu.memory_space<vmem>>
    tpu.enqueue_dma source(%dma_start3A_52 : memref<864x32xbf16, #tpu.memory_space<vmem>>) target(%dma_start3A_49 : memref<864x32xbf16, #tpu.memory_space<vmem_shared>>) target_semaphore(%arg15 : memref<!tpu.dma_semaphore, #tpu.memory_space<semaphore_mem>>)
    %mul3A_53 = arith.constant 6048 : i32
    %mul3A_54 = arith.muli %arg1, %mul3A_53 : i32
    %add3A_55 = arith.constant 3456 : i32
    %add3A_56 = arith.addi %mul3A_54, %add3A_55 : i32
    %dma_start3A_57 = arith.constant 0 : i32
    %dma_start3A_58 = arith.constant 0 : i32
    %dma_start3A_59 = tpu.memref_slice %arg11[%dma_start3A_57, %dma_start3A_58] : memref<864x32xbf16, #tpu.memory_space<vmem>> -> memref<864x32xbf16, #tpu.memory_space<vmem>>
    %dma_start3A_60 = arith.constant 0 : i32
    %dma_start3A_61 = tpu.memref_slice %arg17[%add3A_56, %dma_start3A_60] : memref<96768x32xbf16, #tpu.memory_space<vmem_shared>> -> memref<864x32xbf16, #tpu.memory_space<vmem_shared>>
    %dma_start3A_62 = arith.constant 0 : i32
    %dma_start3A_63 = tpu.memref_slice %arg17[%add3A_56, %dma_start3A_62] : memref<96768x32xbf16, #tpu.memory_space<vmem_shared>> -> memref<864x32xbf16, #tpu.memory_space<vmem_shared>>
    %dma_start3A_64 = arith.constant 0 : i32
    %dma_start3A_65 = arith.constant 0 : i32
    %dma_start3A_66 = tpu.memref_slice %arg11[%dma_start3A_64, %dma_start3A_65] : memref<864x32xbf16, #tpu.memory_space<vmem>> -> memref<864x32xbf16, #tpu.memory_space<vmem>>
    tpu.enqueue_dma source(%dma_start3A_66 : memref<864x32xbf16, #tpu.memory_space<vmem>>) target(%dma_start3A_63 : memref<864x32xbf16, #tpu.memory_space<vmem_shared>>) target_semaphore(%arg15 : memref<!tpu.dma_semaphore, #tpu.memory_space<semaphore_mem>>)
    %mul3A_67 = arith.constant 6048 : i32
    %mul3A_68 = arith.muli %arg1, %mul3A_67 : i32
    %add3A_69 = arith.constant 4320 : i32
    %add3A_70 = arith.addi %mul3A_68, %add3A_69 : i32
    %dma_start3A_71 = arith.constant 0 : i32
    %dma_start3A_72 = arith.constant 0 : i32
    %dma_start3A_73 = tpu.memref_slice %arg11[%dma_start3A_71, %dma_start3A_72] : memref<864x32xbf16, #tpu.memory_space<vmem>> -> memref<864x32xbf16, #tpu.memory_space<vmem>>
    %dma_start3A_74 = arith.constant 0 : i32
    %dma_start3A_75 = tpu.memref_slice %arg17[%add3A_70, %dma_start3A_74] : memref<96768x32xbf16, #tpu.memory_space<vmem_shared>> -> memref<864x32xbf16, #tpu.memory_space<vmem_shared>>
    %dma_start3A_76 = arith.constant 0 : i32
    %dma_start3A_77 = tpu.memref_slice %arg17[%add3A_70, %dma_start3A_76] : memref<96768x32xbf16, #tpu.memory_space<vmem_shared>> -> memref<864x32xbf16, #tpu.memory_space<vmem_shared>>
    %dma_start3A_78 = arith.constant 0 : i32
    %dma_start3A_79 = arith.constant 0 : i32
    %dma_start3A_80 = tpu.memref_slice %arg11[%dma_start3A_78, %dma_start3A_79] : memref<864x32xbf16, #tpu.memory_space<vmem>> -> memref<864x32xbf16, #tpu.memory_space<vmem>>
    tpu.enqueue_dma source(%dma_start3A_80 : memref<864x32xbf16, #tpu.memory_space<vmem>>) target(%dma_start3A_77 : memref<864x32xbf16, #tpu.memory_space<vmem_shared>>) target_semaphore(%arg15 : memref<!tpu.dma_semaphore, #tpu.memory_space<semaphore_mem>>)
    %mul3A_81 = arith.constant 6048 : i32
    %mul3A_82 = arith.muli %arg1, %mul3A_81 : i32
    %add3A_83 = arith.constant 5184 : i32
    %add3A_84 = arith.addi %mul3A_82, %add3A_83 : i32
    %dma_start3A_85 = arith.constant 0 : i32
    %dma_start3A_86 = arith.constant 0 : i32
    %dma_start3A_87 = tpu.memref_slice %arg11[%dma_start3A_85, %dma_start3A_86] : memref<864x32xbf16, #tpu.memory_space<vmem>> -> memref<864x32xbf16, #tpu.memory_space<vmem>>
    %dma_start3A_88 = arith.constant 0 : i32
    %dma_start3A_89 = tpu.memref_slice %arg17[%add3A_84, %dma_start3A_88] : memref<96768x32xbf16, #tpu.memory_space<vmem_shared>> -> memref<864x32xbf16, #tpu.memory_space<vmem_shared>>
    %dma_start3A_90 = arith.constant 0 : i32
    %dma_start3A_91 = tpu.memref_slice %arg17[%add3A_84, %dma_start3A_90] : memref<96768x32xbf16, #tpu.memory_space<vmem_shared>> -> memref<864x32xbf16, #tpu.memory_space<vmem_shared>>
    %dma_start3A_92 = arith.constant 0 : i32
    %dma_start3A_93 = arith.constant 0 : i32
    %dma_start3A_94 = tpu.memref_slice %arg11[%dma_start3A_92, %dma_start3A_93] : memref<864x32xbf16, #tpu.memory_space<vmem>> -> memref<864x32xbf16, #tpu.memory_space<vmem>>
    tpu.enqueue_dma source(%dma_start3A_94 : memref<864x32xbf16, #tpu.memory_space<vmem>>) target(%dma_start3A_91 : memref<864x32xbf16, #tpu.memory_space<vmem_shared>>) target_semaphore(%arg15 : memref<!tpu.dma_semaphore, #tpu.memory_space<semaphore_mem>>)
    %mul3A_95 = arith.constant 6048 : i32
    %mul3A_96 = arith.muli %arg1, %mul3A_95 : i32
    %add3A_97 = arith.constant 0 : i32
    %add3A_98 = arith.addi %mul3A_96, %add3A_97 : i32
    %dma_wait3A = arith.constant 0 : i32
    %dma_wait3A_99 = arith.constant 0 : i32
    %dma_wait3A_100 = tpu.memref_slice %arg11[%dma_wait3A, %dma_wait3A_99] : memref<864x32xbf16, #tpu.memory_space<vmem>> -> memref<864x32xbf16, #tpu.memory_space<vmem>>
    %dma_wait3A_101 = arith.constant 0 : i32
    %dma_wait3A_102 = tpu.memref_slice %arg17[%add3A_98, %dma_wait3A_101] : memref<96768x32xbf16, #tpu.memory_space<vmem_shared>> -> memref<864x32xbf16, #tpu.memory_space<vmem_shared>>
    %dma_wait3A_103 = arith.constant 0 : i32
    %dma_wait3A_104 = tpu.memref_slice %arg17[%add3A_98, %dma_wait3A_103] : memref<96768x32xbf16, #tpu.memory_space<vmem_shared>> -> memref<864x32xbf16, #tpu.memory_space<vmem_shared>>
    %dma_wait3A_105 = arith.constant 0 : i32
    %dma_wait3A_106 = arith.constant 0 : i32
    %dma_wait3A_107 = tpu.memref_slice %arg11[%dma_wait3A_105, %dma_wait3A_106] : memref<864x32xbf16, #tpu.memory_space<vmem>> -> memref<864x32xbf16, #tpu.memory_space<vmem>>
    tpu.wait_dma2 semaphore(%arg15 : memref<!tpu.dma_semaphore, #tpu.memory_space<semaphore_mem>>) src(%dma_wait3A_107 : memref<864x32xbf16, #tpu.memory_space<vmem>>) dst(%dma_wait3A_104 : memref<864x32xbf16, #tpu.memory_space<vmem_shared>>)
    %mul3A_108 = arith.constant 6048 : i32
    %mul3A_109 = arith.muli %arg1, %mul3A_108 : i32
    %add3A_110 = arith.constant 864 : i32
    %add3A_111 = arith.addi %mul3A_109, %add3A_110 : i32
    %dma_wait3A_112 = arith.constant 0 : i32
    %dma_wait3A_113 = arith.constant 0 : i32
    %dma_wait3A_114 = tpu.memref_slice %arg11[%dma_wait3A_112, %dma_wait3A_113] : memref<864x32xbf16, #tpu.memory_space<vmem>> -> memref<864x32xbf16, #tpu.memory_space<vmem>>
    %dma_wait3A_115 = arith.constant 0 : i32
    %dma_wait3A_116 = tpu.memref_slice %arg17[%add3A_111, %dma_wait3A_115] : memref<96768x32xbf16, #tpu.memory_space<vmem_shared>> -> memref<864x32xbf16, #tpu.memory_space<vmem_shared>>
    %dma_wait3A_117 = arith.constant 0 : i32
    %dma_wait3A_118 = tpu.memref_slice %arg17[%add3A_111, %dma_wait3A_117] : memref<96768x32xbf16, #tpu.memory_space<vmem_shared>> -> memref<864x32xbf16, #tpu.memory_space<vmem_shared>>
    %dma_wait3A_119 = arith.constant 0 : i32
    %dma_wait3A_120 = arith.constant 0 : i32
    %dma_wait3A_121 = tpu.memref_slice %arg11[%dma_wait3A_119, %dma_wait3A_120] : memref<864x32xbf16, #tpu.memory_space<vmem>> -> memref<864x32xbf16, #tpu.memory_space<vmem>>
    tpu.wait_dma2 semaphore(%arg15 : memref<!tpu.dma_semaphore, #tpu.memory_space<semaphore_mem>>) src(%dma_wait3A_121 : memref<864x32xbf16, #tpu.memory_space<vmem>>) dst(%dma_wait3A_118 : memref<864x32xbf16, #tpu.memory_space<vmem_shared>>)
    %mul3A_122 = arith.constant 6048 : i32
    %mul3A_123 = arith.muli %arg1, %mul3A_122 : i32
    %add3A_124 = arith.constant 1728 : i32
    %add3A_125 = arith.addi %mul3A_123, %add3A_124 : i32
    %dma_wait3A_126 = arith.constant 0 : i32
    %dma_wait3A_127 = arith.constant 0 : i32
    %dma_wait3A_128 = tpu.memref_slice %arg11[%dma_wait3A_126, %dma_wait3A_127] : memref<864x32xbf16, #tpu.memory_space<vmem>> -> memref<864x32xbf16, #tpu.memory_space<vmem>>
    %dma_wait3A_129 = arith.constant 0 : i32
    %dma_wait3A_130 = tpu.memref_slice %arg17[%add3A_125, %dma_wait3A_129] : memref<96768x32xbf16, #tpu.memory_space<vmem_shared>> -> memref<864x32xbf16, #tpu.memory_space<vmem_shared>>
    %dma_wait3A_131 = arith.constant 0 : i32
    %dma_wait3A_132 = tpu.memref_slice %arg17[%add3A_125, %dma_wait3A_131] : memref<96768x32xbf16, #tpu.memory_space<vmem_shared>> -> memref<864x32xbf16, #tpu.memory_space<vmem_shared>>
    %dma_wait3A_133 = arith.constant 0 : i32
    %dma_wait3A_134 = arith.constant 0 : i32
    %dma_wait3A_135 = tpu.memref_slice %arg11[%dma_wait3A_133, %dma_wait3A_134] : memref<864x32xbf16, #tpu.memory_space<vmem>> -> memref<864x32xbf16, #tpu.memory_space<vmem>>
    tpu.wait_dma2 semaphore(%arg15 : memref<!tpu.dma_semaphore, #tpu.memory_space<semaphore_mem>>) src(%dma_wait3A_135 : memref<864x32xbf16, #tpu.memory_space<vmem>>) dst(%dma_wait3A_132 : memref<864x32xbf16, #tpu.memory_space<vmem_shared>>)
    %mul3A_136 = arith.constant 6048 : i32
    %mul3A_137 = arith.muli %arg1, %mul3A_136 : i32
    %add3A_138 = arith.constant 2592 : i32
    %add3A_139 = arith.addi %mul3A_137, %add3A_138 : i32
    %dma_wait3A_140 = arith.constant 0 : i32
    %dma_wait3A_141 = arith.constant 0 : i32
    %dma_wait3A_142 = tpu.memref_slice %arg11[%dma_wait3A_140, %dma_wait3A_141] : memref<864x32xbf16, #tpu.memory_space<vmem>> -> memref<864x32xbf16, #tpu.memory_space<vmem>>
    %dma_wait3A_143 = arith.constant 0 : i32
    %dma_wait3A_144 = tpu.memref_slice %arg17[%add3A_139, %dma_wait3A_143] : memref<96768x32xbf16, #tpu.memory_space<vmem_shared>> -> memref<864x32xbf16, #tpu.memory_space<vmem_shared>>
    %dma_wait3A_145 = arith.constant 0 : i32
    %dma_wait3A_146 = tpu.memref_slice %arg17[%add3A_139, %dma_wait3A_145] : memref<96768x32xbf16, #tpu.memory_space<vmem_shared>> -> memref<864x32xbf16, #tpu.memory_space<vmem_shared>>
    %dma_wait3A_147 = arith.constant 0 : i32
    %dma_wait3A_148 = arith.constant 0 : i32
    %dma_wait3A_149 = tpu.memref_slice %arg11[%dma_wait3A_147, %dma_wait3A_148] : memref<864x32xbf16, #tpu.memory_space<vmem>> -> memref<864x32xbf16, #tpu.memory_space<vmem>>
    tpu.wait_dma2 semaphore(%arg15 : memref<!tpu.dma_semaphore, #tpu.memory_space<semaphore_mem>>) src(%dma_wait3A_149 : memref<864x32xbf16, #tpu.memory_space<vmem>>) dst(%dma_wait3A_146 : memref<864x32xbf16, #tpu.memory_space<vmem_shared>>)
    %mul3A_150 = arith.constant 6048 : i32
    %mul3A_151 = arith.muli %arg1, %mul3A_150 : i32
    %add3A_152 = arith.constant 3456 : i32
    %add3A_153 = arith.addi %mul3A_151, %add3A_152 : i32
    %dma_wait3A_154 = arith.constant 0 : i32
    %dma_wait3A_155 = arith.constant 0 : i32
    %dma_wait3A_156 = tpu.memref_slice %arg11[%dma_wait3A_154, %dma_wait3A_155] : memref<864x32xbf16, #tpu.memory_space<vmem>> -> memref<864x32xbf16, #tpu.memory_space<vmem>>
    %dma_wait3A_157 = arith.constant 0 : i32
    %dma_wait3A_158 = tpu.memref_slice %arg17[%add3A_153, %dma_wait3A_157] : memref<96768x32xbf16, #tpu.memory_space<vmem_shared>> -> memref<864x32xbf16, #tpu.memory_space<vmem_shared>>
    %dma_wait3A_159 = arith.constant 0 : i32
    %dma_wait3A_160 = tpu.memref_slice %arg17[%add3A_153, %dma_wait3A_159] : memref<96768x32xbf16, #tpu.memory_space<vmem_shared>> -> memref<864x32xbf16, #tpu.memory_space<vmem_shared>>
    %dma_wait3A_161 = arith.constant 0 : i32
    %dma_wait3A_162 = arith.constant 0 : i32
    %dma_wait3A_163 = tpu.memref_slice %arg11[%dma_wait3A_161, %dma_wait3A_162] : memref<864x32xbf16, #tpu.memory_space<vmem>> -> memref<864x32xbf16, #tpu.memory_space<vmem>>
    tpu.wait_dma2 semaphore(%arg15 : memref<!tpu.dma_semaphore, #tpu.memory_space<semaphore_mem>>) src(%dma_wait3A_163 : memref<864x32xbf16, #tpu.memory_space<vmem>>) dst(%dma_wait3A_160 : memref<864x32xbf16, #tpu.memory_space<vmem_shared>>)
    %mul3A_164 = arith.constant 6048 : i32
    %mul3A_165 = arith.muli %arg1, %mul3A_164 : i32
    %add3A_166 = arith.constant 4320 : i32
    %add3A_167 = arith.addi %mul3A_165, %add3A_166 : i32
    %dma_wait3A_168 = arith.constant 0 : i32
    %dma_wait3A_169 = arith.constant 0 : i32
    %dma_wait3A_170 = tpu.memref_slice %arg11[%dma_wait3A_168, %dma_wait3A_169] : memref<864x32xbf16, #tpu.memory_space<vmem>> -> memref<864x32xbf16, #tpu.memory_space<vmem>>
    %dma_wait3A_171 = arith.constant 0 : i32
    %dma_wait3A_172 = tpu.memref_slice %arg17[%add3A_167, %dma_wait3A_171] : memref<96768x32xbf16, #tpu.memory_space<vmem_shared>> -> memref<864x32xbf16, #tpu.memory_space<vmem_shared>>
    %dma_wait3A_173 = arith.constant 0 : i32
    %dma_wait3A_174 = tpu.memref_slice %arg17[%add3A_167, %dma_wait3A_173] : memref<96768x32xbf16, #tpu.memory_space<vmem_shared>> -> memref<864x32xbf16, #tpu.memory_space<vmem_shared>>
    %dma_wait3A_175 = arith.constant 0 : i32
    %dma_wait3A_176 = arith.constant 0 : i32
    %dma_wait3A_177 = tpu.memref_slice %arg11[%dma_wait3A_175, %dma_wait3A_176] : memref<864x32xbf16, #tpu.memory_space<vmem>> -> memref<864x32xbf16, #tpu.memory_space<vmem>>
    tpu.wait_dma2 semaphore(%arg15 : memref<!tpu.dma_semaphore, #tpu.memory_space<semaphore_mem>>) src(%dma_wait3A_177 : memref<864x32xbf16, #tpu.memory_space<vmem>>) dst(%dma_wait3A_174 : memref<864x32xbf16, #tpu.memory_space<vmem_shared>>)
    %mul3A_178 = arith.constant 6048 : i32
    %mul3A_179 = arith.muli %arg1, %mul3A_178 : i32
    %add3A_180 = arith.constant 5184 : i32
    %add3A_181 = arith.addi %mul3A_179, %add3A_180 : i32
    %dma_wait3A_182 = arith.constant 0 : i32
    %dma_wait3A_183 = arith.constant 0 : i32
    %dma_wait3A_184 = tpu.memref_slice %arg11[%dma_wait3A_182, %dma_wait3A_183] : memref<864x32xbf16, #tpu.memory_space<vmem>> -> memref<864x32xbf16, #tpu.memory_space<vmem>>
    %dma_wait3A_185 = arith.constant 0 : i32
    %dma_wait3A_186 = tpu.memref_slice %arg17[%add3A_181, %dma_wait3A_185] : memref<96768x32xbf16, #tpu.memory_space<vmem_shared>> -> memref<864x32xbf16, #tpu.memory_space<vmem_shared>>
    %dma_wait3A_187 = arith.constant 0 : i32
    %dma_wait3A_188 = tpu.memref_slice %arg17[%add3A_181, %dma_wait3A_187] : memref<96768x32xbf16, #tpu.memory_space<vmem_shared>> -> memref<864x32xbf16, #tpu.memory_space<vmem_shared>>
    %dma_wait3A_189 = arith.constant 0 : i32
    %dma_wait3A_190 = arith.constant 0 : i32
    %dma_wait3A_191 = tpu.memref_slice %arg11[%dma_wait3A_189, %dma_wait3A_190] : memref<864x32xbf16, #tpu.memory_space<vmem>> -> memref<864x32xbf16, #tpu.memory_space<vmem>>
    tpu.wait_dma2 semaphore(%arg15 : memref<!tpu.dma_semaphore, #tpu.memory_space<semaphore_mem>>) src(%dma_wait3A_191 : memref<864x32xbf16, #tpu.memory_space<vmem>>) dst(%dma_wait3A_188 : memref<864x32xbf16, #tpu.memory_space<vmem_shared>>)
    %barrier3A = arith.constant 0 : index
    tpu.barrier barrier_id(%barrier3A)
    %mul3A_192 = arith.constant 96768 : i32
    %mul3A_193 = arith.muli %arg1, %mul3A_192 : i32
    %add3A_194 = arith.constant 0 : i32
    %add3A_195 = arith.addi %mul3A_193, %add3A_194 : i32
    %dma_start3A_196 = tpu.memref_slice %arg2[%add3A_195] : memref<1548288xi32, #tpu.memory_space<hbm>> -> memref<864xi32, #tpu.memory_space<hbm>>
    %dma_start3A_197 = tpu.memref_slice %arg2[%add3A_195] : memref<1548288xi32, #tpu.memory_space<hbm>> -> memref<864xi32, #tpu.memory_space<hbm>>
    tpu.enqueue_dma source(%dma_start3A_197 : memref<864xi32, #tpu.memory_space<hbm>>) target(%arg7 : memref<864xi32, #tpu.memory_space<vmem>>) target_semaphore(%arg13 : memref<!tpu.dma_semaphore, #tpu.memory_space<semaphore_mem>>)
    %dma_start3A_198 = tpu.memref_slice %arg3[%add3A_195] : memref<1548288xi32, #tpu.memory_space<hbm>> -> memref<864xi32, #tpu.memory_space<hbm>>
    %dma_start3A_199 = tpu.memref_slice %arg3[%add3A_195] : memref<1548288xi32, #tpu.memory_space<hbm>> -> memref<864xi32, #tpu.memory_space<hbm>>
    tpu.enqueue_dma source(%dma_start3A_199 : memref<864xi32, #tpu.memory_space<hbm>>) target(%arg9 : memref<864xi32, #tpu.memory_space<vmem>>) target_semaphore(%arg13 : memref<!tpu.dma_semaphore, #tpu.memory_space<semaphore_mem>>)
    %add3A_200 = arith.constant 864 : i32
    %add3A_201 = arith.addi %mul3A_193, %add3A_200 : i32
    %dma_start3A_202 = tpu.memref_slice %arg2[%add3A_201] : memref<1548288xi32, #tpu.memory_space<hbm>> -> memref<864xi32, #tpu.memory_space<hbm>>
    %dma_start3A_203 = tpu.memref_slice %arg2[%add3A_201] : memref<1548288xi32, #tpu.memory_space<hbm>> -> memref<864xi32, #tpu.memory_space<hbm>>
    tpu.enqueue_dma source(%dma_start3A_203 : memref<864xi32, #tpu.memory_space<hbm>>) target(%arg8 : memref<864xi32, #tpu.memory_space<vmem>>) target_semaphore(%arg14 : memref<!tpu.dma_semaphore, #tpu.memory_space<semaphore_mem>>)
    %dma_start3A_204 = tpu.memref_slice %arg3[%add3A_201] : memref<1548288xi32, #tpu.memory_space<hbm>> -> memref<864xi32, #tpu.memory_space<hbm>>
    %dma_start3A_205 = tpu.memref_slice %arg3[%add3A_201] : memref<1548288xi32, #tpu.memory_space<hbm>> -> memref<864xi32, #tpu.memory_space<hbm>>
    tpu.enqueue_dma source(%dma_start3A_205 : memref<864xi32, #tpu.memory_space<hbm>>) target(%arg10 : memref<864xi32, #tpu.memory_space<vmem>>) target_semaphore(%arg14 : memref<!tpu.dma_semaphore, #tpu.memory_space<semaphore_mem>>)
    %add3A_206 = arith.constant 0 : i32
    %add3A_207 = arith.addi %mul3A_193, %add3A_206 : i32
    %dma_wait3A_208 = tpu.memref_slice %arg2[%add3A_207] : memref<1548288xi32, #tpu.memory_space<hbm>> -> memref<864xi32, #tpu.memory_space<hbm>>
    %dma_wait3A_209 = tpu.memref_slice %arg2[%add3A_207] : memref<1548288xi32, #tpu.memory_space<hbm>> -> memref<864xi32, #tpu.memory_space<hbm>>
    tpu.wait_dma2 semaphore(%arg13 : memref<!tpu.dma_semaphore, #tpu.memory_space<semaphore_mem>>) src(%dma_wait3A_209 : memref<864xi32, #tpu.memory_space<hbm>>) dst(%arg7 : memref<864xi32, #tpu.memory_space<vmem>>)
    %dma_wait3A_210 = tpu.memref_slice %arg3[%add3A_207] : memref<1548288xi32, #tpu.memory_space<hbm>> -> memref<864xi32, #tpu.memory_space<hbm>>
    %dma_wait3A_211 = tpu.memref_slice %arg3[%add3A_207] : memref<1548288xi32, #tpu.memory_space<hbm>> -> memref<864xi32, #tpu.memory_space<hbm>>
    tpu.wait_dma2 semaphore(%arg13 : memref<!tpu.dma_semaphore, #tpu.memory_space<semaphore_mem>>) src(%dma_wait3A_211 : memref<864xi32, #tpu.memory_space<hbm>>) dst(%arg9 : memref<864xi32, #tpu.memory_space<vmem>>)
    %dma_start3A_212 = arith.constant 0 : i32
    %dma_start3A_213 = arith.constant 0 : i32
    %dma_start3A_214 = tpu.memref_slice %arg4[%dma_start3A_212, %dma_start3A_213] : memref<96768x32xbf16, #tpu.memory_space<hbm>> -> memref<96768x32xbf16, #tpu.memory_space<hbm>>
    tpu.enqueue_indirect_dma source(%dma_start3A_214 : memref<96768x32xbf16, #tpu.memory_space<hbm>>) target(%arg11 : memref<864x32xbf16, #tpu.memory_space<vmem>>) offsets(%arg7 : memref<864xi32, #tpu.memory_space<vmem>>) semaphore(%arg15 : memref<!tpu.dma_semaphore, #tpu.memory_space<semaphore_mem>>)
    %scan3A = arith.constant 0 : i32
    %scan3A_215 = arith.constant 0 : i32
    %scan3A_216 = arith.constant 56 : i32
    %scan3A_217 = arith.addi %scan3A_215, %scan3A_216 : i32
    %scan3A_218 = arith.constant 1 : i32
    scf.for %scan3A_445 = %scan3A_215 to %scan3A_217 step %scan3A_218  : i32 {
      %mul3A_446 = arith.constant 2 : i32
      %mul3A_447 = arith.muli %scan3A_445, %mul3A_446 : i32
      %add3A_448 = arith.constant 0 : i32
      %add3A_449 = arith.addi %mul3A_447, %add3A_448 : i32
      %add3A_450 = arith.constant 1 : i32
      %add3A_451 = arith.addi %add3A_449, %add3A_450 : i32
      %mul3A_452 = arith.constant 864 : i32
      %mul3A_453 = arith.muli %add3A_451, %mul3A_452 : i32
      %add3A_454 = arith.addi %mul3A_193, %mul3A_453 : i32
      %dma_wait3A_455 = tpu.memref_slice %arg2[%add3A_454] : memref<1548288xi32, #tpu.memory_space<hbm>> -> memref<864xi32, #tpu.memory_space<hbm>>
      %dma_wait3A_456 = tpu.memref_slice %arg2[%add3A_454] : memref<1548288xi32, #tpu.memory_space<hbm>> -> memref<864xi32, #tpu.memory_space<hbm>>
      tpu.wait_dma2 semaphore(%arg14 : memref<!tpu.dma_semaphore, #tpu.memory_space<semaphore_mem>>) src(%dma_wait3A_456 : memref<864xi32, #tpu.memory_space<hbm>>) dst(%arg8 : memref<864xi32, #tpu.memory_space<vmem>>)
      %dma_wait3A_457 = tpu.memref_slice %arg3[%add3A_454] : memref<1548288xi32, #tpu.memory_space<hbm>> -> memref<864xi32, #tpu.memory_space<hbm>>
      %dma_wait3A_458 = tpu.memref_slice %arg3[%add3A_454] : memref<1548288xi32, #tpu.memory_space<hbm>> -> memref<864xi32, #tpu.memory_space<hbm>>
      tpu.wait_dma2 semaphore(%arg14 : memref<!tpu.dma_semaphore, #tpu.memory_space<semaphore_mem>>) src(%dma_wait3A_458 : memref<864xi32, #tpu.memory_space<hbm>>) dst(%arg10 : memref<864xi32, #tpu.memory_space<vmem>>)
      %dma_start3A_459 = arith.constant 0 : i32
      %dma_start3A_460 = arith.constant 0 : i32
      %dma_start3A_461 = tpu.memref_slice %arg4[%dma_start3A_459, %dma_start3A_460] : memref<96768x32xbf16, #tpu.memory_space<hbm>> -> memref<96768x32xbf16, #tpu.memory_space<hbm>>
      tpu.enqueue_indirect_dma source(%dma_start3A_461 : memref<96768x32xbf16, #tpu.memory_space<hbm>>) target(%arg12 : memref<864x32xbf16, #tpu.memory_space<vmem>>) offsets(%arg8 : memref<864xi32, #tpu.memory_space<vmem>>) semaphore(%arg16 : memref<!tpu.dma_semaphore, #tpu.memory_space<semaphore_mem>>)
      %dma_wait3A_462 = arith.constant 0 : i32
      %dma_wait3A_463 = arith.constant 0 : i32
      %dma_wait3A_464 = tpu.memref_slice %arg4[%dma_wait3A_462, %dma_wait3A_463] : memref<96768x32xbf16, #tpu.memory_space<hbm>> -> memref<96768x32xbf16, #tpu.memory_space<hbm>>
      tpu.wait_indirect_dma semaphore(%arg15 : memref<!tpu.dma_semaphore, #tpu.memory_space<semaphore_mem>>) src(%dma_wait3A_464 : memref<96768x32xbf16, #tpu.memory_space<hbm>>) dst(%arg11 : memref<864x32xbf16, #tpu.memory_space<vmem>>)
      "tpu.region"() ({
        %run_scoped3A = tpu.sem_alloc : memref<!tpu.dma_semaphore, #tpu.memory_space<semaphore_mem>>
        %dma_start3A_480 = arith.constant 0 : i32
        %dma_start3A_481 = arith.constant 0 : i32
        %dma_start3A_482 = tpu.memref_slice %arg17[%dma_start3A_480, %dma_start3A_481] : memref<96768x32xbf16, #tpu.memory_space<vmem_shared>> -> memref<96768x32xbf16, #tpu.memory_space<vmem_shared>>
        tpu.enqueue_indirect_dma source(%arg11 : memref<864x32xbf16, #tpu.memory_space<vmem>>) target(%dma_start3A_482 : memref<96768x32xbf16, #tpu.memory_space<vmem_shared>>) offsets(%arg9 : memref<864xi32, #tpu.memory_space<vmem>>) semaphore(%run_scoped3A : memref<!tpu.dma_semaphore, #tpu.memory_space<semaphore_mem>>) {add = true}
        %dma_wait3A_483 = arith.constant 0 : i32
        %dma_wait3A_484 = arith.constant 0 : i32
        %dma_wait3A_485 = tpu.memref_slice %arg17[%dma_wait3A_483, %dma_wait3A_484] : memref<96768x32xbf16, #tpu.memory_space<vmem_shared>> -> memref<96768x32xbf16, #tpu.memory_space<vmem_shared>>
        tpu.wait_indirect_dma semaphore(%run_scoped3A : memref<!tpu.dma_semaphore, #tpu.memory_space<semaphore_mem>>) src(%arg11 : memref<864x32xbf16, #tpu.memory_space<vmem>>) dst(%dma_wait3A_485 : memref<96768x32xbf16, #tpu.memory_space<vmem_shared>>)
        tpu.yield
      }) : () -> ()
      %lt3A = arith.constant 55 : i32
      %lt3A_465 = arith.cmpi slt, %scan3A_445, %lt3A : i32
      %convert_element_type3A = arith.extui %lt3A_465 : i1 to i32
      %cond3A = arith.constant 0 : i32
      %cond3A_466 = arith.cmpi ne, %convert_element_type3A, %cond3A : i32
      scf.if %cond3A_466 {
        %add3A_480 = arith.constant 1 : i32
        %add3A_481 = arith.addi %scan3A_445, %add3A_480 : i32
        %mul3A_482 = arith.constant 2 : i32
        %mul3A_483 = arith.muli %add3A_481, %mul3A_482 : i32
        %add3A_484 = arith.constant 0 : i32
        %add3A_485 = arith.addi %mul3A_483, %add3A_484 : i32
        %mul3A_486 = arith.constant 864 : i32
        %mul3A_487 = arith.muli %add3A_485, %mul3A_486 : i32
        %add3A_488 = arith.addi %mul3A_193, %mul3A_487 : i32
        %dma_start3A_489 = tpu.memref_slice %arg2[%add3A_488] : memref<1548288xi32, #tpu.memory_space<hbm>> -> memref<864xi32, #tpu.memory_space<hbm>>
        %dma_start3A_490 = tpu.memref_slice %arg2[%add3A_488] : memref<1548288xi32, #tpu.memory_space<hbm>> -> memref<864xi32, #tpu.memory_space<hbm>>
        tpu.enqueue_dma source(%dma_start3A_490 : memref<864xi32, #tpu.memory_space<hbm>>) target(%arg7 : memref<864xi32, #tpu.memory_space<vmem>>) target_semaphore(%arg13 : memref<!tpu.dma_semaphore, #tpu.memory_space<semaphore_mem>>)
        %dma_start3A_491 = tpu.memref_slice %arg3[%add3A_488] : memref<1548288xi32, #tpu.memory_space<hbm>> -> memref<864xi32, #tpu.memory_space<hbm>>
        %dma_start3A_492 = tpu.memref_slice %arg3[%add3A_488] : memref<1548288xi32, #tpu.memory_space<hbm>> -> memref<864xi32, #tpu.memory_space<hbm>>
        tpu.enqueue_dma source(%dma_start3A_492 : memref<864xi32, #tpu.memory_space<hbm>>) target(%arg9 : memref<864xi32, #tpu.memory_space<vmem>>) target_semaphore(%arg13 : memref<!tpu.dma_semaphore, #tpu.memory_space<semaphore_mem>>)
      } else {
      }
      %lt3A_467 = arith.constant 55 : i32
      %lt3A_468 = arith.cmpi slt, %scan3A_445, %lt3A_467 : i32
      %convert_element_type3A_469 = arith.extui %lt3A_468 : i1 to i32
      %cond3A_470 = arith.constant 0 : i32
      %cond3A_471 = arith.cmpi ne, %convert_element_type3A_469, %cond3A_470 : i32
      scf.if %cond3A_471 {
        %mul3A_480 = arith.constant 2 : i32
        %mul3A_481 = arith.muli %scan3A_445, %mul3A_480 : i32
        %add3A_482 = arith.constant 1 : i32
        %add3A_483 = arith.addi %mul3A_481, %add3A_482 : i32
        %add3A_484 = arith.constant 1 : i32
        %add3A_485 = arith.addi %add3A_483, %add3A_484 : i32
        %mul3A_486 = arith.constant 864 : i32
        %mul3A_487 = arith.muli %add3A_485, %mul3A_486 : i32
        %add3A_488 = arith.addi %mul3A_193, %mul3A_487 : i32
        %dma_wait3A_489 = tpu.memref_slice %arg2[%add3A_488] : memref<1548288xi32, #tpu.memory_space<hbm>> -> memref<864xi32, #tpu.memory_space<hbm>>
        %dma_wait3A_490 = tpu.memref_slice %arg2[%add3A_488] : memref<1548288xi32, #tpu.memory_space<hbm>> -> memref<864xi32, #tpu.memory_space<hbm>>
        tpu.wait_dma2 semaphore(%arg13 : memref<!tpu.dma_semaphore, #tpu.memory_space<semaphore_mem>>) src(%dma_wait3A_490 : memref<864xi32, #tpu.memory_space<hbm>>) dst(%arg7 : memref<864xi32, #tpu.memory_space<vmem>>)
        %dma_wait3A_491 = tpu.memref_slice %arg3[%add3A_488] : memref<1548288xi32, #tpu.memory_space<hbm>> -> memref<864xi32, #tpu.memory_space<hbm>>
        %dma_wait3A_492 = tpu.memref_slice %arg3[%add3A_488] : memref<1548288xi32, #tpu.memory_space<hbm>> -> memref<864xi32, #tpu.memory_space<hbm>>
        tpu.wait_dma2 semaphore(%arg13 : memref<!tpu.dma_semaphore, #tpu.memory_space<semaphore_mem>>) src(%dma_wait3A_492 : memref<864xi32, #tpu.memory_space<hbm>>) dst(%arg9 : memref<864xi32, #tpu.memory_space<vmem>>)
        %dma_start3A_493 = arith.constant 0 : i32
        %dma_start3A_494 = arith.constant 0 : i32
        %dma_start3A_495 = tpu.memref_slice %arg4[%dma_start3A_493, %dma_start3A_494] : memref<96768x32xbf16, #tpu.memory_space<hbm>> -> memref<96768x32xbf16, #tpu.memory_space<hbm>>
        tpu.enqueue_indirect_dma source(%dma_start3A_495 : memref<96768x32xbf16, #tpu.memory_space<hbm>>) target(%arg11 : memref<864x32xbf16, #tpu.memory_space<vmem>>) offsets(%arg7 : memref<864xi32, #tpu.memory_space<vmem>>) semaphore(%arg15 : memref<!tpu.dma_semaphore, #tpu.memory_space<semaphore_mem>>)
      } else {
      }
      %dma_wait3A_472 = arith.constant 0 : i32
      %dma_wait3A_473 = arith.constant 0 : i32
      %dma_wait3A_474 = tpu.memref_slice %arg4[%dma_wait3A_472, %dma_wait3A_473] : memref<96768x32xbf16, #tpu.memory_space<hbm>> -> memref<96768x32xbf16, #tpu.memory_space<hbm>>
      tpu.wait_indirect_dma semaphore(%arg16 : memref<!tpu.dma_semaphore, #tpu.memory_space<semaphore_mem>>) src(%dma_wait3A_474 : memref<96768x32xbf16, #tpu.memory_space<hbm>>) dst(%arg12 : memref<864x32xbf16, #tpu.memory_space<vmem>>)
      "tpu.region"() ({
        %run_scoped3A = tpu.sem_alloc : memref<!tpu.dma_semaphore, #tpu.memory_space<semaphore_mem>>
        %dma_start3A_480 = arith.constant 0 : i32
        %dma_start3A_481 = arith.constant 0 : i32
        %dma_start3A_482 = tpu.memref_slice %arg17[%dma_start3A_480, %dma_start3A_481] : memref<96768x32xbf16, #tpu.memory_space<vmem_shared>> -> memref<96768x32xbf16, #tpu.memory_space<vmem_shared>>
        tpu.enqueue_indirect_dma source(%arg12 : memref<864x32xbf16, #tpu.memory_space<vmem>>) target(%dma_start3A_482 : memref<96768x32xbf16, #tpu.memory_space<vmem_shared>>) offsets(%arg10 : memref<864xi32, #tpu.memory_space<vmem>>) semaphore(%run_scoped3A : memref<!tpu.dma_semaphore, #tpu.memory_space<semaphore_mem>>) {add = true}
        %dma_wait3A_483 = arith.constant 0 : i32
        %dma_wait3A_484 = arith.constant 0 : i32
        %dma_wait3A_485 = tpu.memref_slice %arg17[%dma_wait3A_483, %dma_wait3A_484] : memref<96768x32xbf16, #tpu.memory_space<vmem_shared>> -> memref<96768x32xbf16, #tpu.memory_space<vmem_shared>>
        tpu.wait_indirect_dma semaphore(%run_scoped3A : memref<!tpu.dma_semaphore, #tpu.memory_space<semaphore_mem>>) src(%arg12 : memref<864x32xbf16, #tpu.memory_space<vmem>>) dst(%dma_wait3A_485 : memref<96768x32xbf16, #tpu.memory_space<vmem_shared>>)
        tpu.yield
      }) : () -> ()
      %lt3A_475 = arith.constant 55 : i32
      %lt3A_476 = arith.cmpi slt, %scan3A_445, %lt3A_475 : i32
      %convert_element_type3A_477 = arith.extui %lt3A_476 : i1 to i32
      %cond3A_478 = arith.constant 0 : i32
      %cond3A_479 = arith.cmpi ne, %convert_element_type3A_477, %cond3A_478 : i32
      scf.if %cond3A_479 {
        %add3A_480 = arith.constant 1 : i32
        %add3A_481 = arith.addi %scan3A_445, %add3A_480 : i32
        %mul3A_482 = arith.constant 2 : i32
        %mul3A_483 = arith.muli %add3A_481, %mul3A_482 : i32
        %add3A_484 = arith.constant 1 : i32
        %add3A_485 = arith.addi %mul3A_483, %add3A_484 : i32
        %mul3A_486 = arith.constant 864 : i32
        %mul3A_487 = arith.muli %add3A_485, %mul3A_486 : i32
        %add3A_488 = arith.addi %mul3A_193, %mul3A_487 : i32
        %dma_start3A_489 = tpu.memref_slice %arg2[%add3A_488] : memref<1548288xi32, #tpu.memory_space<hbm>> -> memref<864xi32, #tpu.memory_space<hbm>>
        %dma_start3A_490 = tpu.memref_slice %arg2[%add3A_488] : memref<1548288xi32, #tpu.memory_space<hbm>> -> memref<864xi32, #tpu.memory_space<hbm>>
        tpu.enqueue_dma source(%dma_start3A_490 : memref<864xi32, #tpu.memory_space<hbm>>) target(%arg8 : memref<864xi32, #tpu.memory_space<vmem>>) target_semaphore(%arg14 : memref<!tpu.dma_semaphore, #tpu.memory_space<semaphore_mem>>)
        %dma_start3A_491 = tpu.memref_slice %arg3[%add3A_488] : memref<1548288xi32, #tpu.memory_space<hbm>> -> memref<864xi32, #tpu.memory_space<hbm>>
        %dma_start3A_492 = tpu.memref_slice %arg3[%add3A_488] : memref<1548288xi32, #tpu.memory_space<hbm>> -> memref<864xi32, #tpu.memory_space<hbm>>
        tpu.enqueue_dma source(%dma_start3A_492 : memref<864xi32, #tpu.memory_space<hbm>>) target(%arg10 : memref<864xi32, #tpu.memory_space<vmem>>) target_semaphore(%arg14 : memref<!tpu.dma_semaphore, #tpu.memory_space<semaphore_mem>>)
      } else {
      }
    }
    %scan3A_219 = arith.constant 56 : i32
    %barrier3A_220 = arith.constant 0 : index
    tpu.barrier barrier_id(%barrier3A_220)
    %mul3A_221 = arith.constant 6048 : i32
    %mul3A_222 = arith.muli %arg1, %mul3A_221 : i32
    %add3A_223 = arith.constant 0 : i32
    %add3A_224 = arith.addi %mul3A_222, %add3A_223 : i32
    %dma_start3A_225 = arith.constant 0 : i32
    %dma_start3A_226 = tpu.memref_slice %arg17[%add3A_224, %dma_start3A_225] : memref<96768x32xbf16, #tpu.memory_space<vmem_shared>> -> memref<864x32xbf16, #tpu.memory_space<vmem_shared>>
    %dma_start3A_227 = arith.constant 0 : i32
    %dma_start3A_228 = tpu.memref_slice %arg17[%add3A_224, %dma_start3A_227] : memref<96768x32xbf16, #tpu.memory_space<vmem_shared>> -> memref<864x32xbf16, #tpu.memory_space<vmem_shared>>
    tpu.enqueue_dma source(%dma_start3A_228 : memref<864x32xbf16, #tpu.memory_space<vmem_shared>>) target(%arg11 : memref<864x32xbf16, #tpu.memory_space<vmem>>) target_semaphore(%arg15 : memref<!tpu.dma_semaphore, #tpu.memory_space<semaphore_mem>>)
    %mul3A_229 = arith.constant 6048 : i32
    %mul3A_230 = arith.muli %arg1, %mul3A_229 : i32
    %add3A_231 = arith.constant 864 : i32
    %add3A_232 = arith.addi %mul3A_230, %add3A_231 : i32
    %dma_start3A_233 = arith.constant 0 : i32
    %dma_start3A_234 = tpu.memref_slice %arg17[%add3A_232, %dma_start3A_233] : memref<96768x32xbf16, #tpu.memory_space<vmem_shared>> -> memref<864x32xbf16, #tpu.memory_space<vmem_shared>>
    %dma_start3A_235 = arith.constant 0 : i32
    %dma_start3A_236 = tpu.memref_slice %arg17[%add3A_232, %dma_start3A_235] : memref<96768x32xbf16, #tpu.memory_space<vmem_shared>> -> memref<864x32xbf16, #tpu.memory_space<vmem_shared>>
    tpu.enqueue_dma source(%dma_start3A_236 : memref<864x32xbf16, #tpu.memory_space<vmem_shared>>) target(%arg12 : memref<864x32xbf16, #tpu.memory_space<vmem>>) target_semaphore(%arg16 : memref<!tpu.dma_semaphore, #tpu.memory_space<semaphore_mem>>)
    %mul3A_237 = arith.constant 6048 : i32
    %mul3A_238 = arith.muli %arg1, %mul3A_237 : i32
    %add3A_239 = arith.constant 0 : i32
    %add3A_240 = arith.addi %mul3A_238, %add3A_239 : i32
    %dma_wait3A_241 = arith.constant 0 : i32
    %dma_wait3A_242 = tpu.memref_slice %arg17[%add3A_240, %dma_wait3A_241] : memref<96768x32xbf16, #tpu.memory_space<vmem_shared>> -> memref<864x32xbf16, #tpu.memory_space<vmem_shared>>
    %dma_wait3A_243 = arith.constant 0 : i32
    %dma_wait3A_244 = tpu.memref_slice %arg17[%add3A_240, %dma_wait3A_243] : memref<96768x32xbf16, #tpu.memory_space<vmem_shared>> -> memref<864x32xbf16, #tpu.memory_space<vmem_shared>>
    tpu.wait_dma2 semaphore(%arg15 : memref<!tpu.dma_semaphore, #tpu.memory_space<semaphore_mem>>) src(%dma_wait3A_244 : memref<864x32xbf16, #tpu.memory_space<vmem_shared>>) dst(%arg11 : memref<864x32xbf16, #tpu.memory_space<vmem>>)
    %mul3A_245 = arith.constant 6048 : i32
    %mul3A_246 = arith.muli %arg1, %mul3A_245 : i32
    %add3A_247 = arith.constant 0 : i32
    %add3A_248 = arith.addi %mul3A_246, %add3A_247 : i32
    %dma_start3A_249 = arith.constant 0 : i32
    %dma_start3A_250 = tpu.memref_slice %arg6[%add3A_248, %dma_start3A_249] : memref<96768x32xbf16, #tpu.memory_space<hbm>> -> memref<864x32xbf16, #tpu.memory_space<hbm>>
    %dma_start3A_251 = arith.constant 0 : i32
    %dma_start3A_252 = tpu.memref_slice %arg6[%add3A_248, %dma_start3A_251] : memref<96768x32xbf16, #tpu.memory_space<hbm>> -> memref<864x32xbf16, #tpu.memory_space<hbm>>
    tpu.enqueue_dma source(%arg11 : memref<864x32xbf16, #tpu.memory_space<vmem>>) target(%dma_start3A_252 : memref<864x32xbf16, #tpu.memory_space<hbm>>) target_semaphore(%arg13 : memref<!tpu.dma_semaphore, #tpu.memory_space<semaphore_mem>>)
    %mul3A_253 = arith.constant 6048 : i32
    %mul3A_254 = arith.muli %arg1, %mul3A_253 : i32
    %add3A_255 = arith.constant 0 : i32
    %add3A_256 = arith.addi %mul3A_254, %add3A_255 : i32
    %dma_wait3A_257 = arith.constant 0 : i32
    %dma_wait3A_258 = tpu.memref_slice %arg6[%add3A_256, %dma_wait3A_257] : memref<96768x32xbf16, #tpu.memory_space<hbm>> -> memref<864x32xbf16, #tpu.memory_space<hbm>>
    %dma_wait3A_259 = arith.constant 0 : i32
    %dma_wait3A_260 = tpu.memref_slice %arg6[%add3A_256, %dma_wait3A_259] : memref<96768x32xbf16, #tpu.memory_space<hbm>> -> memref<864x32xbf16, #tpu.memory_space<hbm>>
    tpu.wait_dma2 semaphore(%arg13 : memref<!tpu.dma_semaphore, #tpu.memory_space<semaphore_mem>>) src(%arg11 : memref<864x32xbf16, #tpu.memory_space<vmem>>) dst(%dma_wait3A_260 : memref<864x32xbf16, #tpu.memory_space<hbm>>)
    %mul3A_261 = arith.constant 6048 : i32
    %mul3A_262 = arith.muli %arg1, %mul3A_261 : i32
    %add3A_263 = arith.constant 1728 : i32
    %add3A_264 = arith.addi %mul3A_262, %add3A_263 : i32
    %dma_start3A_265 = arith.constant 0 : i32
    %dma_start3A_266 = tpu.memref_slice %arg17[%add3A_264, %dma_start3A_265] : memref<96768x32xbf16, #tpu.memory_space<vmem_shared>> -> memref<864x32xbf16, #tpu.memory_space<vmem_shared>>
    %dma_start3A_267 = arith.constant 0 : i32
    %dma_start3A_268 = tpu.memref_slice %arg17[%add3A_264, %dma_start3A_267] : memref<96768x32xbf16, #tpu.memory_space<vmem_shared>> -> memref<864x32xbf16, #tpu.memory_space<vmem_shared>>
    tpu.enqueue_dma source(%dma_start3A_268 : memref<864x32xbf16, #tpu.memory_space<vmem_shared>>) target(%arg11 : memref<864x32xbf16, #tpu.memory_space<vmem>>) target_semaphore(%arg15 : memref<!tpu.dma_semaphore, #tpu.memory_space<semaphore_mem>>)
    %mul3A_269 = arith.constant 6048 : i32
    %mul3A_270 = arith.muli %arg1, %mul3A_269 : i32
    %add3A_271 = arith.constant 864 : i32
    %add3A_272 = arith.addi %mul3A_270, %add3A_271 : i32
    %dma_wait3A_273 = arith.constant 0 : i32
    %dma_wait3A_274 = tpu.memref_slice %arg17[%add3A_272, %dma_wait3A_273] : memref<96768x32xbf16, #tpu.memory_space<vmem_shared>> -> memref<864x32xbf16, #tpu.memory_space<vmem_shared>>
    %dma_wait3A_275 = arith.constant 0 : i32
    %dma_wait3A_276 = tpu.memref_slice %arg17[%add3A_272, %dma_wait3A_275] : memref<96768x32xbf16, #tpu.memory_space<vmem_shared>> -> memref<864x32xbf16, #tpu.memory_space<vmem_shared>>
    tpu.wait_dma2 semaphore(%arg16 : memref<!tpu.dma_semaphore, #tpu.memory_space<semaphore_mem>>) src(%dma_wait3A_276 : memref<864x32xbf16, #tpu.memory_space<vmem_shared>>) dst(%arg12 : memref<864x32xbf16, #tpu.memory_space<vmem>>)
    %mul3A_277 = arith.constant 6048 : i32
    %mul3A_278 = arith.muli %arg1, %mul3A_277 : i32
    %add3A_279 = arith.constant 864 : i32
    %add3A_280 = arith.addi %mul3A_278, %add3A_279 : i32
    %dma_start3A_281 = arith.constant 0 : i32
    %dma_start3A_282 = tpu.memref_slice %arg6[%add3A_280, %dma_start3A_281] : memref<96768x32xbf16, #tpu.memory_space<hbm>> -> memref<864x32xbf16, #tpu.memory_space<hbm>>
    %dma_start3A_283 = arith.constant 0 : i32
    %dma_start3A_284 = tpu.memref_slice %arg6[%add3A_280, %dma_start3A_283] : memref<96768x32xbf16, #tpu.memory_space<hbm>> -> memref<864x32xbf16, #tpu.memory_space<hbm>>
    tpu.enqueue_dma source(%arg12 : memref<864x32xbf16, #tpu.memory_space<vmem>>) target(%dma_start3A_284 : memref<864x32xbf16, #tpu.memory_space<hbm>>) target_semaphore(%arg14 : memref<!tpu.dma_semaphore, #tpu.memory_space<semaphore_mem>>)
    %mul3A_285 = arith.constant 6048 : i32
    %mul3A_286 = arith.muli %arg1, %mul3A_285 : i32
    %add3A_287 = arith.constant 864 : i32
    %add3A_288 = arith.addi %mul3A_286, %add3A_287 : i32
    %dma_wait3A_289 = arith.constant 0 : i32
    %dma_wait3A_290 = tpu.memref_slice %arg6[%add3A_288, %dma_wait3A_289] : memref<96768x32xbf16, #tpu.memory_space<hbm>> -> memref<864x32xbf16, #tpu.memory_space<hbm>>
    %dma_wait3A_291 = arith.constant 0 : i32
    %dma_wait3A_292 = tpu.memref_slice %arg6[%add3A_288, %dma_wait3A_291] : memref<96768x32xbf16, #tpu.memory_space<hbm>> -> memref<864x32xbf16, #tpu.memory_space<hbm>>
    tpu.wait_dma2 semaphore(%arg14 : memref<!tpu.dma_semaphore, #tpu.memory_space<semaphore_mem>>) src(%arg12 : memref<864x32xbf16, #tpu.memory_space<vmem>>) dst(%dma_wait3A_292 : memref<864x32xbf16, #tpu.memory_space<hbm>>)
    %mul3A_293 = arith.constant 6048 : i32
    %mul3A_294 = arith.muli %arg1, %mul3A_293 : i32
    %add3A_295 = arith.constant 2592 : i32
    %add3A_296 = arith.addi %mul3A_294, %add3A_295 : i32
    %dma_start3A_297 = arith.constant 0 : i32
    %dma_start3A_298 = tpu.memref_slice %arg17[%add3A_296, %dma_start3A_297] : memref<96768x32xbf16, #tpu.memory_space<vmem_shared>> -> memref<864x32xbf16, #tpu.memory_space<vmem_shared>>
    %dma_start3A_299 = arith.constant 0 : i32
    %dma_start3A_300 = tpu.memref_slice %arg17[%add3A_296, %dma_start3A_299] : memref<96768x32xbf16, #tpu.memory_space<vmem_shared>> -> memref<864x32xbf16, #tpu.memory_space<vmem_shared>>
    tpu.enqueue_dma source(%dma_start3A_300 : memref<864x32xbf16, #tpu.memory_space<vmem_shared>>) target(%arg12 : memref<864x32xbf16, #tpu.memory_space<vmem>>) target_semaphore(%arg16 : memref<!tpu.dma_semaphore, #tpu.memory_space<semaphore_mem>>)
    %mul3A_301 = arith.constant 6048 : i32
    %mul3A_302 = arith.muli %arg1, %mul3A_301 : i32
    %add3A_303 = arith.constant 1728 : i32
    %add3A_304 = arith.addi %mul3A_302, %add3A_303 : i32
    %dma_wait3A_305 = arith.constant 0 : i32
    %dma_wait3A_306 = tpu.memref_slice %arg17[%add3A_304, %dma_wait3A_305] : memref<96768x32xbf16, #tpu.memory_space<vmem_shared>> -> memref<864x32xbf16, #tpu.memory_space<vmem_shared>>
    %dma_wait3A_307 = arith.constant 0 : i32
    %dma_wait3A_308 = tpu.memref_slice %arg17[%add3A_304, %dma_wait3A_307] : memref<96768x32xbf16, #tpu.memory_space<vmem_shared>> -> memref<864x32xbf16, #tpu.memory_space<vmem_shared>>
    tpu.wait_dma2 semaphore(%arg15 : memref<!tpu.dma_semaphore, #tpu.memory_space<semaphore_mem>>) src(%dma_wait3A_308 : memref<864x32xbf16, #tpu.memory_space<vmem_shared>>) dst(%arg11 : memref<864x32xbf16, #tpu.memory_space<vmem>>)
    %mul3A_309 = arith.constant 6048 : i32
    %mul3A_310 = arith.muli %arg1, %mul3A_309 : i32
    %add3A_311 = arith.constant 1728 : i32
    %add3A_312 = arith.addi %mul3A_310, %add3A_311 : i32
    %dma_start3A_313 = arith.constant 0 : i32
    %dma_start3A_314 = tpu.memref_slice %arg6[%add3A_312, %dma_start3A_313] : memref<96768x32xbf16, #tpu.memory_space<hbm>> -> memref<864x32xbf16, #tpu.memory_space<hbm>>
    %dma_start3A_315 = arith.constant 0 : i32
    %dma_start3A_316 = tpu.memref_slice %arg6[%add3A_312, %dma_start3A_315] : memref<96768x32xbf16, #tpu.memory_space<hbm>> -> memref<864x32xbf16, #tpu.memory_space<hbm>>
    tpu.enqueue_dma source(%arg11 : memref<864x32xbf16, #tpu.memory_space<vmem>>) target(%dma_start3A_316 : memref<864x32xbf16, #tpu.memory_space<hbm>>) target_semaphore(%arg13 : memref<!tpu.dma_semaphore, #tpu.memory_space<semaphore_mem>>)
    %mul3A_317 = arith.constant 6048 : i32
    %mul3A_318 = arith.muli %arg1, %mul3A_317 : i32
    %add3A_319 = arith.constant 1728 : i32
    %add3A_320 = arith.addi %mul3A_318, %add3A_319 : i32
    %dma_wait3A_321 = arith.constant 0 : i32
    %dma_wait3A_322 = tpu.memref_slice %arg6[%add3A_320, %dma_wait3A_321] : memref<96768x32xbf16, #tpu.memory_space<hbm>> -> memref<864x32xbf16, #tpu.memory_space<hbm>>
    %dma_wait3A_323 = arith.constant 0 : i32
    %dma_wait3A_324 = tpu.memref_slice %arg6[%add3A_320, %dma_wait3A_323] : memref<96768x32xbf16, #tpu.memory_space<hbm>> -> memref<864x32xbf16, #tpu.memory_space<hbm>>
    tpu.wait_dma2 semaphore(%arg13 : memref<!tpu.dma_semaphore, #tpu.memory_space<semaphore_mem>>) src(%arg11 : memref<864x32xbf16, #tpu.memory_space<vmem>>) dst(%dma_wait3A_324 : memref<864x32xbf16, #tpu.memory_space<hbm>>)
    %mul3A_325 = arith.constant 6048 : i32
    %mul3A_326 = arith.muli %arg1, %mul3A_325 : i32
    %add3A_327 = arith.constant 3456 : i32
    %add3A_328 = arith.addi %mul3A_326, %add3A_327 : i32
    %dma_start3A_329 = arith.constant 0 : i32
    %dma_start3A_330 = tpu.memref_slice %arg17[%add3A_328, %dma_start3A_329] : memref<96768x32xbf16, #tpu.memory_space<vmem_shared>> -> memref<864x32xbf16, #tpu.memory_space<vmem_shared>>
    %dma_start3A_331 = arith.constant 0 : i32
    %dma_start3A_332 = tpu.memref_slice %arg17[%add3A_328, %dma_start3A_331] : memref<96768x32xbf16, #tpu.memory_space<vmem_shared>> -> memref<864x32xbf16, #tpu.memory_space<vmem_shared>>
    tpu.enqueue_dma source(%dma_start3A_332 : memref<864x32xbf16, #tpu.memory_space<vmem_shared>>) target(%arg11 : memref<864x32xbf16, #tpu.memory_space<vmem>>) target_semaphore(%arg15 : memref<!tpu.dma_semaphore, #tpu.memory_space<semaphore_mem>>)
    %mul3A_333 = arith.constant 6048 : i32
    %mul3A_334 = arith.muli %arg1, %mul3A_333 : i32
    %add3A_335 = arith.constant 2592 : i32
    %add3A_336 = arith.addi %mul3A_334, %add3A_335 : i32
    %dma_wait3A_337 = arith.constant 0 : i32
    %dma_wait3A_338 = tpu.memref_slice %arg17[%add3A_336, %dma_wait3A_337] : memref<96768x32xbf16, #tpu.memory_space<vmem_shared>> -> memref<864x32xbf16, #tpu.memory_space<vmem_shared>>
    %dma_wait3A_339 = arith.constant 0 : i32
    %dma_wait3A_340 = tpu.memref_slice %arg17[%add3A_336, %dma_wait3A_339] : memref<96768x32xbf16, #tpu.memory_space<vmem_shared>> -> memref<864x32xbf16, #tpu.memory_space<vmem_shared>>
    tpu.wait_dma2 semaphore(%arg16 : memref<!tpu.dma_semaphore, #tpu.memory_space<semaphore_mem>>) src(%dma_wait3A_340 : memref<864x32xbf16, #tpu.memory_space<vmem_shared>>) dst(%arg12 : memref<864x32xbf16, #tpu.memory_space<vmem>>)
    %mul3A_341 = arith.constant 6048 : i32
    %mul3A_342 = arith.muli %arg1, %mul3A_341 : i32
    %add3A_343 = arith.constant 2592 : i32
    %add3A_344 = arith.addi %mul3A_342, %add3A_343 : i32
    %dma_start3A_345 = arith.constant 0 : i32
    %dma_start3A_346 = tpu.memref_slice %arg6[%add3A_344, %dma_start3A_345] : memref<96768x32xbf16, #tpu.memory_space<hbm>> -> memref<864x32xbf16, #tpu.memory_space<hbm>>
    %dma_start3A_347 = arith.constant 0 : i32
    %dma_start3A_348 = tpu.memref_slice %arg6[%add3A_344, %dma_start3A_347] : memref<96768x32xbf16, #tpu.memory_space<hbm>> -> memref<864x32xbf16, #tpu.memory_space<hbm>>
    tpu.enqueue_dma source(%arg12 : memref<864x32xbf16, #tpu.memory_space<vmem>>) target(%dma_start3A_348 : memref<864x32xbf16, #tpu.memory_space<hbm>>) target_semaphore(%arg14 : memref<!tpu.dma_semaphore, #tpu.memory_space<semaphore_mem>>)
    %mul3A_349 = arith.constant 6048 : i32
    %mul3A_350 = arith.muli %arg1, %mul3A_349 : i32
    %add3A_351 = arith.constant 2592 : i32
    %add3A_352 = arith.addi %mul3A_350, %add3A_351 : i32
    %dma_wait3A_353 = arith.constant 0 : i32
    %dma_wait3A_354 = tpu.memref_slice %arg6[%add3A_352, %dma_wait3A_353] : memref<96768x32xbf16, #tpu.memory_space<hbm>> -> memref<864x32xbf16, #tpu.memory_space<hbm>>
    %dma_wait3A_355 = arith.constant 0 : i32
    %dma_wait3A_356 = tpu.memref_slice %arg6[%add3A_352, %dma_wait3A_355] : memref<96768x32xbf16, #tpu.memory_space<hbm>> -> memref<864x32xbf16, #tpu.memory_space<hbm>>
    tpu.wait_dma2 semaphore(%arg14 : memref<!tpu.dma_semaphore, #tpu.memory_space<semaphore_mem>>) src(%arg12 : memref<864x32xbf16, #tpu.memory_space<vmem>>) dst(%dma_wait3A_356 : memref<864x32xbf16, #tpu.memory_space<hbm>>)
    %mul3A_357 = arith.constant 6048 : i32
    %mul3A_358 = arith.muli %arg1, %mul3A_357 : i32
    %add3A_359 = arith.constant 4320 : i32
    %add3A_360 = arith.addi %mul3A_358, %add3A_359 : i32
    %dma_start3A_361 = arith.constant 0 : i32
    %dma_start3A_362 = tpu.memref_slice %arg17[%add3A_360, %dma_start3A_361] : memref<96768x32xbf16, #tpu.memory_space<vmem_shared>> -> memref<864x32xbf16, #tpu.memory_space<vmem_shared>>
    %dma_start3A_363 = arith.constant 0 : i32
    %dma_start3A_364 = tpu.memref_slice %arg17[%add3A_360, %dma_start3A_363] : memref<96768x32xbf16, #tpu.memory_space<vmem_shared>> -> memref<864x32xbf16, #tpu.memory_space<vmem_shared>>
    tpu.enqueue_dma source(%dma_start3A_364 : memref<864x32xbf16, #tpu.memory_space<vmem_shared>>) target(%arg12 : memref<864x32xbf16, #tpu.memory_space<vmem>>) target_semaphore(%arg16 : memref<!tpu.dma_semaphore, #tpu.memory_space<semaphore_mem>>)
    %mul3A_365 = arith.constant 6048 : i32
    %mul3A_366 = arith.muli %arg1, %mul3A_365 : i32
    %add3A_367 = arith.constant 3456 : i32
    %add3A_368 = arith.addi %mul3A_366, %add3A_367 : i32
    %dma_wait3A_369 = arith.constant 0 : i32
    %dma_wait3A_370 = tpu.memref_slice %arg17[%add3A_368, %dma_wait3A_369] : memref<96768x32xbf16, #tpu.memory_space<vmem_shared>> -> memref<864x32xbf16, #tpu.memory_space<vmem_shared>>
    %dma_wait3A_371 = arith.constant 0 : i32
    %dma_wait3A_372 = tpu.memref_slice %arg17[%add3A_368, %dma_wait3A_371] : memref<96768x32xbf16, #tpu.memory_space<vmem_shared>> -> memref<864x32xbf16, #tpu.memory_space<vmem_shared>>
    tpu.wait_dma2 semaphore(%arg15 : memref<!tpu.dma_semaphore, #tpu.memory_space<semaphore_mem>>) src(%dma_wait3A_372 : memref<864x32xbf16, #tpu.memory_space<vmem_shared>>) dst(%arg11 : memref<864x32xbf16, #tpu.memory_space<vmem>>)
    %mul3A_373 = arith.constant 6048 : i32
    %mul3A_374 = arith.muli %arg1, %mul3A_373 : i32
    %add3A_375 = arith.constant 3456 : i32
    %add3A_376 = arith.addi %mul3A_374, %add3A_375 : i32
    %dma_start3A_377 = arith.constant 0 : i32
    %dma_start3A_378 = tpu.memref_slice %arg6[%add3A_376, %dma_start3A_377] : memref<96768x32xbf16, #tpu.memory_space<hbm>> -> memref<864x32xbf16, #tpu.memory_space<hbm>>
    %dma_start3A_379 = arith.constant 0 : i32
    %dma_start3A_380 = tpu.memref_slice %arg6[%add3A_376, %dma_start3A_379] : memref<96768x32xbf16, #tpu.memory_space<hbm>> -> memref<864x32xbf16, #tpu.memory_space<hbm>>
    tpu.enqueue_dma source(%arg11 : memref<864x32xbf16, #tpu.memory_space<vmem>>) target(%dma_start3A_380 : memref<864x32xbf16, #tpu.memory_space<hbm>>) target_semaphore(%arg13 : memref<!tpu.dma_semaphore, #tpu.memory_space<semaphore_mem>>)
    %mul3A_381 = arith.constant 6048 : i32
    %mul3A_382 = arith.muli %arg1, %mul3A_381 : i32
    %add3A_383 = arith.constant 3456 : i32
    %add3A_384 = arith.addi %mul3A_382, %add3A_383 : i32
    %dma_wait3A_385 = arith.constant 0 : i32
    %dma_wait3A_386 = tpu.memref_slice %arg6[%add3A_384, %dma_wait3A_385] : memref<96768x32xbf16, #tpu.memory_space<hbm>> -> memref<864x32xbf16, #tpu.memory_space<hbm>>
    %dma_wait3A_387 = arith.constant 0 : i32
    %dma_wait3A_388 = tpu.memref_slice %arg6[%add3A_384, %dma_wait3A_387] : memref<96768x32xbf16, #tpu.memory_space<hbm>> -> memref<864x32xbf16, #tpu.memory_space<hbm>>
    tpu.wait_dma2 semaphore(%arg13 : memref<!tpu.dma_semaphore, #tpu.memory_space<semaphore_mem>>) src(%arg11 : memref<864x32xbf16, #tpu.memory_space<vmem>>) dst(%dma_wait3A_388 : memref<864x32xbf16, #tpu.memory_space<hbm>>)
    %mul3A_389 = arith.constant 6048 : i32
    %mul3A_390 = arith.muli %arg1, %mul3A_389 : i32
    %add3A_391 = arith.constant 5184 : i32
    %add3A_392 = arith.addi %mul3A_390, %add3A_391 : i32
    %dma_start3A_393 = arith.constant 0 : i32
    %dma_start3A_394 = tpu.memref_slice %arg17[%add3A_392, %dma_start3A_393] : memref<96768x32xbf16, #tpu.memory_space<vmem_shared>> -> memref<864x32xbf16, #tpu.memory_space<vmem_shared>>
    %dma_start3A_395 = arith.constant 0 : i32
    %dma_start3A_396 = tpu.memref_slice %arg17[%add3A_392, %dma_start3A_395] : memref<96768x32xbf16, #tpu.memory_space<vmem_shared>> -> memref<864x32xbf16, #tpu.memory_space<vmem_shared>>
    tpu.enqueue_dma source(%dma_start3A_396 : memref<864x32xbf16, #tpu.memory_space<vmem_shared>>) target(%arg11 : memref<864x32xbf16, #tpu.memory_space<vmem>>) target_semaphore(%arg15 : memref<!tpu.dma_semaphore, #tpu.memory_space<semaphore_mem>>)
    %mul3A_397 = arith.constant 6048 : i32
    %mul3A_398 = arith.muli %arg1, %mul3A_397 : i32
    %add3A_399 = arith.constant 4320 : i32
    %add3A_400 = arith.addi %mul3A_398, %add3A_399 : i32
    %dma_wait3A_401 = arith.constant 0 : i32
    %dma_wait3A_402 = tpu.memref_slice %arg17[%add3A_400, %dma_wait3A_401] : memref<96768x32xbf16, #tpu.memory_space<vmem_shared>> -> memref<864x32xbf16, #tpu.memory_space<vmem_shared>>
    %dma_wait3A_403 = arith.constant 0 : i32
    %dma_wait3A_404 = tpu.memref_slice %arg17[%add3A_400, %dma_wait3A_403] : memref<96768x32xbf16, #tpu.memory_space<vmem_shared>> -> memref<864x32xbf16, #tpu.memory_space<vmem_shared>>
    tpu.wait_dma2 semaphore(%arg16 : memref<!tpu.dma_semaphore, #tpu.memory_space<semaphore_mem>>) src(%dma_wait3A_404 : memref<864x32xbf16, #tpu.memory_space<vmem_shared>>) dst(%arg12 : memref<864x32xbf16, #tpu.memory_space<vmem>>)
    %mul3A_405 = arith.constant 6048 : i32
    %mul3A_406 = arith.muli %arg1, %mul3A_405 : i32
    %add3A_407 = arith.constant 4320 : i32
    %add3A_408 = arith.addi %mul3A_406, %add3A_407 : i32
    %dma_start3A_409 = arith.constant 0 : i32
    %dma_start3A_410 = tpu.memref_slice %arg6[%add3A_408, %dma_start3A_409] : memref<96768x32xbf16, #tpu.memory_space<hbm>> -> memref<864x32xbf16, #tpu.memory_space<hbm>>
    %dma_start3A_411 = arith.constant 0 : i32
    %dma_start3A_412 = tpu.memref_slice %arg6[%add3A_408, %dma_start3A_411] : memref<96768x32xbf16, #tpu.memory_space<hbm>> -> memref<864x32xbf16, #tpu.memory_space<hbm>>
    tpu.enqueue_dma source(%arg12 : memref<864x32xbf16, #tpu.memory_space<vmem>>) target(%dma_start3A_412 : memref<864x32xbf16, #tpu.memory_space<hbm>>) target_semaphore(%arg14 : memref<!tpu.dma_semaphore, #tpu.memory_space<semaphore_mem>>)
    %mul3A_413 = arith.constant 6048 : i32
    %mul3A_414 = arith.muli %arg1, %mul3A_413 : i32
    %add3A_415 = arith.constant 4320 : i32
    %add3A_416 = arith.addi %mul3A_414, %add3A_415 : i32
    %dma_wait3A_417 = arith.constant 0 : i32
    %dma_wait3A_418 = tpu.memref_slice %arg6[%add3A_416, %dma_wait3A_417] : memref<96768x32xbf16, #tpu.memory_space<hbm>> -> memref<864x32xbf16, #tpu.memory_space<hbm>>
    %dma_wait3A_419 = arith.constant 0 : i32
    %dma_wait3A_420 = tpu.memref_slice %arg6[%add3A_416, %dma_wait3A_419] : memref<96768x32xbf16, #tpu.memory_space<hbm>> -> memref<864x32xbf16, #tpu.memory_space<hbm>>
    tpu.wait_dma2 semaphore(%arg14 : memref<!tpu.dma_semaphore, #tpu.memory_space<semaphore_mem>>) src(%arg12 : memref<864x32xbf16, #tpu.memory_space<vmem>>) dst(%dma_wait3A_420 : memref<864x32xbf16, #tpu.memory_space<hbm>>)
    %mul3A_421 = arith.constant 6048 : i32
    %mul3A_422 = arith.muli %arg1, %mul3A_421 : i32
    %add3A_423 = arith.constant 5184 : i32
    %add3A_424 = arith.addi %mul3A_422, %add3A_423 : i32
    %dma_wait3A_425 = arith.constant 0 : i32
    %dma_wait3A_426 = tpu.memref_slice %arg17[%add3A_424, %dma_wait3A_425] : memref<96768x32xbf16, #tpu.memory_space<vmem_shared>> -> memref<864x32xbf16, #tpu.memory_space<vmem_shared>>
    %dma_wait3A_427 = arith.constant 0 : i32
    %dma_wait3A_428 = tpu.memref_slice %arg17[%add3A_424, %dma_wait3A_427] : memref<96768x32xbf16, #tpu.memory_space<vmem_shared>> -> memref<864x32xbf16, #tpu.memory_space<vmem_shared>>
    tpu.wait_dma2 semaphore(%arg15 : memref<!tpu.dma_semaphore, #tpu.memory_space<semaphore_mem>>) src(%dma_wait3A_428 : memref<864x32xbf16, #tpu.memory_space<vmem_shared>>) dst(%arg11 : memref<864x32xbf16, #tpu.memory_space<vmem>>)
    %mul3A_429 = arith.constant 6048 : i32
    %mul3A_430 = arith.muli %arg1, %mul3A_429 : i32
    %add3A_431 = arith.constant 5184 : i32
    %add3A_432 = arith.addi %mul3A_430, %add3A_431 : i32
    %dma_start3A_433 = arith.constant 0 : i32
    %dma_start3A_434 = tpu.memref_slice %arg6[%add3A_432, %dma_start3A_433] : memref<96768x32xbf16, #tpu.memory_space<hbm>> -> memref<864x32xbf16, #tpu.memory_space<hbm>>
    %dma_start3A_435 = arith.constant 0 : i32
    %dma_start3A_436 = tpu.memref_slice %arg6[%add3A_432, %dma_start3A_435] : memref<96768x32xbf16, #tpu.memory_space<hbm>> -> memref<864x32xbf16, #tpu.memory_space<hbm>>
    tpu.enqueue_dma source(%arg11 : memref<864x32xbf16, #tpu.memory_space<vmem>>) target(%dma_start3A_436 : memref<864x32xbf16, #tpu.memory_space<hbm>>) target_semaphore(%arg13 : memref<!tpu.dma_semaphore, #tpu.memory_space<semaphore_mem>>)
    %mul3A_437 = arith.constant 6048 : i32
    %mul3A_438 = arith.muli %arg1, %mul3A_437 : i32
    %add3A_439 = arith.constant 5184 : i32
    %add3A_440 = arith.addi %mul3A_438, %add3A_439 : i32
    %dma_wait3A_441 = arith.constant 0 : i32
    %dma_wait3A_442 = tpu.memref_slice %arg6[%add3A_440, %dma_wait3A_441] : memref<96768x32xbf16, #tpu.memory_space<hbm>> -> memref<864x32xbf16, #tpu.memory_space<hbm>>
    %dma_wait3A_443 = arith.constant 0 : i32
    %dma_wait3A_444 = tpu.memref_slice %arg6[%add3A_440, %dma_wait3A_443] : memref<96768x32xbf16, #tpu.memory_space<hbm>> -> memref<864x32xbf16, #tpu.memory_space<hbm>>
    tpu.wait_dma2 semaphore(%arg13 : memref<!tpu.dma_semaphore, #tpu.memory_space<semaphore_mem>>) src(%arg11 : memref<864x32xbf16, #tpu.memory_space<vmem>>) dst(%dma_wait3A_444 : memref<864x32xbf16, #tpu.memory_space<hbm>>)
    return
  }
}

#map = affine_map<(d0, d1) -> (0)>
#map1 = affine_map<(d0, d1) -> (0, 0)>
module attributes {stable_mosaic.version = 14 : i64} {
  func.func @_agg_body(%arg0: i32, %arg1: i32, %arg2: memref<1548288xi32, #tpu.memory_space<hbm>>, %arg3: memref<1548288xi32, #tpu.memory_space<hbm>>, %arg4: memref<96768x32xbf16, #tpu.memory_space<hbm>>, %arg5: memref<864x32xbf16, #tpu.memory_space<hbm>>, %arg6: memref<96768x32xbf16, #tpu.memory_space<hbm>>, %arg7: memref<864xi32, #tpu.memory_space<vmem>>, %arg8: memref<864xi32, #tpu.memory_space<vmem>>, %arg9: memref<864xi32, #tpu.memory_space<vmem>>, %arg10: memref<864xi32, #tpu.memory_space<vmem>>, %arg11: memref<864x32xbf16, #tpu.memory_space<vmem>>, %arg12: memref<864x32xbf16, #tpu.memory_space<vmem>>, %arg13: memref<!tpu.dma_semaphore, #tpu.memory_space<semaphore_mem>>, %arg14: memref<!tpu.dma_semaphore, #tpu.memory_space<semaphore_mem>>, %arg15: memref<!tpu.dma_semaphore, #tpu.memory_space<semaphore_mem>>, %arg16: memref<!tpu.dma_semaphore, #tpu.memory_space<semaphore_mem>>, %arg17: memref<96768x32xbf16, #tpu.memory_space<vmem_shared>>) attributes {dimension_semantics = [#tpu.dimension_semantics<core_parallel>, #tpu.dimension_semantics<subcore_parallel>], iteration_bounds = array<i64: 1, 16>, scalar_prefetch = 0 : i64, scratch_operands = 11 : i64, tpu.core_type = #tpu.core_type<sc_vector_subcore>, window_params = [{transform_indices = #map}, {transform_indices = #map}, {transform_indices = #map1}, {transform_indices = #map1}, {transform_indices = #map1}]} {
    "tpu.region"() ({
      %run_scoped3A = tpu.sem_alloc : memref<!tpu.dma_semaphore, #tpu.memory_space<semaphore_mem>>
      tpu.enqueue_dma source(%arg5 : memref<864x32xbf16, #tpu.memory_space<hbm>>) target(%arg11 : memref<864x32xbf16, #tpu.memory_space<vmem>>) target_semaphore(%run_scoped3A : memref<!tpu.dma_semaphore, #tpu.memory_space<semaphore_mem>>)
      tpu.wait_dma2 semaphore(%run_scoped3A : memref<!tpu.dma_semaphore, #tpu.memory_space<semaphore_mem>>) src(%arg5 : memref<864x32xbf16, #tpu.memory_space<hbm>>) dst(%arg11 : memref<864x32xbf16, #tpu.memory_space<vmem>>)
      tpu.yield
    }) : () -> ()
    %mul3A = arith.constant 6048 : i32
    %mul3A_0 = arith.muli %arg1, %mul3A : i32
    %add3A = arith.constant 0 : i32
    %add3A_1 = arith.addi %mul3A_0, %add3A : i32
    %dma_start3A = arith.constant 0 : i32
    %dma_start3A_2 = arith.constant 0 : i32
    %dma_start3A_3 = tpu.memref_slice %arg11[%dma_start3A, %dma_start3A_2] : memref<864x32xbf16, #tpu.memory_space<vmem>> -> memref<864x32xbf16, #tpu.memory_space<vmem>>
    %dma_start3A_4 = arith.constant 0 : i32
    %dma_start3A_5 = tpu.memref_slice %arg17[%add3A_1, %dma_start3A_4] : memref<96768x32xbf16, #tpu.memory_space<vmem_shared>> -> memref<864x32xbf16, #tpu.memory_space<vmem_shared>>
    %dma_start3A_6 = arith.constant 0 : i32
    %dma_start3A_7 = tpu.memref_slice %arg17[%add3A_1, %dma_start3A_6] : memref<96768x32xbf16, #tpu.memory_space<vmem_shared>> -> memref<864x32xbf16, #tpu.memory_space<vmem_shared>>
    %dma_start3A_8 = arith.constant 0 : i32
    %dma_start3A_9 = arith.constant 0 : i32
    %dma_start3A_10 = tpu.memref_slice %arg11[%dma_start3A_8, %dma_start3A_9] : memref<864x32xbf16, #tpu.memory_space<vmem>> -> memref<864x32xbf16, #tpu.memory_space<vmem>>
    tpu.enqueue_dma source(%dma_start3A_10 : memref<864x32xbf16, #tpu.memory_space<vmem>>) target(%dma_start3A_7 : memref<864x32xbf16, #tpu.memory_space<vmem_shared>>) target_semaphore(%arg15 : memref<!tpu.dma_semaphore, #tpu.memory_space<semaphore_mem>>)
    %mul3A_11 = arith.constant 6048 : i32
    %mul3A_12 = arith.muli %arg1, %mul3A_11 : i32
    %add3A_13 = arith.constant 864 : i32
    %add3A_14 = arith.addi %mul3A_12, %add3A_13 : i32
    %dma_start3A_15 = arith.constant 0 : i32
    %dma_start3A_16 = arith.constant 0 : i32
    %dma_start3A_17 = tpu.memref_slice %arg11[%dma_start3A_15, %dma_start3A_16] : memref<864x32xbf16, #tpu.memory_space<vmem>> -> memref<864x32xbf16, #tpu.memory_space<vmem>>
    %dma_start3A_18 = arith.constant 0 : i32
    %dma_start3A_19 = tpu.memref_slice %arg17[%add3A_14, %dma_start3A_18] : memref<96768x32xbf16, #tpu.memory_space<vmem_shared>> -> memref<864x32xbf16, #tpu.memory_space<vmem_shared>>
    %dma_start3A_20 = arith.constant 0 : i32
    %dma_start3A_21 = tpu.memref_slice %arg17[%add3A_14, %dma_start3A_20] : memref<96768x32xbf16, #tpu.memory_space<vmem_shared>> -> memref<864x32xbf16, #tpu.memory_space<vmem_shared>>
    %dma_start3A_22 = arith.constant 0 : i32
    %dma_start3A_23 = arith.constant 0 : i32
    %dma_start3A_24 = tpu.memref_slice %arg11[%dma_start3A_22, %dma_start3A_23] : memref<864x32xbf16, #tpu.memory_space<vmem>> -> memref<864x32xbf16, #tpu.memory_space<vmem>>
    tpu.enqueue_dma source(%dma_start3A_24 : memref<864x32xbf16, #tpu.memory_space<vmem>>) target(%dma_start3A_21 : memref<864x32xbf16, #tpu.memory_space<vmem_shared>>) target_semaphore(%arg15 : memref<!tpu.dma_semaphore, #tpu.memory_space<semaphore_mem>>)
    %mul3A_25 = arith.constant 6048 : i32
    %mul3A_26 = arith.muli %arg1, %mul3A_25 : i32
    %add3A_27 = arith.constant 1728 : i32
    %add3A_28 = arith.addi %mul3A_26, %add3A_27 : i32
    %dma_start3A_29 = arith.constant 0 : i32
    %dma_start3A_30 = arith.constant 0 : i32
    %dma_start3A_31 = tpu.memref_slice %arg11[%dma_start3A_29, %dma_start3A_30] : memref<864x32xbf16, #tpu.memory_space<vmem>> -> memref<864x32xbf16, #tpu.memory_space<vmem>>
    %dma_start3A_32 = arith.constant 0 : i32
    %dma_start3A_33 = tpu.memref_slice %arg17[%add3A_28, %dma_start3A_32] : memref<96768x32xbf16, #tpu.memory_space<vmem_shared>> -> memref<864x32xbf16, #tpu.memory_space<vmem_shared>>
    %dma_start3A_34 = arith.constant 0 : i32
    %dma_start3A_35 = tpu.memref_slice %arg17[%add3A_28, %dma_start3A_34] : memref<96768x32xbf16, #tpu.memory_space<vmem_shared>> -> memref<864x32xbf16, #tpu.memory_space<vmem_shared>>
    %dma_start3A_36 = arith.constant 0 : i32
    %dma_start3A_37 = arith.constant 0 : i32
    %dma_start3A_38 = tpu.memref_slice %arg11[%dma_start3A_36, %dma_start3A_37] : memref<864x32xbf16, #tpu.memory_space<vmem>> -> memref<864x32xbf16, #tpu.memory_space<vmem>>
    tpu.enqueue_dma source(%dma_start3A_38 : memref<864x32xbf16, #tpu.memory_space<vmem>>) target(%dma_start3A_35 : memref<864x32xbf16, #tpu.memory_space<vmem_shared>>) target_semaphore(%arg15 : memref<!tpu.dma_semaphore, #tpu.memory_space<semaphore_mem>>)
    %mul3A_39 = arith.constant 6048 : i32
    %mul3A_40 = arith.muli %arg1, %mul3A_39 : i32
    %add3A_41 = arith.constant 2592 : i32
    %add3A_42 = arith.addi %mul3A_40, %add3A_41 : i32
    %dma_start3A_43 = arith.constant 0 : i32
    %dma_start3A_44 = arith.constant 0 : i32
    %dma_start3A_45 = tpu.memref_slice %arg11[%dma_start3A_43, %dma_start3A_44] : memref<864x32xbf16, #tpu.memory_space<vmem>> -> memref<864x32xbf16, #tpu.memory_space<vmem>>
    %dma_start3A_46 = arith.constant 0 : i32
    %dma_start3A_47 = tpu.memref_slice %arg17[%add3A_42, %dma_start3A_46] : memref<96768x32xbf16, #tpu.memory_space<vmem_shared>> -> memref<864x32xbf16, #tpu.memory_space<vmem_shared>>
    %dma_start3A_48 = arith.constant 0 : i32
    %dma_start3A_49 = tpu.memref_slice %arg17[%add3A_42, %dma_start3A_48] : memref<96768x32xbf16, #tpu.memory_space<vmem_shared>> -> memref<864x32xbf16, #tpu.memory_space<vmem_shared>>
    %dma_start3A_50 = arith.constant 0 : i32
    %dma_start3A_51 = arith.constant 0 : i32
    %dma_start3A_52 = tpu.memref_slice %arg11[%dma_start3A_50, %dma_start3A_51] : memref<864x32xbf16, #tpu.memory_space<vmem>> -> memref<864x32xbf16, #tpu.memory_space<vmem>>
    tpu.enqueue_dma source(%dma_start3A_52 : memref<864x32xbf16, #tpu.memory_space<vmem>>) target(%dma_start3A_49 : memref<864x32xbf16, #tpu.memory_space<vmem_shared>>) target_semaphore(%arg15 : memref<!tpu.dma_semaphore, #tpu.memory_space<semaphore_mem>>)
    %mul3A_53 = arith.constant 6048 : i32
    %mul3A_54 = arith.muli %arg1, %mul3A_53 : i32
    %add3A_55 = arith.constant 3456 : i32
    %add3A_56 = arith.addi %mul3A_54, %add3A_55 : i32
    %dma_start3A_57 = arith.constant 0 : i32
    %dma_start3A_58 = arith.constant 0 : i32
    %dma_start3A_59 = tpu.memref_slice %arg11[%dma_start3A_57, %dma_start3A_58] : memref<864x32xbf16, #tpu.memory_space<vmem>> -> memref<864x32xbf16, #tpu.memory_space<vmem>>
    %dma_start3A_60 = arith.constant 0 : i32
    %dma_start3A_61 = tpu.memref_slice %arg17[%add3A_56, %dma_start3A_60] : memref<96768x32xbf16, #tpu.memory_space<vmem_shared>> -> memref<864x32xbf16, #tpu.memory_space<vmem_shared>>
    %dma_start3A_62 = arith.constant 0 : i32
    %dma_start3A_63 = tpu.memref_slice %arg17[%add3A_56, %dma_start3A_62] : memref<96768x32xbf16, #tpu.memory_space<vmem_shared>> -> memref<864x32xbf16, #tpu.memory_space<vmem_shared>>
    %dma_start3A_64 = arith.constant 0 : i32
    %dma_start3A_65 = arith.constant 0 : i32
    %dma_start3A_66 = tpu.memref_slice %arg11[%dma_start3A_64, %dma_start3A_65] : memref<864x32xbf16, #tpu.memory_space<vmem>> -> memref<864x32xbf16, #tpu.memory_space<vmem>>
    tpu.enqueue_dma source(%dma_start3A_66 : memref<864x32xbf16, #tpu.memory_space<vmem>>) target(%dma_start3A_63 : memref<864x32xbf16, #tpu.memory_space<vmem_shared>>) target_semaphore(%arg15 : memref<!tpu.dma_semaphore, #tpu.memory_space<semaphore_mem>>)
    %mul3A_67 = arith.constant 6048 : i32
    %mul3A_68 = arith.muli %arg1, %mul3A_67 : i32
    %add3A_69 = arith.constant 4320 : i32
    %add3A_70 = arith.addi %mul3A_68, %add3A_69 : i32
    %dma_start3A_71 = arith.constant 0 : i32
    %dma_start3A_72 = arith.constant 0 : i32
    %dma_start3A_73 = tpu.memref_slice %arg11[%dma_start3A_71, %dma_start3A_72] : memref<864x32xbf16, #tpu.memory_space<vmem>> -> memref<864x32xbf16, #tpu.memory_space<vmem>>
    %dma_start3A_74 = arith.constant 0 : i32
    %dma_start3A_75 = tpu.memref_slice %arg17[%add3A_70, %dma_start3A_74] : memref<96768x32xbf16, #tpu.memory_space<vmem_shared>> -> memref<864x32xbf16, #tpu.memory_space<vmem_shared>>
    %dma_start3A_76 = arith.constant 0 : i32
    %dma_start3A_77 = tpu.memref_slice %arg17[%add3A_70, %dma_start3A_76] : memref<96768x32xbf16, #tpu.memory_space<vmem_shared>> -> memref<864x32xbf16, #tpu.memory_space<vmem_shared>>
    %dma_start3A_78 = arith.constant 0 : i32
    %dma_start3A_79 = arith.constant 0 : i32
    %dma_start3A_80 = tpu.memref_slice %arg11[%dma_start3A_78, %dma_start3A_79] : memref<864x32xbf16, #tpu.memory_space<vmem>> -> memref<864x32xbf16, #tpu.memory_space<vmem>>
    tpu.enqueue_dma source(%dma_start3A_80 : memref<864x32xbf16, #tpu.memory_space<vmem>>) target(%dma_start3A_77 : memref<864x32xbf16, #tpu.memory_space<vmem_shared>>) target_semaphore(%arg15 : memref<!tpu.dma_semaphore, #tpu.memory_space<semaphore_mem>>)
    %mul3A_81 = arith.constant 6048 : i32
    %mul3A_82 = arith.muli %arg1, %mul3A_81 : i32
    %add3A_83 = arith.constant 5184 : i32
    %add3A_84 = arith.addi %mul3A_82, %add3A_83 : i32
    %dma_start3A_85 = arith.constant 0 : i32
    %dma_start3A_86 = arith.constant 0 : i32
    %dma_start3A_87 = tpu.memref_slice %arg11[%dma_start3A_85, %dma_start3A_86] : memref<864x32xbf16, #tpu.memory_space<vmem>> -> memref<864x32xbf16, #tpu.memory_space<vmem>>
    %dma_start3A_88 = arith.constant 0 : i32
    %dma_start3A_89 = tpu.memref_slice %arg17[%add3A_84, %dma_start3A_88] : memref<96768x32xbf16, #tpu.memory_space<vmem_shared>> -> memref<864x32xbf16, #tpu.memory_space<vmem_shared>>
    %dma_start3A_90 = arith.constant 0 : i32
    %dma_start3A_91 = tpu.memref_slice %arg17[%add3A_84, %dma_start3A_90] : memref<96768x32xbf16, #tpu.memory_space<vmem_shared>> -> memref<864x32xbf16, #tpu.memory_space<vmem_shared>>
    %dma_start3A_92 = arith.constant 0 : i32
    %dma_start3A_93 = arith.constant 0 : i32
    %dma_start3A_94 = tpu.memref_slice %arg11[%dma_start3A_92, %dma_start3A_93] : memref<864x32xbf16, #tpu.memory_space<vmem>> -> memref<864x32xbf16, #tpu.memory_space<vmem>>
    tpu.enqueue_dma source(%dma_start3A_94 : memref<864x32xbf16, #tpu.memory_space<vmem>>) target(%dma_start3A_91 : memref<864x32xbf16, #tpu.memory_space<vmem_shared>>) target_semaphore(%arg15 : memref<!tpu.dma_semaphore, #tpu.memory_space<semaphore_mem>>)
    %mul3A_95 = arith.constant 6048 : i32
    %mul3A_96 = arith.muli %arg1, %mul3A_95 : i32
    %add3A_97 = arith.constant 0 : i32
    %add3A_98 = arith.addi %mul3A_96, %add3A_97 : i32
    %dma_wait3A = arith.constant 0 : i32
    %dma_wait3A_99 = arith.constant 0 : i32
    %dma_wait3A_100 = tpu.memref_slice %arg11[%dma_wait3A, %dma_wait3A_99] : memref<864x32xbf16, #tpu.memory_space<vmem>> -> memref<864x32xbf16, #tpu.memory_space<vmem>>
    %dma_wait3A_101 = arith.constant 0 : i32
    %dma_wait3A_102 = tpu.memref_slice %arg17[%add3A_98, %dma_wait3A_101] : memref<96768x32xbf16, #tpu.memory_space<vmem_shared>> -> memref<864x32xbf16, #tpu.memory_space<vmem_shared>>
    %dma_wait3A_103 = arith.constant 0 : i32
    %dma_wait3A_104 = tpu.memref_slice %arg17[%add3A_98, %dma_wait3A_103] : memref<96768x32xbf16, #tpu.memory_space<vmem_shared>> -> memref<864x32xbf16, #tpu.memory_space<vmem_shared>>
    %dma_wait3A_105 = arith.constant 0 : i32
    %dma_wait3A_106 = arith.constant 0 : i32
    %dma_wait3A_107 = tpu.memref_slice %arg11[%dma_wait3A_105, %dma_wait3A_106] : memref<864x32xbf16, #tpu.memory_space<vmem>> -> memref<864x32xbf16, #tpu.memory_space<vmem>>
    tpu.wait_dma2 semaphore(%arg15 : memref<!tpu.dma_semaphore, #tpu.memory_space<semaphore_mem>>) src(%dma_wait3A_107 : memref<864x32xbf16, #tpu.memory_space<vmem>>) dst(%dma_wait3A_104 : memref<864x32xbf16, #tpu.memory_space<vmem_shared>>)
    %mul3A_108 = arith.constant 6048 : i32
    %mul3A_109 = arith.muli %arg1, %mul3A_108 : i32
    %add3A_110 = arith.constant 864 : i32
    %add3A_111 = arith.addi %mul3A_109, %add3A_110 : i32
    %dma_wait3A_112 = arith.constant 0 : i32
    %dma_wait3A_113 = arith.constant 0 : i32
    %dma_wait3A_114 = tpu.memref_slice %arg11[%dma_wait3A_112, %dma_wait3A_113] : memref<864x32xbf16, #tpu.memory_space<vmem>> -> memref<864x32xbf16, #tpu.memory_space<vmem>>
    %dma_wait3A_115 = arith.constant 0 : i32
    %dma_wait3A_116 = tpu.memref_slice %arg17[%add3A_111, %dma_wait3A_115] : memref<96768x32xbf16, #tpu.memory_space<vmem_shared>> -> memref<864x32xbf16, #tpu.memory_space<vmem_shared>>
    %dma_wait3A_117 = arith.constant 0 : i32
    %dma_wait3A_118 = tpu.memref_slice %arg17[%add3A_111, %dma_wait3A_117] : memref<96768x32xbf16, #tpu.memory_space<vmem_shared>> -> memref<864x32xbf16, #tpu.memory_space<vmem_shared>>
    %dma_wait3A_119 = arith.constant 0 : i32
    %dma_wait3A_120 = arith.constant 0 : i32
    %dma_wait3A_121 = tpu.memref_slice %arg11[%dma_wait3A_119, %dma_wait3A_120] : memref<864x32xbf16, #tpu.memory_space<vmem>> -> memref<864x32xbf16, #tpu.memory_space<vmem>>
    tpu.wait_dma2 semaphore(%arg15 : memref<!tpu.dma_semaphore, #tpu.memory_space<semaphore_mem>>) src(%dma_wait3A_121 : memref<864x32xbf16, #tpu.memory_space<vmem>>) dst(%dma_wait3A_118 : memref<864x32xbf16, #tpu.memory_space<vmem_shared>>)
    %mul3A_122 = arith.constant 6048 : i32
    %mul3A_123 = arith.muli %arg1, %mul3A_122 : i32
    %add3A_124 = arith.constant 1728 : i32
    %add3A_125 = arith.addi %mul3A_123, %add3A_124 : i32
    %dma_wait3A_126 = arith.constant 0 : i32
    %dma_wait3A_127 = arith.constant 0 : i32
    %dma_wait3A_128 = tpu.memref_slice %arg11[%dma_wait3A_126, %dma_wait3A_127] : memref<864x32xbf16, #tpu.memory_space<vmem>> -> memref<864x32xbf16, #tpu.memory_space<vmem>>
    %dma_wait3A_129 = arith.constant 0 : i32
    %dma_wait3A_130 = tpu.memref_slice %arg17[%add3A_125, %dma_wait3A_129] : memref<96768x32xbf16, #tpu.memory_space<vmem_shared>> -> memref<864x32xbf16, #tpu.memory_space<vmem_shared>>
    %dma_wait3A_131 = arith.constant 0 : i32
    %dma_wait3A_132 = tpu.memref_slice %arg17[%add3A_125, %dma_wait3A_131] : memref<96768x32xbf16, #tpu.memory_space<vmem_shared>> -> memref<864x32xbf16, #tpu.memory_space<vmem_shared>>
    %dma_wait3A_133 = arith.constant 0 : i32
    %dma_wait3A_134 = arith.constant 0 : i32
    %dma_wait3A_135 = tpu.memref_slice %arg11[%dma_wait3A_133, %dma_wait3A_134] : memref<864x32xbf16, #tpu.memory_space<vmem>> -> memref<864x32xbf16, #tpu.memory_space<vmem>>
    tpu.wait_dma2 semaphore(%arg15 : memref<!tpu.dma_semaphore, #tpu.memory_space<semaphore_mem>>) src(%dma_wait3A_135 : memref<864x32xbf16, #tpu.memory_space<vmem>>) dst(%dma_wait3A_132 : memref<864x32xbf16, #tpu.memory_space<vmem_shared>>)
    %mul3A_136 = arith.constant 6048 : i32
    %mul3A_137 = arith.muli %arg1, %mul3A_136 : i32
    %add3A_138 = arith.constant 2592 : i32
    %add3A_139 = arith.addi %mul3A_137, %add3A_138 : i32
    %dma_wait3A_140 = arith.constant 0 : i32
    %dma_wait3A_141 = arith.constant 0 : i32
    %dma_wait3A_142 = tpu.memref_slice %arg11[%dma_wait3A_140, %dma_wait3A_141] : memref<864x32xbf16, #tpu.memory_space<vmem>> -> memref<864x32xbf16, #tpu.memory_space<vmem>>
    %dma_wait3A_143 = arith.constant 0 : i32
    %dma_wait3A_144 = tpu.memref_slice %arg17[%add3A_139, %dma_wait3A_143] : memref<96768x32xbf16, #tpu.memory_space<vmem_shared>> -> memref<864x32xbf16, #tpu.memory_space<vmem_shared>>
    %dma_wait3A_145 = arith.constant 0 : i32
    %dma_wait3A_146 = tpu.memref_slice %arg17[%add3A_139, %dma_wait3A_145] : memref<96768x32xbf16, #tpu.memory_space<vmem_shared>> -> memref<864x32xbf16, #tpu.memory_space<vmem_shared>>
    %dma_wait3A_147 = arith.constant 0 : i32
    %dma_wait3A_148 = arith.constant 0 : i32
    %dma_wait3A_149 = tpu.memref_slice %arg11[%dma_wait3A_147, %dma_wait3A_148] : memref<864x32xbf16, #tpu.memory_space<vmem>> -> memref<864x32xbf16, #tpu.memory_space<vmem>>
    tpu.wait_dma2 semaphore(%arg15 : memref<!tpu.dma_semaphore, #tpu.memory_space<semaphore_mem>>) src(%dma_wait3A_149 : memref<864x32xbf16, #tpu.memory_space<vmem>>) dst(%dma_wait3A_146 : memref<864x32xbf16, #tpu.memory_space<vmem_shared>>)
    %mul3A_150 = arith.constant 6048 : i32
    %mul3A_151 = arith.muli %arg1, %mul3A_150 : i32
    %add3A_152 = arith.constant 3456 : i32
    %add3A_153 = arith.addi %mul3A_151, %add3A_152 : i32
    %dma_wait3A_154 = arith.constant 0 : i32
    %dma_wait3A_155 = arith.constant 0 : i32
    %dma_wait3A_156 = tpu.memref_slice %arg11[%dma_wait3A_154, %dma_wait3A_155] : memref<864x32xbf16, #tpu.memory_space<vmem>> -> memref<864x32xbf16, #tpu.memory_space<vmem>>
    %dma_wait3A_157 = arith.constant 0 : i32
    %dma_wait3A_158 = tpu.memref_slice %arg17[%add3A_153, %dma_wait3A_157] : memref<96768x32xbf16, #tpu.memory_space<vmem_shared>> -> memref<864x32xbf16, #tpu.memory_space<vmem_shared>>
    %dma_wait3A_159 = arith.constant 0 : i32
    %dma_wait3A_160 = tpu.memref_slice %arg17[%add3A_153, %dma_wait3A_159] : memref<96768x32xbf16, #tpu.memory_space<vmem_shared>> -> memref<864x32xbf16, #tpu.memory_space<vmem_shared>>
    %dma_wait3A_161 = arith.constant 0 : i32
    %dma_wait3A_162 = arith.constant 0 : i32
    %dma_wait3A_163 = tpu.memref_slice %arg11[%dma_wait3A_161, %dma_wait3A_162] : memref<864x32xbf16, #tpu.memory_space<vmem>> -> memref<864x32xbf16, #tpu.memory_space<vmem>>
    tpu.wait_dma2 semaphore(%arg15 : memref<!tpu.dma_semaphore, #tpu.memory_space<semaphore_mem>>) src(%dma_wait3A_163 : memref<864x32xbf16, #tpu.memory_space<vmem>>) dst(%dma_wait3A_160 : memref<864x32xbf16, #tpu.memory_space<vmem_shared>>)
    %mul3A_164 = arith.constant 6048 : i32
    %mul3A_165 = arith.muli %arg1, %mul3A_164 : i32
    %add3A_166 = arith.constant 4320 : i32
    %add3A_167 = arith.addi %mul3A_165, %add3A_166 : i32
    %dma_wait3A_168 = arith.constant 0 : i32
    %dma_wait3A_169 = arith.constant 0 : i32
    %dma_wait3A_170 = tpu.memref_slice %arg11[%dma_wait3A_168, %dma_wait3A_169] : memref<864x32xbf16, #tpu.memory_space<vmem>> -> memref<864x32xbf16, #tpu.memory_space<vmem>>
    %dma_wait3A_171 = arith.constant 0 : i32
    %dma_wait3A_172 = tpu.memref_slice %arg17[%add3A_167, %dma_wait3A_171] : memref<96768x32xbf16, #tpu.memory_space<vmem_shared>> -> memref<864x32xbf16, #tpu.memory_space<vmem_shared>>
    %dma_wait3A_173 = arith.constant 0 : i32
    %dma_wait3A_174 = tpu.memref_slice %arg17[%add3A_167, %dma_wait3A_173] : memref<96768x32xbf16, #tpu.memory_space<vmem_shared>> -> memref<864x32xbf16, #tpu.memory_space<vmem_shared>>
    %dma_wait3A_175 = arith.constant 0 : i32
    %dma_wait3A_176 = arith.constant 0 : i32
    %dma_wait3A_177 = tpu.memref_slice %arg11[%dma_wait3A_175, %dma_wait3A_176] : memref<864x32xbf16, #tpu.memory_space<vmem>> -> memref<864x32xbf16, #tpu.memory_space<vmem>>
    tpu.wait_dma2 semaphore(%arg15 : memref<!tpu.dma_semaphore, #tpu.memory_space<semaphore_mem>>) src(%dma_wait3A_177 : memref<864x32xbf16, #tpu.memory_space<vmem>>) dst(%dma_wait3A_174 : memref<864x32xbf16, #tpu.memory_space<vmem_shared>>)
    %mul3A_178 = arith.constant 6048 : i32
    %mul3A_179 = arith.muli %arg1, %mul3A_178 : i32
    %add3A_180 = arith.constant 5184 : i32
    %add3A_181 = arith.addi %mul3A_179, %add3A_180 : i32
    %dma_wait3A_182 = arith.constant 0 : i32
    %dma_wait3A_183 = arith.constant 0 : i32
    %dma_wait3A_184 = tpu.memref_slice %arg11[%dma_wait3A_182, %dma_wait3A_183] : memref<864x32xbf16, #tpu.memory_space<vmem>> -> memref<864x32xbf16, #tpu.memory_space<vmem>>
    %dma_wait3A_185 = arith.constant 0 : i32
    %dma_wait3A_186 = tpu.memref_slice %arg17[%add3A_181, %dma_wait3A_185] : memref<96768x32xbf16, #tpu.memory_space<vmem_shared>> -> memref<864x32xbf16, #tpu.memory_space<vmem_shared>>
    %dma_wait3A_187 = arith.constant 0 : i32
    %dma_wait3A_188 = tpu.memref_slice %arg17[%add3A_181, %dma_wait3A_187] : memref<96768x32xbf16, #tpu.memory_space<vmem_shared>> -> memref<864x32xbf16, #tpu.memory_space<vmem_shared>>
    %dma_wait3A_189 = arith.constant 0 : i32
    %dma_wait3A_190 = arith.constant 0 : i32
    %dma_wait3A_191 = tpu.memref_slice %arg11[%dma_wait3A_189, %dma_wait3A_190] : memref<864x32xbf16, #tpu.memory_space<vmem>> -> memref<864x32xbf16, #tpu.memory_space<vmem>>
    tpu.wait_dma2 semaphore(%arg15 : memref<!tpu.dma_semaphore, #tpu.memory_space<semaphore_mem>>) src(%dma_wait3A_191 : memref<864x32xbf16, #tpu.memory_space<vmem>>) dst(%dma_wait3A_188 : memref<864x32xbf16, #tpu.memory_space<vmem_shared>>)
    %barrier3A = arith.constant 0 : index
    tpu.barrier barrier_id(%barrier3A)
    %mul3A_192 = arith.constant 96768 : i32
    %mul3A_193 = arith.muli %arg1, %mul3A_192 : i32
    %add3A_194 = arith.constant 0 : i32
    %add3A_195 = arith.addi %mul3A_193, %add3A_194 : i32
    %dma_start3A_196 = tpu.memref_slice %arg2[%add3A_195] : memref<1548288xi32, #tpu.memory_space<hbm>> -> memref<864xi32, #tpu.memory_space<hbm>>
    %dma_start3A_197 = tpu.memref_slice %arg2[%add3A_195] : memref<1548288xi32, #tpu.memory_space<hbm>> -> memref<864xi32, #tpu.memory_space<hbm>>
    tpu.enqueue_dma source(%dma_start3A_197 : memref<864xi32, #tpu.memory_space<hbm>>) target(%arg7 : memref<864xi32, #tpu.memory_space<vmem>>) target_semaphore(%arg13 : memref<!tpu.dma_semaphore, #tpu.memory_space<semaphore_mem>>)
    %dma_start3A_198 = tpu.memref_slice %arg3[%add3A_195] : memref<1548288xi32, #tpu.memory_space<hbm>> -> memref<864xi32, #tpu.memory_space<hbm>>
    %dma_start3A_199 = tpu.memref_slice %arg3[%add3A_195] : memref<1548288xi32, #tpu.memory_space<hbm>> -> memref<864xi32, #tpu.memory_space<hbm>>
    tpu.enqueue_dma source(%dma_start3A_199 : memref<864xi32, #tpu.memory_space<hbm>>) target(%arg9 : memref<864xi32, #tpu.memory_space<vmem>>) target_semaphore(%arg13 : memref<!tpu.dma_semaphore, #tpu.memory_space<semaphore_mem>>)
    %add3A_200 = arith.constant 864 : i32
    %add3A_201 = arith.addi %mul3A_193, %add3A_200 : i32
    %dma_start3A_202 = tpu.memref_slice %arg2[%add3A_201] : memref<1548288xi32, #tpu.memory_space<hbm>> -> memref<864xi32, #tpu.memory_space<hbm>>
    %dma_start3A_203 = tpu.memref_slice %arg2[%add3A_201] : memref<1548288xi32, #tpu.memory_space<hbm>> -> memref<864xi32, #tpu.memory_space<hbm>>
    tpu.enqueue_dma source(%dma_start3A_203 : memref<864xi32, #tpu.memory_space<hbm>>) target(%arg8 : memref<864xi32, #tpu.memory_space<vmem>>) target_semaphore(%arg14 : memref<!tpu.dma_semaphore, #tpu.memory_space<semaphore_mem>>)
    %dma_start3A_204 = tpu.memref_slice %arg3[%add3A_201] : memref<1548288xi32, #tpu.memory_space<hbm>> -> memref<864xi32, #tpu.memory_space<hbm>>
    %dma_start3A_205 = tpu.memref_slice %arg3[%add3A_201] : memref<1548288xi32, #tpu.memory_space<hbm>> -> memref<864xi32, #tpu.memory_space<hbm>>
    tpu.enqueue_dma source(%dma_start3A_205 : memref<864xi32, #tpu.memory_space<hbm>>) target(%arg10 : memref<864xi32, #tpu.memory_space<vmem>>) target_semaphore(%arg14 : memref<!tpu.dma_semaphore, #tpu.memory_space<semaphore_mem>>)
    %add3A_206 = arith.constant 0 : i32
    %add3A_207 = arith.addi %mul3A_193, %add3A_206 : i32
    %dma_wait3A_208 = tpu.memref_slice %arg2[%add3A_207] : memref<1548288xi32, #tpu.memory_space<hbm>> -> memref<864xi32, #tpu.memory_space<hbm>>
    %dma_wait3A_209 = tpu.memref_slice %arg2[%add3A_207] : memref<1548288xi32, #tpu.memory_space<hbm>> -> memref<864xi32, #tpu.memory_space<hbm>>
    tpu.wait_dma2 semaphore(%arg13 : memref<!tpu.dma_semaphore, #tpu.memory_space<semaphore_mem>>) src(%dma_wait3A_209 : memref<864xi32, #tpu.memory_space<hbm>>) dst(%arg7 : memref<864xi32, #tpu.memory_space<vmem>>)
    %dma_wait3A_210 = tpu.memref_slice %arg3[%add3A_207] : memref<1548288xi32, #tpu.memory_space<hbm>> -> memref<864xi32, #tpu.memory_space<hbm>>
    %dma_wait3A_211 = tpu.memref_slice %arg3[%add3A_207] : memref<1548288xi32, #tpu.memory_space<hbm>> -> memref<864xi32, #tpu.memory_space<hbm>>
    tpu.wait_dma2 semaphore(%arg13 : memref<!tpu.dma_semaphore, #tpu.memory_space<semaphore_mem>>) src(%dma_wait3A_211 : memref<864xi32, #tpu.memory_space<hbm>>) dst(%arg9 : memref<864xi32, #tpu.memory_space<vmem>>)
    %dma_start3A_212 = arith.constant 0 : i32
    %dma_start3A_213 = arith.constant 0 : i32
    %dma_start3A_214 = tpu.memref_slice %arg4[%dma_start3A_212, %dma_start3A_213] : memref<96768x32xbf16, #tpu.memory_space<hbm>> -> memref<96768x32xbf16, #tpu.memory_space<hbm>>
    tpu.enqueue_indirect_dma source(%dma_start3A_214 : memref<96768x32xbf16, #tpu.memory_space<hbm>>) target(%arg11 : memref<864x32xbf16, #tpu.memory_space<vmem>>) offsets(%arg7 : memref<864xi32, #tpu.memory_space<vmem>>) semaphore(%arg15 : memref<!tpu.dma_semaphore, #tpu.memory_space<semaphore_mem>>)
    %scan3A = arith.constant 0 : i32
    %scan3A_215 = arith.constant 0 : i32
    %scan3A_216 = arith.constant 56 : i32
    %scan3A_217 = arith.addi %scan3A_215, %scan3A_216 : i32
    %scan3A_218 = arith.constant 1 : i32
    scf.for %scan3A_445 = %scan3A_215 to %scan3A_217 step %scan3A_218  : i32 {
      %mul3A_446 = arith.constant 2 : i32
      %mul3A_447 = arith.muli %scan3A_445, %mul3A_446 : i32
      %add3A_448 = arith.constant 0 : i32
      %add3A_449 = arith.addi %mul3A_447, %add3A_448 : i32
      %add3A_450 = arith.constant 1 : i32
      %add3A_451 = arith.addi %add3A_449, %add3A_450 : i32
      %mul3A_452 = arith.constant 864 : i32
      %mul3A_453 = arith.muli %add3A_451, %mul3A_452 : i32
      %add3A_454 = arith.addi %mul3A_193, %mul3A_453 : i32
      %dma_wait3A_455 = tpu.memref_slice %arg2[%add3A_454] : memref<1548288xi32, #tpu.memory_space<hbm>> -> memref<864xi32, #tpu.memory_space<hbm>>
      %dma_wait3A_456 = tpu.memref_slice %arg2[%add3A_454] : memref<1548288xi32, #tpu.memory_space<hbm>> -> memref<864xi32, #tpu.memory_space<hbm>>
      tpu.wait_dma2 semaphore(%arg14 : memref<!tpu.dma_semaphore, #tpu.memory_space<semaphore_mem>>) src(%dma_wait3A_456 : memref<864xi32, #tpu.memory_space<hbm>>) dst(%arg8 : memref<864xi32, #tpu.memory_space<vmem>>)
      %dma_wait3A_457 = tpu.memref_slice %arg3[%add3A_454] : memref<1548288xi32, #tpu.memory_space<hbm>> -> memref<864xi32, #tpu.memory_space<hbm>>
      %dma_wait3A_458 = tpu.memref_slice %arg3[%add3A_454] : memref<1548288xi32, #tpu.memory_space<hbm>> -> memref<864xi32, #tpu.memory_space<hbm>>
      tpu.wait_dma2 semaphore(%arg14 : memref<!tpu.dma_semaphore, #tpu.memory_space<semaphore_mem>>) src(%dma_wait3A_458 : memref<864xi32, #tpu.memory_space<hbm>>) dst(%arg10 : memref<864xi32, #tpu.memory_space<vmem>>)
      %dma_start3A_459 = arith.constant 0 : i32
      %dma_start3A_460 = arith.constant 0 : i32
      %dma_start3A_461 = tpu.memref_slice %arg4[%dma_start3A_459, %dma_start3A_460] : memref<96768x32xbf16, #tpu.memory_space<hbm>> -> memref<96768x32xbf16, #tpu.memory_space<hbm>>
      tpu.enqueue_indirect_dma source(%dma_start3A_461 : memref<96768x32xbf16, #tpu.memory_space<hbm>>) target(%arg12 : memref<864x32xbf16, #tpu.memory_space<vmem>>) offsets(%arg8 : memref<864xi32, #tpu.memory_space<vmem>>) semaphore(%arg16 : memref<!tpu.dma_semaphore, #tpu.memory_space<semaphore_mem>>)
      %dma_wait3A_462 = arith.constant 0 : i32
      %dma_wait3A_463 = arith.constant 0 : i32
      %dma_wait3A_464 = tpu.memref_slice %arg4[%dma_wait3A_462, %dma_wait3A_463] : memref<96768x32xbf16, #tpu.memory_space<hbm>> -> memref<96768x32xbf16, #tpu.memory_space<hbm>>
      tpu.wait_indirect_dma semaphore(%arg15 : memref<!tpu.dma_semaphore, #tpu.memory_space<semaphore_mem>>) src(%dma_wait3A_464 : memref<96768x32xbf16, #tpu.memory_space<hbm>>) dst(%arg11 : memref<864x32xbf16, #tpu.memory_space<vmem>>)
      "tpu.region"() ({
        %run_scoped3A = tpu.sem_alloc : memref<!tpu.dma_semaphore, #tpu.memory_space<semaphore_mem>>
        %dma_start3A_480 = arith.constant 0 : i32
        %dma_start3A_481 = arith.constant 0 : i32
        %dma_start3A_482 = tpu.memref_slice %arg17[%dma_start3A_480, %dma_start3A_481] : memref<96768x32xbf16, #tpu.memory_space<vmem_shared>> -> memref<96768x32xbf16, #tpu.memory_space<vmem_shared>>
        tpu.enqueue_indirect_dma source(%arg11 : memref<864x32xbf16, #tpu.memory_space<vmem>>) target(%dma_start3A_482 : memref<96768x32xbf16, #tpu.memory_space<vmem_shared>>) offsets(%arg9 : memref<864xi32, #tpu.memory_space<vmem>>) semaphore(%run_scoped3A : memref<!tpu.dma_semaphore, #tpu.memory_space<semaphore_mem>>) {add = true}
        %dma_wait3A_483 = arith.constant 0 : i32
        %dma_wait3A_484 = arith.constant 0 : i32
        %dma_wait3A_485 = tpu.memref_slice %arg17[%dma_wait3A_483, %dma_wait3A_484] : memref<96768x32xbf16, #tpu.memory_space<vmem_shared>> -> memref<96768x32xbf16, #tpu.memory_space<vmem_shared>>
        tpu.wait_indirect_dma semaphore(%run_scoped3A : memref<!tpu.dma_semaphore, #tpu.memory_space<semaphore_mem>>) src(%arg11 : memref<864x32xbf16, #tpu.memory_space<vmem>>) dst(%dma_wait3A_485 : memref<96768x32xbf16, #tpu.memory_space<vmem_shared>>)
        tpu.yield
      }) : () -> ()
      %lt3A = arith.constant 55 : i32
      %lt3A_465 = arith.cmpi slt, %scan3A_445, %lt3A : i32
      %convert_element_type3A = arith.extui %lt3A_465 : i1 to i32
      %cond3A = arith.constant 0 : i32
      %cond3A_466 = arith.cmpi ne, %convert_element_type3A, %cond3A : i32
      scf.if %cond3A_466 {
        %add3A_480 = arith.constant 1 : i32
        %add3A_481 = arith.addi %scan3A_445, %add3A_480 : i32
        %mul3A_482 = arith.constant 2 : i32
        %mul3A_483 = arith.muli %add3A_481, %mul3A_482 : i32
        %add3A_484 = arith.constant 0 : i32
        %add3A_485 = arith.addi %mul3A_483, %add3A_484 : i32
        %mul3A_486 = arith.constant 864 : i32
        %mul3A_487 = arith.muli %add3A_485, %mul3A_486 : i32
        %add3A_488 = arith.addi %mul3A_193, %mul3A_487 : i32
        %dma_start3A_489 = tpu.memref_slice %arg2[%add3A_488] : memref<1548288xi32, #tpu.memory_space<hbm>> -> memref<864xi32, #tpu.memory_space<hbm>>
        %dma_start3A_490 = tpu.memref_slice %arg2[%add3A_488] : memref<1548288xi32, #tpu.memory_space<hbm>> -> memref<864xi32, #tpu.memory_space<hbm>>
        tpu.enqueue_dma source(%dma_start3A_490 : memref<864xi32, #tpu.memory_space<hbm>>) target(%arg7 : memref<864xi32, #tpu.memory_space<vmem>>) target_semaphore(%arg13 : memref<!tpu.dma_semaphore, #tpu.memory_space<semaphore_mem>>)
        %dma_start3A_491 = tpu.memref_slice %arg3[%add3A_488] : memref<1548288xi32, #tpu.memory_space<hbm>> -> memref<864xi32, #tpu.memory_space<hbm>>
        %dma_start3A_492 = tpu.memref_slice %arg3[%add3A_488] : memref<1548288xi32, #tpu.memory_space<hbm>> -> memref<864xi32, #tpu.memory_space<hbm>>
        tpu.enqueue_dma source(%dma_start3A_492 : memref<864xi32, #tpu.memory_space<hbm>>) target(%arg9 : memref<864xi32, #tpu.memory_space<vmem>>) target_semaphore(%arg13 : memref<!tpu.dma_semaphore, #tpu.memory_space<semaphore_mem>>)
      } else {
      }
      %lt3A_467 = arith.constant 55 : i32
      %lt3A_468 = arith.cmpi slt, %scan3A_445, %lt3A_467 : i32
      %convert_element_type3A_469 = arith.extui %lt3A_468 : i1 to i32
      %cond3A_470 = arith.constant 0 : i32
      %cond3A_471 = arith.cmpi ne, %convert_element_type3A_469, %cond3A_470 : i32
      scf.if %cond3A_471 {
        %mul3A_480 = arith.constant 2 : i32
        %mul3A_481 = arith.muli %scan3A_445, %mul3A_480 : i32
        %add3A_482 = arith.constant 1 : i32
        %add3A_483 = arith.addi %mul3A_481, %add3A_482 : i32
        %add3A_484 = arith.constant 1 : i32
        %add3A_485 = arith.addi %add3A_483, %add3A_484 : i32
        %mul3A_486 = arith.constant 864 : i32
        %mul3A_487 = arith.muli %add3A_485, %mul3A_486 : i32
        %add3A_488 = arith.addi %mul3A_193, %mul3A_487 : i32
        %dma_wait3A_489 = tpu.memref_slice %arg2[%add3A_488] : memref<1548288xi32, #tpu.memory_space<hbm>> -> memref<864xi32, #tpu.memory_space<hbm>>
        %dma_wait3A_490 = tpu.memref_slice %arg2[%add3A_488] : memref<1548288xi32, #tpu.memory_space<hbm>> -> memref<864xi32, #tpu.memory_space<hbm>>
        tpu.wait_dma2 semaphore(%arg13 : memref<!tpu.dma_semaphore, #tpu.memory_space<semaphore_mem>>) src(%dma_wait3A_490 : memref<864xi32, #tpu.memory_space<hbm>>) dst(%arg7 : memref<864xi32, #tpu.memory_space<vmem>>)
        %dma_wait3A_491 = tpu.memref_slice %arg3[%add3A_488] : memref<1548288xi32, #tpu.memory_space<hbm>> -> memref<864xi32, #tpu.memory_space<hbm>>
        %dma_wait3A_492 = tpu.memref_slice %arg3[%add3A_488] : memref<1548288xi32, #tpu.memory_space<hbm>> -> memref<864xi32, #tpu.memory_space<hbm>>
        tpu.wait_dma2 semaphore(%arg13 : memref<!tpu.dma_semaphore, #tpu.memory_space<semaphore_mem>>) src(%dma_wait3A_492 : memref<864xi32, #tpu.memory_space<hbm>>) dst(%arg9 : memref<864xi32, #tpu.memory_space<vmem>>)
        %dma_start3A_493 = arith.constant 0 : i32
        %dma_start3A_494 = arith.constant 0 : i32
        %dma_start3A_495 = tpu.memref_slice %arg4[%dma_start3A_493, %dma_start3A_494] : memref<96768x32xbf16, #tpu.memory_space<hbm>> -> memref<96768x32xbf16, #tpu.memory_space<hbm>>
        tpu.enqueue_indirect_dma source(%dma_start3A_495 : memref<96768x32xbf16, #tpu.memory_space<hbm>>) target(%arg11 : memref<864x32xbf16, #tpu.memory_space<vmem>>) offsets(%arg7 : memref<864xi32, #tpu.memory_space<vmem>>) semaphore(%arg15 : memref<!tpu.dma_semaphore, #tpu.memory_space<semaphore_mem>>)
      } else {
      }
      %dma_wait3A_472 = arith.constant 0 : i32
      %dma_wait3A_473 = arith.constant 0 : i32
      %dma_wait3A_474 = tpu.memref_slice %arg4[%dma_wait3A_472, %dma_wait3A_473] : memref<96768x32xbf16, #tpu.memory_space<hbm>> -> memref<96768x32xbf16, #tpu.memory_space<hbm>>
      tpu.wait_indirect_dma semaphore(%arg16 : memref<!tpu.dma_semaphore, #tpu.memory_space<semaphore_mem>>) src(%dma_wait3A_474 : memref<96768x32xbf16, #tpu.memory_space<hbm>>) dst(%arg12 : memref<864x32xbf16, #tpu.memory_space<vmem>>)
      "tpu.region"() ({
        %run_scoped3A = tpu.sem_alloc : memref<!tpu.dma_semaphore, #tpu.memory_space<semaphore_mem>>
        %dma_start3A_480 = arith.constant 0 : i32
        %dma_start3A_481 = arith.constant 0 : i32
        %dma_start3A_482 = tpu.memref_slice %arg17[%dma_start3A_480, %dma_start3A_481] : memref<96768x32xbf16, #tpu.memory_space<vmem_shared>> -> memref<96768x32xbf16, #tpu.memory_space<vmem_shared>>
        tpu.enqueue_indirect_dma source(%arg12 : memref<864x32xbf16, #tpu.memory_space<vmem>>) target(%dma_start3A_482 : memref<96768x32xbf16, #tpu.memory_space<vmem_shared>>) offsets(%arg10 : memref<864xi32, #tpu.memory_space<vmem>>) semaphore(%run_scoped3A : memref<!tpu.dma_semaphore, #tpu.memory_space<semaphore_mem>>) {add = true}
        %dma_wait3A_483 = arith.constant 0 : i32
        %dma_wait3A_484 = arith.constant 0 : i32
        %dma_wait3A_485 = tpu.memref_slice %arg17[%dma_wait3A_483, %dma_wait3A_484] : memref<96768x32xbf16, #tpu.memory_space<vmem_shared>> -> memref<96768x32xbf16, #tpu.memory_space<vmem_shared>>
        tpu.wait_indirect_dma semaphore(%run_scoped3A : memref<!tpu.dma_semaphore, #tpu.memory_space<semaphore_mem>>) src(%arg12 : memref<864x32xbf16, #tpu.memory_space<vmem>>) dst(%dma_wait3A_485 : memref<96768x32xbf16, #tpu.memory_space<vmem_shared>>)
        tpu.yield
      }) : () -> ()
      %lt3A_475 = arith.constant 55 : i32
      %lt3A_476 = arith.cmpi slt, %scan3A_445, %lt3A_475 : i32
      %convert_element_type3A_477 = arith.extui %lt3A_476 : i1 to i32
      %cond3A_478 = arith.constant 0 : i32
      %cond3A_479 = arith.cmpi ne, %convert_element_type3A_477, %cond3A_478 : i32
      scf.if %cond3A_479 {
        %add3A_480 = arith.constant 1 : i32
        %add3A_481 = arith.addi %scan3A_445, %add3A_480 : i32
        %mul3A_482 = arith.constant 2 : i32
        %mul3A_483 = arith.muli %add3A_481, %mul3A_482 : i32
        %add3A_484 = arith.constant 1 : i32
        %add3A_485 = arith.addi %mul3A_483, %add3A_484 : i32
        %mul3A_486 = arith.constant 864 : i32
        %mul3A_487 = arith.muli %add3A_485, %mul3A_486 : i32
        %add3A_488 = arith.addi %mul3A_193, %mul3A_487 : i32
        %dma_start3A_489 = tpu.memref_slice %arg2[%add3A_488] : memref<1548288xi32, #tpu.memory_space<hbm>> -> memref<864xi32, #tpu.memory_space<hbm>>
        %dma_start3A_490 = tpu.memref_slice %arg2[%add3A_488] : memref<1548288xi32, #tpu.memory_space<hbm>> -> memref<864xi32, #tpu.memory_space<hbm>>
        tpu.enqueue_dma source(%dma_start3A_490 : memref<864xi32, #tpu.memory_space<hbm>>) target(%arg8 : memref<864xi32, #tpu.memory_space<vmem>>) target_semaphore(%arg14 : memref<!tpu.dma_semaphore, #tpu.memory_space<semaphore_mem>>)
        %dma_start3A_491 = tpu.memref_slice %arg3[%add3A_488] : memref<1548288xi32, #tpu.memory_space<hbm>> -> memref<864xi32, #tpu.memory_space<hbm>>
        %dma_start3A_492 = tpu.memref_slice %arg3[%add3A_488] : memref<1548288xi32, #tpu.memory_space<hbm>> -> memref<864xi32, #tpu.memory_space<hbm>>
        tpu.enqueue_dma source(%dma_start3A_492 : memref<864xi32, #tpu.memory_space<hbm>>) target(%arg10 : memref<864xi32, #tpu.memory_space<vmem>>) target_semaphore(%arg14 : memref<!tpu.dma_semaphore, #tpu.memory_space<semaphore_mem>>)
      } else {
      }
    }
    %scan3A_219 = arith.constant 56 : i32
    %barrier3A_220 = arith.constant 0 : index
    tpu.barrier barrier_id(%barrier3A_220)
    %mul3A_221 = arith.constant 6048 : i32
    %mul3A_222 = arith.muli %arg1, %mul3A_221 : i32
    %add3A_223 = arith.constant 0 : i32
    %add3A_224 = arith.addi %mul3A_222, %add3A_223 : i32
    %dma_start3A_225 = arith.constant 0 : i32
    %dma_start3A_226 = tpu.memref_slice %arg17[%add3A_224, %dma_start3A_225] : memref<96768x32xbf16, #tpu.memory_space<vmem_shared>> -> memref<864x32xbf16, #tpu.memory_space<vmem_shared>>
    %dma_start3A_227 = arith.constant 0 : i32
    %dma_start3A_228 = tpu.memref_slice %arg17[%add3A_224, %dma_start3A_227] : memref<96768x32xbf16, #tpu.memory_space<vmem_shared>> -> memref<864x32xbf16, #tpu.memory_space<vmem_shared>>
    tpu.enqueue_dma source(%dma_start3A_228 : memref<864x32xbf16, #tpu.memory_space<vmem_shared>>) target(%arg11 : memref<864x32xbf16, #tpu.memory_space<vmem>>) target_semaphore(%arg15 : memref<!tpu.dma_semaphore, #tpu.memory_space<semaphore_mem>>)
    %mul3A_229 = arith.constant 6048 : i32
    %mul3A_230 = arith.muli %arg1, %mul3A_229 : i32
    %add3A_231 = arith.constant 864 : i32
    %add3A_232 = arith.addi %mul3A_230, %add3A_231 : i32
    %dma_start3A_233 = arith.constant 0 : i32
    %dma_start3A_234 = tpu.memref_slice %arg17[%add3A_232, %dma_start3A_233] : memref<96768x32xbf16, #tpu.memory_space<vmem_shared>> -> memref<864x32xbf16, #tpu.memory_space<vmem_shared>>
    %dma_start3A_235 = arith.constant 0 : i32
    %dma_start3A_236 = tpu.memref_slice %arg17[%add3A_232, %dma_start3A_235] : memref<96768x32xbf16, #tpu.memory_space<vmem_shared>> -> memref<864x32xbf16, #tpu.memory_space<vmem_shared>>
    tpu.enqueue_dma source(%dma_start3A_236 : memref<864x32xbf16, #tpu.memory_space<vmem_shared>>) target(%arg12 : memref<864x32xbf16, #tpu.memory_space<vmem>>) target_semaphore(%arg16 : memref<!tpu.dma_semaphore, #tpu.memory_space<semaphore_mem>>)
    %mul3A_237 = arith.constant 6048 : i32
    %mul3A_238 = arith.muli %arg1, %mul3A_237 : i32
    %add3A_239 = arith.constant 0 : i32
    %add3A_240 = arith.addi %mul3A_238, %add3A_239 : i32
    %dma_wait3A_241 = arith.constant 0 : i32
    %dma_wait3A_242 = tpu.memref_slice %arg17[%add3A_240, %dma_wait3A_241] : memref<96768x32xbf16, #tpu.memory_space<vmem_shared>> -> memref<864x32xbf16, #tpu.memory_space<vmem_shared>>
    %dma_wait3A_243 = arith.constant 0 : i32
    %dma_wait3A_244 = tpu.memref_slice %arg17[%add3A_240, %dma_wait3A_243] : memref<96768x32xbf16, #tpu.memory_space<vmem_shared>> -> memref<864x32xbf16, #tpu.memory_space<vmem_shared>>
    tpu.wait_dma2 semaphore(%arg15 : memref<!tpu.dma_semaphore, #tpu.memory_space<semaphore_mem>>) src(%dma_wait3A_244 : memref<864x32xbf16, #tpu.memory_space<vmem_shared>>) dst(%arg11 : memref<864x32xbf16, #tpu.memory_space<vmem>>)
    %mul3A_245 = arith.constant 6048 : i32
    %mul3A_246 = arith.muli %arg1, %mul3A_245 : i32
    %add3A_247 = arith.constant 0 : i32
    %add3A_248 = arith.addi %mul3A_246, %add3A_247 : i32
    %dma_start3A_249 = arith.constant 0 : i32
    %dma_start3A_250 = tpu.memref_slice %arg6[%add3A_248, %dma_start3A_249] : memref<96768x32xbf16, #tpu.memory_space<hbm>> -> memref<864x32xbf16, #tpu.memory_space<hbm>>
    %dma_start3A_251 = arith.constant 0 : i32
    %dma_start3A_252 = tpu.memref_slice %arg6[%add3A_248, %dma_start3A_251] : memref<96768x32xbf16, #tpu.memory_space<hbm>> -> memref<864x32xbf16, #tpu.memory_space<hbm>>
    tpu.enqueue_dma source(%arg11 : memref<864x32xbf16, #tpu.memory_space<vmem>>) target(%dma_start3A_252 : memref<864x32xbf16, #tpu.memory_space<hbm>>) target_semaphore(%arg13 : memref<!tpu.dma_semaphore, #tpu.memory_space<semaphore_mem>>)
    %mul3A_253 = arith.constant 6048 : i32
    %mul3A_254 = arith.muli %arg1, %mul3A_253 : i32
    %add3A_255 = arith.constant 0 : i32
    %add3A_256 = arith.addi %mul3A_254, %add3A_255 : i32
    %dma_wait3A_257 = arith.constant 0 : i32
    %dma_wait3A_258 = tpu.memref_slice %arg6[%add3A_256, %dma_wait3A_257] : memref<96768x32xbf16, #tpu.memory_space<hbm>> -> memref<864x32xbf16, #tpu.memory_space<hbm>>
    %dma_wait3A_259 = arith.constant 0 : i32
    %dma_wait3A_260 = tpu.memref_slice %arg6[%add3A_256, %dma_wait3A_259] : memref<96768x32xbf16, #tpu.memory_space<hbm>> -> memref<864x32xbf16, #tpu.memory_space<hbm>>
    tpu.wait_dma2 semaphore(%arg13 : memref<!tpu.dma_semaphore, #tpu.memory_space<semaphore_mem>>) src(%arg11 : memref<864x32xbf16, #tpu.memory_space<vmem>>) dst(%dma_wait3A_260 : memref<864x32xbf16, #tpu.memory_space<hbm>>)
    %mul3A_261 = arith.constant 6048 : i32
    %mul3A_262 = arith.muli %arg1, %mul3A_261 : i32
    %add3A_263 = arith.constant 1728 : i32
    %add3A_264 = arith.addi %mul3A_262, %add3A_263 : i32
    %dma_start3A_265 = arith.constant 0 : i32
    %dma_start3A_266 = tpu.memref_slice %arg17[%add3A_264, %dma_start3A_265] : memref<96768x32xbf16, #tpu.memory_space<vmem_shared>> -> memref<864x32xbf16, #tpu.memory_space<vmem_shared>>
    %dma_start3A_267 = arith.constant 0 : i32
    %dma_start3A_268 = tpu.memref_slice %arg17[%add3A_264, %dma_start3A_267] : memref<96768x32xbf16, #tpu.memory_space<vmem_shared>> -> memref<864x32xbf16, #tpu.memory_space<vmem_shared>>
    tpu.enqueue_dma source(%dma_start3A_268 : memref<864x32xbf16, #tpu.memory_space<vmem_shared>>) target(%arg11 : memref<864x32xbf16, #tpu.memory_space<vmem>>) target_semaphore(%arg15 : memref<!tpu.dma_semaphore, #tpu.memory_space<semaphore_mem>>)
    %mul3A_269 = arith.constant 6048 : i32
    %mul3A_270 = arith.muli %arg1, %mul3A_269 : i32
    %add3A_271 = arith.constant 864 : i32
    %add3A_272 = arith.addi %mul3A_270, %add3A_271 : i32
    %dma_wait3A_273 = arith.constant 0 : i32
    %dma_wait3A_274 = tpu.memref_slice %arg17[%add3A_272, %dma_wait3A_273] : memref<96768x32xbf16, #tpu.memory_space<vmem_shared>> -> memref<864x32xbf16, #tpu.memory_space<vmem_shared>>
    %dma_wait3A_275 = arith.constant 0 : i32
    %dma_wait3A_276 = tpu.memref_slice %arg17[%add3A_272, %dma_wait3A_275] : memref<96768x32xbf16, #tpu.memory_space<vmem_shared>> -> memref<864x32xbf16, #tpu.memory_space<vmem_shared>>
    tpu.wait_dma2 semaphore(%arg16 : memref<!tpu.dma_semaphore, #tpu.memory_space<semaphore_mem>>) src(%dma_wait3A_276 : memref<864x32xbf16, #tpu.memory_space<vmem_shared>>) dst(%arg12 : memref<864x32xbf16, #tpu.memory_space<vmem>>)
    %mul3A_277 = arith.constant 6048 : i32
    %mul3A_278 = arith.muli %arg1, %mul3A_277 : i32
    %add3A_279 = arith.constant 864 : i32
    %add3A_280 = arith.addi %mul3A_278, %add3A_279 : i32
    %dma_start3A_281 = arith.constant 0 : i32
    %dma_start3A_282 = tpu.memref_slice %arg6[%add3A_280, %dma_start3A_281] : memref<96768x32xbf16, #tpu.memory_space<hbm>> -> memref<864x32xbf16, #tpu.memory_space<hbm>>
    %dma_start3A_283 = arith.constant 0 : i32
    %dma_start3A_284 = tpu.memref_slice %arg6[%add3A_280, %dma_start3A_283] : memref<96768x32xbf16, #tpu.memory_space<hbm>> -> memref<864x32xbf16, #tpu.memory_space<hbm>>
    tpu.enqueue_dma source(%arg12 : memref<864x32xbf16, #tpu.memory_space<vmem>>) target(%dma_start3A_284 : memref<864x32xbf16, #tpu.memory_space<hbm>>) target_semaphore(%arg14 : memref<!tpu.dma_semaphore, #tpu.memory_space<semaphore_mem>>)
    %mul3A_285 = arith.constant 6048 : i32
    %mul3A_286 = arith.muli %arg1, %mul3A_285 : i32
    %add3A_287 = arith.constant 864 : i32
    %add3A_288 = arith.addi %mul3A_286, %add3A_287 : i32
    %dma_wait3A_289 = arith.constant 0 : i32
    %dma_wait3A_290 = tpu.memref_slice %arg6[%add3A_288, %dma_wait3A_289] : memref<96768x32xbf16, #tpu.memory_space<hbm>> -> memref<864x32xbf16, #tpu.memory_space<hbm>>
    %dma_wait3A_291 = arith.constant 0 : i32
    %dma_wait3A_292 = tpu.memref_slice %arg6[%add3A_288, %dma_wait3A_291] : memref<96768x32xbf16, #tpu.memory_space<hbm>> -> memref<864x32xbf16, #tpu.memory_space<hbm>>
    tpu.wait_dma2 semaphore(%arg14 : memref<!tpu.dma_semaphore, #tpu.memory_space<semaphore_mem>>) src(%arg12 : memref<864x32xbf16, #tpu.memory_space<vmem>>) dst(%dma_wait3A_292 : memref<864x32xbf16, #tpu.memory_space<hbm>>)
    %mul3A_293 = arith.constant 6048 : i32
    %mul3A_294 = arith.muli %arg1, %mul3A_293 : i32
    %add3A_295 = arith.constant 2592 : i32
    %add3A_296 = arith.addi %mul3A_294, %add3A_295 : i32
    %dma_start3A_297 = arith.constant 0 : i32
    %dma_start3A_298 = tpu.memref_slice %arg17[%add3A_296, %dma_start3A_297] : memref<96768x32xbf16, #tpu.memory_space<vmem_shared>> -> memref<864x32xbf16, #tpu.memory_space<vmem_shared>>
    %dma_start3A_299 = arith.constant 0 : i32
    %dma_start3A_300 = tpu.memref_slice %arg17[%add3A_296, %dma_start3A_299] : memref<96768x32xbf16, #tpu.memory_space<vmem_shared>> -> memref<864x32xbf16, #tpu.memory_space<vmem_shared>>
    tpu.enqueue_dma source(%dma_start3A_300 : memref<864x32xbf16, #tpu.memory_space<vmem_shared>>) target(%arg12 : memref<864x32xbf16, #tpu.memory_space<vmem>>) target_semaphore(%arg16 : memref<!tpu.dma_semaphore, #tpu.memory_space<semaphore_mem>>)
    %mul3A_301 = arith.constant 6048 : i32
    %mul3A_302 = arith.muli %arg1, %mul3A_301 : i32
    %add3A_303 = arith.constant 1728 : i32
    %add3A_304 = arith.addi %mul3A_302, %add3A_303 : i32
    %dma_wait3A_305 = arith.constant 0 : i32
    %dma_wait3A_306 = tpu.memref_slice %arg17[%add3A_304, %dma_wait3A_305] : memref<96768x32xbf16, #tpu.memory_space<vmem_shared>> -> memref<864x32xbf16, #tpu.memory_space<vmem_shared>>
    %dma_wait3A_307 = arith.constant 0 : i32
    %dma_wait3A_308 = tpu.memref_slice %arg17[%add3A_304, %dma_wait3A_307] : memref<96768x32xbf16, #tpu.memory_space<vmem_shared>> -> memref<864x32xbf16, #tpu.memory_space<vmem_shared>>
    tpu.wait_dma2 semaphore(%arg15 : memref<!tpu.dma_semaphore, #tpu.memory_space<semaphore_mem>>) src(%dma_wait3A_308 : memref<864x32xbf16, #tpu.memory_space<vmem_shared>>) dst(%arg11 : memref<864x32xbf16, #tpu.memory_space<vmem>>)
    %mul3A_309 = arith.constant 6048 : i32
    %mul3A_310 = arith.muli %arg1, %mul3A_309 : i32
    %add3A_311 = arith.constant 1728 : i32
    %add3A_312 = arith.addi %mul3A_310, %add3A_311 : i32
    %dma_start3A_313 = arith.constant 0 : i32
    %dma_start3A_314 = tpu.memref_slice %arg6[%add3A_312, %dma_start3A_313] : memref<96768x32xbf16, #tpu.memory_space<hbm>> -> memref<864x32xbf16, #tpu.memory_space<hbm>>
    %dma_start3A_315 = arith.constant 0 : i32
    %dma_start3A_316 = tpu.memref_slice %arg6[%add3A_312, %dma_start3A_315] : memref<96768x32xbf16, #tpu.memory_space<hbm>> -> memref<864x32xbf16, #tpu.memory_space<hbm>>
    tpu.enqueue_dma source(%arg11 : memref<864x32xbf16, #tpu.memory_space<vmem>>) target(%dma_start3A_316 : memref<864x32xbf16, #tpu.memory_space<hbm>>) target_semaphore(%arg13 : memref<!tpu.dma_semaphore, #tpu.memory_space<semaphore_mem>>)
    %mul3A_317 = arith.constant 6048 : i32
    %mul3A_318 = arith.muli %arg1, %mul3A_317 : i32
    %add3A_319 = arith.constant 1728 : i32
    %add3A_320 = arith.addi %mul3A_318, %add3A_319 : i32
    %dma_wait3A_321 = arith.constant 0 : i32
    %dma_wait3A_322 = tpu.memref_slice %arg6[%add3A_320, %dma_wait3A_321] : memref<96768x32xbf16, #tpu.memory_space<hbm>> -> memref<864x32xbf16, #tpu.memory_space<hbm>>
    %dma_wait3A_323 = arith.constant 0 : i32
    %dma_wait3A_324 = tpu.memref_slice %arg6[%add3A_320, %dma_wait3A_323] : memref<96768x32xbf16, #tpu.memory_space<hbm>> -> memref<864x32xbf16, #tpu.memory_space<hbm>>
    tpu.wait_dma2 semaphore(%arg13 : memref<!tpu.dma_semaphore, #tpu.memory_space<semaphore_mem>>) src(%arg11 : memref<864x32xbf16, #tpu.memory_space<vmem>>) dst(%dma_wait3A_324 : memref<864x32xbf16, #tpu.memory_space<hbm>>)
    %mul3A_325 = arith.constant 6048 : i32
    %mul3A_326 = arith.muli %arg1, %mul3A_325 : i32
    %add3A_327 = arith.constant 3456 : i32
    %add3A_328 = arith.addi %mul3A_326, %add3A_327 : i32
    %dma_start3A_329 = arith.constant 0 : i32
    %dma_start3A_330 = tpu.memref_slice %arg17[%add3A_328, %dma_start3A_329] : memref<96768x32xbf16, #tpu.memory_space<vmem_shared>> -> memref<864x32xbf16, #tpu.memory_space<vmem_shared>>
    %dma_start3A_331 = arith.constant 0 : i32
    %dma_start3A_332 = tpu.memref_slice %arg17[%add3A_328, %dma_start3A_331] : memref<96768x32xbf16, #tpu.memory_space<vmem_shared>> -> memref<864x32xbf16, #tpu.memory_space<vmem_shared>>
    tpu.enqueue_dma source(%dma_start3A_332 : memref<864x32xbf16, #tpu.memory_space<vmem_shared>>) target(%arg11 : memref<864x32xbf16, #tpu.memory_space<vmem>>) target_semaphore(%arg15 : memref<!tpu.dma_semaphore, #tpu.memory_space<semaphore_mem>>)
    %mul3A_333 = arith.constant 6048 : i32
    %mul3A_334 = arith.muli %arg1, %mul3A_333 : i32
    %add3A_335 = arith.constant 2592 : i32
    %add3A_336 = arith.addi %mul3A_334, %add3A_335 : i32
    %dma_wait3A_337 = arith.constant 0 : i32
    %dma_wait3A_338 = tpu.memref_slice %arg17[%add3A_336, %dma_wait3A_337] : memref<96768x32xbf16, #tpu.memory_space<vmem_shared>> -> memref<864x32xbf16, #tpu.memory_space<vmem_shared>>
    %dma_wait3A_339 = arith.constant 0 : i32
    %dma_wait3A_340 = tpu.memref_slice %arg17[%add3A_336, %dma_wait3A_339] : memref<96768x32xbf16, #tpu.memory_space<vmem_shared>> -> memref<864x32xbf16, #tpu.memory_space<vmem_shared>>
    tpu.wait_dma2 semaphore(%arg16 : memref<!tpu.dma_semaphore, #tpu.memory_space<semaphore_mem>>) src(%dma_wait3A_340 : memref<864x32xbf16, #tpu.memory_space<vmem_shared>>) dst(%arg12 : memref<864x32xbf16, #tpu.memory_space<vmem>>)
    %mul3A_341 = arith.constant 6048 : i32
    %mul3A_342 = arith.muli %arg1, %mul3A_341 : i32
    %add3A_343 = arith.constant 2592 : i32
    %add3A_344 = arith.addi %mul3A_342, %add3A_343 : i32
    %dma_start3A_345 = arith.constant 0 : i32
    %dma_start3A_346 = tpu.memref_slice %arg6[%add3A_344, %dma_start3A_345] : memref<96768x32xbf16, #tpu.memory_space<hbm>> -> memref<864x32xbf16, #tpu.memory_space<hbm>>
    %dma_start3A_347 = arith.constant 0 : i32
    %dma_start3A_348 = tpu.memref_slice %arg6[%add3A_344, %dma_start3A_347] : memref<96768x32xbf16, #tpu.memory_space<hbm>> -> memref<864x32xbf16, #tpu.memory_space<hbm>>
    tpu.enqueue_dma source(%arg12 : memref<864x32xbf16, #tpu.memory_space<vmem>>) target(%dma_start3A_348 : memref<864x32xbf16, #tpu.memory_space<hbm>>) target_semaphore(%arg14 : memref<!tpu.dma_semaphore, #tpu.memory_space<semaphore_mem>>)
    %mul3A_349 = arith.constant 6048 : i32
    %mul3A_350 = arith.muli %arg1, %mul3A_349 : i32
    %add3A_351 = arith.constant 2592 : i32
    %add3A_352 = arith.addi %mul3A_350, %add3A_351 : i32
    %dma_wait3A_353 = arith.constant 0 : i32
    %dma_wait3A_354 = tpu.memref_slice %arg6[%add3A_352, %dma_wait3A_353] : memref<96768x32xbf16, #tpu.memory_space<hbm>> -> memref<864x32xbf16, #tpu.memory_space<hbm>>
    %dma_wait3A_355 = arith.constant 0 : i32
    %dma_wait3A_356 = tpu.memref_slice %arg6[%add3A_352, %dma_wait3A_355] : memref<96768x32xbf16, #tpu.memory_space<hbm>> -> memref<864x32xbf16, #tpu.memory_space<hbm>>
    tpu.wait_dma2 semaphore(%arg14 : memref<!tpu.dma_semaphore, #tpu.memory_space<semaphore_mem>>) src(%arg12 : memref<864x32xbf16, #tpu.memory_space<vmem>>) dst(%dma_wait3A_356 : memref<864x32xbf16, #tpu.memory_space<hbm>>)
    %mul3A_357 = arith.constant 6048 : i32
    %mul3A_358 = arith.muli %arg1, %mul3A_357 : i32
    %add3A_359 = arith.constant 4320 : i32
    %add3A_360 = arith.addi %mul3A_358, %add3A_359 : i32
    %dma_start3A_361 = arith.constant 0 : i32
    %dma_start3A_362 = tpu.memref_slice %arg17[%add3A_360, %dma_start3A_361] : memref<96768x32xbf16, #tpu.memory_space<vmem_shared>> -> memref<864x32xbf16, #tpu.memory_space<vmem_shared>>
    %dma_start3A_363 = arith.constant 0 : i32
    %dma_start3A_364 = tpu.memref_slice %arg17[%add3A_360, %dma_start3A_363] : memref<96768x32xbf16, #tpu.memory_space<vmem_shared>> -> memref<864x32xbf16, #tpu.memory_space<vmem_shared>>
    tpu.enqueue_dma source(%dma_start3A_364 : memref<864x32xbf16, #tpu.memory_space<vmem_shared>>) target(%arg12 : memref<864x32xbf16, #tpu.memory_space<vmem>>) target_semaphore(%arg16 : memref<!tpu.dma_semaphore, #tpu.memory_space<semaphore_mem>>)
    %mul3A_365 = arith.constant 6048 : i32
    %mul3A_366 = arith.muli %arg1, %mul3A_365 : i32
    %add3A_367 = arith.constant 3456 : i32
    %add3A_368 = arith.addi %mul3A_366, %add3A_367 : i32
    %dma_wait3A_369 = arith.constant 0 : i32
    %dma_wait3A_370 = tpu.memref_slice %arg17[%add3A_368, %dma_wait3A_369] : memref<96768x32xbf16, #tpu.memory_space<vmem_shared>> -> memref<864x32xbf16, #tpu.memory_space<vmem_shared>>
    %dma_wait3A_371 = arith.constant 0 : i32
    %dma_wait3A_372 = tpu.memref_slice %arg17[%add3A_368, %dma_wait3A_371] : memref<96768x32xbf16, #tpu.memory_space<vmem_shared>> -> memref<864x32xbf16, #tpu.memory_space<vmem_shared>>
    tpu.wait_dma2 semaphore(%arg15 : memref<!tpu.dma_semaphore, #tpu.memory_space<semaphore_mem>>) src(%dma_wait3A_372 : memref<864x32xbf16, #tpu.memory_space<vmem_shared>>) dst(%arg11 : memref<864x32xbf16, #tpu.memory_space<vmem>>)
    %mul3A_373 = arith.constant 6048 : i32
    %mul3A_374 = arith.muli %arg1, %mul3A_373 : i32
    %add3A_375 = arith.constant 3456 : i32
    %add3A_376 = arith.addi %mul3A_374, %add3A_375 : i32
    %dma_start3A_377 = arith.constant 0 : i32
    %dma_start3A_378 = tpu.memref_slice %arg6[%add3A_376, %dma_start3A_377] : memref<96768x32xbf16, #tpu.memory_space<hbm>> -> memref<864x32xbf16, #tpu.memory_space<hbm>>
    %dma_start3A_379 = arith.constant 0 : i32
    %dma_start3A_380 = tpu.memref_slice %arg6[%add3A_376, %dma_start3A_379] : memref<96768x32xbf16, #tpu.memory_space<hbm>> -> memref<864x32xbf16, #tpu.memory_space<hbm>>
    tpu.enqueue_dma source(%arg11 : memref<864x32xbf16, #tpu.memory_space<vmem>>) target(%dma_start3A_380 : memref<864x32xbf16, #tpu.memory_space<hbm>>) target_semaphore(%arg13 : memref<!tpu.dma_semaphore, #tpu.memory_space<semaphore_mem>>)
    %mul3A_381 = arith.constant 6048 : i32
    %mul3A_382 = arith.muli %arg1, %mul3A_381 : i32
    %add3A_383 = arith.constant 3456 : i32
    %add3A_384 = arith.addi %mul3A_382, %add3A_383 : i32
    %dma_wait3A_385 = arith.constant 0 : i32
    %dma_wait3A_386 = tpu.memref_slice %arg6[%add3A_384, %dma_wait3A_385] : memref<96768x32xbf16, #tpu.memory_space<hbm>> -> memref<864x32xbf16, #tpu.memory_space<hbm>>
    %dma_wait3A_387 = arith.constant 0 : i32
    %dma_wait3A_388 = tpu.memref_slice %arg6[%add3A_384, %dma_wait3A_387] : memref<96768x32xbf16, #tpu.memory_space<hbm>> -> memref<864x32xbf16, #tpu.memory_space<hbm>>
    tpu.wait_dma2 semaphore(%arg13 : memref<!tpu.dma_semaphore, #tpu.memory_space<semaphore_mem>>) src(%arg11 : memref<864x32xbf16, #tpu.memory_space<vmem>>) dst(%dma_wait3A_388 : memref<864x32xbf16, #tpu.memory_space<hbm>>)
    %mul3A_389 = arith.constant 6048 : i32
    %mul3A_390 = arith.muli %arg1, %mul3A_389 : i32
    %add3A_391 = arith.constant 5184 : i32
    %add3A_392 = arith.addi %mul3A_390, %add3A_391 : i32
    %dma_start3A_393 = arith.constant 0 : i32
    %dma_start3A_394 = tpu.memref_slice %arg17[%add3A_392, %dma_start3A_393] : memref<96768x32xbf16, #tpu.memory_space<vmem_shared>> -> memref<864x32xbf16, #tpu.memory_space<vmem_shared>>
    %dma_start3A_395 = arith.constant 0 : i32
    %dma_start3A_396 = tpu.memref_slice %arg17[%add3A_392, %dma_start3A_395] : memref<96768x32xbf16, #tpu.memory_space<vmem_shared>> -> memref<864x32xbf16, #tpu.memory_space<vmem_shared>>
    tpu.enqueue_dma source(%dma_start3A_396 : memref<864x32xbf16, #tpu.memory_space<vmem_shared>>) target(%arg11 : memref<864x32xbf16, #tpu.memory_space<vmem>>) target_semaphore(%arg15 : memref<!tpu.dma_semaphore, #tpu.memory_space<semaphore_mem>>)
    %mul3A_397 = arith.constant 6048 : i32
    %mul3A_398 = arith.muli %arg1, %mul3A_397 : i32
    %add3A_399 = arith.constant 4320 : i32
    %add3A_400 = arith.addi %mul3A_398, %add3A_399 : i32
    %dma_wait3A_401 = arith.constant 0 : i32
    %dma_wait3A_402 = tpu.memref_slice %arg17[%add3A_400, %dma_wait3A_401] : memref<96768x32xbf16, #tpu.memory_space<vmem_shared>> -> memref<864x32xbf16, #tpu.memory_space<vmem_shared>>
    %dma_wait3A_403 = arith.constant 0 : i32
    %dma_wait3A_404 = tpu.memref_slice %arg17[%add3A_400, %dma_wait3A_403] : memref<96768x32xbf16, #tpu.memory_space<vmem_shared>> -> memref<864x32xbf16, #tpu.memory_space<vmem_shared>>
    tpu.wait_dma2 semaphore(%arg16 : memref<!tpu.dma_semaphore, #tpu.memory_space<semaphore_mem>>) src(%dma_wait3A_404 : memref<864x32xbf16, #tpu.memory_space<vmem_shared>>) dst(%arg12 : memref<864x32xbf16, #tpu.memory_space<vmem>>)
    %mul3A_405 = arith.constant 6048 : i32
    %mul3A_406 = arith.muli %arg1, %mul3A_405 : i32
    %add3A_407 = arith.constant 4320 : i32
    %add3A_408 = arith.addi %mul3A_406, %add3A_407 : i32
    %dma_start3A_409 = arith.constant 0 : i32
    %dma_start3A_410 = tpu.memref_slice %arg6[%add3A_408, %dma_start3A_409] : memref<96768x32xbf16, #tpu.memory_space<hbm>> -> memref<864x32xbf16, #tpu.memory_space<hbm>>
    %dma_start3A_411 = arith.constant 0 : i32
    %dma_start3A_412 = tpu.memref_slice %arg6[%add3A_408, %dma_start3A_411] : memref<96768x32xbf16, #tpu.memory_space<hbm>> -> memref<864x32xbf16, #tpu.memory_space<hbm>>
    tpu.enqueue_dma source(%arg12 : memref<864x32xbf16, #tpu.memory_space<vmem>>) target(%dma_start3A_412 : memref<864x32xbf16, #tpu.memory_space<hbm>>) target_semaphore(%arg14 : memref<!tpu.dma_semaphore, #tpu.memory_space<semaphore_mem>>)
    %mul3A_413 = arith.constant 6048 : i32
    %mul3A_414 = arith.muli %arg1, %mul3A_413 : i32
    %add3A_415 = arith.constant 4320 : i32
    %add3A_416 = arith.addi %mul3A_414, %add3A_415 : i32
    %dma_wait3A_417 = arith.constant 0 : i32
    %dma_wait3A_418 = tpu.memref_slice %arg6[%add3A_416, %dma_wait3A_417] : memref<96768x32xbf16, #tpu.memory_space<hbm>> -> memref<864x32xbf16, #tpu.memory_space<hbm>>
    %dma_wait3A_419 = arith.constant 0 : i32
    %dma_wait3A_420 = tpu.memref_slice %arg6[%add3A_416, %dma_wait3A_419] : memref<96768x32xbf16, #tpu.memory_space<hbm>> -> memref<864x32xbf16, #tpu.memory_space<hbm>>
    tpu.wait_dma2 semaphore(%arg14 : memref<!tpu.dma_semaphore, #tpu.memory_space<semaphore_mem>>) src(%arg12 : memref<864x32xbf16, #tpu.memory_space<vmem>>) dst(%dma_wait3A_420 : memref<864x32xbf16, #tpu.memory_space<hbm>>)
    %mul3A_421 = arith.constant 6048 : i32
    %mul3A_422 = arith.muli %arg1, %mul3A_421 : i32
    %add3A_423 = arith.constant 5184 : i32
    %add3A_424 = arith.addi %mul3A_422, %add3A_423 : i32
    %dma_wait3A_425 = arith.constant 0 : i32
    %dma_wait3A_426 = tpu.memref_slice %arg17[%add3A_424, %dma_wait3A_425] : memref<96768x32xbf16, #tpu.memory_space<vmem_shared>> -> memref<864x32xbf16, #tpu.memory_space<vmem_shared>>
    %dma_wait3A_427 = arith.constant 0 : i32
    %dma_wait3A_428 = tpu.memref_slice %arg17[%add3A_424, %dma_wait3A_427] : memref<96768x32xbf16, #tpu.memory_space<vmem_shared>> -> memref<864x32xbf16, #tpu.memory_space<vmem_shared>>
    tpu.wait_dma2 semaphore(%arg15 : memref<!tpu.dma_semaphore, #tpu.memory_space<semaphore_mem>>) src(%dma_wait3A_428 : memref<864x32xbf16, #tpu.memory_space<vmem_shared>>) dst(%arg11 : memref<864x32xbf16, #tpu.memory_space<vmem>>)
    %mul3A_429 = arith.constant 6048 : i32
    %mul3A_430 = arith.muli %arg1, %mul3A_429 : i32
    %add3A_431 = arith.constant 5184 : i32
    %add3A_432 = arith.addi %mul3A_430, %add3A_431 : i32
    %dma_start3A_433 = arith.constant 0 : i32
    %dma_start3A_434 = tpu.memref_slice %arg6[%add3A_432, %dma_start3A_433] : memref<96768x32xbf16, #tpu.memory_space<hbm>> -> memref<864x32xbf16, #tpu.memory_space<hbm>>
    %dma_start3A_435 = arith.constant 0 : i32
    %dma_start3A_436 = tpu.memref_slice %arg6[%add3A_432, %dma_start3A_435] : memref<96768x32xbf16, #tpu.memory_space<hbm>> -> memref<864x32xbf16, #tpu.memory_space<hbm>>
    tpu.enqueue_dma source(%arg11 : memref<864x32xbf16, #tpu.memory_space<vmem>>) target(%dma_start3A_436 : memref<864x32xbf16, #tpu.memory_space<hbm>>) target_semaphore(%arg13 : memref<!tpu.dma_semaphore, #tpu.memory_space<semaphore_mem>>)
    %mul3A_437 = arith.constant 6048 : i32
    %mul3A_438 = arith.muli %arg1, %mul3A_437 : i32
    %add3A_439 = arith.constant 5184 : i32
    %add3A_440 = arith.addi %mul3A_438, %add3A_439 : i32
    %dma_wait3A_441 = arith.constant 0 : i32
    %dma_wait3A_442 = tpu.memref_slice %arg6[%add3A_440, %dma_wait3A_441] : memref<96768x32xbf16, #tpu.memory_space<hbm>> -> memref<864x32xbf16, #tpu.memory_space<hbm>>
    %dma_wait3A_443 = arith.constant 0 : i32
    %dma_wait3A_444 = tpu.memref_slice %arg6[%add3A_440, %dma_wait3A_443] : memref<96768x32xbf16, #tpu.memory_space<hbm>> -> memref<864x32xbf16, #tpu.memory_space<hbm>>
    tpu.wait_dma2 semaphore(%arg13 : memref<!tpu.dma_semaphore, #tpu.memory_space<semaphore_mem>>) src(%arg11 : memref<864x32xbf16, #tpu.memory_space<vmem>>) dst(%dma_wait3A_444 : memref<864x32xbf16, #tpu.memory_space<hbm>>)
    return
  }
}

#map = affine_map<(d0, d1) -> (0)>
#map1 = affine_map<(d0, d1) -> (0, 0)>
module attributes {stable_mosaic.version = 14 : i64} {
  func.func @_agg_body(%arg0: i32, %arg1: i32, %arg2: memref<1548288xi32, #tpu.memory_space<hbm>>, %arg3: memref<1548288xi32, #tpu.memory_space<hbm>>, %arg4: memref<96768x32xbf16, #tpu.memory_space<hbm>>, %arg5: memref<864x32xbf16, #tpu.memory_space<hbm>>, %arg6: memref<96768x32xbf16, #tpu.memory_space<hbm>>, %arg7: memref<864xi32, #tpu.memory_space<vmem>>, %arg8: memref<864xi32, #tpu.memory_space<vmem>>, %arg9: memref<864xi32, #tpu.memory_space<vmem>>, %arg10: memref<864xi32, #tpu.memory_space<vmem>>, %arg11: memref<864x32xbf16, #tpu.memory_space<vmem>>, %arg12: memref<864x32xbf16, #tpu.memory_space<vmem>>, %arg13: memref<!tpu.dma_semaphore, #tpu.memory_space<semaphore_mem>>, %arg14: memref<!tpu.dma_semaphore, #tpu.memory_space<semaphore_mem>>, %arg15: memref<!tpu.dma_semaphore, #tpu.memory_space<semaphore_mem>>, %arg16: memref<!tpu.dma_semaphore, #tpu.memory_space<semaphore_mem>>, %arg17: memref<96768x32xbf16, #tpu.memory_space<vmem_shared>>) attributes {dimension_semantics = [#tpu.dimension_semantics<core_parallel>, #tpu.dimension_semantics<subcore_parallel>], iteration_bounds = array<i64: 1, 16>, scalar_prefetch = 0 : i64, scratch_operands = 11 : i64, tpu.core_type = #tpu.core_type<sc_vector_subcore>, window_params = [{transform_indices = #map}, {transform_indices = #map}, {transform_indices = #map1}, {transform_indices = #map1}, {transform_indices = #map1}]} {
    "tpu.region"() ({
      %run_scoped3A = tpu.sem_alloc : memref<!tpu.dma_semaphore, #tpu.memory_space<semaphore_mem>>
      tpu.enqueue_dma source(%arg5 : memref<864x32xbf16, #tpu.memory_space<hbm>>) target(%arg11 : memref<864x32xbf16, #tpu.memory_space<vmem>>) target_semaphore(%run_scoped3A : memref<!tpu.dma_semaphore, #tpu.memory_space<semaphore_mem>>)
      tpu.wait_dma2 semaphore(%run_scoped3A : memref<!tpu.dma_semaphore, #tpu.memory_space<semaphore_mem>>) src(%arg5 : memref<864x32xbf16, #tpu.memory_space<hbm>>) dst(%arg11 : memref<864x32xbf16, #tpu.memory_space<vmem>>)
      tpu.yield
    }) : () -> ()
    %mul3A = arith.constant 6048 : i32
    %mul3A_0 = arith.muli %arg1, %mul3A : i32
    %add3A = arith.constant 0 : i32
    %add3A_1 = arith.addi %mul3A_0, %add3A : i32
    %dma_start3A = arith.constant 0 : i32
    %dma_start3A_2 = arith.constant 0 : i32
    %dma_start3A_3 = tpu.memref_slice %arg11[%dma_start3A, %dma_start3A_2] : memref<864x32xbf16, #tpu.memory_space<vmem>> -> memref<864x32xbf16, #tpu.memory_space<vmem>>
    %dma_start3A_4 = arith.constant 0 : i32
    %dma_start3A_5 = tpu.memref_slice %arg17[%add3A_1, %dma_start3A_4] : memref<96768x32xbf16, #tpu.memory_space<vmem_shared>> -> memref<864x32xbf16, #tpu.memory_space<vmem_shared>>
    %dma_start3A_6 = arith.constant 0 : i32
    %dma_start3A_7 = tpu.memref_slice %arg17[%add3A_1, %dma_start3A_6] : memref<96768x32xbf16, #tpu.memory_space<vmem_shared>> -> memref<864x32xbf16, #tpu.memory_space<vmem_shared>>
    %dma_start3A_8 = arith.constant 0 : i32
    %dma_start3A_9 = arith.constant 0 : i32
    %dma_start3A_10 = tpu.memref_slice %arg11[%dma_start3A_8, %dma_start3A_9] : memref<864x32xbf16, #tpu.memory_space<vmem>> -> memref<864x32xbf16, #tpu.memory_space<vmem>>
    tpu.enqueue_dma source(%dma_start3A_10 : memref<864x32xbf16, #tpu.memory_space<vmem>>) target(%dma_start3A_7 : memref<864x32xbf16, #tpu.memory_space<vmem_shared>>) target_semaphore(%arg15 : memref<!tpu.dma_semaphore, #tpu.memory_space<semaphore_mem>>)
    %mul3A_11 = arith.constant 6048 : i32
    %mul3A_12 = arith.muli %arg1, %mul3A_11 : i32
    %add3A_13 = arith.constant 864 : i32
    %add3A_14 = arith.addi %mul3A_12, %add3A_13 : i32
    %dma_start3A_15 = arith.constant 0 : i32
    %dma_start3A_16 = arith.constant 0 : i32
    %dma_start3A_17 = tpu.memref_slice %arg11[%dma_start3A_15, %dma_start3A_16] : memref<864x32xbf16, #tpu.memory_space<vmem>> -> memref<864x32xbf16, #tpu.memory_space<vmem>>
    %dma_start3A_18 = arith.constant 0 : i32
    %dma_start3A_19 = tpu.memref_slice %arg17[%add3A_14, %dma_start3A_18] : memref<96768x32xbf16, #tpu.memory_space<vmem_shared>> -> memref<864x32xbf16, #tpu.memory_space<vmem_shared>>
    %dma_start3A_20 = arith.constant 0 : i32
    %dma_start3A_21 = tpu.memref_slice %arg17[%add3A_14, %dma_start3A_20] : memref<96768x32xbf16, #tpu.memory_space<vmem_shared>> -> memref<864x32xbf16, #tpu.memory_space<vmem_shared>>
    %dma_start3A_22 = arith.constant 0 : i32
    %dma_start3A_23 = arith.constant 0 : i32
    %dma_start3A_24 = tpu.memref_slice %arg11[%dma_start3A_22, %dma_start3A_23] : memref<864x32xbf16, #tpu.memory_space<vmem>> -> memref<864x32xbf16, #tpu.memory_space<vmem>>
    tpu.enqueue_dma source(%dma_start3A_24 : memref<864x32xbf16, #tpu.memory_space<vmem>>) target(%dma_start3A_21 : memref<864x32xbf16, #tpu.memory_space<vmem_shared>>) target_semaphore(%arg15 : memref<!tpu.dma_semaphore, #tpu.memory_space<semaphore_mem>>)
    %mul3A_25 = arith.constant 6048 : i32
    %mul3A_26 = arith.muli %arg1, %mul3A_25 : i32
    %add3A_27 = arith.constant 1728 : i32
    %add3A_28 = arith.addi %mul3A_26, %add3A_27 : i32
    %dma_start3A_29 = arith.constant 0 : i32
    %dma_start3A_30 = arith.constant 0 : i32
    %dma_start3A_31 = tpu.memref_slice %arg11[%dma_start3A_29, %dma_start3A_30] : memref<864x32xbf16, #tpu.memory_space<vmem>> -> memref<864x32xbf16, #tpu.memory_space<vmem>>
    %dma_start3A_32 = arith.constant 0 : i32
    %dma_start3A_33 = tpu.memref_slice %arg17[%add3A_28, %dma_start3A_32] : memref<96768x32xbf16, #tpu.memory_space<vmem_shared>> -> memref<864x32xbf16, #tpu.memory_space<vmem_shared>>
    %dma_start3A_34 = arith.constant 0 : i32
    %dma_start3A_35 = tpu.memref_slice %arg17[%add3A_28, %dma_start3A_34] : memref<96768x32xbf16, #tpu.memory_space<vmem_shared>> -> memref<864x32xbf16, #tpu.memory_space<vmem_shared>>
    %dma_start3A_36 = arith.constant 0 : i32
    %dma_start3A_37 = arith.constant 0 : i32
    %dma_start3A_38 = tpu.memref_slice %arg11[%dma_start3A_36, %dma_start3A_37] : memref<864x32xbf16, #tpu.memory_space<vmem>> -> memref<864x32xbf16, #tpu.memory_space<vmem>>
    tpu.enqueue_dma source(%dma_start3A_38 : memref<864x32xbf16, #tpu.memory_space<vmem>>) target(%dma_start3A_35 : memref<864x32xbf16, #tpu.memory_space<vmem_shared>>) target_semaphore(%arg15 : memref<!tpu.dma_semaphore, #tpu.memory_space<semaphore_mem>>)
    %mul3A_39 = arith.constant 6048 : i32
    %mul3A_40 = arith.muli %arg1, %mul3A_39 : i32
    %add3A_41 = arith.constant 2592 : i32
    %add3A_42 = arith.addi %mul3A_40, %add3A_41 : i32
    %dma_start3A_43 = arith.constant 0 : i32
    %dma_start3A_44 = arith.constant 0 : i32
    %dma_start3A_45 = tpu.memref_slice %arg11[%dma_start3A_43, %dma_start3A_44] : memref<864x32xbf16, #tpu.memory_space<vmem>> -> memref<864x32xbf16, #tpu.memory_space<vmem>>
    %dma_start3A_46 = arith.constant 0 : i32
    %dma_start3A_47 = tpu.memref_slice %arg17[%add3A_42, %dma_start3A_46] : memref<96768x32xbf16, #tpu.memory_space<vmem_shared>> -> memref<864x32xbf16, #tpu.memory_space<vmem_shared>>
    %dma_start3A_48 = arith.constant 0 : i32
    %dma_start3A_49 = tpu.memref_slice %arg17[%add3A_42, %dma_start3A_48] : memref<96768x32xbf16, #tpu.memory_space<vmem_shared>> -> memref<864x32xbf16, #tpu.memory_space<vmem_shared>>
    %dma_start3A_50 = arith.constant 0 : i32
    %dma_start3A_51 = arith.constant 0 : i32
    %dma_start3A_52 = tpu.memref_slice %arg11[%dma_start3A_50, %dma_start3A_51] : memref<864x32xbf16, #tpu.memory_space<vmem>> -> memref<864x32xbf16, #tpu.memory_space<vmem>>
    tpu.enqueue_dma source(%dma_start3A_52 : memref<864x32xbf16, #tpu.memory_space<vmem>>) target(%dma_start3A_49 : memref<864x32xbf16, #tpu.memory_space<vmem_shared>>) target_semaphore(%arg15 : memref<!tpu.dma_semaphore, #tpu.memory_space<semaphore_mem>>)
    %mul3A_53 = arith.constant 6048 : i32
    %mul3A_54 = arith.muli %arg1, %mul3A_53 : i32
    %add3A_55 = arith.constant 3456 : i32
    %add3A_56 = arith.addi %mul3A_54, %add3A_55 : i32
    %dma_start3A_57 = arith.constant 0 : i32
    %dma_start3A_58 = arith.constant 0 : i32
    %dma_start3A_59 = tpu.memref_slice %arg11[%dma_start3A_57, %dma_start3A_58] : memref<864x32xbf16, #tpu.memory_space<vmem>> -> memref<864x32xbf16, #tpu.memory_space<vmem>>
    %dma_start3A_60 = arith.constant 0 : i32
    %dma_start3A_61 = tpu.memref_slice %arg17[%add3A_56, %dma_start3A_60] : memref<96768x32xbf16, #tpu.memory_space<vmem_shared>> -> memref<864x32xbf16, #tpu.memory_space<vmem_shared>>
    %dma_start3A_62 = arith.constant 0 : i32
    %dma_start3A_63 = tpu.memref_slice %arg17[%add3A_56, %dma_start3A_62] : memref<96768x32xbf16, #tpu.memory_space<vmem_shared>> -> memref<864x32xbf16, #tpu.memory_space<vmem_shared>>
    %dma_start3A_64 = arith.constant 0 : i32
    %dma_start3A_65 = arith.constant 0 : i32
    %dma_start3A_66 = tpu.memref_slice %arg11[%dma_start3A_64, %dma_start3A_65] : memref<864x32xbf16, #tpu.memory_space<vmem>> -> memref<864x32xbf16, #tpu.memory_space<vmem>>
    tpu.enqueue_dma source(%dma_start3A_66 : memref<864x32xbf16, #tpu.memory_space<vmem>>) target(%dma_start3A_63 : memref<864x32xbf16, #tpu.memory_space<vmem_shared>>) target_semaphore(%arg15 : memref<!tpu.dma_semaphore, #tpu.memory_space<semaphore_mem>>)
    %mul3A_67 = arith.constant 6048 : i32
    %mul3A_68 = arith.muli %arg1, %mul3A_67 : i32
    %add3A_69 = arith.constant 4320 : i32
    %add3A_70 = arith.addi %mul3A_68, %add3A_69 : i32
    %dma_start3A_71 = arith.constant 0 : i32
    %dma_start3A_72 = arith.constant 0 : i32
    %dma_start3A_73 = tpu.memref_slice %arg11[%dma_start3A_71, %dma_start3A_72] : memref<864x32xbf16, #tpu.memory_space<vmem>> -> memref<864x32xbf16, #tpu.memory_space<vmem>>
    %dma_start3A_74 = arith.constant 0 : i32
    %dma_start3A_75 = tpu.memref_slice %arg17[%add3A_70, %dma_start3A_74] : memref<96768x32xbf16, #tpu.memory_space<vmem_shared>> -> memref<864x32xbf16, #tpu.memory_space<vmem_shared>>
    %dma_start3A_76 = arith.constant 0 : i32
    %dma_start3A_77 = tpu.memref_slice %arg17[%add3A_70, %dma_start3A_76] : memref<96768x32xbf16, #tpu.memory_space<vmem_shared>> -> memref<864x32xbf16, #tpu.memory_space<vmem_shared>>
    %dma_start3A_78 = arith.constant 0 : i32
    %dma_start3A_79 = arith.constant 0 : i32
    %dma_start3A_80 = tpu.memref_slice %arg11[%dma_start3A_78, %dma_start3A_79] : memref<864x32xbf16, #tpu.memory_space<vmem>> -> memref<864x32xbf16, #tpu.memory_space<vmem>>
    tpu.enqueue_dma source(%dma_start3A_80 : memref<864x32xbf16, #tpu.memory_space<vmem>>) target(%dma_start3A_77 : memref<864x32xbf16, #tpu.memory_space<vmem_shared>>) target_semaphore(%arg15 : memref<!tpu.dma_semaphore, #tpu.memory_space<semaphore_mem>>)
    %mul3A_81 = arith.constant 6048 : i32
    %mul3A_82 = arith.muli %arg1, %mul3A_81 : i32
    %add3A_83 = arith.constant 5184 : i32
    %add3A_84 = arith.addi %mul3A_82, %add3A_83 : i32
    %dma_start3A_85 = arith.constant 0 : i32
    %dma_start3A_86 = arith.constant 0 : i32
    %dma_start3A_87 = tpu.memref_slice %arg11[%dma_start3A_85, %dma_start3A_86] : memref<864x32xbf16, #tpu.memory_space<vmem>> -> memref<864x32xbf16, #tpu.memory_space<vmem>>
    %dma_start3A_88 = arith.constant 0 : i32
    %dma_start3A_89 = tpu.memref_slice %arg17[%add3A_84, %dma_start3A_88] : memref<96768x32xbf16, #tpu.memory_space<vmem_shared>> -> memref<864x32xbf16, #tpu.memory_space<vmem_shared>>
    %dma_start3A_90 = arith.constant 0 : i32
    %dma_start3A_91 = tpu.memref_slice %arg17[%add3A_84, %dma_start3A_90] : memref<96768x32xbf16, #tpu.memory_space<vmem_shared>> -> memref<864x32xbf16, #tpu.memory_space<vmem_shared>>
    %dma_start3A_92 = arith.constant 0 : i32
    %dma_start3A_93 = arith.constant 0 : i32
    %dma_start3A_94 = tpu.memref_slice %arg11[%dma_start3A_92, %dma_start3A_93] : memref<864x32xbf16, #tpu.memory_space<vmem>> -> memref<864x32xbf16, #tpu.memory_space<vmem>>
    tpu.enqueue_dma source(%dma_start3A_94 : memref<864x32xbf16, #tpu.memory_space<vmem>>) target(%dma_start3A_91 : memref<864x32xbf16, #tpu.memory_space<vmem_shared>>) target_semaphore(%arg15 : memref<!tpu.dma_semaphore, #tpu.memory_space<semaphore_mem>>)
    %mul3A_95 = arith.constant 6048 : i32
    %mul3A_96 = arith.muli %arg1, %mul3A_95 : i32
    %add3A_97 = arith.constant 0 : i32
    %add3A_98 = arith.addi %mul3A_96, %add3A_97 : i32
    %dma_wait3A = arith.constant 0 : i32
    %dma_wait3A_99 = arith.constant 0 : i32
    %dma_wait3A_100 = tpu.memref_slice %arg11[%dma_wait3A, %dma_wait3A_99] : memref<864x32xbf16, #tpu.memory_space<vmem>> -> memref<864x32xbf16, #tpu.memory_space<vmem>>
    %dma_wait3A_101 = arith.constant 0 : i32
    %dma_wait3A_102 = tpu.memref_slice %arg17[%add3A_98, %dma_wait3A_101] : memref<96768x32xbf16, #tpu.memory_space<vmem_shared>> -> memref<864x32xbf16, #tpu.memory_space<vmem_shared>>
    %dma_wait3A_103 = arith.constant 0 : i32
    %dma_wait3A_104 = tpu.memref_slice %arg17[%add3A_98, %dma_wait3A_103] : memref<96768x32xbf16, #tpu.memory_space<vmem_shared>> -> memref<864x32xbf16, #tpu.memory_space<vmem_shared>>
    %dma_wait3A_105 = arith.constant 0 : i32
    %dma_wait3A_106 = arith.constant 0 : i32
    %dma_wait3A_107 = tpu.memref_slice %arg11[%dma_wait3A_105, %dma_wait3A_106] : memref<864x32xbf16, #tpu.memory_space<vmem>> -> memref<864x32xbf16, #tpu.memory_space<vmem>>
    tpu.wait_dma2 semaphore(%arg15 : memref<!tpu.dma_semaphore, #tpu.memory_space<semaphore_mem>>) src(%dma_wait3A_107 : memref<864x32xbf16, #tpu.memory_space<vmem>>) dst(%dma_wait3A_104 : memref<864x32xbf16, #tpu.memory_space<vmem_shared>>)
    %mul3A_108 = arith.constant 6048 : i32
    %mul3A_109 = arith.muli %arg1, %mul3A_108 : i32
    %add3A_110 = arith.constant 864 : i32
    %add3A_111 = arith.addi %mul3A_109, %add3A_110 : i32
    %dma_wait3A_112 = arith.constant 0 : i32
    %dma_wait3A_113 = arith.constant 0 : i32
    %dma_wait3A_114 = tpu.memref_slice %arg11[%dma_wait3A_112, %dma_wait3A_113] : memref<864x32xbf16, #tpu.memory_space<vmem>> -> memref<864x32xbf16, #tpu.memory_space<vmem>>
    %dma_wait3A_115 = arith.constant 0 : i32
    %dma_wait3A_116 = tpu.memref_slice %arg17[%add3A_111, %dma_wait3A_115] : memref<96768x32xbf16, #tpu.memory_space<vmem_shared>> -> memref<864x32xbf16, #tpu.memory_space<vmem_shared>>
    %dma_wait3A_117 = arith.constant 0 : i32
    %dma_wait3A_118 = tpu.memref_slice %arg17[%add3A_111, %dma_wait3A_117] : memref<96768x32xbf16, #tpu.memory_space<vmem_shared>> -> memref<864x32xbf16, #tpu.memory_space<vmem_shared>>
    %dma_wait3A_119 = arith.constant 0 : i32
    %dma_wait3A_120 = arith.constant 0 : i32
    %dma_wait3A_121 = tpu.memref_slice %arg11[%dma_wait3A_119, %dma_wait3A_120] : memref<864x32xbf16, #tpu.memory_space<vmem>> -> memref<864x32xbf16, #tpu.memory_space<vmem>>
    tpu.wait_dma2 semaphore(%arg15 : memref<!tpu.dma_semaphore, #tpu.memory_space<semaphore_mem>>) src(%dma_wait3A_121 : memref<864x32xbf16, #tpu.memory_space<vmem>>) dst(%dma_wait3A_118 : memref<864x32xbf16, #tpu.memory_space<vmem_shared>>)
    %mul3A_122 = arith.constant 6048 : i32
    %mul3A_123 = arith.muli %arg1, %mul3A_122 : i32
    %add3A_124 = arith.constant 1728 : i32
    %add3A_125 = arith.addi %mul3A_123, %add3A_124 : i32
    %dma_wait3A_126 = arith.constant 0 : i32
    %dma_wait3A_127 = arith.constant 0 : i32
    %dma_wait3A_128 = tpu.memref_slice %arg11[%dma_wait3A_126, %dma_wait3A_127] : memref<864x32xbf16, #tpu.memory_space<vmem>> -> memref<864x32xbf16, #tpu.memory_space<vmem>>
    %dma_wait3A_129 = arith.constant 0 : i32
    %dma_wait3A_130 = tpu.memref_slice %arg17[%add3A_125, %dma_wait3A_129] : memref<96768x32xbf16, #tpu.memory_space<vmem_shared>> -> memref<864x32xbf16, #tpu.memory_space<vmem_shared>>
    %dma_wait3A_131 = arith.constant 0 : i32
    %dma_wait3A_132 = tpu.memref_slice %arg17[%add3A_125, %dma_wait3A_131] : memref<96768x32xbf16, #tpu.memory_space<vmem_shared>> -> memref<864x32xbf16, #tpu.memory_space<vmem_shared>>
    %dma_wait3A_133 = arith.constant 0 : i32
    %dma_wait3A_134 = arith.constant 0 : i32
    %dma_wait3A_135 = tpu.memref_slice %arg11[%dma_wait3A_133, %dma_wait3A_134] : memref<864x32xbf16, #tpu.memory_space<vmem>> -> memref<864x32xbf16, #tpu.memory_space<vmem>>
    tpu.wait_dma2 semaphore(%arg15 : memref<!tpu.dma_semaphore, #tpu.memory_space<semaphore_mem>>) src(%dma_wait3A_135 : memref<864x32xbf16, #tpu.memory_space<vmem>>) dst(%dma_wait3A_132 : memref<864x32xbf16, #tpu.memory_space<vmem_shared>>)
    %mul3A_136 = arith.constant 6048 : i32
    %mul3A_137 = arith.muli %arg1, %mul3A_136 : i32
    %add3A_138 = arith.constant 2592 : i32
    %add3A_139 = arith.addi %mul3A_137, %add3A_138 : i32
    %dma_wait3A_140 = arith.constant 0 : i32
    %dma_wait3A_141 = arith.constant 0 : i32
    %dma_wait3A_142 = tpu.memref_slice %arg11[%dma_wait3A_140, %dma_wait3A_141] : memref<864x32xbf16, #tpu.memory_space<vmem>> -> memref<864x32xbf16, #tpu.memory_space<vmem>>
    %dma_wait3A_143 = arith.constant 0 : i32
    %dma_wait3A_144 = tpu.memref_slice %arg17[%add3A_139, %dma_wait3A_143] : memref<96768x32xbf16, #tpu.memory_space<vmem_shared>> -> memref<864x32xbf16, #tpu.memory_space<vmem_shared>>
    %dma_wait3A_145 = arith.constant 0 : i32
    %dma_wait3A_146 = tpu.memref_slice %arg17[%add3A_139, %dma_wait3A_145] : memref<96768x32xbf16, #tpu.memory_space<vmem_shared>> -> memref<864x32xbf16, #tpu.memory_space<vmem_shared>>
    %dma_wait3A_147 = arith.constant 0 : i32
    %dma_wait3A_148 = arith.constant 0 : i32
    %dma_wait3A_149 = tpu.memref_slice %arg11[%dma_wait3A_147, %dma_wait3A_148] : memref<864x32xbf16, #tpu.memory_space<vmem>> -> memref<864x32xbf16, #tpu.memory_space<vmem>>
    tpu.wait_dma2 semaphore(%arg15 : memref<!tpu.dma_semaphore, #tpu.memory_space<semaphore_mem>>) src(%dma_wait3A_149 : memref<864x32xbf16, #tpu.memory_space<vmem>>) dst(%dma_wait3A_146 : memref<864x32xbf16, #tpu.memory_space<vmem_shared>>)
    %mul3A_150 = arith.constant 6048 : i32
    %mul3A_151 = arith.muli %arg1, %mul3A_150 : i32
    %add3A_152 = arith.constant 3456 : i32
    %add3A_153 = arith.addi %mul3A_151, %add3A_152 : i32
    %dma_wait3A_154 = arith.constant 0 : i32
    %dma_wait3A_155 = arith.constant 0 : i32
    %dma_wait3A_156 = tpu.memref_slice %arg11[%dma_wait3A_154, %dma_wait3A_155] : memref<864x32xbf16, #tpu.memory_space<vmem>> -> memref<864x32xbf16, #tpu.memory_space<vmem>>
    %dma_wait3A_157 = arith.constant 0 : i32
    %dma_wait3A_158 = tpu.memref_slice %arg17[%add3A_153, %dma_wait3A_157] : memref<96768x32xbf16, #tpu.memory_space<vmem_shared>> -> memref<864x32xbf16, #tpu.memory_space<vmem_shared>>
    %dma_wait3A_159 = arith.constant 0 : i32
    %dma_wait3A_160 = tpu.memref_slice %arg17[%add3A_153, %dma_wait3A_159] : memref<96768x32xbf16, #tpu.memory_space<vmem_shared>> -> memref<864x32xbf16, #tpu.memory_space<vmem_shared>>
    %dma_wait3A_161 = arith.constant 0 : i32
    %dma_wait3A_162 = arith.constant 0 : i32
    %dma_wait3A_163 = tpu.memref_slice %arg11[%dma_wait3A_161, %dma_wait3A_162] : memref<864x32xbf16, #tpu.memory_space<vmem>> -> memref<864x32xbf16, #tpu.memory_space<vmem>>
    tpu.wait_dma2 semaphore(%arg15 : memref<!tpu.dma_semaphore, #tpu.memory_space<semaphore_mem>>) src(%dma_wait3A_163 : memref<864x32xbf16, #tpu.memory_space<vmem>>) dst(%dma_wait3A_160 : memref<864x32xbf16, #tpu.memory_space<vmem_shared>>)
    %mul3A_164 = arith.constant 6048 : i32
    %mul3A_165 = arith.muli %arg1, %mul3A_164 : i32
    %add3A_166 = arith.constant 4320 : i32
    %add3A_167 = arith.addi %mul3A_165, %add3A_166 : i32
    %dma_wait3A_168 = arith.constant 0 : i32
    %dma_wait3A_169 = arith.constant 0 : i32
    %dma_wait3A_170 = tpu.memref_slice %arg11[%dma_wait3A_168, %dma_wait3A_169] : memref<864x32xbf16, #tpu.memory_space<vmem>> -> memref<864x32xbf16, #tpu.memory_space<vmem>>
    %dma_wait3A_171 = arith.constant 0 : i32
    %dma_wait3A_172 = tpu.memref_slice %arg17[%add3A_167, %dma_wait3A_171] : memref<96768x32xbf16, #tpu.memory_space<vmem_shared>> -> memref<864x32xbf16, #tpu.memory_space<vmem_shared>>
    %dma_wait3A_173 = arith.constant 0 : i32
    %dma_wait3A_174 = tpu.memref_slice %arg17[%add3A_167, %dma_wait3A_173] : memref<96768x32xbf16, #tpu.memory_space<vmem_shared>> -> memref<864x32xbf16, #tpu.memory_space<vmem_shared>>
    %dma_wait3A_175 = arith.constant 0 : i32
    %dma_wait3A_176 = arith.constant 0 : i32
    %dma_wait3A_177 = tpu.memref_slice %arg11[%dma_wait3A_175, %dma_wait3A_176] : memref<864x32xbf16, #tpu.memory_space<vmem>> -> memref<864x32xbf16, #tpu.memory_space<vmem>>
    tpu.wait_dma2 semaphore(%arg15 : memref<!tpu.dma_semaphore, #tpu.memory_space<semaphore_mem>>) src(%dma_wait3A_177 : memref<864x32xbf16, #tpu.memory_space<vmem>>) dst(%dma_wait3A_174 : memref<864x32xbf16, #tpu.memory_space<vmem_shared>>)
    %mul3A_178 = arith.constant 6048 : i32
    %mul3A_179 = arith.muli %arg1, %mul3A_178 : i32
    %add3A_180 = arith.constant 5184 : i32
    %add3A_181 = arith.addi %mul3A_179, %add3A_180 : i32
    %dma_wait3A_182 = arith.constant 0 : i32
    %dma_wait3A_183 = arith.constant 0 : i32
    %dma_wait3A_184 = tpu.memref_slice %arg11[%dma_wait3A_182, %dma_wait3A_183] : memref<864x32xbf16, #tpu.memory_space<vmem>> -> memref<864x32xbf16, #tpu.memory_space<vmem>>
    %dma_wait3A_185 = arith.constant 0 : i32
    %dma_wait3A_186 = tpu.memref_slice %arg17[%add3A_181, %dma_wait3A_185] : memref<96768x32xbf16, #tpu.memory_space<vmem_shared>> -> memref<864x32xbf16, #tpu.memory_space<vmem_shared>>
    %dma_wait3A_187 = arith.constant 0 : i32
    %dma_wait3A_188 = tpu.memref_slice %arg17[%add3A_181, %dma_wait3A_187] : memref<96768x32xbf16, #tpu.memory_space<vmem_shared>> -> memref<864x32xbf16, #tpu.memory_space<vmem_shared>>
    %dma_wait3A_189 = arith.constant 0 : i32
    %dma_wait3A_190 = arith.constant 0 : i32
    %dma_wait3A_191 = tpu.memref_slice %arg11[%dma_wait3A_189, %dma_wait3A_190] : memref<864x32xbf16, #tpu.memory_space<vmem>> -> memref<864x32xbf16, #tpu.memory_space<vmem>>
    tpu.wait_dma2 semaphore(%arg15 : memref<!tpu.dma_semaphore, #tpu.memory_space<semaphore_mem>>) src(%dma_wait3A_191 : memref<864x32xbf16, #tpu.memory_space<vmem>>) dst(%dma_wait3A_188 : memref<864x32xbf16, #tpu.memory_space<vmem_shared>>)
    %barrier3A = arith.constant 0 : index
    tpu.barrier barrier_id(%barrier3A)
    %mul3A_192 = arith.constant 96768 : i32
    %mul3A_193 = arith.muli %arg1, %mul3A_192 : i32
    %add3A_194 = arith.constant 0 : i32
    %add3A_195 = arith.addi %mul3A_193, %add3A_194 : i32
    %dma_start3A_196 = tpu.memref_slice %arg2[%add3A_195] : memref<1548288xi32, #tpu.memory_space<hbm>> -> memref<864xi32, #tpu.memory_space<hbm>>
    %dma_start3A_197 = tpu.memref_slice %arg2[%add3A_195] : memref<1548288xi32, #tpu.memory_space<hbm>> -> memref<864xi32, #tpu.memory_space<hbm>>
    tpu.enqueue_dma source(%dma_start3A_197 : memref<864xi32, #tpu.memory_space<hbm>>) target(%arg7 : memref<864xi32, #tpu.memory_space<vmem>>) target_semaphore(%arg13 : memref<!tpu.dma_semaphore, #tpu.memory_space<semaphore_mem>>)
    %dma_start3A_198 = tpu.memref_slice %arg3[%add3A_195] : memref<1548288xi32, #tpu.memory_space<hbm>> -> memref<864xi32, #tpu.memory_space<hbm>>
    %dma_start3A_199 = tpu.memref_slice %arg3[%add3A_195] : memref<1548288xi32, #tpu.memory_space<hbm>> -> memref<864xi32, #tpu.memory_space<hbm>>
    tpu.enqueue_dma source(%dma_start3A_199 : memref<864xi32, #tpu.memory_space<hbm>>) target(%arg9 : memref<864xi32, #tpu.memory_space<vmem>>) target_semaphore(%arg13 : memref<!tpu.dma_semaphore, #tpu.memory_space<semaphore_mem>>)
    %add3A_200 = arith.constant 864 : i32
    %add3A_201 = arith.addi %mul3A_193, %add3A_200 : i32
    %dma_start3A_202 = tpu.memref_slice %arg2[%add3A_201] : memref<1548288xi32, #tpu.memory_space<hbm>> -> memref<864xi32, #tpu.memory_space<hbm>>
    %dma_start3A_203 = tpu.memref_slice %arg2[%add3A_201] : memref<1548288xi32, #tpu.memory_space<hbm>> -> memref<864xi32, #tpu.memory_space<hbm>>
    tpu.enqueue_dma source(%dma_start3A_203 : memref<864xi32, #tpu.memory_space<hbm>>) target(%arg8 : memref<864xi32, #tpu.memory_space<vmem>>) target_semaphore(%arg14 : memref<!tpu.dma_semaphore, #tpu.memory_space<semaphore_mem>>)
    %dma_start3A_204 = tpu.memref_slice %arg3[%add3A_201] : memref<1548288xi32, #tpu.memory_space<hbm>> -> memref<864xi32, #tpu.memory_space<hbm>>
    %dma_start3A_205 = tpu.memref_slice %arg3[%add3A_201] : memref<1548288xi32, #tpu.memory_space<hbm>> -> memref<864xi32, #tpu.memory_space<hbm>>
    tpu.enqueue_dma source(%dma_start3A_205 : memref<864xi32, #tpu.memory_space<hbm>>) target(%arg10 : memref<864xi32, #tpu.memory_space<vmem>>) target_semaphore(%arg14 : memref<!tpu.dma_semaphore, #tpu.memory_space<semaphore_mem>>)
    %add3A_206 = arith.constant 0 : i32
    %add3A_207 = arith.addi %mul3A_193, %add3A_206 : i32
    %dma_wait3A_208 = tpu.memref_slice %arg2[%add3A_207] : memref<1548288xi32, #tpu.memory_space<hbm>> -> memref<864xi32, #tpu.memory_space<hbm>>
    %dma_wait3A_209 = tpu.memref_slice %arg2[%add3A_207] : memref<1548288xi32, #tpu.memory_space<hbm>> -> memref<864xi32, #tpu.memory_space<hbm>>
    tpu.wait_dma2 semaphore(%arg13 : memref<!tpu.dma_semaphore, #tpu.memory_space<semaphore_mem>>) src(%dma_wait3A_209 : memref<864xi32, #tpu.memory_space<hbm>>) dst(%arg7 : memref<864xi32, #tpu.memory_space<vmem>>)
    %dma_wait3A_210 = tpu.memref_slice %arg3[%add3A_207] : memref<1548288xi32, #tpu.memory_space<hbm>> -> memref<864xi32, #tpu.memory_space<hbm>>
    %dma_wait3A_211 = tpu.memref_slice %arg3[%add3A_207] : memref<1548288xi32, #tpu.memory_space<hbm>> -> memref<864xi32, #tpu.memory_space<hbm>>
    tpu.wait_dma2 semaphore(%arg13 : memref<!tpu.dma_semaphore, #tpu.memory_space<semaphore_mem>>) src(%dma_wait3A_211 : memref<864xi32, #tpu.memory_space<hbm>>) dst(%arg9 : memref<864xi32, #tpu.memory_space<vmem>>)
    %dma_start3A_212 = arith.constant 0 : i32
    %dma_start3A_213 = arith.constant 0 : i32
    %dma_start3A_214 = tpu.memref_slice %arg4[%dma_start3A_212, %dma_start3A_213] : memref<96768x32xbf16, #tpu.memory_space<hbm>> -> memref<96768x32xbf16, #tpu.memory_space<hbm>>
    tpu.enqueue_indirect_dma source(%dma_start3A_214 : memref<96768x32xbf16, #tpu.memory_space<hbm>>) target(%arg11 : memref<864x32xbf16, #tpu.memory_space<vmem>>) offsets(%arg7 : memref<864xi32, #tpu.memory_space<vmem>>) semaphore(%arg15 : memref<!tpu.dma_semaphore, #tpu.memory_space<semaphore_mem>>)
    %scan3A = arith.constant 0 : i32
    %scan3A_215 = arith.constant 0 : i32
    %scan3A_216 = arith.constant 56 : i32
    %scan3A_217 = arith.addi %scan3A_215, %scan3A_216 : i32
    %scan3A_218 = arith.constant 1 : i32
    scf.for %scan3A_445 = %scan3A_215 to %scan3A_217 step %scan3A_218  : i32 {
      %mul3A_446 = arith.constant 2 : i32
      %mul3A_447 = arith.muli %scan3A_445, %mul3A_446 : i32
      %add3A_448 = arith.constant 0 : i32
      %add3A_449 = arith.addi %mul3A_447, %add3A_448 : i32
      %add3A_450 = arith.constant 1 : i32
      %add3A_451 = arith.addi %add3A_449, %add3A_450 : i32
      %mul3A_452 = arith.constant 864 : i32
      %mul3A_453 = arith.muli %add3A_451, %mul3A_452 : i32
      %add3A_454 = arith.addi %mul3A_193, %mul3A_453 : i32
      %dma_wait3A_455 = tpu.memref_slice %arg2[%add3A_454] : memref<1548288xi32, #tpu.memory_space<hbm>> -> memref<864xi32, #tpu.memory_space<hbm>>
      %dma_wait3A_456 = tpu.memref_slice %arg2[%add3A_454] : memref<1548288xi32, #tpu.memory_space<hbm>> -> memref<864xi32, #tpu.memory_space<hbm>>
      tpu.wait_dma2 semaphore(%arg14 : memref<!tpu.dma_semaphore, #tpu.memory_space<semaphore_mem>>) src(%dma_wait3A_456 : memref<864xi32, #tpu.memory_space<hbm>>) dst(%arg8 : memref<864xi32, #tpu.memory_space<vmem>>)
      %dma_wait3A_457 = tpu.memref_slice %arg3[%add3A_454] : memref<1548288xi32, #tpu.memory_space<hbm>> -> memref<864xi32, #tpu.memory_space<hbm>>
      %dma_wait3A_458 = tpu.memref_slice %arg3[%add3A_454] : memref<1548288xi32, #tpu.memory_space<hbm>> -> memref<864xi32, #tpu.memory_space<hbm>>
      tpu.wait_dma2 semaphore(%arg14 : memref<!tpu.dma_semaphore, #tpu.memory_space<semaphore_mem>>) src(%dma_wait3A_458 : memref<864xi32, #tpu.memory_space<hbm>>) dst(%arg10 : memref<864xi32, #tpu.memory_space<vmem>>)
      %dma_start3A_459 = arith.constant 0 : i32
      %dma_start3A_460 = arith.constant 0 : i32
      %dma_start3A_461 = tpu.memref_slice %arg4[%dma_start3A_459, %dma_start3A_460] : memref<96768x32xbf16, #tpu.memory_space<hbm>> -> memref<96768x32xbf16, #tpu.memory_space<hbm>>
      tpu.enqueue_indirect_dma source(%dma_start3A_461 : memref<96768x32xbf16, #tpu.memory_space<hbm>>) target(%arg12 : memref<864x32xbf16, #tpu.memory_space<vmem>>) offsets(%arg8 : memref<864xi32, #tpu.memory_space<vmem>>) semaphore(%arg16 : memref<!tpu.dma_semaphore, #tpu.memory_space<semaphore_mem>>)
      %dma_wait3A_462 = arith.constant 0 : i32
      %dma_wait3A_463 = arith.constant 0 : i32
      %dma_wait3A_464 = tpu.memref_slice %arg4[%dma_wait3A_462, %dma_wait3A_463] : memref<96768x32xbf16, #tpu.memory_space<hbm>> -> memref<96768x32xbf16, #tpu.memory_space<hbm>>
      tpu.wait_indirect_dma semaphore(%arg15 : memref<!tpu.dma_semaphore, #tpu.memory_space<semaphore_mem>>) src(%dma_wait3A_464 : memref<96768x32xbf16, #tpu.memory_space<hbm>>) dst(%arg11 : memref<864x32xbf16, #tpu.memory_space<vmem>>)
      "tpu.region"() ({
        %run_scoped3A = tpu.sem_alloc : memref<!tpu.dma_semaphore, #tpu.memory_space<semaphore_mem>>
        %dma_start3A_480 = arith.constant 0 : i32
        %dma_start3A_481 = arith.constant 0 : i32
        %dma_start3A_482 = tpu.memref_slice %arg17[%dma_start3A_480, %dma_start3A_481] : memref<96768x32xbf16, #tpu.memory_space<vmem_shared>> -> memref<96768x32xbf16, #tpu.memory_space<vmem_shared>>
        tpu.enqueue_indirect_dma source(%arg11 : memref<864x32xbf16, #tpu.memory_space<vmem>>) target(%dma_start3A_482 : memref<96768x32xbf16, #tpu.memory_space<vmem_shared>>) offsets(%arg9 : memref<864xi32, #tpu.memory_space<vmem>>) semaphore(%run_scoped3A : memref<!tpu.dma_semaphore, #tpu.memory_space<semaphore_mem>>) {add = true}
        %dma_wait3A_483 = arith.constant 0 : i32
        %dma_wait3A_484 = arith.constant 0 : i32
        %dma_wait3A_485 = tpu.memref_slice %arg17[%dma_wait3A_483, %dma_wait3A_484] : memref<96768x32xbf16, #tpu.memory_space<vmem_shared>> -> memref<96768x32xbf16, #tpu.memory_space<vmem_shared>>
        tpu.wait_indirect_dma semaphore(%run_scoped3A : memref<!tpu.dma_semaphore, #tpu.memory_space<semaphore_mem>>) src(%arg11 : memref<864x32xbf16, #tpu.memory_space<vmem>>) dst(%dma_wait3A_485 : memref<96768x32xbf16, #tpu.memory_space<vmem_shared>>)
        tpu.yield
      }) : () -> ()
      %lt3A = arith.constant 55 : i32
      %lt3A_465 = arith.cmpi slt, %scan3A_445, %lt3A : i32
      %convert_element_type3A = arith.extui %lt3A_465 : i1 to i32
      %cond3A = arith.constant 0 : i32
      %cond3A_466 = arith.cmpi ne, %convert_element_type3A, %cond3A : i32
      scf.if %cond3A_466 {
        %add3A_480 = arith.constant 1 : i32
        %add3A_481 = arith.addi %scan3A_445, %add3A_480 : i32
        %mul3A_482 = arith.constant 2 : i32
        %mul3A_483 = arith.muli %add3A_481, %mul3A_482 : i32
        %add3A_484 = arith.constant 0 : i32
        %add3A_485 = arith.addi %mul3A_483, %add3A_484 : i32
        %mul3A_486 = arith.constant 864 : i32
        %mul3A_487 = arith.muli %add3A_485, %mul3A_486 : i32
        %add3A_488 = arith.addi %mul3A_193, %mul3A_487 : i32
        %dma_start3A_489 = tpu.memref_slice %arg2[%add3A_488] : memref<1548288xi32, #tpu.memory_space<hbm>> -> memref<864xi32, #tpu.memory_space<hbm>>
        %dma_start3A_490 = tpu.memref_slice %arg2[%add3A_488] : memref<1548288xi32, #tpu.memory_space<hbm>> -> memref<864xi32, #tpu.memory_space<hbm>>
        tpu.enqueue_dma source(%dma_start3A_490 : memref<864xi32, #tpu.memory_space<hbm>>) target(%arg7 : memref<864xi32, #tpu.memory_space<vmem>>) target_semaphore(%arg13 : memref<!tpu.dma_semaphore, #tpu.memory_space<semaphore_mem>>)
        %dma_start3A_491 = tpu.memref_slice %arg3[%add3A_488] : memref<1548288xi32, #tpu.memory_space<hbm>> -> memref<864xi32, #tpu.memory_space<hbm>>
        %dma_start3A_492 = tpu.memref_slice %arg3[%add3A_488] : memref<1548288xi32, #tpu.memory_space<hbm>> -> memref<864xi32, #tpu.memory_space<hbm>>
        tpu.enqueue_dma source(%dma_start3A_492 : memref<864xi32, #tpu.memory_space<hbm>>) target(%arg9 : memref<864xi32, #tpu.memory_space<vmem>>) target_semaphore(%arg13 : memref<!tpu.dma_semaphore, #tpu.memory_space<semaphore_mem>>)
      } else {
      }
      %lt3A_467 = arith.constant 55 : i32
      %lt3A_468 = arith.cmpi slt, %scan3A_445, %lt3A_467 : i32
      %convert_element_type3A_469 = arith.extui %lt3A_468 : i1 to i32
      %cond3A_470 = arith.constant 0 : i32
      %cond3A_471 = arith.cmpi ne, %convert_element_type3A_469, %cond3A_470 : i32
      scf.if %cond3A_471 {
        %mul3A_480 = arith.constant 2 : i32
        %mul3A_481 = arith.muli %scan3A_445, %mul3A_480 : i32
        %add3A_482 = arith.constant 1 : i32
        %add3A_483 = arith.addi %mul3A_481, %add3A_482 : i32
        %add3A_484 = arith.constant 1 : i32
        %add3A_485 = arith.addi %add3A_483, %add3A_484 : i32
        %mul3A_486 = arith.constant 864 : i32
        %mul3A_487 = arith.muli %add3A_485, %mul3A_486 : i32
        %add3A_488 = arith.addi %mul3A_193, %mul3A_487 : i32
        %dma_wait3A_489 = tpu.memref_slice %arg2[%add3A_488] : memref<1548288xi32, #tpu.memory_space<hbm>> -> memref<864xi32, #tpu.memory_space<hbm>>
        %dma_wait3A_490 = tpu.memref_slice %arg2[%add3A_488] : memref<1548288xi32, #tpu.memory_space<hbm>> -> memref<864xi32, #tpu.memory_space<hbm>>
        tpu.wait_dma2 semaphore(%arg13 : memref<!tpu.dma_semaphore, #tpu.memory_space<semaphore_mem>>) src(%dma_wait3A_490 : memref<864xi32, #tpu.memory_space<hbm>>) dst(%arg7 : memref<864xi32, #tpu.memory_space<vmem>>)
        %dma_wait3A_491 = tpu.memref_slice %arg3[%add3A_488] : memref<1548288xi32, #tpu.memory_space<hbm>> -> memref<864xi32, #tpu.memory_space<hbm>>
        %dma_wait3A_492 = tpu.memref_slice %arg3[%add3A_488] : memref<1548288xi32, #tpu.memory_space<hbm>> -> memref<864xi32, #tpu.memory_space<hbm>>
        tpu.wait_dma2 semaphore(%arg13 : memref<!tpu.dma_semaphore, #tpu.memory_space<semaphore_mem>>) src(%dma_wait3A_492 : memref<864xi32, #tpu.memory_space<hbm>>) dst(%arg9 : memref<864xi32, #tpu.memory_space<vmem>>)
        %dma_start3A_493 = arith.constant 0 : i32
        %dma_start3A_494 = arith.constant 0 : i32
        %dma_start3A_495 = tpu.memref_slice %arg4[%dma_start3A_493, %dma_start3A_494] : memref<96768x32xbf16, #tpu.memory_space<hbm>> -> memref<96768x32xbf16, #tpu.memory_space<hbm>>
        tpu.enqueue_indirect_dma source(%dma_start3A_495 : memref<96768x32xbf16, #tpu.memory_space<hbm>>) target(%arg11 : memref<864x32xbf16, #tpu.memory_space<vmem>>) offsets(%arg7 : memref<864xi32, #tpu.memory_space<vmem>>) semaphore(%arg15 : memref<!tpu.dma_semaphore, #tpu.memory_space<semaphore_mem>>)
      } else {
      }
      %dma_wait3A_472 = arith.constant 0 : i32
      %dma_wait3A_473 = arith.constant 0 : i32
      %dma_wait3A_474 = tpu.memref_slice %arg4[%dma_wait3A_472, %dma_wait3A_473] : memref<96768x32xbf16, #tpu.memory_space<hbm>> -> memref<96768x32xbf16, #tpu.memory_space<hbm>>
      tpu.wait_indirect_dma semaphore(%arg16 : memref<!tpu.dma_semaphore, #tpu.memory_space<semaphore_mem>>) src(%dma_wait3A_474 : memref<96768x32xbf16, #tpu.memory_space<hbm>>) dst(%arg12 : memref<864x32xbf16, #tpu.memory_space<vmem>>)
      "tpu.region"() ({
        %run_scoped3A = tpu.sem_alloc : memref<!tpu.dma_semaphore, #tpu.memory_space<semaphore_mem>>
        %dma_start3A_480 = arith.constant 0 : i32
        %dma_start3A_481 = arith.constant 0 : i32
        %dma_start3A_482 = tpu.memref_slice %arg17[%dma_start3A_480, %dma_start3A_481] : memref<96768x32xbf16, #tpu.memory_space<vmem_shared>> -> memref<96768x32xbf16, #tpu.memory_space<vmem_shared>>
        tpu.enqueue_indirect_dma source(%arg12 : memref<864x32xbf16, #tpu.memory_space<vmem>>) target(%dma_start3A_482 : memref<96768x32xbf16, #tpu.memory_space<vmem_shared>>) offsets(%arg10 : memref<864xi32, #tpu.memory_space<vmem>>) semaphore(%run_scoped3A : memref<!tpu.dma_semaphore, #tpu.memory_space<semaphore_mem>>) {add = true}
        %dma_wait3A_483 = arith.constant 0 : i32
        %dma_wait3A_484 = arith.constant 0 : i32
        %dma_wait3A_485 = tpu.memref_slice %arg17[%dma_wait3A_483, %dma_wait3A_484] : memref<96768x32xbf16, #tpu.memory_space<vmem_shared>> -> memref<96768x32xbf16, #tpu.memory_space<vmem_shared>>
        tpu.wait_indirect_dma semaphore(%run_scoped3A : memref<!tpu.dma_semaphore, #tpu.memory_space<semaphore_mem>>) src(%arg12 : memref<864x32xbf16, #tpu.memory_space<vmem>>) dst(%dma_wait3A_485 : memref<96768x32xbf16, #tpu.memory_space<vmem_shared>>)
        tpu.yield
      }) : () -> ()
      %lt3A_475 = arith.constant 55 : i32
      %lt3A_476 = arith.cmpi slt, %scan3A_445, %lt3A_475 : i32
      %convert_element_type3A_477 = arith.extui %lt3A_476 : i1 to i32
      %cond3A_478 = arith.constant 0 : i32
      %cond3A_479 = arith.cmpi ne, %convert_element_type3A_477, %cond3A_478 : i32
      scf.if %cond3A_479 {
        %add3A_480 = arith.constant 1 : i32
        %add3A_481 = arith.addi %scan3A_445, %add3A_480 : i32
        %mul3A_482 = arith.constant 2 : i32
        %mul3A_483 = arith.muli %add3A_481, %mul3A_482 : i32
        %add3A_484 = arith.constant 1 : i32
        %add3A_485 = arith.addi %mul3A_483, %add3A_484 : i32
        %mul3A_486 = arith.constant 864 : i32
        %mul3A_487 = arith.muli %add3A_485, %mul3A_486 : i32
        %add3A_488 = arith.addi %mul3A_193, %mul3A_487 : i32
        %dma_start3A_489 = tpu.memref_slice %arg2[%add3A_488] : memref<1548288xi32, #tpu.memory_space<hbm>> -> memref<864xi32, #tpu.memory_space<hbm>>
        %dma_start3A_490 = tpu.memref_slice %arg2[%add3A_488] : memref<1548288xi32, #tpu.memory_space<hbm>> -> memref<864xi32, #tpu.memory_space<hbm>>
        tpu.enqueue_dma source(%dma_start3A_490 : memref<864xi32, #tpu.memory_space<hbm>>) target(%arg8 : memref<864xi32, #tpu.memory_space<vmem>>) target_semaphore(%arg14 : memref<!tpu.dma_semaphore, #tpu.memory_space<semaphore_mem>>)
        %dma_start3A_491 = tpu.memref_slice %arg3[%add3A_488] : memref<1548288xi32, #tpu.memory_space<hbm>> -> memref<864xi32, #tpu.memory_space<hbm>>
        %dma_start3A_492 = tpu.memref_slice %arg3[%add3A_488] : memref<1548288xi32, #tpu.memory_space<hbm>> -> memref<864xi32, #tpu.memory_space<hbm>>
        tpu.enqueue_dma source(%dma_start3A_492 : memref<864xi32, #tpu.memory_space<hbm>>) target(%arg10 : memref<864xi32, #tpu.memory_space<vmem>>) target_semaphore(%arg14 : memref<!tpu.dma_semaphore, #tpu.memory_space<semaphore_mem>>)
      } else {
      }
    }
    %scan3A_219 = arith.constant 56 : i32
    %barrier3A_220 = arith.constant 0 : index
    tpu.barrier barrier_id(%barrier3A_220)
    %mul3A_221 = arith.constant 6048 : i32
    %mul3A_222 = arith.muli %arg1, %mul3A_221 : i32
    %add3A_223 = arith.constant 0 : i32
    %add3A_224 = arith.addi %mul3A_222, %add3A_223 : i32
    %dma_start3A_225 = arith.constant 0 : i32
    %dma_start3A_226 = tpu.memref_slice %arg17[%add3A_224, %dma_start3A_225] : memref<96768x32xbf16, #tpu.memory_space<vmem_shared>> -> memref<864x32xbf16, #tpu.memory_space<vmem_shared>>
    %dma_start3A_227 = arith.constant 0 : i32
    %dma_start3A_228 = tpu.memref_slice %arg17[%add3A_224, %dma_start3A_227] : memref<96768x32xbf16, #tpu.memory_space<vmem_shared>> -> memref<864x32xbf16, #tpu.memory_space<vmem_shared>>
    tpu.enqueue_dma source(%dma_start3A_228 : memref<864x32xbf16, #tpu.memory_space<vmem_shared>>) target(%arg11 : memref<864x32xbf16, #tpu.memory_space<vmem>>) target_semaphore(%arg15 : memref<!tpu.dma_semaphore, #tpu.memory_space<semaphore_mem>>)
    %mul3A_229 = arith.constant 6048 : i32
    %mul3A_230 = arith.muli %arg1, %mul3A_229 : i32
    %add3A_231 = arith.constant 864 : i32
    %add3A_232 = arith.addi %mul3A_230, %add3A_231 : i32
    %dma_start3A_233 = arith.constant 0 : i32
    %dma_start3A_234 = tpu.memref_slice %arg17[%add3A_232, %dma_start3A_233] : memref<96768x32xbf16, #tpu.memory_space<vmem_shared>> -> memref<864x32xbf16, #tpu.memory_space<vmem_shared>>
    %dma_start3A_235 = arith.constant 0 : i32
    %dma_start3A_236 = tpu.memref_slice %arg17[%add3A_232, %dma_start3A_235] : memref<96768x32xbf16, #tpu.memory_space<vmem_shared>> -> memref<864x32xbf16, #tpu.memory_space<vmem_shared>>
    tpu.enqueue_dma source(%dma_start3A_236 : memref<864x32xbf16, #tpu.memory_space<vmem_shared>>) target(%arg12 : memref<864x32xbf16, #tpu.memory_space<vmem>>) target_semaphore(%arg16 : memref<!tpu.dma_semaphore, #tpu.memory_space<semaphore_mem>>)
    %mul3A_237 = arith.constant 6048 : i32
    %mul3A_238 = arith.muli %arg1, %mul3A_237 : i32
    %add3A_239 = arith.constant 0 : i32
    %add3A_240 = arith.addi %mul3A_238, %add3A_239 : i32
    %dma_wait3A_241 = arith.constant 0 : i32
    %dma_wait3A_242 = tpu.memref_slice %arg17[%add3A_240, %dma_wait3A_241] : memref<96768x32xbf16, #tpu.memory_space<vmem_shared>> -> memref<864x32xbf16, #tpu.memory_space<vmem_shared>>
    %dma_wait3A_243 = arith.constant 0 : i32
    %dma_wait3A_244 = tpu.memref_slice %arg17[%add3A_240, %dma_wait3A_243] : memref<96768x32xbf16, #tpu.memory_space<vmem_shared>> -> memref<864x32xbf16, #tpu.memory_space<vmem_shared>>
    tpu.wait_dma2 semaphore(%arg15 : memref<!tpu.dma_semaphore, #tpu.memory_space<semaphore_mem>>) src(%dma_wait3A_244 : memref<864x32xbf16, #tpu.memory_space<vmem_shared>>) dst(%arg11 : memref<864x32xbf16, #tpu.memory_space<vmem>>)
    %mul3A_245 = arith.constant 6048 : i32
    %mul3A_246 = arith.muli %arg1, %mul3A_245 : i32
    %add3A_247 = arith.constant 0 : i32
    %add3A_248 = arith.addi %mul3A_246, %add3A_247 : i32
    %dma_start3A_249 = arith.constant 0 : i32
    %dma_start3A_250 = tpu.memref_slice %arg6[%add3A_248, %dma_start3A_249] : memref<96768x32xbf16, #tpu.memory_space<hbm>> -> memref<864x32xbf16, #tpu.memory_space<hbm>>
    %dma_start3A_251 = arith.constant 0 : i32
    %dma_start3A_252 = tpu.memref_slice %arg6[%add3A_248, %dma_start3A_251] : memref<96768x32xbf16, #tpu.memory_space<hbm>> -> memref<864x32xbf16, #tpu.memory_space<hbm>>
    tpu.enqueue_dma source(%arg11 : memref<864x32xbf16, #tpu.memory_space<vmem>>) target(%dma_start3A_252 : memref<864x32xbf16, #tpu.memory_space<hbm>>) target_semaphore(%arg13 : memref<!tpu.dma_semaphore, #tpu.memory_space<semaphore_mem>>)
    %mul3A_253 = arith.constant 6048 : i32
    %mul3A_254 = arith.muli %arg1, %mul3A_253 : i32
    %add3A_255 = arith.constant 0 : i32
    %add3A_256 = arith.addi %mul3A_254, %add3A_255 : i32
    %dma_wait3A_257 = arith.constant 0 : i32
    %dma_wait3A_258 = tpu.memref_slice %arg6[%add3A_256, %dma_wait3A_257] : memref<96768x32xbf16, #tpu.memory_space<hbm>> -> memref<864x32xbf16, #tpu.memory_space<hbm>>
    %dma_wait3A_259 = arith.constant 0 : i32
    %dma_wait3A_260 = tpu.memref_slice %arg6[%add3A_256, %dma_wait3A_259] : memref<96768x32xbf16, #tpu.memory_space<hbm>> -> memref<864x32xbf16, #tpu.memory_space<hbm>>
    tpu.wait_dma2 semaphore(%arg13 : memref<!tpu.dma_semaphore, #tpu.memory_space<semaphore_mem>>) src(%arg11 : memref<864x32xbf16, #tpu.memory_space<vmem>>) dst(%dma_wait3A_260 : memref<864x32xbf16, #tpu.memory_space<hbm>>)
    %mul3A_261 = arith.constant 6048 : i32
    %mul3A_262 = arith.muli %arg1, %mul3A_261 : i32
    %add3A_263 = arith.constant 1728 : i32
    %add3A_264 = arith.addi %mul3A_262, %add3A_263 : i32
    %dma_start3A_265 = arith.constant 0 : i32
    %dma_start3A_266 = tpu.memref_slice %arg17[%add3A_264, %dma_start3A_265] : memref<96768x32xbf16, #tpu.memory_space<vmem_shared>> -> memref<864x32xbf16, #tpu.memory_space<vmem_shared>>
    %dma_start3A_267 = arith.constant 0 : i32
    %dma_start3A_268 = tpu.memref_slice %arg17[%add3A_264, %dma_start3A_267] : memref<96768x32xbf16, #tpu.memory_space<vmem_shared>> -> memref<864x32xbf16, #tpu.memory_space<vmem_shared>>
    tpu.enqueue_dma source(%dma_start3A_268 : memref<864x32xbf16, #tpu.memory_space<vmem_shared>>) target(%arg11 : memref<864x32xbf16, #tpu.memory_space<vmem>>) target_semaphore(%arg15 : memref<!tpu.dma_semaphore, #tpu.memory_space<semaphore_mem>>)
    %mul3A_269 = arith.constant 6048 : i32
    %mul3A_270 = arith.muli %arg1, %mul3A_269 : i32
    %add3A_271 = arith.constant 864 : i32
    %add3A_272 = arith.addi %mul3A_270, %add3A_271 : i32
    %dma_wait3A_273 = arith.constant 0 : i32
    %dma_wait3A_274 = tpu.memref_slice %arg17[%add3A_272, %dma_wait3A_273] : memref<96768x32xbf16, #tpu.memory_space<vmem_shared>> -> memref<864x32xbf16, #tpu.memory_space<vmem_shared>>
    %dma_wait3A_275 = arith.constant 0 : i32
    %dma_wait3A_276 = tpu.memref_slice %arg17[%add3A_272, %dma_wait3A_275] : memref<96768x32xbf16, #tpu.memory_space<vmem_shared>> -> memref<864x32xbf16, #tpu.memory_space<vmem_shared>>
    tpu.wait_dma2 semaphore(%arg16 : memref<!tpu.dma_semaphore, #tpu.memory_space<semaphore_mem>>) src(%dma_wait3A_276 : memref<864x32xbf16, #tpu.memory_space<vmem_shared>>) dst(%arg12 : memref<864x32xbf16, #tpu.memory_space<vmem>>)
    %mul3A_277 = arith.constant 6048 : i32
    %mul3A_278 = arith.muli %arg1, %mul3A_277 : i32
    %add3A_279 = arith.constant 864 : i32
    %add3A_280 = arith.addi %mul3A_278, %add3A_279 : i32
    %dma_start3A_281 = arith.constant 0 : i32
    %dma_start3A_282 = tpu.memref_slice %arg6[%add3A_280, %dma_start3A_281] : memref<96768x32xbf16, #tpu.memory_space<hbm>> -> memref<864x32xbf16, #tpu.memory_space<hbm>>
    %dma_start3A_283 = arith.constant 0 : i32
    %dma_start3A_284 = tpu.memref_slice %arg6[%add3A_280, %dma_start3A_283] : memref<96768x32xbf16, #tpu.memory_space<hbm>> -> memref<864x32xbf16, #tpu.memory_space<hbm>>
    tpu.enqueue_dma source(%arg12 : memref<864x32xbf16, #tpu.memory_space<vmem>>) target(%dma_start3A_284 : memref<864x32xbf16, #tpu.memory_space<hbm>>) target_semaphore(%arg14 : memref<!tpu.dma_semaphore, #tpu.memory_space<semaphore_mem>>)
    %mul3A_285 = arith.constant 6048 : i32
    %mul3A_286 = arith.muli %arg1, %mul3A_285 : i32
    %add3A_287 = arith.constant 864 : i32
    %add3A_288 = arith.addi %mul3A_286, %add3A_287 : i32
    %dma_wait3A_289 = arith.constant 0 : i32
    %dma_wait3A_290 = tpu.memref_slice %arg6[%add3A_288, %dma_wait3A_289] : memref<96768x32xbf16, #tpu.memory_space<hbm>> -> memref<864x32xbf16, #tpu.memory_space<hbm>>
    %dma_wait3A_291 = arith.constant 0 : i32
    %dma_wait3A_292 = tpu.memref_slice %arg6[%add3A_288, %dma_wait3A_291] : memref<96768x32xbf16, #tpu.memory_space<hbm>> -> memref<864x32xbf16, #tpu.memory_space<hbm>>
    tpu.wait_dma2 semaphore(%arg14 : memref<!tpu.dma_semaphore, #tpu.memory_space<semaphore_mem>>) src(%arg12 : memref<864x32xbf16, #tpu.memory_space<vmem>>) dst(%dma_wait3A_292 : memref<864x32xbf16, #tpu.memory_space<hbm>>)
    %mul3A_293 = arith.constant 6048 : i32
    %mul3A_294 = arith.muli %arg1, %mul3A_293 : i32
    %add3A_295 = arith.constant 2592 : i32
    %add3A_296 = arith.addi %mul3A_294, %add3A_295 : i32
    %dma_start3A_297 = arith.constant 0 : i32
    %dma_start3A_298 = tpu.memref_slice %arg17[%add3A_296, %dma_start3A_297] : memref<96768x32xbf16, #tpu.memory_space<vmem_shared>> -> memref<864x32xbf16, #tpu.memory_space<vmem_shared>>
    %dma_start3A_299 = arith.constant 0 : i32
    %dma_start3A_300 = tpu.memref_slice %arg17[%add3A_296, %dma_start3A_299] : memref<96768x32xbf16, #tpu.memory_space<vmem_shared>> -> memref<864x32xbf16, #tpu.memory_space<vmem_shared>>
    tpu.enqueue_dma source(%dma_start3A_300 : memref<864x32xbf16, #tpu.memory_space<vmem_shared>>) target(%arg12 : memref<864x32xbf16, #tpu.memory_space<vmem>>) target_semaphore(%arg16 : memref<!tpu.dma_semaphore, #tpu.memory_space<semaphore_mem>>)
    %mul3A_301 = arith.constant 6048 : i32
    %mul3A_302 = arith.muli %arg1, %mul3A_301 : i32
    %add3A_303 = arith.constant 1728 : i32
    %add3A_304 = arith.addi %mul3A_302, %add3A_303 : i32
    %dma_wait3A_305 = arith.constant 0 : i32
    %dma_wait3A_306 = tpu.memref_slice %arg17[%add3A_304, %dma_wait3A_305] : memref<96768x32xbf16, #tpu.memory_space<vmem_shared>> -> memref<864x32xbf16, #tpu.memory_space<vmem_shared>>
    %dma_wait3A_307 = arith.constant 0 : i32
    %dma_wait3A_308 = tpu.memref_slice %arg17[%add3A_304, %dma_wait3A_307] : memref<96768x32xbf16, #tpu.memory_space<vmem_shared>> -> memref<864x32xbf16, #tpu.memory_space<vmem_shared>>
    tpu.wait_dma2 semaphore(%arg15 : memref<!tpu.dma_semaphore, #tpu.memory_space<semaphore_mem>>) src(%dma_wait3A_308 : memref<864x32xbf16, #tpu.memory_space<vmem_shared>>) dst(%arg11 : memref<864x32xbf16, #tpu.memory_space<vmem>>)
    %mul3A_309 = arith.constant 6048 : i32
    %mul3A_310 = arith.muli %arg1, %mul3A_309 : i32
    %add3A_311 = arith.constant 1728 : i32
    %add3A_312 = arith.addi %mul3A_310, %add3A_311 : i32
    %dma_start3A_313 = arith.constant 0 : i32
    %dma_start3A_314 = tpu.memref_slice %arg6[%add3A_312, %dma_start3A_313] : memref<96768x32xbf16, #tpu.memory_space<hbm>> -> memref<864x32xbf16, #tpu.memory_space<hbm>>
    %dma_start3A_315 = arith.constant 0 : i32
    %dma_start3A_316 = tpu.memref_slice %arg6[%add3A_312, %dma_start3A_315] : memref<96768x32xbf16, #tpu.memory_space<hbm>> -> memref<864x32xbf16, #tpu.memory_space<hbm>>
    tpu.enqueue_dma source(%arg11 : memref<864x32xbf16, #tpu.memory_space<vmem>>) target(%dma_start3A_316 : memref<864x32xbf16, #tpu.memory_space<hbm>>) target_semaphore(%arg13 : memref<!tpu.dma_semaphore, #tpu.memory_space<semaphore_mem>>)
    %mul3A_317 = arith.constant 6048 : i32
    %mul3A_318 = arith.muli %arg1, %mul3A_317 : i32
    %add3A_319 = arith.constant 1728 : i32
    %add3A_320 = arith.addi %mul3A_318, %add3A_319 : i32
    %dma_wait3A_321 = arith.constant 0 : i32
    %dma_wait3A_322 = tpu.memref_slice %arg6[%add3A_320, %dma_wait3A_321] : memref<96768x32xbf16, #tpu.memory_space<hbm>> -> memref<864x32xbf16, #tpu.memory_space<hbm>>
    %dma_wait3A_323 = arith.constant 0 : i32
    %dma_wait3A_324 = tpu.memref_slice %arg6[%add3A_320, %dma_wait3A_323] : memref<96768x32xbf16, #tpu.memory_space<hbm>> -> memref<864x32xbf16, #tpu.memory_space<hbm>>
    tpu.wait_dma2 semaphore(%arg13 : memref<!tpu.dma_semaphore, #tpu.memory_space<semaphore_mem>>) src(%arg11 : memref<864x32xbf16, #tpu.memory_space<vmem>>) dst(%dma_wait3A_324 : memref<864x32xbf16, #tpu.memory_space<hbm>>)
    %mul3A_325 = arith.constant 6048 : i32
    %mul3A_326 = arith.muli %arg1, %mul3A_325 : i32
    %add3A_327 = arith.constant 3456 : i32
    %add3A_328 = arith.addi %mul3A_326, %add3A_327 : i32
    %dma_start3A_329 = arith.constant 0 : i32
    %dma_start3A_330 = tpu.memref_slice %arg17[%add3A_328, %dma_start3A_329] : memref<96768x32xbf16, #tpu.memory_space<vmem_shared>> -> memref<864x32xbf16, #tpu.memory_space<vmem_shared>>
    %dma_start3A_331 = arith.constant 0 : i32
    %dma_start3A_332 = tpu.memref_slice %arg17[%add3A_328, %dma_start3A_331] : memref<96768x32xbf16, #tpu.memory_space<vmem_shared>> -> memref<864x32xbf16, #tpu.memory_space<vmem_shared>>
    tpu.enqueue_dma source(%dma_start3A_332 : memref<864x32xbf16, #tpu.memory_space<vmem_shared>>) target(%arg11 : memref<864x32xbf16, #tpu.memory_space<vmem>>) target_semaphore(%arg15 : memref<!tpu.dma_semaphore, #tpu.memory_space<semaphore_mem>>)
    %mul3A_333 = arith.constant 6048 : i32
    %mul3A_334 = arith.muli %arg1, %mul3A_333 : i32
    %add3A_335 = arith.constant 2592 : i32
    %add3A_336 = arith.addi %mul3A_334, %add3A_335 : i32
    %dma_wait3A_337 = arith.constant 0 : i32
    %dma_wait3A_338 = tpu.memref_slice %arg17[%add3A_336, %dma_wait3A_337] : memref<96768x32xbf16, #tpu.memory_space<vmem_shared>> -> memref<864x32xbf16, #tpu.memory_space<vmem_shared>>
    %dma_wait3A_339 = arith.constant 0 : i32
    %dma_wait3A_340 = tpu.memref_slice %arg17[%add3A_336, %dma_wait3A_339] : memref<96768x32xbf16, #tpu.memory_space<vmem_shared>> -> memref<864x32xbf16, #tpu.memory_space<vmem_shared>>
    tpu.wait_dma2 semaphore(%arg16 : memref<!tpu.dma_semaphore, #tpu.memory_space<semaphore_mem>>) src(%dma_wait3A_340 : memref<864x32xbf16, #tpu.memory_space<vmem_shared>>) dst(%arg12 : memref<864x32xbf16, #tpu.memory_space<vmem>>)
    %mul3A_341 = arith.constant 6048 : i32
    %mul3A_342 = arith.muli %arg1, %mul3A_341 : i32
    %add3A_343 = arith.constant 2592 : i32
    %add3A_344 = arith.addi %mul3A_342, %add3A_343 : i32
    %dma_start3A_345 = arith.constant 0 : i32
    %dma_start3A_346 = tpu.memref_slice %arg6[%add3A_344, %dma_start3A_345] : memref<96768x32xbf16, #tpu.memory_space<hbm>> -> memref<864x32xbf16, #tpu.memory_space<hbm>>
    %dma_start3A_347 = arith.constant 0 : i32
    %dma_start3A_348 = tpu.memref_slice %arg6[%add3A_344, %dma_start3A_347] : memref<96768x32xbf16, #tpu.memory_space<hbm>> -> memref<864x32xbf16, #tpu.memory_space<hbm>>
    tpu.enqueue_dma source(%arg12 : memref<864x32xbf16, #tpu.memory_space<vmem>>) target(%dma_start3A_348 : memref<864x32xbf16, #tpu.memory_space<hbm>>) target_semaphore(%arg14 : memref<!tpu.dma_semaphore, #tpu.memory_space<semaphore_mem>>)
    %mul3A_349 = arith.constant 6048 : i32
    %mul3A_350 = arith.muli %arg1, %mul3A_349 : i32
    %add3A_351 = arith.constant 2592 : i32
    %add3A_352 = arith.addi %mul3A_350, %add3A_351 : i32
    %dma_wait3A_353 = arith.constant 0 : i32
    %dma_wait3A_354 = tpu.memref_slice %arg6[%add3A_352, %dma_wait3A_353] : memref<96768x32xbf16, #tpu.memory_space<hbm>> -> memref<864x32xbf16, #tpu.memory_space<hbm>>
    %dma_wait3A_355 = arith.constant 0 : i32
    %dma_wait3A_356 = tpu.memref_slice %arg6[%add3A_352, %dma_wait3A_355] : memref<96768x32xbf16, #tpu.memory_space<hbm>> -> memref<864x32xbf16, #tpu.memory_space<hbm>>
    tpu.wait_dma2 semaphore(%arg14 : memref<!tpu.dma_semaphore, #tpu.memory_space<semaphore_mem>>) src(%arg12 : memref<864x32xbf16, #tpu.memory_space<vmem>>) dst(%dma_wait3A_356 : memref<864x32xbf16, #tpu.memory_space<hbm>>)
    %mul3A_357 = arith.constant 6048 : i32
    %mul3A_358 = arith.muli %arg1, %mul3A_357 : i32
    %add3A_359 = arith.constant 4320 : i32
    %add3A_360 = arith.addi %mul3A_358, %add3A_359 : i32
    %dma_start3A_361 = arith.constant 0 : i32
    %dma_start3A_362 = tpu.memref_slice %arg17[%add3A_360, %dma_start3A_361] : memref<96768x32xbf16, #tpu.memory_space<vmem_shared>> -> memref<864x32xbf16, #tpu.memory_space<vmem_shared>>
    %dma_start3A_363 = arith.constant 0 : i32
    %dma_start3A_364 = tpu.memref_slice %arg17[%add3A_360, %dma_start3A_363] : memref<96768x32xbf16, #tpu.memory_space<vmem_shared>> -> memref<864x32xbf16, #tpu.memory_space<vmem_shared>>
    tpu.enqueue_dma source(%dma_start3A_364 : memref<864x32xbf16, #tpu.memory_space<vmem_shared>>) target(%arg12 : memref<864x32xbf16, #tpu.memory_space<vmem>>) target_semaphore(%arg16 : memref<!tpu.dma_semaphore, #tpu.memory_space<semaphore_mem>>)
    %mul3A_365 = arith.constant 6048 : i32
    %mul3A_366 = arith.muli %arg1, %mul3A_365 : i32
    %add3A_367 = arith.constant 3456 : i32
    %add3A_368 = arith.addi %mul3A_366, %add3A_367 : i32
    %dma_wait3A_369 = arith.constant 0 : i32
    %dma_wait3A_370 = tpu.memref_slice %arg17[%add3A_368, %dma_wait3A_369] : memref<96768x32xbf16, #tpu.memory_space<vmem_shared>> -> memref<864x32xbf16, #tpu.memory_space<vmem_shared>>
    %dma_wait3A_371 = arith.constant 0 : i32
    %dma_wait3A_372 = tpu.memref_slice %arg17[%add3A_368, %dma_wait3A_371] : memref<96768x32xbf16, #tpu.memory_space<vmem_shared>> -> memref<864x32xbf16, #tpu.memory_space<vmem_shared>>
    tpu.wait_dma2 semaphore(%arg15 : memref<!tpu.dma_semaphore, #tpu.memory_space<semaphore_mem>>) src(%dma_wait3A_372 : memref<864x32xbf16, #tpu.memory_space<vmem_shared>>) dst(%arg11 : memref<864x32xbf16, #tpu.memory_space<vmem>>)
    %mul3A_373 = arith.constant 6048 : i32
    %mul3A_374 = arith.muli %arg1, %mul3A_373 : i32
    %add3A_375 = arith.constant 3456 : i32
    %add3A_376 = arith.addi %mul3A_374, %add3A_375 : i32
    %dma_start3A_377 = arith.constant 0 : i32
    %dma_start3A_378 = tpu.memref_slice %arg6[%add3A_376, %dma_start3A_377] : memref<96768x32xbf16, #tpu.memory_space<hbm>> -> memref<864x32xbf16, #tpu.memory_space<hbm>>
    %dma_start3A_379 = arith.constant 0 : i32
    %dma_start3A_380 = tpu.memref_slice %arg6[%add3A_376, %dma_start3A_379] : memref<96768x32xbf16, #tpu.memory_space<hbm>> -> memref<864x32xbf16, #tpu.memory_space<hbm>>
    tpu.enqueue_dma source(%arg11 : memref<864x32xbf16, #tpu.memory_space<vmem>>) target(%dma_start3A_380 : memref<864x32xbf16, #tpu.memory_space<hbm>>) target_semaphore(%arg13 : memref<!tpu.dma_semaphore, #tpu.memory_space<semaphore_mem>>)
    %mul3A_381 = arith.constant 6048 : i32
    %mul3A_382 = arith.muli %arg1, %mul3A_381 : i32
    %add3A_383 = arith.constant 3456 : i32
    %add3A_384 = arith.addi %mul3A_382, %add3A_383 : i32
    %dma_wait3A_385 = arith.constant 0 : i32
    %dma_wait3A_386 = tpu.memref_slice %arg6[%add3A_384, %dma_wait3A_385] : memref<96768x32xbf16, #tpu.memory_space<hbm>> -> memref<864x32xbf16, #tpu.memory_space<hbm>>
    %dma_wait3A_387 = arith.constant 0 : i32
    %dma_wait3A_388 = tpu.memref_slice %arg6[%add3A_384, %dma_wait3A_387] : memref<96768x32xbf16, #tpu.memory_space<hbm>> -> memref<864x32xbf16, #tpu.memory_space<hbm>>
    tpu.wait_dma2 semaphore(%arg13 : memref<!tpu.dma_semaphore, #tpu.memory_space<semaphore_mem>>) src(%arg11 : memref<864x32xbf16, #tpu.memory_space<vmem>>) dst(%dma_wait3A_388 : memref<864x32xbf16, #tpu.memory_space<hbm>>)
    %mul3A_389 = arith.constant 6048 : i32
    %mul3A_390 = arith.muli %arg1, %mul3A_389 : i32
    %add3A_391 = arith.constant 5184 : i32
    %add3A_392 = arith.addi %mul3A_390, %add3A_391 : i32
    %dma_start3A_393 = arith.constant 0 : i32
    %dma_start3A_394 = tpu.memref_slice %arg17[%add3A_392, %dma_start3A_393] : memref<96768x32xbf16, #tpu.memory_space<vmem_shared>> -> memref<864x32xbf16, #tpu.memory_space<vmem_shared>>
    %dma_start3A_395 = arith.constant 0 : i32
    %dma_start3A_396 = tpu.memref_slice %arg17[%add3A_392, %dma_start3A_395] : memref<96768x32xbf16, #tpu.memory_space<vmem_shared>> -> memref<864x32xbf16, #tpu.memory_space<vmem_shared>>
    tpu.enqueue_dma source(%dma_start3A_396 : memref<864x32xbf16, #tpu.memory_space<vmem_shared>>) target(%arg11 : memref<864x32xbf16, #tpu.memory_space<vmem>>) target_semaphore(%arg15 : memref<!tpu.dma_semaphore, #tpu.memory_space<semaphore_mem>>)
    %mul3A_397 = arith.constant 6048 : i32
    %mul3A_398 = arith.muli %arg1, %mul3A_397 : i32
    %add3A_399 = arith.constant 4320 : i32
    %add3A_400 = arith.addi %mul3A_398, %add3A_399 : i32
    %dma_wait3A_401 = arith.constant 0 : i32
    %dma_wait3A_402 = tpu.memref_slice %arg17[%add3A_400, %dma_wait3A_401] : memref<96768x32xbf16, #tpu.memory_space<vmem_shared>> -> memref<864x32xbf16, #tpu.memory_space<vmem_shared>>
    %dma_wait3A_403 = arith.constant 0 : i32
    %dma_wait3A_404 = tpu.memref_slice %arg17[%add3A_400, %dma_wait3A_403] : memref<96768x32xbf16, #tpu.memory_space<vmem_shared>> -> memref<864x32xbf16, #tpu.memory_space<vmem_shared>>
    tpu.wait_dma2 semaphore(%arg16 : memref<!tpu.dma_semaphore, #tpu.memory_space<semaphore_mem>>) src(%dma_wait3A_404 : memref<864x32xbf16, #tpu.memory_space<vmem_shared>>) dst(%arg12 : memref<864x32xbf16, #tpu.memory_space<vmem>>)
    %mul3A_405 = arith.constant 6048 : i32
    %mul3A_406 = arith.muli %arg1, %mul3A_405 : i32
    %add3A_407 = arith.constant 4320 : i32
    %add3A_408 = arith.addi %mul3A_406, %add3A_407 : i32
    %dma_start3A_409 = arith.constant 0 : i32
    %dma_start3A_410 = tpu.memref_slice %arg6[%add3A_408, %dma_start3A_409] : memref<96768x32xbf16, #tpu.memory_space<hbm>> -> memref<864x32xbf16, #tpu.memory_space<hbm>>
    %dma_start3A_411 = arith.constant 0 : i32
    %dma_start3A_412 = tpu.memref_slice %arg6[%add3A_408, %dma_start3A_411] : memref<96768x32xbf16, #tpu.memory_space<hbm>> -> memref<864x32xbf16, #tpu.memory_space<hbm>>
    tpu.enqueue_dma source(%arg12 : memref<864x32xbf16, #tpu.memory_space<vmem>>) target(%dma_start3A_412 : memref<864x32xbf16, #tpu.memory_space<hbm>>) target_semaphore(%arg14 : memref<!tpu.dma_semaphore, #tpu.memory_space<semaphore_mem>>)
    %mul3A_413 = arith.constant 6048 : i32
    %mul3A_414 = arith.muli %arg1, %mul3A_413 : i32
    %add3A_415 = arith.constant 4320 : i32
    %add3A_416 = arith.addi %mul3A_414, %add3A_415 : i32
    %dma_wait3A_417 = arith.constant 0 : i32
    %dma_wait3A_418 = tpu.memref_slice %arg6[%add3A_416, %dma_wait3A_417] : memref<96768x32xbf16, #tpu.memory_space<hbm>> -> memref<864x32xbf16, #tpu.memory_space<hbm>>
    %dma_wait3A_419 = arith.constant 0 : i32
    %dma_wait3A_420 = tpu.memref_slice %arg6[%add3A_416, %dma_wait3A_419] : memref<96768x32xbf16, #tpu.memory_space<hbm>> -> memref<864x32xbf16, #tpu.memory_space<hbm>>
    tpu.wait_dma2 semaphore(%arg14 : memref<!tpu.dma_semaphore, #tpu.memory_space<semaphore_mem>>) src(%arg12 : memref<864x32xbf16, #tpu.memory_space<vmem>>) dst(%dma_wait3A_420 : memref<864x32xbf16, #tpu.memory_space<hbm>>)
    %mul3A_421 = arith.constant 6048 : i32
    %mul3A_422 = arith.muli %arg1, %mul3A_421 : i32
    %add3A_423 = arith.constant 5184 : i32
    %add3A_424 = arith.addi %mul3A_422, %add3A_423 : i32
    %dma_wait3A_425 = arith.constant 0 : i32
    %dma_wait3A_426 = tpu.memref_slice %arg17[%add3A_424, %dma_wait3A_425] : memref<96768x32xbf16, #tpu.memory_space<vmem_shared>> -> memref<864x32xbf16, #tpu.memory_space<vmem_shared>>
    %dma_wait3A_427 = arith.constant 0 : i32
    %dma_wait3A_428 = tpu.memref_slice %arg17[%add3A_424, %dma_wait3A_427] : memref<96768x32xbf16, #tpu.memory_space<vmem_shared>> -> memref<864x32xbf16, #tpu.memory_space<vmem_shared>>
    tpu.wait_dma2 semaphore(%arg15 : memref<!tpu.dma_semaphore, #tpu.memory_space<semaphore_mem>>) src(%dma_wait3A_428 : memref<864x32xbf16, #tpu.memory_space<vmem_shared>>) dst(%arg11 : memref<864x32xbf16, #tpu.memory_space<vmem>>)
    %mul3A_429 = arith.constant 6048 : i32
    %mul3A_430 = arith.muli %arg1, %mul3A_429 : i32
    %add3A_431 = arith.constant 5184 : i32
    %add3A_432 = arith.addi %mul3A_430, %add3A_431 : i32
    %dma_start3A_433 = arith.constant 0 : i32
    %dma_start3A_434 = tpu.memref_slice %arg6[%add3A_432, %dma_start3A_433] : memref<96768x32xbf16, #tpu.memory_space<hbm>> -> memref<864x32xbf16, #tpu.memory_space<hbm>>
    %dma_start3A_435 = arith.constant 0 : i32
    %dma_start3A_436 = tpu.memref_slice %arg6[%add3A_432, %dma_start3A_435] : memref<96768x32xbf16, #tpu.memory_space<hbm>> -> memref<864x32xbf16, #tpu.memory_space<hbm>>
    tpu.enqueue_dma source(%arg11 : memref<864x32xbf16, #tpu.memory_space<vmem>>) target(%dma_start3A_436 : memref<864x32xbf16, #tpu.memory_space<hbm>>) target_semaphore(%arg13 : memref<!tpu.dma_semaphore, #tpu.memory_space<semaphore_mem>>)
    %mul3A_437 = arith.constant 6048 : i32
    %mul3A_438 = arith.muli %arg1, %mul3A_437 : i32
    %add3A_439 = arith.constant 5184 : i32
    %add3A_440 = arith.addi %mul3A_438, %add3A_439 : i32
    %dma_wait3A_441 = arith.constant 0 : i32
    %dma_wait3A_442 = tpu.memref_slice %arg6[%add3A_440, %dma_wait3A_441] : memref<96768x32xbf16, #tpu.memory_space<hbm>> -> memref<864x32xbf16, #tpu.memory_space<hbm>>
    %dma_wait3A_443 = arith.constant 0 : i32
    %dma_wait3A_444 = tpu.memref_slice %arg6[%add3A_440, %dma_wait3A_443] : memref<96768x32xbf16, #tpu.memory_space<hbm>> -> memref<864x32xbf16, #tpu.memory_space<hbm>>
    tpu.wait_dma2 semaphore(%arg13 : memref<!tpu.dma_semaphore, #tpu.memory_space<semaphore_mem>>) src(%arg11 : memref<864x32xbf16, #tpu.memory_space<vmem>>) dst(%dma_wait3A_444 : memref<864x32xbf16, #tpu.memory_space<hbm>>)
    return
  }
}

module attributes {stable_mosaic.version = 14 : i64} {
  func.func @_stats_body(%arg0: i32, %arg1: memref<608x4xf32, #tpu.memory_space<vmem>>, %arg2: memref<5440x8xf32, #tpu.memory_space<vmem>>, %arg3: memref<2x4xf32, #tpu.memory_space<vmem>>, %arg4: memref<2x3xf32, #tpu.memory_space<vmem>>) attributes {dimension_semantics = [#tpu.dimension_semantics<arbitrary>], iteration_bounds = array<i64: 16>, scalar_prefetch = 0 : i64, scratch_operands = 0 : i64, tpu.core_type = #tpu.core_type<tc>, window_params = [{transform_indices = @transform_0, window_bounds = array<i64: 608, 4>}, {transform_indices = @transform_1, window_bounds = array<i64: 5440, 8>}, {pipeline_mode = #tpu.pipeline_mode<synchronous>, transform_indices = @transform_2, window_bounds = array<i64: 2, 4>}, {pipeline_mode = #tpu.pipeline_mode<synchronous>, transform_indices = @transform_3, window_bounds = array<i64: 2, 3>}]} {
    %get3A = arith.constant 0 : index
    %get3A_0 = arith.constant 0 : index
    %get3A_1 = vector.load %arg1[%get3A, %get3A_0] : memref<608x4xf32, #tpu.memory_space<vmem>>, vector<608x4xf32>
    %get3A_2 = arith.constant 0 : index
    %get3A_3 = arith.constant 0 : index
    %get3A_4 = vector.load %arg2[%get3A_2, %get3A_3] : memref<5440x8xf32, #tpu.memory_space<vmem>>, vector<5440x8xf32>
    %slice3A = vector.extract_strided_slice %get3A_4 {offsets = [0, 0], sizes = [5440, 3], strides = [1, 1]} : vector<5440x8xf32> to vector<5440x3xf32>
    %eq3A = arith.constant 0 : i32
    %eq3A_5 = arith.cmpi eq, %arg0, %eq3A : i32
    %convert_element_type3A = arith.extui %eq3A_5 : i1 to i32
    %cond3A = arith.constant 0 : i32
    %cond3A_6 = arith.cmpi ne, %convert_element_type3A, %cond3A : i32
    scf.if %cond3A_6 {
      %broadcast_in_dim3A = arith.constant 0.000000e+00 : f32
      %broadcast_in_dim3A_53 = vector.broadcast %broadcast_in_dim3A : f32 to vector<2x4xf32>
      %swap3A_54 = arith.constant 0 : index
      %swap3A_55 = arith.constant 0 : index
      %swap3A_56 = vector.load %arg3[%swap3A_54, %swap3A_55] : memref<2x4xf32, #tpu.memory_space<vmem>>, vector<2x4xf32>
      tpu.vector_store %arg3[%swap3A_54, %swap3A_55], %broadcast_in_dim3A_53 {strides = array<i32>} : memref<2x4xf32, #tpu.memory_space<vmem>>, vector<2x4xf32>,
      %broadcast_in_dim3A_57 = arith.constant 0.000000e+00 : f32
      %broadcast_in_dim3A_58 = vector.broadcast %broadcast_in_dim3A_57 : f32 to vector<2x3xf32>
      %swap3A_59 = arith.constant 0 : index
      %swap3A_60 = arith.constant 0 : index
      %swap3A_61 = vector.load %arg4[%swap3A_59, %swap3A_60] : memref<2x3xf32, #tpu.memory_space<vmem>>, vector<2x3xf32>
      tpu.vector_store %arg4[%swap3A_59, %swap3A_60], %broadcast_in_dim3A_58 {strides = array<i32>} : memref<2x3xf32, #tpu.memory_space<vmem>>, vector<2x3xf32>,
    } else {
    }
    %get3A_7 = arith.constant 0 : index
    %get3A_8 = arith.constant 0 : index
    %get3A_9 = vector.load %arg3[%get3A_7, %get3A_8] : memref<2x4xf32, #tpu.memory_space<vmem>>, vector<1x4xf32>
    %get3A_10 = vector.shape_cast %get3A_9 : vector<1x4xf32> to vector<4xf32>
    %reduce_sum3A = arith.constant dense<0.000000e+00> : vector<4xf32>
    %reduce_sum3A_11 = vector.multi_reduction <add>, %get3A_1, %reduce_sum3A [0] : vector<608x4xf32> to vector<4xf32>
    %add3A = arith.addf %get3A_10, %reduce_sum3A_11 : vector<4xf32>
    %swap3A = arith.constant 0 : index
    %swap3A_12 = arith.constant 0 : index
    %swap3A_13 = vector.load %arg3[%swap3A, %swap3A_12] : memref<2x4xf32, #tpu.memory_space<vmem>>, vector<1x4xf32>
    %swap3A_14 = vector.shape_cast %swap3A_13 : vector<1x4xf32> to vector<4xf32>
    %swap3A_15 = vector.shape_cast %add3A : vector<4xf32> to vector<1x4xf32>
    tpu.vector_store %arg3[%swap3A, %swap3A_12], %swap3A_15 {strides = array<i32>} : memref<2x4xf32, #tpu.memory_space<vmem>>, vector<1x4xf32>,
    %get3A_16 = arith.constant 1 : index
    %get3A_17 = arith.constant 0 : index
    %get3A_18 = vector.load %arg3[%get3A_16, %get3A_17] : memref<2x4xf32, #tpu.memory_space<vmem>>, vector<1x4xf32>
    %get3A_19 = vector.shape_cast %get3A_18 : vector<1x4xf32> to vector<4xf32>
    %mul3A = arith.mulf %get3A_1, %get3A_1 : vector<608x4xf32>
    %reduce_sum3A_20 = arith.constant dense<0.000000e+00> : vector<4xf32>
    %reduce_sum3A_21 = vector.multi_reduction <add>, %mul3A, %reduce_sum3A_20 [0] : vector<608x4xf32> to vector<4xf32>
    %add3A_22 = arith.addf %get3A_19, %reduce_sum3A_21 : vector<4xf32>
    %swap3A_23 = arith.constant 1 : index
    %swap3A_24 = arith.constant 0 : index
    %swap3A_25 = vector.load %arg3[%swap3A_23, %swap3A_24] : memref<2x4xf32, #tpu.memory_space<vmem>>, vector<1x4xf32>
    %swap3A_26 = vector.shape_cast %swap3A_25 : vector<1x4xf32> to vector<4xf32>
    %swap3A_27 = vector.shape_cast %add3A_22 : vector<4xf32> to vector<1x4xf32>
    tpu.vector_store %arg3[%swap3A_23, %swap3A_24], %swap3A_27 {strides = array<i32>} : memref<2x4xf32, #tpu.memory_space<vmem>>, vector<1x4xf32>,
    %get3A_28 = arith.constant 0 : index
    %get3A_29 = arith.constant 0 : index
    %get3A_30 = vector.load %arg4[%get3A_28, %get3A_29] : memref<2x3xf32, #tpu.memory_space<vmem>>, vector<1x3xf32>
    %get3A_31 = vector.shape_cast %get3A_30 : vector<1x3xf32> to vector<3xf32>
    %reduce_sum3A_32 = arith.constant dense<0.000000e+00> : vector<3xf32>
    %reduce_sum3A_33 = vector.multi_reduction <add>, %slice3A, %reduce_sum3A_32 [0] : vector<5440x3xf32> to vector<3xf32>
    %add3A_34 = arith.addf %get3A_31, %reduce_sum3A_33 : vector<3xf32>
    %swap3A_35 = arith.constant 0 : index
    %swap3A_36 = arith.constant 0 : index
    %swap3A_37 = vector.load %arg4[%swap3A_35, %swap3A_36] : memref<2x3xf32, #tpu.memory_space<vmem>>, vector<1x3xf32>
    %swap3A_38 = vector.shape_cast %swap3A_37 : vector<1x3xf32> to vector<3xf32>
    %swap3A_39 = vector.shape_cast %add3A_34 : vector<3xf32> to vector<1x3xf32>
    tpu.vector_store %arg4[%swap3A_35, %swap3A_36], %swap3A_39 {strides = array<i32>} : memref<2x3xf32, #tpu.memory_space<vmem>>, vector<1x3xf32>,
    %get3A_40 = arith.constant 1 : index
    %get3A_41 = arith.constant 0 : index
    %get3A_42 = vector.load %arg4[%get3A_40, %get3A_41] : memref<2x3xf32, #tpu.memory_space<vmem>>, vector<1x3xf32>
    %get3A_43 = vector.shape_cast %get3A_42 : vector<1x3xf32> to vector<3xf32>
    %mul3A_44 = arith.mulf %slice3A, %slice3A : vector<5440x3xf32>
    %reduce_sum3A_45 = arith.constant dense<0.000000e+00> : vector<3xf32>
    %reduce_sum3A_46 = vector.multi_reduction <add>, %mul3A_44, %reduce_sum3A_45 [0] : vector<5440x3xf32> to vector<3xf32>
    %add3A_47 = arith.addf %get3A_43, %reduce_sum3A_46 : vector<3xf32>
    %swap3A_48 = arith.constant 1 : index
    %swap3A_49 = arith.constant 0 : index
    %swap3A_50 = vector.load %arg4[%swap3A_48, %swap3A_49] : memref<2x3xf32, #tpu.memory_space<vmem>>, vector<1x3xf32>
    %swap3A_51 = vector.shape_cast %swap3A_50 : vector<1x3xf32> to vector<3xf32>
    %swap3A_52 = vector.shape_cast %add3A_47 : vector<3xf32> to vector<1x3xf32>
    tpu.vector_store %arg4[%swap3A_48, %swap3A_49], %swap3A_52 {strides = array<i32>} : memref<2x3xf32, #tpu.memory_space<vmem>>, vector<1x3xf32>,
    return
  }
  func.func @transform_0(%arg0: i32) -> (i32, i32) {
    %c0_i32 = arith.constant 0 : i32
    %c0_i32_0 = arith.constant 0 : i32
    return %arg0, %c0_i32 : i32, i32
  }
  func.func @transform_1(%arg0: i32) -> (i32, i32) {
    %c0_i32 = arith.constant 0 : i32
    %c0_i32_0 = arith.constant 0 : i32
    return %arg0, %c0_i32 : i32, i32
  }
  func.func @transform_2(%arg0: i32) -> (i32, i32) {
    %c0_i32 = arith.constant 0 : i32
    %c0_i32_0 = arith.constant 0 : i32
    %c0_i32_1 = arith.constant 0 : i32
    return %c0_i32, %c0_i32_0 : i32, i32
  }
  func.func @transform_3(%arg0: i32) -> (i32, i32) {
    %c0_i32 = arith.constant 0 : i32
    %c0_i32_0 = arith.constant 0 : i32
    %c0_i32_1 = arith.constant 0 : i32
    return %c0_i32, %c0_i32_0 : i32, i32
  }
}

module attributes {stable_mosaic.version = 14 : i64} {
  func.func @_prologue_body(%arg0: i32, %arg1: memref<608x4xf32, #tpu.memory_space<vmem>>, %arg2: memref<5440x8xf32, #tpu.memory_space<vmem>>, %arg3: memref<2x4xf32, #tpu.memory_space<vmem>>, %arg4: memref<2x3xf32, #tpu.memory_space<vmem>>, %arg5: memref<1x4xf32, #tpu.memory_space<vmem>>, %arg6: memref<1x4xf32, #tpu.memory_space<vmem>>, %arg7: memref<1x3xf32, #tpu.memory_space<vmem>>, %arg8: memref<1x3xf32, #tpu.memory_space<vmem>>, %arg9: memref<24x4xf32, #tpu.memory_space<vmem>>, %arg10: memref<24x3xf32, #tpu.memory_space<vmem>>, %arg11: memref<608x24xf32, #tpu.memory_space<vmem>>, %arg12: memref<5440x24xf32, #tpu.memory_space<vmem>>, %arg13: memref<16x5xf32, #tpu.memory_space<vmem>>) attributes {dimension_semantics = [#tpu.dimension_semantics<arbitrary>], iteration_bounds = array<i64: 16>, scalar_prefetch = 0 : i64, scratch_operands = 0 : i64, tpu.core_type = #tpu.core_type<tc>, window_params = [{transform_indices = @transform_0, window_bounds = array<i64: 608, 4>}, {transform_indices = @transform_1, window_bounds = array<i64: 5440, 8>}, {pipeline_mode = #tpu.pipeline_mode<synchronous>, transform_indices = @transform_2, window_bounds = array<i64: 2, 4>}, {pipeline_mode = #tpu.pipeline_mode<synchronous>, transform_indices = @transform_3, window_bounds = array<i64: 2, 3>}, {pipeline_mode = #tpu.pipeline_mode<synchronous>, transform_indices = @transform_4, window_bounds = array<i64: 1, 4>}, {pipeline_mode = #tpu.pipeline_mode<synchronous>, transform_indices = @transform_5, window_bounds = array<i64: 1, 4>}, {pipeline_mode = #tpu.pipeline_mode<synchronous>, transform_indices = @transform_6, window_bounds = array<i64: 1, 3>}, {pipeline_mode = #tpu.pipeline_mode<synchronous>, transform_indices = @transform_7, window_bounds = array<i64: 1, 3>}, {pipeline_mode = #tpu.pipeline_mode<synchronous>, transform_indices = @transform_8, window_bounds = array<i64: 24, 4>}, {pipeline_mode = #tpu.pipeline_mode<synchronous>, transform_indices = @transform_9, window_bounds = array<i64: 24, 3>}, {transform_indices = @transform_10, window_bounds = array<i64: 608, 24>}, {transform_indices = @transform_11, window_bounds = array<i64: 5440, 24>}, {transform_indices = @transform_12, window_bounds = array<i64: 16, 5>}]} {
    %get3A = arith.constant 0 : index
    %get3A_0 = arith.constant 0 : index
    %get3A_1 = vector.load %arg3[%get3A, %get3A_0] : memref<2x4xf32, #tpu.memory_space<vmem>>, vector<1x4xf32>
    %get3A_2 = vector.shape_cast %get3A_1 : vector<1x4xf32> to vector<4xf32>
    %div3A = arith.constant 9.728000e+03 : f32
    %div3A_3 = vector.broadcast %div3A : f32 to vector<4xf32>
    %div3A_4 = arith.divf %get3A_2, %div3A_3 : vector<4xf32>
    %get3A_5 = arith.constant 1 : index
    %get3A_6 = arith.constant 0 : index
    %get3A_7 = vector.load %arg3[%get3A_5, %get3A_6] : memref<2x4xf32, #tpu.memory_space<vmem>>, vector<1x4xf32>
    %get3A_8 = vector.shape_cast %get3A_7 : vector<1x4xf32> to vector<4xf32>
    %div3A_9 = arith.constant 9.728000e+03 : f32
    %div3A_10 = vector.broadcast %div3A_9 : f32 to vector<4xf32>
    %div3A_11 = arith.divf %get3A_8, %div3A_10 : vector<4xf32>
    %mul3A = arith.mulf %div3A_4, %div3A_4 : vector<4xf32>
    %sub3A = arith.subf %div3A_11, %mul3A : vector<4xf32>
    %get3A_12 = arith.constant 0 : index
    %get3A_13 = arith.constant 0 : index
    %get3A_14 = vector.load %arg1[%get3A_12, %get3A_13] : memref<608x4xf32, #tpu.memory_space<vmem>>, vector<608x4xf32>
    %broadcast_in_dim3A = vector.shape_cast %div3A_4 : vector<4xf32> to vector<1x4xf32>
    %sub3A_15 = vector.broadcast %broadcast_in_dim3A : vector<1x4xf32> to vector<608x4xf32>
    %sub3A_16 = arith.subf %get3A_14, %sub3A_15 : vector<608x4xf32>
    %add3A = arith.constant 9.99999974E-6 : f32
    %add3A_17 = vector.broadcast %add3A : f32 to vector<4xf32>
    %add3A_18 = arith.addf %sub3A, %add3A_17 : vector<4xf32>
    %sqrt3A = math.sqrt %add3A_18 : vector<4xf32>
    %broadcast_in_dim3A_19 = vector.shape_cast %sqrt3A : vector<4xf32> to vector<1x4xf32>
    %div3A_20 = vector.broadcast %broadcast_in_dim3A_19 : vector<1x4xf32> to vector<608x4xf32>
    %div3A_21 = arith.divf %sub3A_16, %div3A_20 : vector<608x4xf32>
    %get3A_22 = arith.constant 0 : index
    %get3A_23 = arith.constant 0 : index
    %get3A_24 = vector.load %arg5[%get3A_22, %get3A_23] : memref<1x4xf32, #tpu.memory_space<vmem>>, vector<1x4xf32>
    %get3A_25 = vector.shape_cast %get3A_24 : vector<1x4xf32> to vector<4xf32>
    %broadcast_in_dim3A_26 = vector.shape_cast %get3A_25 : vector<4xf32> to vector<1x4xf32>
    %mul3A_27 = vector.broadcast %broadcast_in_dim3A_26 : vector<1x4xf32> to vector<608x4xf32>
    %mul3A_28 = arith.mulf %div3A_21, %mul3A_27 : vector<608x4xf32>
    %get3A_29 = arith.constant 0 : index
    %get3A_30 = arith.constant 0 : index
    %get3A_31 = vector.load %arg6[%get3A_29, %get3A_30] : memref<1x4xf32, #tpu.memory_space<vmem>>, vector<1x4xf32>
    %get3A_32 = vector.shape_cast %get3A_31 : vector<1x4xf32> to vector<4xf32>
    %broadcast_in_dim3A_33 = vector.shape_cast %get3A_32 : vector<4xf32> to vector<1x4xf32>
    %add3A_34 = vector.broadcast %broadcast_in_dim3A_33 : vector<1x4xf32> to vector<608x4xf32>
    %add3A_35 = arith.addf %mul3A_28, %add3A_34 : vector<608x4xf32>
    %get3A_36 = arith.constant 0 : index
    %get3A_37 = arith.constant 0 : index
    %get3A_38 = vector.load %arg9[%get3A_36, %get3A_37] : memref<24x4xf32, #tpu.memory_space<vmem>>, vector<24x4xf32>
    %transpose3A = tpu.transpose %get3A_38, [1, 0] : vector<24x4xf32> -> vector<4x24xf32>
    %dot_general3A = arith.constant dense<0.000000e+00> : vector<608x24xf32>
    %dot_general3A_39 = tpu.matmul %add3A_35, %transpose3A, %dot_general3A {dimension_numbers = #tpu.dot_dimension_numbers<[1], [0], [0], [1], [0, 0, 1, 1], [], []>, transpose_lhs_hint = false} : vector<608x4xf32>, vector<4x24xf32>, vector<608x24xf32> -> vector<608x24xf32>
    %ge3A = arith.constant 0.000000e+00 : f32
    %ge3A_40 = vector.broadcast %ge3A : f32 to vector<608x24xf32>
    %ge3A_41 = arith.cmpf oge, %dot_general3A_39, %ge3A_40 : vector<608x24xf32>
    %mul3A_42 = arith.constant 2.000000e-01 : f32
    %mul3A_43 = vector.broadcast %mul3A_42 : f32 to vector<608x24xf32>
    %mul3A_44 = arith.mulf %mul3A_43, %dot_general3A_39 : vector<608x24xf32>
    %select_n3A = arith.select %ge3A_41, %dot_general3A_39, %mul3A_44 : vector<608x24xi1>, vector<608x24xf32>
    %swap3A = arith.constant 0 : index
    %swap3A_45 = arith.constant 0 : index
    %swap3A_46 = vector.load %arg11[%swap3A, %swap3A_45] : memref<608x24xf32, #tpu.memory_space<vmem>>, vector<608x24xf32>
    tpu.vector_store %arg11[%swap3A, %swap3A_45], %select_n3A {strides = array<i32>} : memref<608x24xf32, #tpu.memory_space<vmem>>, vector<608x24xf32>,
    %get3A_47 = arith.constant 0 : index
    %get3A_48 = arith.constant 0 : index
    %get3A_49 = vector.load %arg2[%get3A_47, %get3A_48] : memref<5440x8xf32, #tpu.memory_space<vmem>>, vector<5440x8xf32>
    %get3A_50 = arith.constant 0 : index
    %get3A_51 = arith.constant 0 : index
    %get3A_52 = vector.load %arg4[%get3A_50, %get3A_51] : memref<2x3xf32, #tpu.memory_space<vmem>>, vector<1x3xf32>
    %get3A_53 = vector.shape_cast %get3A_52 : vector<1x3xf32> to vector<3xf32>
    %div3A_54 = arith.constant 8.704000e+04 : f32
    %div3A_55 = vector.broadcast %div3A_54 : f32 to vector<3xf32>
    %div3A_56 = arith.divf %get3A_53, %div3A_55 : vector<3xf32>
    %get3A_57 = arith.constant 1 : index
    %get3A_58 = arith.constant 0 : index
    %get3A_59 = vector.load %arg4[%get3A_57, %get3A_58] : memref<2x3xf32, #tpu.memory_space<vmem>>, vector<1x3xf32>
    %get3A_60 = vector.shape_cast %get3A_59 : vector<1x3xf32> to vector<3xf32>
    %div3A_61 = arith.constant 8.704000e+04 : f32
    %div3A_62 = vector.broadcast %div3A_61 : f32 to vector<3xf32>
    %div3A_63 = arith.divf %get3A_60, %div3A_62 : vector<3xf32>
    %mul3A_64 = arith.mulf %div3A_56, %div3A_56 : vector<3xf32>
    %sub3A_65 = arith.subf %div3A_63, %mul3A_64 : vector<3xf32>
    %slice3A = vector.extract_strided_slice %get3A_49 {offsets = [0, 0], sizes = [5440, 3], strides = [1, 1]} : vector<5440x8xf32> to vector<5440x3xf32>
    %broadcast_in_dim3A_66 = vector.shape_cast %div3A_56 : vector<3xf32> to vector<1x3xf32>
    %sub3A_67 = vector.broadcast %broadcast_in_dim3A_66 : vector<1x3xf32> to vector<5440x3xf32>
    %sub3A_68 = arith.subf %slice3A, %sub3A_67 : vector<5440x3xf32>
    %add3A_69 = arith.constant 9.99999974E-6 : f32
    %add3A_70 = vector.broadcast %add3A_69 : f32 to vector<3xf32>
    %add3A_71 = arith.addf %sub3A_65, %add3A_70 : vector<3xf32>
    %sqrt3A_72 = math.sqrt %add3A_71 : vector<3xf32>
    %broadcast_in_dim3A_73 = vector.shape_cast %sqrt3A_72 : vector<3xf32> to vector<1x3xf32>
    %div3A_74 = vector.broadcast %broadcast_in_dim3A_73 : vector<1x3xf32> to vector<5440x3xf32>
    %div3A_75 = arith.divf %sub3A_68, %div3A_74 : vector<5440x3xf32>
    %get3A_76 = arith.constant 0 : index
    %get3A_77 = arith.constant 0 : index
    %get3A_78 = vector.load %arg7[%get3A_76, %get3A_77] : memref<1x3xf32, #tpu.memory_space<vmem>>, vector<1x3xf32>
    %get3A_79 = vector.shape_cast %get3A_78 : vector<1x3xf32> to vector<3xf32>
    %broadcast_in_dim3A_80 = vector.shape_cast %get3A_79 : vector<3xf32> to vector<1x3xf32>
    %mul3A_81 = vector.broadcast %broadcast_in_dim3A_80 : vector<1x3xf32> to vector<5440x3xf32>
    %mul3A_82 = arith.mulf %div3A_75, %mul3A_81 : vector<5440x3xf32>
    %get3A_83 = arith.constant 0 : index
    %get3A_84 = arith.constant 0 : index
    %get3A_85 = vector.load %arg8[%get3A_83, %get3A_84] : memref<1x3xf32, #tpu.memory_space<vmem>>, vector<1x3xf32>
    %get3A_86 = vector.shape_cast %get3A_85 : vector<1x3xf32> to vector<3xf32>
    %broadcast_in_dim3A_87 = vector.shape_cast %get3A_86 : vector<3xf32> to vector<1x3xf32>
    %add3A_88 = vector.broadcast %broadcast_in_dim3A_87 : vector<1x3xf32> to vector<5440x3xf32>
    %add3A_89 = arith.addf %mul3A_82, %add3A_88 : vector<5440x3xf32>
    %get3A_90 = arith.constant 0 : index
    %get3A_91 = arith.constant 0 : index
    %get3A_92 = vector.load %arg10[%get3A_90, %get3A_91] : memref<24x3xf32, #tpu.memory_space<vmem>>, vector<24x3xf32>
    %transpose3A_93 = tpu.transpose %get3A_92, [1, 0] : vector<24x3xf32> -> vector<3x24xf32>
    %dot_general3A_94 = arith.constant dense<0.000000e+00> : vector<5440x24xf32>
    %dot_general3A_95 = tpu.matmul %add3A_89, %transpose3A_93, %dot_general3A_94 {dimension_numbers = #tpu.dot_dimension_numbers<[1], [0], [0], [1], [0, 0, 1, 1], [], []>, transpose_lhs_hint = false} : vector<5440x3xf32>, vector<3x24xf32>, vector<5440x24xf32> -> vector<5440x24xf32>
    %ge3A_96 = arith.constant 0.000000e+00 : f32
    %ge3A_97 = vector.broadcast %ge3A_96 : f32 to vector<5440x24xf32>
    %ge3A_98 = arith.cmpf oge, %dot_general3A_95, %ge3A_97 : vector<5440x24xf32>
    %mul3A_99 = arith.constant 2.000000e-01 : f32
    %mul3A_100 = vector.broadcast %mul3A_99 : f32 to vector<5440x24xf32>
    %mul3A_101 = arith.mulf %mul3A_100, %dot_general3A_95 : vector<5440x24xf32>
    %select_n3A_102 = arith.select %ge3A_98, %dot_general3A_95, %mul3A_101 : vector<5440x24xi1>, vector<5440x24xf32>
    %swap3A_103 = arith.constant 0 : index
    %swap3A_104 = arith.constant 0 : index
    %swap3A_105 = vector.load %arg12[%swap3A_103, %swap3A_104] : memref<5440x24xf32, #tpu.memory_space<vmem>>, vector<5440x24xf32>
    tpu.vector_store %arg12[%swap3A_103, %swap3A_104], %select_n3A_102 {strides = array<i32>} : memref<5440x24xf32, #tpu.memory_space<vmem>>, vector<5440x24xf32>,
    %reshape3A = vector.shape_cast %get3A_49 : vector<5440x8xf32> to vector<16x340x8xf32>
    %slice3A_106 = vector.extract_strided_slice %reshape3A {offsets = [0, 0, 3], sizes = [16, 1, 5], strides = [1, 1, 1]} : vector<16x340x8xf32> to vector<16x1x5xf32>
    %squeeze3A = vector.shape_cast %slice3A_106 : vector<16x1x5xf32> to vector<16x5xf32>
    %swap3A_107 = arith.constant 0 : index
    %swap3A_108 = arith.constant 0 : index
    %swap3A_109 = vector.load %arg13[%swap3A_107, %swap3A_108] : memref<16x5xf32, #tpu.memory_space<vmem>>, vector<16x5xf32>
    tpu.vector_store %arg13[%swap3A_107, %swap3A_108], %squeeze3A {strides = array<i32>} : memref<16x5xf32, #tpu.memory_space<vmem>>, vector<16x5xf32>,
    return
  }
  func.func @transform_0(%arg0: i32) -> (i32, i32) {
    %c0_i32 = arith.constant 0 : i32
    %c0_i32_0 = arith.constant 0 : i32
    return %arg0, %c0_i32 : i32, i32
  }
  func.func @transform_1(%arg0: i32) -> (i32, i32) {
    %c0_i32 = arith.constant 0 : i32
    %c0_i32_0 = arith.constant 0 : i32
    return %arg0, %c0_i32 : i32, i32
  }
  func.func @transform_2(%arg0: i32) -> (i32, i32) {
    %c0_i32 = arith.constant 0 : i32
    %c0_i32_0 = arith.constant 0 : i32
    %c0_i32_1 = arith.constant 0 : i32
    return %c0_i32, %c0_i32_0 : i32, i32
  }
  func.func @transform_3(%arg0: i32) -> (i32, i32) {
    %c0_i32 = arith.constant 0 : i32
    %c0_i32_0 = arith.constant 0 : i32
    %c0_i32_1 = arith.constant 0 : i32
    return %c0_i32, %c0_i32_0 : i32, i32
  }
  func.func @transform_4(%arg0: i32) -> (i32, i32) {
    %c0_i32 = arith.constant 0 : i32
    %c0_i32_0 = arith.constant 0 : i32
    %c0_i32_1 = arith.constant 0 : i32
    return %c0_i32, %c0_i32_0 : i32, i32
  }
  func.func @transform_5(%arg0: i32) -> (i32, i32) {
    %c0_i32 = arith.constant 0 : i32
    %c0_i32_0 = arith.constant 0 : i32
    %c0_i32_1 = arith.constant 0 : i32
    return %c0_i32, %c0_i32_0 : i32, i32
  }
  func.func @transform_6(%arg0: i32) -> (i32, i32) {
    %c0_i32 = arith.constant 0 : i32
    %c0_i32_0 = arith.constant 0 : i32
    %c0_i32_1 = arith.constant 0 : i32
    return %c0_i32, %c0_i32_0 : i32, i32
  }
  func.func @transform_7(%arg0: i32) -> (i32, i32) {
    %c0_i32 = arith.constant 0 : i32
    %c0_i32_0 = arith.constant 0 : i32
    %c0_i32_1 = arith.constant 0 : i32
    return %c0_i32, %c0_i32_0 : i32, i32
  }
  func.func @transform_8(%arg0: i32) -> (i32, i32) {
    %c0_i32 = arith.constant 0 : i32
    %c0_i32_0 = arith.constant 0 : i32
    %c0_i32_1 = arith.constant 0 : i32
    return %c0_i32, %c0_i32_0 : i32, i32
  }
  func.func @transform_9(%arg0: i32) -> (i32, i32) {
    %c0_i32 = arith.constant 0 : i32
    %c0_i32_0 = arith.constant 0 : i32
    %c0_i32_1 = arith.constant 0 : i32
    return %c0_i32, %c0_i32_0 : i32, i32
  }
  func.func @transform_10(%arg0: i32) -> (i32, i32) {
    %c0_i32 = arith.constant 0 : i32
    %c0_i32_0 = arith.constant 0 : i32
    return %arg0, %c0_i32 : i32, i32
  }
  func.func @transform_11(%arg0: i32) -> (i32, i32) {
    %c0_i32 = arith.constant 0 : i32
    %c0_i32_0 = arith.constant 0 : i32
    return %arg0, %c0_i32 : i32, i32
  }
  func.func @transform_12(%arg0: i32) -> (i32, i32) {
    %c0_i32 = arith.constant 0 : i32
    %c0_i32_0 = arith.constant 0 : i32
    return %arg0, %c0_i32 : i32, i32
  }
}

module attributes {stable_mosaic.version = 14 : i64} {
  func.func @_dense0_body(%arg0: i32, %arg1: memref<2016x24xf32, #tpu.memory_space<vmem>>, %arg2: memref<2016x1xf32, #tpu.memory_space<vmem>>, %arg3: memref<24x24xf32, #tpu.memory_space<vmem>>, %arg4: memref<2016x1xf32, #tpu.memory_space<vmem>>, %arg5: memref<2016x32xbf16, #tpu.memory_space<vmem>>) attributes {dimension_semantics = [#tpu.dimension_semantics<arbitrary>], iteration_bounds = array<i64: 48>, scalar_prefetch = 0 : i64, scratch_operands = 0 : i64, tpu.core_type = #tpu.core_type<tc>, window_params = [{transform_indices = @transform_0, window_bounds = array<i64: 2016, 24>}, {transform_indices = @transform_1, window_bounds = array<i64: 2016, 1>}, {pipeline_mode = #tpu.pipeline_mode<synchronous>, transform_indices = @transform_2, window_bounds = array<i64: 24, 24>}, {transform_indices = @transform_3, window_bounds = array<i64: 2016, 1>}, {transform_indices = @transform_4, window_bounds = array<i64: 2016, 32>}]} {
    %get3A = arith.constant 0 : index
    %get3A_0 = arith.constant 0 : index
    %get3A_1 = vector.load %arg2[%get3A, %get3A_0] : memref<2016x1xf32, #tpu.memory_space<vmem>>, vector<2016x1xf32>
    %get3A_2 = vector.shape_cast %get3A_1 : vector<2016x1xf32> to vector<2016xf32>
    %add3A = arith.constant 1.000000e+00 : f32
    %add3A_3 = vector.broadcast %add3A : f32 to vector<2016xf32>
    %add3A_4 = arith.addf %add3A_3, %get3A_2 : vector<2016xf32>
    %rsqrt3A = math.rsqrt %add3A_4 : vector<2016xf32>
    %swap3A = arith.constant 0 : index
    %swap3A_5 = arith.constant 0 : index
    %swap3A_6 = vector.load %arg4[%swap3A, %swap3A_5] : memref<2016x1xf32, #tpu.memory_space<vmem>>, vector<2016x1xf32>
    %swap3A_7 = vector.shape_cast %swap3A_6 : vector<2016x1xf32> to vector<2016xf32>
    %swap3A_8 = vector.shape_cast %rsqrt3A : vector<2016xf32> to vector<2016x1xf32>
    tpu.vector_store %arg4[%swap3A, %swap3A_5], %swap3A_8 {strides = array<i32>} : memref<2016x1xf32, #tpu.memory_space<vmem>>, vector<2016x1xf32>,
    %get3A_9 = arith.constant 0 : index
    %get3A_10 = arith.constant 0 : index
    %get3A_11 = vector.load %arg1[%get3A_9, %get3A_10] : memref<2016x24xf32, #tpu.memory_space<vmem>>, vector<2016x24xf32>
    %get3A_12 = arith.constant 0 : index
    %get3A_13 = arith.constant 0 : index
    %get3A_14 = vector.load %arg3[%get3A_12, %get3A_13] : memref<24x24xf32, #tpu.memory_space<vmem>>, vector<24x24xf32>
    %transpose3A = tpu.transpose %get3A_14, [1, 0] : vector<24x24xf32> -> vector<24x24xf32>
    %dot_general3A = arith.constant dense<0.000000e+00> : vector<2016x24xf32>
    %dot_general3A_15 = tpu.matmul %get3A_11, %transpose3A, %dot_general3A {dimension_numbers = #tpu.dot_dimension_numbers<[1], [0], [0], [1], [0, 0, 1, 1], [], []>, transpose_lhs_hint = false} : vector<2016x24xf32>, vector<24x24xf32>, vector<2016x24xf32> -> vector<2016x24xf32>
    %broadcast_in_dim3A = vector.shape_cast %rsqrt3A : vector<2016xf32> to vector<2016x1xf32>
    %mul3A = vector.broadcast %broadcast_in_dim3A : vector<2016x1xf32> to vector<2016x24xf32>
    %mul3A_16 = arith.mulf %dot_general3A_15, %mul3A : vector<2016x24xf32>
    %broadcast_in_dim3A_17 = arith.constant 0.000000e+00 : f32
    %broadcast_in_dim3A_18 = vector.broadcast %broadcast_in_dim3A_17 : f32 to vector<2016x8xf32>
    %concatenate3A = tpu.concatenate %mul3A_16, %broadcast_in_dim3A_18 in 1 : vector<2016x24xf32>, vector<2016x8xf32> -> vector<2016x32xf32>
    %convert_element_type3A = arith.truncf %concatenate3A : vector<2016x32xf32> to vector<2016x32xbf16>
    %swap3A_19 = arith.constant 0 : index
    %swap3A_20 = arith.constant 0 : index
    %swap3A_21 = vector.load %arg5[%swap3A_19, %swap3A_20] : memref<2016x32xbf16, #tpu.memory_space<vmem>>, vector<2016x32xbf16>
    tpu.vector_store %arg5[%swap3A_19, %swap3A_20], %convert_element_type3A {strides = array<i32>} : memref<2016x32xbf16, #tpu.memory_space<vmem>>, vector<2016x32xbf16>,
    return
  }
  func.func @transform_0(%arg0: i32) -> (i32, i32) {
    %c0_i32 = arith.constant 0 : i32
    %c0_i32_0 = arith.constant 0 : i32
    return %arg0, %c0_i32 : i32, i32
  }
  func.func @transform_1(%arg0: i32) -> (i32, i32) {
    %c0_i32 = arith.constant 0 : i32
    %c0_i32_0 = arith.constant 0 : i32
    return %arg0, %c0_i32 : i32, i32
  }
  func.func @transform_2(%arg0: i32) -> (i32, i32) {
    %c0_i32 = arith.constant 0 : i32
    %c0_i32_0 = arith.constant 0 : i32
    %c0_i32_1 = arith.constant 0 : i32
    return %c0_i32, %c0_i32_0 : i32, i32
  }
  func.func @transform_3(%arg0: i32) -> (i32, i32) {
    %c0_i32 = arith.constant 0 : i32
    %c0_i32_0 = arith.constant 0 : i32
    return %arg0, %c0_i32 : i32, i32
  }
  func.func @transform_4(%arg0: i32) -> (i32, i32) {
    %c0_i32 = arith.constant 0 : i32
    %c0_i32_0 = arith.constant 0 : i32
    return %arg0, %c0_i32 : i32, i32
  }
}

module attributes {stable_mosaic.version = 14 : i64} {
  func.func @_dense_body(%arg0: i32, %arg1: memref<2016x24xf32, #tpu.memory_space<vmem>>, %arg2: memref<2016x32xbf16, #tpu.memory_space<vmem>>, %arg3: memref<2016x32xbf16, #tpu.memory_space<vmem>>, %arg4: memref<2016x1xf32, #tpu.memory_space<vmem>>, %arg5: memref<1x24xf32, #tpu.memory_space<vmem>>, %arg6: memref<24x24xf32, #tpu.memory_space<vmem>>, %arg7: memref<2016x24xf32, #tpu.memory_space<vmem>>, %arg8: memref<2016x32xbf16, #tpu.memory_space<vmem>>) attributes {dimension_semantics = [#tpu.dimension_semantics<arbitrary>], iteration_bounds = array<i64: 48>, scalar_prefetch = 0 : i64, scratch_operands = 0 : i64, tpu.core_type = #tpu.core_type<tc>, window_params = [{transform_indices = @transform_0, window_bounds = array<i64: 2016, 24>}, {transform_indices = @transform_1, window_bounds = array<i64: 2016, 32>}, {transform_indices = @transform_2, window_bounds = array<i64: 2016, 32>}, {transform_indices = @transform_3, window_bounds = array<i64: 2016, 1>}, {pipeline_mode = #tpu.pipeline_mode<synchronous>, transform_indices = @transform_4, window_bounds = array<i64: 1, 24>}, {pipeline_mode = #tpu.pipeline_mode<synchronous>, transform_indices = @transform_5, window_bounds = array<i64: 24, 24>}, {transform_indices = @transform_6, window_bounds = array<i64: 2016, 24>}, {transform_indices = @transform_7, window_bounds = array<i64: 2016, 32>}]} {
    %get3A = arith.constant 0 : index
    %get3A_0 = arith.constant 0 : index
    %get3A_1 = vector.load %arg4[%get3A, %get3A_0] : memref<2016x1xf32, #tpu.memory_space<vmem>>, vector<2016x1xf32>
    %get3A_2 = vector.shape_cast %get3A_1 : vector<2016x1xf32> to vector<2016xf32>
    %get3A_3 = arith.constant 0 : index
    %get3A_4 = arith.constant 0 : index
    %get3A_5 = vector.load %arg2[%get3A_3, %get3A_4] : memref<2016x32xbf16, #tpu.memory_space<vmem>>, vector<2016x32xbf16>
    %convert_element_type3A = arith.extf %get3A_5 : vector<2016x32xbf16> to vector<2016x32xf32>
    %get3A_6 = arith.constant 0 : index
    %get3A_7 = arith.constant 0 : index
    %get3A_8 = vector.load %arg3[%get3A_6, %get3A_7] : memref<2016x32xbf16, #tpu.memory_space<vmem>>, vector<2016x32xbf16>
    %convert_element_type3A_9 = arith.extf %get3A_8 : vector<2016x32xbf16> to vector<2016x32xf32>
    %add3A = arith.addf %convert_element_type3A, %convert_element_type3A_9 : vector<2016x32xf32>
    %slice3A = vector.extract_strided_slice %add3A {offsets = [0, 0], sizes = [2016, 24], strides = [1, 1]} : vector<2016x32xf32> to vector<2016x24xf32>
    %get3A_10 = arith.constant 0 : index
    %get3A_11 = arith.constant 0 : index
    %get3A_12 = vector.load %arg1[%get3A_10, %get3A_11] : memref<2016x24xf32, #tpu.memory_space<vmem>>, vector<2016x24xf32>
    %broadcast_in_dim3A = vector.shape_cast %get3A_2 : vector<2016xf32> to vector<2016x1xf32>
    %mul3A = vector.broadcast %broadcast_in_dim3A : vector<2016x1xf32> to vector<2016x24xf32>
    %mul3A_13 = arith.mulf %mul3A, %slice3A : vector<2016x24xf32>
    %get3A_14 = arith.constant 0 : index
    %get3A_15 = arith.constant 0 : index
    %get3A_16 = vector.load %arg5[%get3A_14, %get3A_15] : memref<1x24xf32, #tpu.memory_space<vmem>>, vector<1x24xf32>
    %get3A_17 = vector.shape_cast %get3A_16 : vector<1x24xf32> to vector<24xf32>
    %broadcast_in_dim3A_18 = vector.shape_cast %get3A_17 : vector<24xf32> to vector<1x24xf32>
    %add3A_19 = vector.broadcast %broadcast_in_dim3A_18 : vector<1x24xf32> to vector<2016x24xf32>
    %add3A_20 = arith.addf %mul3A_13, %add3A_19 : vector<2016x24xf32>
    %ge3A = arith.constant 0.000000e+00 : f32
    %ge3A_21 = vector.broadcast %ge3A : f32 to vector<2016x24xf32>
    %ge3A_22 = arith.cmpf oge, %add3A_20, %ge3A_21 : vector<2016x24xf32>
    %mul3A_23 = arith.constant 2.000000e-01 : f32
    %mul3A_24 = vector.broadcast %mul3A_23 : f32 to vector<2016x24xf32>
    %mul3A_25 = arith.mulf %mul3A_24, %add3A_20 : vector<2016x24xf32>
    %select_n3A = arith.select %ge3A_22, %add3A_20, %mul3A_25 : vector<2016x24xi1>, vector<2016x24xf32>
    %add3A_26 = arith.addf %get3A_12, %select_n3A : vector<2016x24xf32>
    %swap3A = arith.constant 0 : index
    %swap3A_27 = arith.constant 0 : index
    %swap3A_28 = vector.load %arg7[%swap3A, %swap3A_27] : memref<2016x24xf32, #tpu.memory_space<vmem>>, vector<2016x24xf32>
    tpu.vector_store %arg7[%swap3A, %swap3A_27], %add3A_26 {strides = array<i32>} : memref<2016x24xf32, #tpu.memory_space<vmem>>, vector<2016x24xf32>,
    %get3A_29 = arith.constant 0 : index
    %get3A_30 = arith.constant 0 : index
    %get3A_31 = vector.load %arg6[%get3A_29, %get3A_30] : memref<24x24xf32, #tpu.memory_space<vmem>>, vector<24x24xf32>
    %transpose3A = tpu.transpose %get3A_31, [1, 0] : vector<24x24xf32> -> vector<24x24xf32>
    %dot_general3A = arith.constant dense<0.000000e+00> : vector<2016x24xf32>
    %dot_general3A_32 = tpu.matmul %add3A_26, %transpose3A, %dot_general3A {dimension_numbers = #tpu.dot_dimension_numbers<[1], [0], [0], [1], [0, 0, 1, 1], [], []>, transpose_lhs_hint = false} : vector<2016x24xf32>, vector<24x24xf32>, vector<2016x24xf32> -> vector<2016x24xf32>
    %broadcast_in_dim3A_33 = vector.shape_cast %get3A_2 : vector<2016xf32> to vector<2016x1xf32>
    %mul3A_34 = vector.broadcast %broadcast_in_dim3A_33 : vector<2016x1xf32> to vector<2016x24xf32>
    %mul3A_35 = arith.mulf %dot_general3A_32, %mul3A_34 : vector<2016x24xf32>
    %broadcast_in_dim3A_36 = arith.constant 0.000000e+00 : f32
    %broadcast_in_dim3A_37 = vector.broadcast %broadcast_in_dim3A_36 : f32 to vector<2016x8xf32>
    %concatenate3A = tpu.concatenate %mul3A_35, %broadcast_in_dim3A_37 in 1 : vector<2016x24xf32>, vector<2016x8xf32> -> vector<2016x32xf32>
    %convert_element_type3A_38 = arith.truncf %concatenate3A : vector<2016x32xf32> to vector<2016x32xbf16>
    %swap3A_39 = arith.constant 0 : index
    %swap3A_40 = arith.constant 0 : index
    %swap3A_41 = vector.load %arg8[%swap3A_39, %swap3A_40] : memref<2016x32xbf16, #tpu.memory_space<vmem>>, vector<2016x32xbf16>
    tpu.vector_store %arg8[%swap3A_39, %swap3A_40], %convert_element_type3A_38 {strides = array<i32>} : memref<2016x32xbf16, #tpu.memory_space<vmem>>, vector<2016x32xbf16>,
    return
  }
  func.func @transform_0(%arg0: i32) -> (i32, i32) {
    %c0_i32 = arith.constant 0 : i32
    %c0_i32_0 = arith.constant 0 : i32
    return %arg0, %c0_i32 : i32, i32
  }
  func.func @transform_1(%arg0: i32) -> (i32, i32) {
    %c0_i32 = arith.constant 0 : i32
    %c0_i32_0 = arith.constant 0 : i32
    return %arg0, %c0_i32 : i32, i32
  }
  func.func @transform_2(%arg0: i32) -> (i32, i32) {
    %c0_i32 = arith.constant 0 : i32
    %c0_i32_0 = arith.constant 0 : i32
    return %arg0, %c0_i32 : i32, i32
  }
  func.func @transform_3(%arg0: i32) -> (i32, i32) {
    %c0_i32 = arith.constant 0 : i32
    %c0_i32_0 = arith.constant 0 : i32
    return %arg0, %c0_i32 : i32, i32
  }
  func.func @transform_4(%arg0: i32) -> (i32, i32) {
    %c0_i32 = arith.constant 0 : i32
    %c0_i32_0 = arith.constant 0 : i32
    %c0_i32_1 = arith.constant 0 : i32
    return %c0_i32, %c0_i32_0 : i32, i32
  }
  func.func @transform_5(%arg0: i32) -> (i32, i32) {
    %c0_i32 = arith.constant 0 : i32
    %c0_i32_0 = arith.constant 0 : i32
    %c0_i32_1 = arith.constant 0 : i32
    return %c0_i32, %c0_i32_0 : i32, i32
  }
  func.func @transform_6(%arg0: i32) -> (i32, i32) {
    %c0_i32 = arith.constant 0 : i32
    %c0_i32_0 = arith.constant 0 : i32
    return %arg0, %c0_i32 : i32, i32
  }
  func.func @transform_7(%arg0: i32) -> (i32, i32) {
    %c0_i32 = arith.constant 0 : i32
    %c0_i32_0 = arith.constant 0 : i32
    return %arg0, %c0_i32 : i32, i32
  }
}

module attributes {stable_mosaic.version = 14 : i64} {
  func.func @_dense_last_body(%arg0: i32, %arg1: memref<2016x24xf32, #tpu.memory_space<vmem>>, %arg2: memref<2016x32xbf16, #tpu.memory_space<vmem>>, %arg3: memref<2016x32xbf16, #tpu.memory_space<vmem>>, %arg4: memref<2016x1xf32, #tpu.memory_space<vmem>>, %arg5: memref<1x24xf32, #tpu.memory_space<vmem>>, %arg6: memref<2016x24xf32, #tpu.memory_space<vmem>>) attributes {dimension_semantics = [#tpu.dimension_semantics<arbitrary>], iteration_bounds = array<i64: 48>, scalar_prefetch = 0 : i64, scratch_operands = 0 : i64, tpu.core_type = #tpu.core_type<tc>, window_params = [{transform_indices = @transform_0, window_bounds = array<i64: 2016, 24>}, {transform_indices = @transform_1, window_bounds = array<i64: 2016, 32>}, {transform_indices = @transform_2, window_bounds = array<i64: 2016, 32>}, {transform_indices = @transform_3, window_bounds = array<i64: 2016, 1>}, {pipeline_mode = #tpu.pipeline_mode<synchronous>, transform_indices = @transform_4, window_bounds = array<i64: 1, 24>}, {transform_indices = @transform_5, window_bounds = array<i64: 2016, 24>}]} {
    %get3A = arith.constant 0 : index
    %get3A_0 = arith.constant 0 : index
    %get3A_1 = vector.load %arg4[%get3A, %get3A_0] : memref<2016x1xf32, #tpu.memory_space<vmem>>, vector<2016x1xf32>
    %get3A_2 = vector.shape_cast %get3A_1 : vector<2016x1xf32> to vector<2016xf32>
    %get3A_3 = arith.constant 0 : index
    %get3A_4 = arith.constant 0 : index
    %get3A_5 = vector.load %arg2[%get3A_3, %get3A_4] : memref<2016x32xbf16, #tpu.memory_space<vmem>>, vector<2016x32xbf16>
    %convert_element_type3A = arith.extf %get3A_5 : vector<2016x32xbf16> to vector<2016x32xf32>
    %get3A_6 = arith.constant 0 : index
    %get3A_7 = arith.constant 0 : index
    %get3A_8 = vector.load %arg3[%get3A_6, %get3A_7] : memref<2016x32xbf16, #tpu.memory_space<vmem>>, vector<2016x32xbf16>
    %convert_element_type3A_9 = arith.extf %get3A_8 : vector<2016x32xbf16> to vector<2016x32xf32>
    %add3A = arith.addf %convert_element_type3A, %convert_element_type3A_9 : vector<2016x32xf32>
    %slice3A = vector.extract_strided_slice %add3A {offsets = [0, 0], sizes = [2016, 24], strides = [1, 1]} : vector<2016x32xf32> to vector<2016x24xf32>
    %get3A_10 = arith.constant 0 : index
    %get3A_11 = arith.constant 0 : index
    %get3A_12 = vector.load %arg1[%get3A_10, %get3A_11] : memref<2016x24xf32, #tpu.memory_space<vmem>>, vector<2016x24xf32>
    %broadcast_in_dim3A = vector.shape_cast %get3A_2 : vector<2016xf32> to vector<2016x1xf32>
    %mul3A = vector.broadcast %broadcast_in_dim3A : vector<2016x1xf32> to vector<2016x24xf32>
    %mul3A_13 = arith.mulf %mul3A, %slice3A : vector<2016x24xf32>
    %get3A_14 = arith.constant 0 : index
    %get3A_15 = arith.constant 0 : index
    %get3A_16 = vector.load %arg5[%get3A_14, %get3A_15] : memref<1x24xf32, #tpu.memory_space<vmem>>, vector<1x24xf32>
    %get3A_17 = vector.shape_cast %get3A_16 : vector<1x24xf32> to vector<24xf32>
    %broadcast_in_dim3A_18 = vector.shape_cast %get3A_17 : vector<24xf32> to vector<1x24xf32>
    %add3A_19 = vector.broadcast %broadcast_in_dim3A_18 : vector<1x24xf32> to vector<2016x24xf32>
    %add3A_20 = arith.addf %mul3A_13, %add3A_19 : vector<2016x24xf32>
    %ge3A = arith.constant 0.000000e+00 : f32
    %ge3A_21 = vector.broadcast %ge3A : f32 to vector<2016x24xf32>
    %ge3A_22 = arith.cmpf oge, %add3A_20, %ge3A_21 : vector<2016x24xf32>
    %mul3A_23 = arith.constant 2.000000e-01 : f32
    %mul3A_24 = vector.broadcast %mul3A_23 : f32 to vector<2016x24xf32>
    %mul3A_25 = arith.mulf %mul3A_24, %add3A_20 : vector<2016x24xf32>
    %select_n3A = arith.select %ge3A_22, %add3A_20, %mul3A_25 : vector<2016x24xi1>, vector<2016x24xf32>
    %add3A_26 = arith.addf %get3A_12, %select_n3A : vector<2016x24xf32>
    %swap3A = arith.constant 0 : index
    %swap3A_27 = arith.constant 0 : index
    %swap3A_28 = vector.load %arg6[%swap3A, %swap3A_27] : memref<2016x24xf32, #tpu.memory_space<vmem>>, vector<2016x24xf32>
    tpu.vector_store %arg6[%swap3A, %swap3A_27], %add3A_26 {strides = array<i32>} : memref<2016x24xf32, #tpu.memory_space<vmem>>, vector<2016x24xf32>,
    return
  }
  func.func @transform_0(%arg0: i32) -> (i32, i32) {
    %c0_i32 = arith.constant 0 : i32
    %c0_i32_0 = arith.constant 0 : i32
    return %arg0, %c0_i32 : i32, i32
  }
  func.func @transform_1(%arg0: i32) -> (i32, i32) {
    %c0_i32 = arith.constant 0 : i32
    %c0_i32_0 = arith.constant 0 : i32
    return %arg0, %c0_i32 : i32, i32
  }
  func.func @transform_2(%arg0: i32) -> (i32, i32) {
    %c0_i32 = arith.constant 0 : i32
    %c0_i32_0 = arith.constant 0 : i32
    return %arg0, %c0_i32 : i32, i32
  }
  func.func @transform_3(%arg0: i32) -> (i32, i32) {
    %c0_i32 = arith.constant 0 : i32
    %c0_i32_0 = arith.constant 0 : i32
    return %arg0, %c0_i32 : i32, i32
  }
  func.func @transform_4(%arg0: i32) -> (i32, i32) {
    %c0_i32 = arith.constant 0 : i32
    %c0_i32_0 = arith.constant 0 : i32
    %c0_i32_1 = arith.constant 0 : i32
    return %c0_i32, %c0_i32_0 : i32, i32
  }
  func.func @transform_5(%arg0: i32) -> (i32, i32) {
    %c0_i32 = arith.constant 0 : i32
    %c0_i32_0 = arith.constant 0 : i32
    return %arg0, %c0_i32 : i32, i32
  }
}

module attributes {stable_mosaic.version = 14 : i64} {
  func.func @_readout_body(%arg0: i32, %arg1: memref<32x378x24xf32, #tpu.memory_space<vmem>>, %arg2: memref<32x5xf32, #tpu.memory_space<vmem>>, %arg3: memref<7x378xf32, #tpu.memory_space<vmem>>, %arg4: memref<1x7xf32, #tpu.memory_space<vmem>>, %arg5: memref<24x5xf32, #tpu.memory_space<vmem>>, %arg6: memref<1x24xf32, #tpu.memory_space<vmem>>, %arg7: memref<7x24xf32, #tpu.memory_space<vmem>>, %arg8: memref<1x7xf32, #tpu.memory_space<vmem>>, %arg9: memref<32x7xf32, #tpu.memory_space<vmem>>) attributes {dimension_semantics = [#tpu.dimension_semantics<arbitrary>], iteration_bounds = array<i64: 8>, scalar_prefetch = 0 : i64, scratch_operands = 0 : i64, tpu.core_type = #tpu.core_type<tc>, window_params = [{transform_indices = @transform_0, window_bounds = array<i64: 32, 378, 24>}, {transform_indices = @transform_1, window_bounds = array<i64: 32, 5>}, {pipeline_mode = #tpu.pipeline_mode<synchronous>, transform_indices = @transform_2, window_bounds = array<i64: 7, 378>}, {pipeline_mode = #tpu.pipeline_mode<synchronous>, transform_indices = @transform_3, window_bounds = array<i64: 1, 7>}, {pipeline_mode = #tpu.pipeline_mode<synchronous>, transform_indices = @transform_4, window_bounds = array<i64: 24, 5>}, {pipeline_mode = #tpu.pipeline_mode<synchronous>, transform_indices = @transform_5, window_bounds = array<i64: 1, 24>}, {pipeline_mode = #tpu.pipeline_mode<synchronous>, transform_indices = @transform_6, window_bounds = array<i64: 7, 24>}, {pipeline_mode = #tpu.pipeline_mode<synchronous>, transform_indices = @transform_7, window_bounds = array<i64: 1, 7>}, {transform_indices = @transform_8, window_bounds = array<i64: 32, 7>}]} {
    %get3A = arith.constant 0 : index
    %get3A_0 = arith.constant 0 : index
    %get3A_1 = arith.constant 0 : index
    %get3A_2 = vector.load %arg1[%get3A, %get3A_0, %get3A_1] : memref<32x378x24xf32, #tpu.memory_space<vmem>>, vector<32x378x24xf32>
    %reduce_sum3A = arith.constant dense<0.000000e+00> : vector<32x378xf32>
    %reduce_sum3A_3 = vector.multi_reduction <add>, %get3A_2, %reduce_sum3A [2] : vector<32x378x24xf32> to vector<32x378xf32>
    %div3A = arith.constant 2.400000e+01 : f32
    %div3A_4 = vector.broadcast %div3A : f32 to vector<32x378xf32>
    %div3A_5 = arith.divf %reduce_sum3A_3, %div3A_4 : vector<32x378xf32>
    %get3A_6 = arith.constant 0 : index
    %get3A_7 = arith.constant 0 : index
    %get3A_8 = vector.load %arg3[%get3A_6, %get3A_7] : memref<7x378xf32, #tpu.memory_space<vmem>>, vector<7x378xf32>
    %transpose3A = tpu.transpose %get3A_8, [1, 0] : vector<7x378xf32> -> vector<378x7xf32>
    %dot_general3A = arith.constant dense<0.000000e+00> : vector<32x7xf32>
    %dot_general3A_9 = tpu.matmul %div3A_5, %transpose3A, %dot_general3A {dimension_numbers = #tpu.dot_dimension_numbers<[1], [0], [0], [1], [0, 0, 1, 1], [], []>, transpose_lhs_hint = false} : vector<32x378xf32>, vector<378x7xf32>, vector<32x7xf32> -> vector<32x7xf32>
    %get3A_10 = arith.constant 0 : index
    %get3A_11 = arith.constant 0 : index
    %get3A_12 = vector.load %arg4[%get3A_10, %get3A_11] : memref<1x7xf32, #tpu.memory_space<vmem>>, vector<1x7xf32>
    %get3A_13 = vector.shape_cast %get3A_12 : vector<1x7xf32> to vector<7xf32>
    %broadcast_in_dim3A = vector.shape_cast %get3A_13 : vector<7xf32> to vector<1x7xf32>
    %add3A = vector.broadcast %broadcast_in_dim3A : vector<1x7xf32> to vector<32x7xf32>
    %add3A_14 = arith.addf %dot_general3A_9, %add3A : vector<32x7xf32>
    %exp3A = math.exp %add3A_14 : vector<32x7xf32>
    %reduce_sum3A_15 = arith.constant dense<0.000000e+00> : vector<32xf32>
    %reduce_sum3A_16 = vector.multi_reduction <add>, %exp3A, %reduce_sum3A_15 [1] : vector<32x7xf32> to vector<32xf32>
    %broadcast_in_dim3A_17 = vector.shape_cast %reduce_sum3A_16 : vector<32xf32> to vector<32x1xf32>
    %add3A_18 = arith.constant 1.000000e+00 : f32
    %add3A_19 = vector.broadcast %add3A_18 : f32 to vector<32x1xf32>
    %add3A_20 = arith.addf %broadcast_in_dim3A_17, %add3A_19 : vector<32x1xf32>
    %div3A_21 = vector.broadcast %add3A_20 : vector<32x1xf32> to vector<32x7xf32>
    %div3A_22 = arith.divf %exp3A, %div3A_21 : vector<32x7xf32>
    %get3A_23 = arith.constant 0 : index
    %get3A_24 = arith.constant 0 : index
    %get3A_25 = vector.load %arg2[%get3A_23, %get3A_24] : memref<32x5xf32, #tpu.memory_space<vmem>>, vector<32x5xf32>
    %get3A_26 = arith.constant 0 : index
    %get3A_27 = arith.constant 0 : index
    %get3A_28 = vector.load %arg5[%get3A_26, %get3A_27] : memref<24x5xf32, #tpu.memory_space<vmem>>, vector<24x5xf32>
    %transpose3A_29 = tpu.transpose %get3A_28, [1, 0] : vector<24x5xf32> -> vector<5x24xf32>
    %dot_general3A_30 = arith.constant dense<0.000000e+00> : vector<32x24xf32>
    %dot_general3A_31 = tpu.matmul %get3A_25, %transpose3A_29, %dot_general3A_30 {dimension_numbers = #tpu.dot_dimension_numbers<[1], [0], [0], [1], [0, 0, 1, 1], [], []>, transpose_lhs_hint = false} : vector<32x5xf32>, vector<5x24xf32>, vector<32x24xf32> -> vector<32x24xf32>
    %get3A_32 = arith.constant 0 : index
    %get3A_33 = arith.constant 0 : index
    %get3A_34 = vector.load %arg6[%get3A_32, %get3A_33] : memref<1x24xf32, #tpu.memory_space<vmem>>, vector<1x24xf32>
    %get3A_35 = vector.shape_cast %get3A_34 : vector<1x24xf32> to vector<24xf32>
    %broadcast_in_dim3A_36 = vector.shape_cast %get3A_35 : vector<24xf32> to vector<1x24xf32>
    %add3A_37 = vector.broadcast %broadcast_in_dim3A_36 : vector<1x24xf32> to vector<32x24xf32>
    %add3A_38 = arith.addf %dot_general3A_31, %add3A_37 : vector<32x24xf32>
    %ge3A = arith.constant 0.000000e+00 : f32
    %ge3A_39 = vector.broadcast %ge3A : f32 to vector<32x24xf32>
    %ge3A_40 = arith.cmpf oge, %add3A_38, %ge3A_39 : vector<32x24xf32>
    %mul3A = arith.constant 2.000000e-01 : f32
    %mul3A_41 = vector.broadcast %mul3A : f32 to vector<32x24xf32>
    %mul3A_42 = arith.mulf %mul3A_41, %add3A_38 : vector<32x24xf32>
    %select_n3A = arith.select %ge3A_40, %add3A_38, %mul3A_42 : vector<32x24xi1>, vector<32x24xf32>
    %get3A_43 = arith.constant 0 : index
    %get3A_44 = arith.constant 0 : index
    %get3A_45 = vector.load %arg7[%get3A_43, %get3A_44] : memref<7x24xf32, #tpu.memory_space<vmem>>, vector<7x24xf32>
    %transpose3A_46 = tpu.transpose %get3A_45, [1, 0] : vector<7x24xf32> -> vector<24x7xf32>
    %dot_general3A_47 = arith.constant dense<0.000000e+00> : vector<32x7xf32>
    %dot_general3A_48 = tpu.matmul %select_n3A, %transpose3A_46, %dot_general3A_47 {dimension_numbers = #tpu.dot_dimension_numbers<[1], [0], [0], [1], [0, 0, 1, 1], [], []>, transpose_lhs_hint = false} : vector<32x24xf32>, vector<24x7xf32>, vector<32x7xf32> -> vector<32x7xf32>
    %get3A_49 = arith.constant 0 : index
    %get3A_50 = arith.constant 0 : index
    %get3A_51 = vector.load %arg8[%get3A_49, %get3A_50] : memref<1x7xf32, #tpu.memory_space<vmem>>, vector<1x7xf32>
    %get3A_52 = vector.shape_cast %get3A_51 : vector<1x7xf32> to vector<7xf32>
    %broadcast_in_dim3A_53 = vector.shape_cast %get3A_52 : vector<7xf32> to vector<1x7xf32>
    %add3A_54 = vector.broadcast %broadcast_in_dim3A_53 : vector<1x7xf32> to vector<32x7xf32>
    %add3A_55 = arith.addf %dot_general3A_48, %add3A_54 : vector<32x7xf32>
    %exp3A_56 = math.exp %add3A_55 : vector<32x7xf32>
    %mul3A_57 = arith.mulf %div3A_22, %exp3A_56 : vector<32x7xf32>
    %swap3A = arith.constant 0 : index
    %swap3A_58 = arith.constant 0 : index
    %swap3A_59 = vector.load %arg9[%swap3A, %swap3A_58] : memref<32x7xf32, #tpu.memory_space<vmem>>, vector<32x7xf32>
    tpu.vector_store %arg9[%swap3A, %swap3A_58], %mul3A_57 {strides = array<i32>} : memref<32x7xf32, #tpu.memory_space<vmem>>, vector<32x7xf32>,
    return
  }
  func.func @transform_0(%arg0: i32) -> (i32, i32, i32) {
    %c0_i32 = arith.constant 0 : i32
    %c0_i32_0 = arith.constant 0 : i32
    %c0_i32_1 = arith.constant 0 : i32
    return %arg0, %c0_i32, %c0_i32_0 : i32, i32, i32
  }
  func.func @transform_1(%arg0: i32) -> (i32, i32) {
    %c0_i32 = arith.constant 0 : i32
    %c0_i32_0 = arith.constant 0 : i32
    return %arg0, %c0_i32 : i32, i32
  }
  func.func @transform_2(%arg0: i32) -> (i32, i32) {
    %c0_i32 = arith.constant 0 : i32
    %c0_i32_0 = arith.constant 0 : i32
    %c0_i32_1 = arith.constant 0 : i32
    return %c0_i32, %c0_i32_0 : i32, i32
  }
  func.func @transform_3(%arg0: i32) -> (i32, i32) {
    %c0_i32 = arith.constant 0 : i32
    %c0_i32_0 = arith.constant 0 : i32
    %c0_i32_1 = arith.constant 0 : i32
    return %c0_i32, %c0_i32_0 : i32, i32
  }
  func.func @transform_4(%arg0: i32) -> (i32, i32) {
    %c0_i32 = arith.constant 0 : i32
    %c0_i32_0 = arith.constant 0 : i32
    %c0_i32_1 = arith.constant 0 : i32
    return %c0_i32, %c0_i32_0 : i32, i32
  }
  func.func @transform_5(%arg0: i32) -> (i32, i32) {
    %c0_i32 = arith.constant 0 : i32
    %c0_i32_0 = arith.constant 0 : i32
    %c0_i32_1 = arith.constant 0 : i32
    return %c0_i32, %c0_i32_0 : i32, i32
  }
  func.func @transform_6(%arg0: i32) -> (i32, i32) {
    %c0_i32 = arith.constant 0 : i32
    %c0_i32_0 = arith.constant 0 : i32
    %c0_i32_1 = arith.constant 0 : i32
    return %c0_i32, %c0_i32_0 : i32, i32
  }
  func.func @transform_7(%arg0: i32) -> (i32, i32) {
    %c0_i32 = arith.constant 0 : i32
    %c0_i32_0 = arith.constant 0 : i32
    %c0_i32_1 = arith.constant 0 : i32
    return %c0_i32, %c0_i32_0 : i32, i32
  }
  func.func @transform_8(%arg0: i32) -> (i32, i32) {
    %c0_i32 = arith.constant 0 : i32
    %c0_i32_0 = arith.constant 0 : i32
    return %arg0, %c0_i32 : i32, i32
  }
}

</mosaic_0001>

<sc_bundles>
// kernel: kernel.15.cloned.1.call-start
scs
__scs_entry_jumppad:
0x0: {  	(pc) =	sbr.rel $0x88, $3  }
0x1: {  	(tag) =	ssettag $0x0;
	lr =	simm.s32 $0x1  }
0x2: {  	[smem:$0x3F90] =	sst lr;
	_ =	strace $0xD0000000  }
0x3: {  	_ = 	snop  }
0x4: {  	_ = 	snop  }
0x5: {  	_ = 	snop  }
0x6: {  	_ = 	snop  }
0x7: {  	_ = 	snop  }
__scs_overlays_trampoline_lowered:
0x8: {  	[smem:$0x3F9F] =	sst s0  }
0x9: {  	[smem:$0x3FA0] =	sst s1  }
0xa: {  	[smem:$0x3FA1] =	sst s2  }
0xb: {  	[smem:$0x3FA2] =	sst s3  }
0xc: {  	[smem:$0x3FA3] =	sst s4  }
0xd: {  	[smem:$0x3FA4] =	sst s5  }
0xe: {  	[smem:$0x3FA5] =	sst s6  }
0xf: {  	[smem:$0x3FA6] =	sst s7  }
0x10: {  	[smem:$0x3FA7] =	sst s8  }
0x11: {  	[smem:$0x3FA8] =	sst s9;
	s0 =	simm.s32 @!p0 $0x0  }
0x12: {  	s1 =	sld [smem:$0x3F8E];
	s0 =	simm.s32 @p0 $0x1  }
0x13: {  	[smem:$0x3FA9] =	sst s0;
	s0 =	simm.s32 @!p1 $0x0  }
0x14: {  	s2 =	sld [smem:$0x3F8D];
	s0 =	simm.s32 @p1 $0x1  }
0x15: {  	[smem:$0x3FAA] =	sst s0;
	s0 =	simm.s32 @!p2 $0x0  }
0x16: {  	s3 =	sld [smem:$0x3FDB];
	s0 =	simm.s32 @p2 $0x1  }
0x17: {  	s4 =	simm.s32 $0x1BF5;
	[smem:$0x3FAC] =	sst s0  }
0x18: {  	s0 =	sld [smem:$0x3F8F];
	_ =	swait.ge [sflag:s4], $0x0  }
0x19: {  	s7 =	sld [smem:$0x3F90]  }
0x1a: {  	s8 =	sadd.s32 $0xFFFFE003, lr  }
0x1b: {  	s9 =	sadd.s32 $0xFFFFFEF7, lr;
	s5 =	simm.s32 $0xFFFFFFFF;
	p2 =	slt.u32 s8, $0xFFFFF086  }
0x1c: {  	p1 =	slt.u32 s9, $0xF7A;
	s5 =	simm.s32 @!p2 $0x0  }
0x1d: {  	s5 =	simm.s32 @p1 $0x1;
	p0 =	seq.s32 s7, s2  }
0x1e: {  	s7 =	smul.u32 @!p0 $0xF7A, s2;
	p2 =	seq.s32 @!p0 s5, $0x0  }
0x1f: {  	s9 =	smul.u32 $0xF7A, s1;
	s8 =	simm.s32 @!p0 $0x1BF5;
	p2 =	por !p2, p0  }
0x20: {  	[sflag:s8] =	ssyncset.s32 @!p0 $0xFFFFF086;
	s6 =	sadd.s32 @!p0 s3, s7;
	s7 =	simm.s32 @!p0 $0x108  }
0x21: {  	s3 =	sadd.s32 s3, s9;
	s6 =	sadd.s32 @!p0 $0x88, s6;
	s7 =	simm.s32 @p2 $0x1082  }
0x22: {  	[simem:s7], [sflag:s8] =	dma.local @!p0 [hbm:s6], $0xF7A  }
0x23: {  	s9 =	sor.u32 $0xD0000000, s2;
	s6 =	simm.s32 $0x108;
	_ =	swait.ge @!p0 [sflag:s8], $0x0  }
0x24: {  	s3 =	sadd.s32 $0x88, s3;
	s6 =	simm.s32 @!p1 $0x1082;
	[sflag:s4] =	ssyncset.s32 $0xFFFFF086  }
0x25: {  	[simem:s6], [sflag:s4] =	dma.local [hbm:s3], $0xF7A  }
0x26: {  	[smem:$0x3F90] =	sst s1;
	(tag) =	ssettag s2;
	_ =	strace s9  }
0x27: {  	s1 =	sld [smem:$0x3FA0]  }
0x28: {  	s2 =	sld [smem:$0x3FA1]  }
0x29: {  	s4 =	sld [smem:$0x3FA3]  }
0x2a: {  	p0 =	seq.s32 s5, $0x0;
	s5 =	sld [smem:$0x3FA4]  }
0x2b: {  	s6 =	sld [smem:$0x3FA5]  }
0x2c: {  	s7 =	sld [smem:$0x3FA6]  }
0x2d: {  	s3 =	simm.s32 $0x108;
	s8 =	sld [smem:$0x3FA7]  }
0x2e: {  	s3 =	simm.s32 @!p0 $0x1082;
	s9 =	sld [smem:$0x3FA8]  }
0x2f: {  	lr =	sadd.s32 s0, s3;
	s0 =	sld [smem:$0x3F9F]  }
0x30: {  	s3 =	sld [smem:$0x3FA2]  }
0x31: {  	[smem:$0x3FAB] =	sst s10  }
0x32: {  	s10 =	sld [smem:$0x3FA9];
	_ =	sdelay $0x3  }
0x33: {  	p0 =	seq.s32 s10, $0x1;
	s10 =	sld [smem:$0x3FAB];
	_ =	sdelay $0x3  }
0x34: {  	[smem:$0x3FAB] =	sst s10  }
0x35: {  	s10 =	sld [smem:$0x3FAA];
	_ =	sdelay $0x3  }
0x36: {  	p1 =	seq.s32 s10, $0x1;
	s10 =	sld [smem:$0x3FAB];
	_ =	sdelay $0x3  }
0x37: {  	[smem:$0x3FAB] =	sst s10  }
0x38: {  	s10 =	sld [smem:$0x3FAC]  }
0x39: {  	_ = 	snop;
	(pc) =	sbr.ind lr, $3  }
0x3a: {  	_ = 	snop  }
0x3b: {  	_ = 	snop  }
0x3c: {  	p2 =	seq.s32 s10, $0x1;
	s10 =	sld [smem:$0x3FAB]  }
0x3d: {  	_ =	shalt  }
0x3e: {  	_ =	shalt  }
0x3f: {  	_ =	shalt  }
0x40: {  	_ =	shalt  }
0x41: {  	_ =	shalt  }
0x42: {  	_ =	shalt  }
0x43: {  	_ =	shalt  }
0x44: {  	_ =	shalt  }
0x45: {  	_ =	shalt  }
0x46: {  	_ =	shalt  }
0x47: {  	_ =	shalt  }
0x48: {  	_ =	shalt  }
0x49: {  	_ =	shalt  }
0x4a: {  	_ =	shalt  }
0x4b: {  	_ =	shalt  }
0x4c: {  	_ =	shalt  }
0x4d: {  	_ =	shalt  }
0x4e: {  	_ =	shalt  }
0x4f: {  	_ =	shalt  }
0x50: {  	_ =	shalt  }
0x51: {  	_ =	shalt  }
0x52: {  	_ =	shalt  }
0x53: {  	_ =	shalt  }
0x54: {  	_ =	shalt  }
0x55: {  	_ =	shalt  }
0x56: {  	_ =	shalt  }
0x57: {  	_ =	shalt  }
0x58: {  	_ =	shalt  }
0x59: {  	_ =	shalt  }
0x5a: {  	_ =	shalt  }
0x5b: {  	_ =	shalt  }
0x5c: {  	_ =	shalt  }
0x5d: {  	_ =	shalt  }
0x5e: {  	_ =	shalt  }
0x5f: {  	_ =	shalt  }
0x60: {  	_ =	shalt  }
0x61: {  	_ =	shalt  }
0x62: {  	_ =	shalt  }
0x63: {  	_ =	shalt  }
0x64: {  	_ =	shalt  }
0x65: {  	_ =	shalt  }
0x66: {  	_ =	shalt  }
0x67: {  	_ =	shalt  }
0x68: {  	_ =	shalt  }
0x69: {  	_ =	shalt  }
0x6a: {  	_ =	shalt  }
0x6b: {  	_ =	shalt  }
0x6c: {  	_ =	shalt  }
0x6d: {  	_ =	shalt  }
0x6e: {  	_ =	shalt  }
0x6f: {  	_ =	shalt  }
0x70: {  	_ =	shalt  }
0x71: {  	_ =	shalt  }
0x72: {  	_ =	shalt  }
0x73: {  	_ =	shalt  }
0x74: {  	_ =	shalt  }
0x75: {  	_ =	shalt  }
0x76: {  	_ =	shalt  }
0x77: {  	_ =	shalt  }
0x78: {  	_ =	shalt  }
0x79: {  	_ =	shalt  }
0x7a: {  	_ =	shalt  }
0x7b: {  	_ =	shalt  }
0x7c: {  	_ =	shalt  }
0x7d: {  	_ =	shalt  }
0x7e: {  	_ =	shalt  }
0x7f: {  	_ =	shalt  }
0x80: {  	_ =	shalt  }
0x81: {  	_ =	shalt  }
0x82: {  	_ =	shalt  }
0x83: {  	_ =	shalt  }
0x84: {  	_ =	shalt  }
0x85: {  	_ =	shalt  }
0x86: {  	_ =	shalt  }
0x87: {  	_ =	shalt  }
.Lfunc_end0:
.L_simem_size_0:
called_computation_lowered:
.L_overlay_start_0:
0x88: {  	s0 =	sld [smem:$0x3FD9]  }
0x89: {  	s1 =	sld [smem:$0x3FFE];
	_ =	sdelay $0x3  }
0x8a: {  	s0 =	sadd.s32 s1, s0  }
0x8b: {  	[smem:$0x3FB7] =	sst s0  }
0x8c: {  	_ = 	snop  }
0x8d: {  	s0 =	sld [smem:$0x3FD0];
	(tm) =	ssettm $0x1  }
0x8e: {  	s16 =	sld [smem:$0x3FFB];
	_ =	sdelay $0x3  }
0x8f: {  	_ =	strace s16  }
0x90: {  	s1 =	sld [smem:$0x3FFC];
	_ =	sdelay $0x3  }
0x91: {  	_ =	strace s1  }
0x92: {  	s1 =	sld [smem:$0x3FFD];
	_ =	sdelay $0x3  }
0x93: {  	_ =	strace s1  }
0x94: {  	_ =	strace $0x8FFFFFFF  }
0x95: {  	s17 =	sld [smem:$0x3FDB];
	_ =	sdelay $0x1  }
0x96: {  	s2 =	simm.s32 $_scs_section_size  }
0x97: {  	s3 =	simm.s32 $_size__tile_overlayer_lowered;
	s4 =	simm.s32 $_tile_overlayer_lowered  }
0x98: {  	s20 =	simm.s32 $0x1BFF;
	s19 =	sshll.u32 s4, $0x1;
	s1 =	sadd.s32 s2, s17  }
0x99: {  	s5 =	simm.s32 $0x0;
	s18 =	sshll.u32 s3, $0x1;
	s3 =	sadd.s32 s19, s1  }
0x9a: {  	[timem:s5], [sflag:s20] =	dma.local [hbm:s3], s18  }
0x9b: {  	_ =	swait.ge [sflag:s20], s18  }
0x9c: {  	s2 =	ssub.s32 $0x0, s18;
	[sflag:s20] =	ssyncset.done $0x0  }
0x9d: {  	[sflag:s20] =	ssyncadd.s32 s2;
	_ =	sdelay $0x1  }
0x9e: {  	s21 =	simm.s32 $0x1B8B  }
0x9f: {  	_ =	swait.ge [sflag:s21], $0x1  }
0xa0: {  	[sflag:s21] =	ssyncset.done $0x0  }
0xa1: {  	s23 =	simm.s32 $0x1B8E;
	s22 =	sld [smem:$0x3FFE];
	[sflag:s21] =	ssyncadd.s32 $0xFFFFFFFF  }
0xa2: {  	s24 =	simm.s32 $execute0_lowered;
	[smem:$0x3FD2] =	sst s23  }
0xa3: {  	s3 =	sshll.u32 s24, $0x1;
	_ =	strace $0x80000046;
	[dreg:$0x1] =	wrdreg $0xFFFFFFFF  }
0xa4: {  	s25 =	simm.s32 $_size_execute0_lowered;
	s1 =	sadd.s32 s1, s3;
	[dreg:$0x0] =	wrdreg $0x0  }
0xa5: {  	s3 =	sshll.u32 s25, $0x1;
	[dreg:$0x2] =	wrdreg s1  }
0xa6: {  	[dreg:$0x3] =	wrdreg s3  }
0xa7: {  	[dreg:$0x4] =	wrdreg $0xC0  }
0xa8: {  	_ =	task [dreg:s5], $0x5FFFF  }
0xa9: {  	[dreg:$0x1] =	wrdreg $0xFFFFFFFF  }
0xaa: {  	[dreg:$0x0] =	wrdreg $0x60  }
0xab: {  	[dreg:$0x2] =	wrdreg s22  }
0xac: {  	[dreg:$0x3] =	wrdreg s0  }
0xad: {  	[dreg:$0x4] =	wrdreg $0x15180  }
0xae: {  	[dreg:$0x5] =	wrdreg $0x9  }
0xaf: {  	_ =	task.clear_ibuf [dreg:s5], $0x6FFFF;
	_ =	strace $0x90000046  }
0xb0: {  	s26 =	simm.s32 $0x9;
	_ =	strace $0x80000048  }
0xb1: {  	_ =	swait.ge [sflag:s26], $0x1  }
0xb2: {  	[sflag:s26] =	ssyncadd.s32 $0xFFFFFFFF  }
0xb3: {  	_ =	strace $0x90000048  }
0xb4: {  	_ =	sfence  }
0xb5: {  	s28 =	sld [smem:$0x0];
	_ =	sdelay $0x1  }
0xb6: {  	s29 =	srdreg.scid  }
0xb7: {  	s30 =	sshll.u32 s29, $0xD;
	s31 =	sshrl.u32 s29, $0x2  }
0xb8: {  	s2 =	sand.u32 $0x4000, s30;
	s1 =	sand.u32 $0x1, s29;
	s0 =	sadd.s32 s31, s28  }
0xb9: {  	s1 =	sor.u32 s2, s1;
	s0 =	sshll.u32 s0, $0x11  }
0xba: {  	s0 =	sor.u32 s0, s1  }
0xbb: {  	s0 =	sadd.s32 $0x8F2B, s0  }
0xbc: {  	[sflag:s0] =	ssyncadd.remote.s32 $0x1  }
0xbd: {  	_ =	sfence.sel $0xFFFF  }
0xbe: {  	[dreg:$0x0] =	wrdreg $0xFFFFFFFF;
	(pc) =	sbr.abs _section_cstart, $3  }
0xbf: {  	[dreg:$0x1] =	wrdreg $0xFFFFFFFF  }
0xc0: {  	_ =	task.clear_ibuf [dreg:s5], $0x2FFFF;
	_ =	strace $0x9FFFFFFF  }
0xc1: {  	(tm) =	ssettm $0x7FFFFFFF  }
tec
execute0_lowered:
.L_overlay_start_1:
0x0: {  	(tag) =	ssettag $0x1  }
0x1: {  	s17 =	rddreg [dreg:$0x0]  }
0x2: {  	s2 =	rddreg [dreg:$0x1]  }
0x3: {  	s9 =	rddreg [dreg:$0x2];
	s19 =	simm.s32 $0x0  }
0x4: {  	s21 =	simm.s32 $0x11B8;
	[smem:$0x7FF] =	sst s19  }
0x5: {  	s18 =	simm.s32 $0x3;
	s1 =	sadd.s32 $0x63A00, s17;
	_ =	strace $0x80000047  }
0x6: {  	[tilespmem:s21], [sflag:$0x3] =	stream.linear.gather [hbm4b:s1+s19], $0x360, $0x38;
	[tilespmem:$0x2CB8] =	vst v63  }
0x7: {  	_ =	swait.ge [sflag:s18], $0x360  }
0x8: {  	[sflag:s18] =	ssyncset.done $0x0  }
0x9: {  	s20 =	simm.s32 $0xBD0;
	s1 =	stileid.u32;
	[sflag:s18] =	ssyncadd.s32 $0xFFFFFCA0  }
0xa: {  	[tilespmem:s20], [sflag:$0x3] =	stream.linear.gather [hbm4b:s2+s19], $0x5E8, $0x38;
	[tilespmem:$0x2CB8] =	vst v63  }
0xb: {  	s14 =	smul.u32 $0x17A0, s1;
	_ =	swait.ge [sflag:s18], $0x5E8  }
0xc: {  	[sflag:s18] =	ssyncset.done $0x0  }
0xd: {  	s16 =	sadd.s32 s14, s9;
	[sflag:s18] =	ssyncadd.s32 $0xFFFFFA18  }
0xe: {  	[spmem:s16] =	stream.linear.scatter [tilespmem:s21], [sflag:$0x3], $0x360, $0x38;
	[tilespmem:$0x2CB8] =	vst v63  }
0xf: {  	_ =	swait.ge [sflag:s18], $0x360  }
0x10: {  	s12 =	sadd.s32 $0x360, s14;
	[sflag:s18] =	ssyncset.done $0x0  }
0x11: {  	s15 =	sadd.s32 s12, s9;
	[sflag:s18] =	ssyncadd.s32 $0xFFFFFCA0  }
0x12: {  	[spmem:s15] =	stream.linear.scatter [tilespmem:s21], [sflag:$0x3], $0x360, $0x38;
	[tilespmem:$0x2CB8] =	vst v63  }
0x13: {  	_ =	swait.ge [sflag:s18], $0x360  }
0x14: {  	s10 =	sadd.s32 $0x6C0, s14;
	[sflag:s18] =	ssyncset.done $0x0  }
0x15: {  	s13 =	sadd.s32 s10, s9;
	[sflag:s18] =	ssyncadd.s32 $0xFFFFFCA0  }
0x16: {  	[spmem:s13] =	stream.linear.scatter [tilespmem:s21], [sflag:$0x3], $0x360, $0x38;
	[tilespmem:$0x2CB8] =	vst v63  }
0x17: {  	_ =	swait.ge [sflag:s18], $0x360  }
0x18: {  	s7 =	sadd.s32 $0xA20, s14;
	[sflag:s18] =	ssyncset.done $0x0  }
0x19: {  	s11 =	sadd.s32 s7, s9;
	[sflag:s18] =	ssyncadd.s32 $0xFFFFFCA0  }
0x1a: {  	[spmem:s11] =	stream.linear.scatter [tilespmem:s21], [sflag:$0x3], $0x360, $0x38;
	[tilespmem:$0x2CB8] =	vst v63  }
0x1b: {  	_ =	swait.ge [sflag:s18], $0x360  }
0x1c: {  	s5 =	sadd.s32 $0xD80, s14;
	[sflag:s18] =	ssyncset.done $0x0  }
0x1d: {  	s8 =	sadd.s32 s5, s9;
	[sflag:s18] =	ssyncadd.s32 $0xFFFFFCA0  }
0x1e: {  	[spmem:s8] =	stream.linear.scatter [tilespmem:s21], [sflag:$0x3], $0x360, $0x38;
	[tilespmem:$0x2CB8] =	vst v63  }
0x1f: {  	_ =	swait.ge [sflag:s18], $0x360  }
0x20: {  	s3 =	sadd.s32 $0x10E0, s14;
	[sflag:s18] =	ssyncset.done $0x0  }
0x21: {  	s6 =	sadd.s32 s3, s9;
	[sflag:s18] =	ssyncadd.s32 $0xFFFFFCA0  }
0x22: {  	[spmem:s6] =	stream.linear.scatter [tilespmem:s21], [sflag:$0x3], $0x360, $0x38;
	[tilespmem:$0x2CB8] =	vst v63  }
0x23: {  	_ =	swait.ge [sflag:s18], $0x360  }
0x24: {  	s2 =	sadd.s32 $0x1440, s14;
	[sflag:s18] =	ssyncset.done $0x0  }
0x25: {  	s22 =	smul.u32 $0x17A00, s1;
	s4 =	sadd.s32 s2, s9;
	[sflag:s18] =	ssyncadd.s32 $0xFFFFFCA0  }
0x26: {  	[spmem:s4] =	stream.linear.scatter [tilespmem:s21], [sflag:$0x3], $0x360, $0x38;
	[tilespmem:$0x2CB8] =	vst v63  }
0x27: {  	s24 =	smul.u32 $0x2F40, s1;
	_ =	swait.ge [sflag:s18], $0x360  }
0x28: {  	s21 =	sadd.s32 $0x5200, s17;
	[sflag:s18] =	ssyncset.done $0x0  }
0x29: {  	s23 =	sshrl.u32 s22, $0x3;
	s26 =	sadd.s32 s24, s21;
	[sflag:s18] =	ssyncadd.s32 $0xFFFFFCA0  }
0x2a: {  	s23 =	sadd.s32 s21, s23;
	s25 =	sadd.s32 $0xFFFFD23A, s26;
	[bflag:$0x0] =	sbarrier.arrive $0xFFFF  }
0x2b: {  	[tilespmem:s19], [sflag:$0x1] =	stream.linear.gather [hbm4b:s23+s19], $0x5E8, $0x38;
	[tilespmem:$0x2CB8] =	vst v63  }
0x2c: {  	s24 =	simm.s32 $0x1;
	s31 =	sadd.s32 $0x2E83, s25;
	s23 =	simm.s32 $0x5E8  }
0x2d: {  	[tilespmem:s23], [sflag:$0x2] =	stream.linear.gather [hbm4b:s31+s19], $0x5E8, $0x38;
	[tilespmem:$0x2CB8] =	vst v63  }
0x2e: {  	_ =	swait.ge [sflag:s24], $0x5E8  }
0x2f: {  	[sflag:s24] =	ssyncset.done $0x0  }
0x30: {  	[sflag:s24] =	ssyncadd.s32 $0xFFFFFA18  }
0x31: {  	[spmem:s9] =	stream.indirect.scatter.add.f32 [tilespmem:s20], [sflag:$0x3], $0x1, s19, s23, $0xb8;
	[tilespmem:$0x2CB8] =	vst v63  }
0x32: {  	_ =	swait.ge [sflag:s18], $0x5E8  }
0x33: {  	[sflag:s18] =	ssyncset.done $0x0  }
0x34: {  	s25 =	sadd.s32 $0x2F40, s25;
	[sflag:s18] =	ssyncadd.s32 $0xFFFFFA18  }
0x35: {  	[tilespmem:s19], [sflag:$0x1] =	stream.linear.gather [hbm4b:s25+s19], $0x5E8, $0x38;
	[tilespmem:$0x2CB8] =	vst v63  }
0x36: {  	s25 =	simm.s32 $0x2  }
0x37: {  	_ =	swait.ge [sflag:s25], $0x5E8  }
0x38: {  	[sflag:s25] =	ssyncset.done $0x0  }
0x39: {  	[sflag:s25] =	ssyncadd.s32 $0xFFFFFA18  }
0x3a: {  	[spmem:s9] =	stream.indirect.scatter.add.f32 [tilespmem:s20], [sflag:$0x3], $0x1, s23, s23, $0xb8;
	[tilespmem:$0x2CB8] =	vst v63  }
0x3b: {  	s29 =	simm.s32 $0xFFFFD52E;
	_ =	swait.ge [sflag:s18], $0x5E8  }
0x3c: {  	s17 =	sadd.s32 $0x63C00, s17;
	s28 =	sadd.s32 $0xFFFFD3B4, s26;
	[sflag:s18] =	ssyncset.done $0x0  }
.LBB2_1:
0x3d: {  	s30 =	sadd.s32 $0x2E83, s28  }
0x3e: {  	[sflag:s18] =	ssyncadd.s32 $0xFFFFFA18;
	s31 =	smov.u32 s29;
	s0 =	sadd.s32 $0x17A, s29  }
0x3f: {  	[tilespmem:s23], [sflag:$0x2] =	stream.linear.gather [hbm4b:s30+s19], $0x5E8, $0x38;
	[tilespmem:$0x2CB8] =	vst v63  }
0x40: {  	p0 =	sne.s32 s29, $0xFFFFFE86;
	_ =	swait.ge [sflag:s24], $0x5E8  }
0x41: {  	[sflag:s24] =	ssyncset.done $0x0  }
0x42: {  	[sflag:s24] =	ssyncadd.s32 $0xFFFFFA18  }
0x43: {  	[spmem:s9] =	stream.indirect.scatter.add.f32 [tilespmem:s20], [sflag:$0x3], $0x1, s19, s23, $0xb8;
	[tilespmem:$0x2CB8] =	vst v63  }
0x44: {  	_ =	swait.ge [sflag:s18], $0x5E8  }
0x45: {  	[sflag:s18] =	ssyncset.done $0x0  }
0x46: {  	s28 =	sadd.s32 $0x2F40, s28;
	[sflag:s18] =	ssyncadd.s32 $0xFFFFFA18  }
0x47: {  	[tilespmem:s19], [sflag:$0x1] =	stream.linear.gather [hbm4b:s28+s19], $0x5E8, $0x38;
	[tilespmem:$0x2CB8] =	vst v63  }
0x48: {  	_ =	swait.ge [sflag:s25], $0x5E8  }
.Ltmp0:
0x49: {  	[sflag:s25] =	ssyncset.done $0x0;
	(pc) =	sbr.rel @p0 .LBB2_1-.Ltmp0, $4  }
0x4a: {  	[sflag:s25] =	ssyncadd.s32 $0xFFFFFA18  }
0x4b: {  	[spmem:s9] =	stream.indirect.scatter.add.f32 [tilespmem:s20], [sflag:$0x3], $0x1, s23, s23, $0xb8;
	[tilespmem:$0x2CB8] =	vst v63  }
0x4c: {  	_ =	swait.ge [sflag:s18], $0x5E8  }
0x4d: {  	s29 =	smov.u32 s0;
	s28 =	sadd.s32 s31, s26;
	[sflag:s18] =	ssyncset.done $0x0  }
0x4e: {  	[sflag:s18] =	ssyncadd.s32 $0xFFFFFA18;
	s0 =	sadd.s32 $0x2E83, s28  }
0x4f: {  	[tilespmem:s23], [sflag:$0x2] =	stream.linear.gather [hbm4b:s0+s19], $0x5E8, $0x38;
	[tilespmem:$0x2CB8] =	vst v63  }
0x50: {  	_ =	swait.ge [sflag:s24], $0x5E8  }
0x51: {  	[sflag:s24] =	ssyncset.done $0x0  }
0x52: {  	[sflag:s24] =	ssyncadd.s32 $0xFFFFFA18  }
0x53: {  	[spmem:s9] =	stream.indirect.scatter.add.f32 [tilespmem:s20], [sflag:$0x3], $0x1, s19, s23, $0xb8;
	[tilespmem:$0x2CB8] =	vst v63  }
0x54: {  	_ =	swait.ge [sflag:s18], $0x5E8  }
0x55: {  	[sflag:s18] =	ssyncset.done $0x0  }
0x56: {  	s26 =	sadd.s32 $0x2F40, s28;
	[sflag:s18] =	ssyncadd.s32 $0xFFFFFA18  }
0x57: {  	[tilespmem:s19], [sflag:$0x1] =	stream.linear.gather [hbm4b:s26+s19], $0x5E8, $0x38;
	[tilespmem:$0x2CB8] =	vst v63  }
0x58: {  	_ =	swait.ge [sflag:s25], $0x5E8  }
0x59: {  	[sflag:s25] =	ssyncset.done $0x0  }
0x5a: {  	[sflag:s25] =	ssyncadd.s32 $0xFFFFFA18  }
0x5b: {  	[spmem:s9] =	stream.indirect.scatter.add.f32 [tilespmem:s20], [sflag:$0x3], $0x1, s23, s23, $0xb8;
	[tilespmem:$0x2CB8] =	vst v63  }
0x5c: {  	s28 =	sadd.s32 $0x17418, s22;
	s29 =	simm.s32 $0x5E8;
	_ =	swait.ge [sflag:s18], $0x5E8  }
0x5d: {  	s30 =	simm.s32 $0x1;
	s0 =	sshrl.u32 s28, $0x3;
	[sflag:s18] =	ssyncset.done $0x0  }
0x5e: {  	s0 =	sadd.s32 s21, s0;
	[sflag:s18] =	ssyncadd.s32 $0xFFFFFA18;
	s18 =	simm.s32 $0x0  }
0x5f: {  	[tilespmem:s29], [sflag:$0x2] =	stream.linear.gather [hbm4b:s0+s18], $0x5E8, $0x38;
	[tilespmem:$0x2CB8] =	vst v63  }
0x60: {  	_ =	swait.ge [sflag:s30], $0x5E8  }
0x61: {  	[sflag:s30] =	ssyncset.done $0x0  }
0x62: {  	s31 =	simm.s32 $0xBD0;
	s19 =	simm.s32 $0x3;
	[sflag:s30] =	ssyncadd.s32 $0xFFFFFA18  }
0x63: {  	[spmem:s9] =	stream.indirect.scatter.add.f32 [tilespmem:s31], [sflag:$0x3], $0x1, s18, s29, $0xb8;
	[tilespmem:$0x2CB8] =	vst v63  }
0x64: {  	_ =	swait.ge [sflag:s19], $0x5E8  }
0x65: {  	[sflag:s19] =	ssyncset.done $0x0  }
0x66: {  	s22 =	simm.s32 $0x2;
	[sflag:s19] =	ssyncadd.s32 $0xFFFFFA18  }
0x67: {  	_ =	swait.ge [sflag:s22], $0x5E8  }
0x68: {  	[sflag:s22] =	ssyncset.done $0x0  }
0x69: {  	[sflag:s22] =	ssyncadd.s32 $0xFFFFFA18  }
0x6a: {  	[spmem:s9] =	stream.indirect.scatter.add.f32 [tilespmem:s31], [sflag:$0x3], $0x1, s29, s29, $0xb8;
	[tilespmem:$0x2CB8] =	vst v63  }
0x6b: {  	_ =	swait.ge [sflag:s19], $0x5E8  }
0x6c: {  	[sflag:s19] =	ssyncset.done $0x0  }
0x6d: {  	[sflag:s19] =	ssyncadd.s32 $0xFFFFFA18  }
0x6e: {  	s23 =	simm.s32 $0x11B8;
	[bflag:$0x0] =	sbarrier.arrive $0xFFFF  }
0x6f: {  	[tilespmem:s23], [sflag:$0x3] =	stream.linear.gather [spmem:s16], $0x360, $0x38;
	[tilespmem:$0x2CB8] =	vst v63  }
0x70: {  	_ =	swait.ge [sflag:s19], $0x360  }
0x71: {  	s24 =	sshrl.u32 s14, $0x3;
	[sflag:s19] =	ssyncset.done $0x0  }
0x72: {  	s0 =	sadd.s32 s17, s24;
	[sflag:s19] =	ssyncadd.s32 $0xFFFFFCA0  }
0x73: {  	[hbm4b:s0+s18] =	stream.linear.scatter [tilespmem:s23], [sflag:$0x3], $0x360, $0x38;
	[tilespmem:$0x2CB8] =	vst v63  }
0x74: {  	_ =	swait.ge [sflag:s19], $0x360  }
0x75: {  	[sflag:s19] =	ssyncset.done $0x0  }
0x76: {  	[sflag:s19] =	ssyncadd.s32 $0xFFFFFCA0  }
0x77: {  	[tilespmem:s23], [sflag:$0x3] =	stream.linear.gather [spmem:s15], $0x360, $0x38;
	[tilespmem:$0x2CB8] =	vst v63  }
0x78: {  	_ =	swait.ge [sflag:s19], $0x360  }
0x79: {  	s25 =	sshrl.u32 s12, $0x3;
	[sflag:s19] =	ssyncset.done $0x0  }
0x7a: {  	s0 =	sadd.s32 s17, s25;
	[sflag:s19] =	ssyncadd.s32 $0xFFFFFCA0  }
0x7b: {  	[hbm4b:s0+s18] =	stream.linear.scatter [tilespmem:s23], [sflag:$0x3], $0x360, $0x38;
	[tilespmem:$0x2CB8] =	vst v63  }
0x7c: {  	_ =	swait.ge [sflag:s19], $0x360  }
0x7d: {  	[sflag:s19] =	ssyncset.done $0x0  }
0x7e: {  	[sflag:s19] =	ssyncadd.s32 $0xFFFFFCA0  }
0x7f: {  	[tilespmem:s23], [sflag:$0x3] =	stream.linear.gather [spmem:s13], $0x360, $0x38;
	[tilespmem:$0x2CB8] =	vst v63  }
0x80: {  	_ =	swait.ge [sflag:s19], $0x360  }
0x81: {  	s26 =	sshrl.u32 s10, $0x3;
	[sflag:s19] =	ssyncset.done $0x0  }
0x82: {  	s0 =	sadd.s32 s17, s26;
	[sflag:s19] =	ssyncadd.s32 $0xFFFFFCA0  }
0x83: {  	[hbm4b:s0+s18] =	stream.linear.scatter [tilespmem:s23], [sflag:$0x3], $0x360, $0x38;
	[tilespmem:$0x2CB8] =	vst v63  }
0x84: {  	_ =	swait.ge [sflag:s19], $0x360  }
0x85: {  	[sflag:s19] =	ssyncset.done $0x0  }
0x86: {  	[sflag:s19] =	ssyncadd.s32 $0xFFFFFCA0  }
0x87: {  	[tilespmem:s23], [sflag:$0x3] =	stream.linear.gather [spmem:s11], $0x360, $0x38;
	[tilespmem:$0x2CB8] =	vst v63  }
0x88: {  	_ =	swait.ge [sflag:s19], $0x360  }
0x89: {  	s28 =	sshrl.u32 s7, $0x3;
	[sflag:s19] =	ssyncset.done $0x0  }
0x8a: {  	s0 =	sadd.s32 s17, s28;
	[sflag:s19] =	ssyncadd.s32 $0xFFFFFCA0  }
0x8b: {  	[hbm4b:s0+s18] =	stream.linear.scatter [tilespmem:s23], [sflag:$0x3], $0x360, $0x38;
	[tilespmem:$0x2CB8] =	vst v63  }
0x8c: {  	_ =	swait.ge [sflag:s19], $0x360  }
0x8d: {  	[sflag:s19] =	ssyncset.done $0x0  }
0x8e: {  	[sflag:s19] =	ssyncadd.s32 $0xFFFFFCA0  }
0x8f: {  	[tilespmem:s23], [sflag:$0x3] =	stream.linear.gather [spmem:s8], $0x360, $0x38;
	[tilespmem:$0x2CB8] =	vst v63  }
0x90: {  	_ =	swait.ge [sflag:s19], $0x360  }
0x91: {  	s29 =	sshrl.u32 s5, $0x3;
	[sflag:s19] =	ssyncset.done $0x0  }
0x92: {  	s0 =	sadd.s32 s17, s29;
	[sflag:s19] =	ssyncadd.s32 $0xFFFFFCA0  }
0x93: {  	[hbm4b:s0+s18] =	stream.linear.scatter [tilespmem:s23], [sflag:$0x3], $0x360, $0x38;
	[tilespmem:$0x2CB8] =	vst v63  }
0x94: {  	_ =	swait.ge [sflag:s19], $0x360  }
0x95: {  	[sflag:s19] =	ssyncset.done $0x0  }
0x96: {  	[sflag:s19] =	ssyncadd.s32 $0xFFFFFCA0  }
0x97: {  	[tilespmem:s23], [sflag:$0x3] =	stream.linear.gather [spmem:s6], $0x360, $0x38;
	[tilespmem:$0x2CB8] =	vst v63  }
0x98: {  	_ =	swait.ge [sflag:s19], $0x360  }
0x99: {  	s30 =	sshrl.u32 s3, $0x3;
	[sflag:s19] =	ssyncset.done $0x0  }
0x9a: {  	s0 =	sadd.s32 s17, s30;
	[sflag:s19] =	ssyncadd.s32 $0xFFFFFCA0  }
0x9b: {  	[hbm4b:s0+s18] =	stream.linear.scatter [tilespmem:s23], [sflag:$0x3], $0x360, $0x38;
	[tilespmem:$0x2CB8] =	vst v63  }
0x9c: {  	_ =	swait.ge [sflag:s19], $0x360  }
0x9d: {  	[sflag:s19] =	ssyncset.done $0x0  }
0x9e: {  	[sflag:s19] =	ssyncadd.s32 $0xFFFFFCA0  }
0x9f: {  	[tilespmem:s23], [sflag:$0x3] =	stream.linear.gather [spmem:s4], $0x360, $0x38;
	[tilespmem:$0x2CB8] =	vst v63  }
0xa0: {  	_ =	swait.ge [sflag:s19], $0x360  }
0xa1: {  	s31 =	sshrl.u32 s2, $0x3;
	[sflag:s19] =	ssyncset.done $0x0  }
0xa2: {  	s0 =	sadd.s32 s17, s31;
	[sflag:s19] =	ssyncadd.s32 $0xFFFFFCA0  }
0xa3: {  	[hbm4b:s0+s18] =	stream.linear.scatter [tilespmem:s23], [sflag:$0x3], $0x360, $0x38;
	[tilespmem:$0x2CB8] =	vst v63  }
0xa4: {  	_ =	swait.ge [sflag:s19], $0x360  }
0xa5: {  	[sflag:s19] =	ssyncset.done $0x0  }
0xa6: {  	[sflag:s19] =	ssyncadd.s32 $0xFFFFFCA0  }
0xa7: {  	_ =	sfence.sel $0x180000  }
0xa8: {  	[bflag:$0x0] =	sbarrier.arrive $0xFFFF  }
0xa9: {  	_ =	strace $0x90000047  }
0xaa: {  	[bflag:$0x2] =	sbarrier.arrive $0xFFFF  }
0xab: {  	p0 =	sne.s32 s1, $0x0;
	s0 =	rddreg [dreg:$0x3]  }
0xac: {  	s0 =	sadd.s32 @!p0 $0x100000, s0  }
0xad: {  	[sflag:s0] =	ssyncadd.tile.s32 @!p0 $0x1;
	_ =	shalt  }
.Lfunc_end2:
_tile_overlayer_lowered:
.L_overlay_start_2:
0xae: {  	(tag) =	ssettag $0x2  }
0xaf: {  	s0 =	rddreg [dreg:$0x0];
	s2 =	stileid.u32  }
0xb0: {  	s1 =	rddreg [dreg:$0x1];
	p0 =	sne.s32 s2, $0x0  }
0xb1: {  	s3 =	rddreg [dreg:$0x2];
	[bflag:$0x3] =	sbarrier.arrive $0xFFFF;
	s2 =	simm.s32 @!p0 $0x1C03  }
0xb2: {  	[timem:s3], [sflag:s2] =	dma.local @!p0 [hbm:s0], s1  }
0xb3: {  	s0 =	simm.s32 @!p0 $0x3  }
0xb4: {  	_ =	swait.ge @!p0 [sflag:s0], s1  }
0xb5: {  	s1 =	ssub.s32 @!p0 $0x0, s1;
	[sflag:s0] =	ssyncset.done @!p0 $0x0  }
0xb6: {  	[sflag:s0] =	ssyncadd.s32 @!p0 s1  }
0xb7: {  	[bflag:$0x3] =	sbarrier.arrive $0xFFFF  }
0xb8: {  	_ =	shalt  }

// kernel: kernel.18.cloned.1.call-start
scs
__scs_entry_jumppad:
0x0: {  	(pc) =	sbr.rel $0x88, $3  }
0x1: {  	(tag) =	ssettag $0x0;
	lr =	simm.s32 $0x1  }
0x2: {  	[smem:$0x3F90] =	sst lr;
	_ =	strace $0xD0000000  }
0x3: {  	_ = 	snop  }
0x4: {  	_ = 	snop  }
0x5: {  	_ = 	snop  }
0x6: {  	_ = 	snop  }
0x7: {  	_ = 	snop  }
__scs_overlays_trampoline_lowered:
0x8: {  	[smem:$0x3F9F] =	sst s0  }
0x9: {  	[smem:$0x3FA0] =	sst s1  }
0xa: {  	[smem:$0x3FA1] =	sst s2  }
0xb: {  	[smem:$0x3FA2] =	sst s3  }
0xc: {  	[smem:$0x3FA3] =	sst s4  }
0xd: {  	[smem:$0x3FA4] =	sst s5  }
0xe: {  	[smem:$0x3FA5] =	sst s6  }
0xf: {  	[smem:$0x3FA6] =	sst s7  }
0x10: {  	[smem:$0x3FA7] =	sst s8  }
0x11: {  	[smem:$0x3FA8] =	sst s9;
	s0 =	simm.s32 @!p0 $0x0  }
0x12: {  	s1 =	sld [smem:$0x3F8E];
	s0 =	simm.s32 @p0 $0x1  }
0x13: {  	[smem:$0x3FA9] =	sst s0;
	s0 =	simm.s32 @!p1 $0x0  }
0x14: {  	s2 =	sld [smem:$0x3F8D];
	s0 =	simm.s32 @p1 $0x1  }
0x15: {  	[smem:$0x3FAA] =	sst s0;
	s0 =	simm.s32 @!p2 $0x0  }
0x16: {  	s3 =	sld [smem:$0x3FDB];
	s0 =	simm.s32 @p2 $0x1  }
0x17: {  	s4 =	simm.s32 $0x1BF5;
	[smem:$0x3FAC] =	sst s0  }
0x18: {  	s0 =	sld [smem:$0x3F8F];
	_ =	swait.ge [sflag:s4], $0x0  }
0x19: {  	s7 =	sld [smem:$0x3F90]  }
0x1a: {  	s8 =	sadd.s32 $0xFFFFE003, lr  }
0x1b: {  	s9 =	sadd.s32 $0xFFFFFEF7, lr;
	s5 =	simm.s32 $0xFFFFFFFF;
	p2 =	slt.u32 s8, $0xFFFFF086  }
0x1c: {  	p1 =	slt.u32 s9, $0xF7A;
	s5 =	simm.s32 @!p2 $0x0  }
0x1d: {  	s5 =	simm.s32 @p1 $0x1;
	p0 =	seq.s32 s7, s2  }
0x1e: {  	s7 =	smul.u32 @!p0 $0xF7A, s2;
	p2 =	seq.s32 @!p0 s5, $0x0  }
0x1f: {  	s9 =	smul.u32 $0xF7A, s1;
	s8 =	simm.s32 @!p0 $0x1BF5;
	p2 =	por !p2, p0  }
0x20: {  	[sflag:s8] =	ssyncset.s32 @!p0 $0xFFFFF086;
	s6 =	sadd.s32 @!p0 s3, s7;
	s7 =	simm.s32 @!p0 $0x108  }
0x21: {  	s3 =	sadd.s32 s3, s9;
	s6 =	sadd.s32 @!p0 $0x88, s6;
	s7 =	simm.s32 @p2 $0x1082  }
0x22: {  	[simem:s7], [sflag:s8] =	dma.local @!p0 [hbm:s6], $0xF7A  }
0x23: {  	s9 =	sor.u32 $0xD0000000, s2;
	s6 =	simm.s32 $0x108;
	_ =	swait.ge @!p0 [sflag:s8], $0x0  }
0x24: {  	s3 =	sadd.s32 $0x88, s3;
	s6 =	simm.s32 @!p1 $0x1082;
	[sflag:s4] =	ssyncset.s32 $0xFFFFF086  }
0x25: {  	[simem:s6], [sflag:s4] =	dma.local [hbm:s3], $0xF7A  }
0x26: {  	[smem:$0x3F90] =	sst s1;
	(tag) =	ssettag s2;
	_ =	strace s9  }
0x27: {  	s1 =	sld [smem:$0x3FA0]  }
0x28: {  	s2 =	sld [smem:$0x3FA1]  }
0x29: {  	s4 =	sld [smem:$0x3FA3]  }
0x2a: {  	p0 =	seq.s32 s5, $0x0;
	s5 =	sld [smem:$0x3FA4]  }
0x2b: {  	s6 =	sld [smem:$0x3FA5]  }
0x2c: {  	s7 =	sld [smem:$0x3FA6]  }
0x2d: {  	s3 =	simm.s32 $0x108;
	s8 =	sld [smem:$0x3FA7]  }
0x2e: {  	s3 =	simm.s32 @!p0 $0x1082;
	s9 =	sld [smem:$0x3FA8]  }
0x2f: {  	lr =	sadd.s32 s0, s3;
	s0 =	sld [smem:$0x3F9F]  }
0x30: {  	s3 =	sld [smem:$0x3FA2]  }
0x31: {  	[smem:$0x3FAB] =	sst s10  }
0x32: {  	s10 =	sld [smem:$0x3FA9];
	_ =	sdelay $0x3  }
0x33: {  	p0 =	seq.s32 s10, $0x1;
	s10 =	sld [smem:$0x3FAB];
	_ =	sdelay $0x3  }
0x34: {  	[smem:$0x3FAB] =	sst s10  }
0x35: {  	s10 =	sld [smem:$0x3FAA];
	_ =	sdelay $0x3  }
0x36: {  	p1 =	seq.s32 s10, $0x1;
	s10 =	sld [smem:$0x3FAB];
	_ =	sdelay $0x3  }
0x37: {  	[smem:$0x3FAB] =	sst s10  }
0x38: {  	s10 =	sld [smem:$0x3FAC]  }
0x39: {  	_ = 	snop;
	(pc) =	sbr.ind lr, $3  }
0x3a: {  	_ = 	snop  }
0x3b: {  	_ = 	snop  }
0x3c: {  	p2 =	seq.s32 s10, $0x1;
	s10 =	sld [smem:$0x3FAB]  }
0x3d: {  	_ =	shalt  }
0x3e: {  	_ =	shalt  }
0x3f: {  	_ =	shalt  }
0x40: {  	_ =	shalt  }
0x41: {  	_ =	shalt  }
0x42: {  	_ =	shalt  }
0x43: {  	_ =	shalt  }
0x44: {  	_ =	shalt  }
0x45: {  	_ =	shalt  }
0x46: {  	_ =	shalt  }
0x47: {  	_ =	shalt  }
0x48: {  	_ =	shalt  }
0x49: {  	_ =	shalt  }
0x4a: {  	_ =	shalt  }
0x4b: {  	_ =	shalt  }
0x4c: {  	_ =	shalt  }
0x4d: {  	_ =	shalt  }
0x4e: {  	_ =	shalt  }
0x4f: {  	_ =	shalt  }
0x50: {  	_ =	shalt  }
0x51: {  	_ =	shalt  }
0x52: {  	_ =	shalt  }
0x53: {  	_ =	shalt  }
0x54: {  	_ =	shalt  }
0x55: {  	_ =	shalt  }
0x56: {  	_ =	shalt  }
0x57: {  	_ =	shalt  }
0x58: {  	_ =	shalt  }
0x59: {  	_ =	shalt  }
0x5a: {  	_ =	shalt  }
0x5b: {  	_ =	shalt  }
0x5c: {  	_ =	shalt  }
0x5d: {  	_ =	shalt  }
0x5e: {  	_ =	shalt  }
0x5f: {  	_ =	shalt  }
0x60: {  	_ =	shalt  }
0x61: {  	_ =	shalt  }
0x62: {  	_ =	shalt  }
0x63: {  	_ =	shalt  }
0x64: {  	_ =	shalt  }
0x65: {  	_ =	shalt  }
0x66: {  	_ =	shalt  }
0x67: {  	_ =	shalt  }
0x68: {  	_ =	shalt  }
0x69: {  	_ =	shalt  }
0x6a: {  	_ =	shalt  }
0x6b: {  	_ =	shalt  }
0x6c: {  	_ =	shalt  }
0x6d: {  	_ =	shalt  }
0x6e: {  	_ =	shalt  }
0x6f: {  	_ =	shalt  }
0x70: {  	_ =	shalt  }
0x71: {  	_ =	shalt  }
0x72: {  	_ =	shalt  }
0x73: {  	_ =	shalt  }
0x74: {  	_ =	shalt  }
0x75: {  	_ =	shalt  }
0x76: {  	_ =	shalt  }
0x77: {  	_ =	shalt  }
0x78: {  	_ =	shalt  }
0x79: {  	_ =	shalt  }
0x7a: {  	_ =	shalt  }
0x7b: {  	_ =	shalt  }
0x7c: {  	_ =	shalt  }
0x7d: {  	_ =	shalt  }
0x7e: {  	_ =	shalt  }
0x7f: {  	_ =	shalt  }
0x80: {  	_ =	shalt  }
0x81: {  	_ =	shalt  }
0x82: {  	_ =	shalt  }
0x83: {  	_ =	shalt  }
0x84: {  	_ =	shalt  }
0x85: {  	_ =	shalt  }
0x86: {  	_ =	shalt  }
0x87: {  	_ =	shalt  }
.Lfunc_end0:
.L_simem_size_0:
called_computation.1_lowered:
.L_overlay_start_0:
0x88: {  	s0 =	sld [smem:$0x3FD9]  }
0x89: {  	s1 =	sld [smem:$0x3FFE];
	_ =	sdelay $0x3  }
0x8a: {  	s0 =	sadd.s32 s1, s0  }
0x8b: {  	[smem:$0x3FB7] =	sst s0  }
0x8c: {  	_ = 	snop  }
0x8d: {  	(tm) =	ssettm $0x1  }
0x8e: {  	s15 =	sld [smem:$0x3FFB];
	_ =	sdelay $0x3  }
0x8f: {  	_ =	strace s15  }
0x90: {  	s0 =	sld [smem:$0x3FFC];
	_ =	sdelay $0x3  }
0x91: {  	_ =	strace s0  }
0x92: {  	s0 =	sld [smem:$0x3FFD];
	_ =	sdelay $0x3  }
0x93: {  	_ =	strace s0  }
0x94: {  	_ =	strace $0x8FFFFFFF  }
0x95: {  	s16 =	sld [smem:$0x3FDB];
	_ =	sdelay $0x1  }
0x96: {  	s17 =	simm.s32 $_scs_section_size  }
0x97: {  	s2 =	simm.s32 $_size__tile_overlayer_lowered;
	s3 =	simm.s32 $_tile_overlayer_lowered  }
0x98: {  	s20 =	simm.s32 $0x1BFF;
	s19 =	sshll.u32 s3, $0x1;
	s0 =	sadd.s32 s17, s16  }
0x99: {  	s4 =	simm.s32 $0x0;
	s18 =	sshll.u32 s2, $0x1;
	s2 =	sadd.s32 s19, s0  }
0x9a: {  	[timem:s4], [sflag:s20] =	dma.local [hbm:s2], s18  }
0x9b: {  	_ =	swait.ge [sflag:s20], s18  }
0x9c: {  	s1 =	ssub.s32 $0x0, s18;
	[sflag:s20] =	ssyncset.done $0x0  }
0x9d: {  	[sflag:s20] =	ssyncadd.s32 s1;
	_ =	sdelay $0x1  }
0x9e: {  	s21 =	simm.s32 $0x1B8B  }
0x9f: {  	_ =	swait.ge [sflag:s21], $0x1  }
0xa0: {  	[sflag:s21] =	ssyncset.done $0x0  }
0xa1: {  	s23 =	simm.s32 $0x1B8E;
	s22 =	sld [smem:$0x3FFE];
	[sflag:s21] =	ssyncadd.s32 $0xFFFFFFFF  }
0xa2: {  	s24 =	simm.s32 $execute0_lowered;
	[smem:$0x3FD2] =	sst s23  }
0xa3: {  	s2 =	sshll.u32 s24, $0x1;
	_ =	strace $0x80000049;
	[dreg:$0x1] =	wrdreg $0xFFFFFFFF  }
0xa4: {  	s25 =	simm.s32 $_size_execute0_lowered;
	s0 =	sadd.s32 s0, s2;
	[dreg:$0x0] =	wrdreg $0x0  }
0xa5: {  	s2 =	sshll.u32 s25, $0x1;
	[dreg:$0x2] =	wrdreg s0  }
0xa6: {  	[dreg:$0x3] =	wrdreg s2  }
0xa7: {  	[dreg:$0x4] =	wrdreg $0xC0  }
0xa8: {  	_ =	task [dreg:s4], $0x5FFFF  }
0xa9: {  	[dreg:$0x1] =	wrdreg $0xFFFFFFFF  }
0xaa: {  	[dreg:$0x0] =	wrdreg $0x60  }
0xab: {  	[dreg:$0x2] =	wrdreg s22  }
0xac: {  	[dreg:$0x3] =	wrdreg $0x79800  }
0xad: {  	[dreg:$0x4] =	wrdreg $0x9  }
0xae: {  	_ =	task.clear_ibuf [dreg:s4], $0x5FFFF;
	_ =	strace $0x90000049  }
0xaf: {  	s26 =	simm.s32 $0x9;
	_ =	strace $0x8000004B  }
0xb0: {  	_ =	swait.ge [sflag:s26], $0x1  }
0xb1: {  	[sflag:s26] =	ssyncadd.s32 $0xFFFFFFFF  }
0xb2: {  	_ =	strace $0x9000004B  }
0xb3: {  	_ =	sfence  }
0xb4: {  	s28 =	sld [smem:$0x0];
	_ =	sdelay $0x1  }
0xb5: {  	s29 =	srdreg.scid  }
0xb6: {  	s30 =	sshll.u32 s29, $0xD;
	s31 =	sshrl.u32 s29, $0x2  }
0xb7: {  	s1 =	sand.u32 $0x1, s29;
	s2 =	sand.u32 $0x4000, s30;
	s0 =	sadd.s32 s31, s28  }
0xb8: {  	s1 =	sor.u32 s2, s1;
	s0 =	sshll.u32 s0, $0x11  }
0xb9: {  	s0 =	sor.u32 s0, s1  }
0xba: {  	s0 =	sadd.s32 $0x8F2B, s0  }
0xbb: {  	[sflag:s0] =	ssyncadd.remote.s32 $0x1  }
0xbc: {  	_ =	sfence.sel $0xFFFF  }
0xbd: {  	[dreg:$0x0] =	wrdreg $0xFFFFFFFF;
	(pc) =	sbr.abs _section_cstart, $3  }
0xbe: {  	[dreg:$0x1] =	wrdreg $0xFFFFFFFF  }
0xbf: {  	_ =	task.clear_ibuf [dreg:s4], $0x2FFFF;
	_ =	strace $0x9FFFFFFF  }
0xc0: {  	(tm) =	ssettm $0x7FFFFFFF  }
0xc1: {  	_ =	shalt  }
tec
execute0_lowered:
.L_overlay_start_1:
0x0: {  	(tag) =	ssettag $0x1  }
0x1: {  	s20 =	rddreg [dreg:$0x0]  }
0x2: {  	s12 =	rddreg [dreg:$0x1];
	s17 =	simm.s32 $0x0;
	s3 =	stileid.u32  }
0x3: {  	s18 =	simm.s32 $0xD80;
	[smem:$0x7FF] =	sst s17;
	s0 =	sadd.s32 $0x1E1C00, s20  }
0x4: {  	s19 =	simm.s32 $0x5;
	s11 =	smul.u32 $0x2F400, s3;
	_ =	strace $0x8000004A  }
0x5: {  	[tilespmem:s18], [sflag:$0x5] =	stream.linear.gather [hbm4b:s0+s17], $0x3600, $0x38;
	[tilespmem:$0x1F380] =	vst v63  }
0x6: {  	s15 =	sshrl.u32 s11, $0x1;
	s9 =	sadd.s32 $0x6C00, s11;
	_ =	swait.ge [sflag:s19], $0x3600  }
0x7: {  	s7 =	sadd.s32 $0xD800, s11;
	s6 =	sadd.s32 $0x14400, s11;
	[sflag:s19] =	ssyncset.done $0x0  }
0x8: {  	s15 =	sadd.s32 s15, s12;
	s16 =	sshrl.u32 s9, $0x1;
	[sflag:s19] =	ssyncadd.s32 $0xFFFFCA00  }
0x9: {  	[spmem:s15] =	stream.linear.scatter [tilespmem:s18], [sflag:$0x3], $0x3600, $0x38;
	[tilespmem:$0x1F380] =	vst v63  }
0xa: {  	s1 =	sadd.s32 $0x1B000, s11;
	s21 =	sshrl.u32 s7, $0x1;
	s16 =	sadd.s32 s16, s12  }
0xb: {  	[spmem:s16] =	stream.linear.scatter [tilespmem:s18], [sflag:$0x3], $0x3600, $0x38;
	[tilespmem:$0x1F380] =	vst v63  }
0xc: {  	s24 =	sadd.s32 $0x21C00, s11;
	s22 =	sshrl.u32 s6, $0x1;
	s14 =	sadd.s32 s21, s12  }
0xd: {  	[spmem:s14] =	stream.linear.scatter [tilespmem:s18], [sflag:$0x3], $0x3600, $0x38;
	[tilespmem:$0x1F380] =	vst v63  }
0xe: {  	s26 =	sadd.s32 $0x28800, s11;
	s23 =	sshrl.u32 s1, $0x1;
	s13 =	sadd.s32 s22, s12  }
0xf: {  	[spmem:s13] =	stream.linear.scatter [tilespmem:s18], [sflag:$0x3], $0x3600, $0x38;
	[tilespmem:$0x1F380] =	vst v63  }
0x10: {  	[dreg:$0x5] =	wrdreg s1;
	s25 =	sshrl.u32 s24, $0x1;
	s10 =	sadd.s32 s23, s12  }
0x11: {  	[spmem:s10] =	stream.linear.scatter [tilespmem:s18], [sflag:$0x3], $0x3600, $0x38;
	[tilespmem:$0x1F380] =	vst v63  }
0x12: {  	[dreg:$0x4] =	wrdreg s24;
	s1 =	sshrl.u32 s26, $0x1;
	s8 =	sadd.s32 s25, s12  }
0x13: {  	[spmem:s8] =	stream.linear.scatter [tilespmem:s18], [sflag:$0x3], $0x3600, $0x38;
	[tilespmem:$0x1F380] =	vst v63  }
0x14: {  	[dreg:$0x3] =	wrdreg s26;
	s5 =	sadd.s32 s1, s12;
	s21 =	simm.s32 $0x3  }
0x15: {  	[spmem:s5] =	stream.linear.scatter [tilespmem:s18], [sflag:$0x3], $0x3600, $0x38;
	[tilespmem:$0x1F380] =	vst v63  }
0x16: {  	_ =	swait.ge [sflag:s21], $0x3600  }
0x17: {  	[sflag:s21] =	ssyncset.done $0x0  }
0x18: {  	[sflag:s21] =	ssyncadd.s32 $0xFFFFCA00  }
0x19: {  	_ =	swait.ge [sflag:s21], $0x3600  }
0x1a: {  	[sflag:s21] =	ssyncset.done $0x0  }
0x1b: {  	[sflag:s21] =	ssyncadd.s32 $0xFFFFCA00  }
0x1c: {  	_ =	swait.ge [sflag:s21], $0x3600  }
0x1d: {  	[sflag:s21] =	ssyncset.done $0x0  }
0x1e: {  	[sflag:s21] =	ssyncadd.s32 $0xFFFFCA00  }
0x1f: {  	_ =	swait.ge [sflag:s21], $0x3600  }
0x20: {  	[sflag:s21] =	ssyncset.done $0x0  }
0x21: {  	[sflag:s21] =	ssyncadd.s32 $0xFFFFCA00  }
0x22: {  	_ =	swait.ge [sflag:s21], $0x3600  }
0x23: {  	[sflag:s21] =	ssyncset.done $0x0  }
0x24: {  	[sflag:s21] =	ssyncadd.s32 $0xFFFFCA00  }
0x25: {  	_ =	swait.ge [sflag:s21], $0x3600  }
0x26: {  	[sflag:s21] =	ssyncset.done $0x0  }
0x27: {  	[sflag:s21] =	ssyncadd.s32 $0xFFFFCA00  }
0x28: {  	s2 =	smul.u32 $0x17A00, s3;
	_ =	swait.ge [sflag:s21], $0x3600  }
0x29: {  	[sflag:s21] =	ssyncset.done $0x0  }
0x2a: {  	s0 =	sshrl.u32 s2, $0x3;
	s1 =	sadd.s32 $0x34600, s20;
	[sflag:s21] =	ssyncadd.s32 $0xFFFFCA00  }
0x2b: {  	s2 =	sadd.s32 $0x5200, s20;
	s22 =	sadd.s32 s1, s0;
	[bflag:$0x0] =	sbarrier.arrive $0xFFFF  }
0x2c: {  	[tilespmem:s17], [sflag:$0x1] =	stream.linear.gather [hbm4b:s22+s17], $0x360, $0x38;
	[tilespmem:$0x1F380] =	vst v63  }
0x2d: {  	s23 =	sadd.s32 s2, s0;
	s0 =	sadd.s32 $0x6C, s0;
	s22 =	simm.s32 $0x6C0  }
0x2e: {  	[tilespmem:s22], [sflag:$0x1] =	stream.linear.gather [hbm4b:s23+s17], $0x360, $0x38;
	[tilespmem:$0x1F380] =	vst v63  }
0x2f: {  	s24 =	sadd.s32 s1, s0;
	s23 =	simm.s32 $0x360  }
0x30: {  	[tilespmem:s23], [sflag:$0x2] =	stream.linear.gather [hbm4b:s24+s17], $0x360, $0x38;
	[tilespmem:$0x1F380] =	vst v63  }
0x31: {  	s26 =	simm.s32 $0x1;
	s25 =	simm.s32 $0xA20;
	s0 =	sadd.s32 s2, s0  }
0x32: {  	[tilespmem:s25], [sflag:$0x2] =	stream.linear.gather [hbm4b:s0+s17], $0x360, $0x38;
	[tilespmem:$0x1F380] =	vst v63  }
0x33: {  	_ =	swait.ge [sflag:s26], $0x360  }
0x34: {  	[sflag:s26] =	ssyncset.done $0x0  }
0x35: {  	[sflag:s26] =	ssyncadd.s32 $0xFFFFFCA0  }
0x36: {  	_ =	swait.ge [sflag:s26], $0x360  }
0x37: {  	[sflag:s26] =	ssyncset.done $0x0  }
0x38: {  	s28 =	simm.s32 $0x2;
	s24 =	sadd.s32 $0x1E2800, s20;
	[sflag:s26] =	ssyncadd.s32 $0xFFFFFCA0  }
0x39: {  	[tilespmem:s18], [sflag:$0x3] =	stream.indirect.gather [hbm4b:s24+s23], $0x10, s17, s23, $0xb8;
	[tilespmem:$0x1F380] =	vst v63  }
0x3a: {  	_ =	swait.ge [sflag:s28], $0x360  }
0x3b: {  	[sflag:s28] =	ssyncset.done $0x0  }
0x3c: {  	[sflag:s28] =	ssyncadd.s32 $0xFFFFFCA0  }
0x3d: {  	_ =	swait.ge [sflag:s28], $0x360  }
0x3e: {  	[sflag:s28] =	ssyncset.done $0x0  }
0x3f: {  	s29 =	simm.s32 $0x4380;
	[sflag:s28] =	ssyncadd.s32 $0xFFFFFCA0  }
0x40: {  	[tilespmem:s29], [sflag:$0x4] =	stream.indirect.gather [hbm4b:s24+s23], $0x10, s23, s23, $0xb8;
	[tilespmem:$0x1F380] =	vst v63  }
0x41: {  	_ =	swait.ge [sflag:s21], $0x3600  }
0x42: {  	[sflag:s21] =	ssyncset.done $0x0  }
0x43: {  	s4 =	smul.u32 $0x2F40, s3;
	[sflag:s21] =	ssyncadd.s32 $0xFFFFCA00  }
0x44: {  	[spmem:s12] =	stream.indirect.scatter.add.bf16 [tilespmem:s18], [sflag:$0x5], $0x10, s22, s23, $0xb8;
	[tilespmem:$0x1F380] =	vst v63  }
0x45: {  	s30 =	sadd.s32 s4, s1;
	_ =	swait.ge [sflag:s19], $0x3600  }
0x46: {  	s31 =	sadd.s32 s4, s2;
	s1 =	sadd.s32 $0xFFFFD198, s30;
	[sflag:s19] =	ssyncset.done $0x0  }
0x47: {  	s2 =	sadd.s32 $0xFFFFD198, s31;
	s3 =	sadd.s32 $0x2F40, s1;
	[sflag:s19] =	ssyncadd.s32 $0xFFFFCA00  }
0x48: {  	[tilespmem:s17], [sflag:$0x1] =	stream.linear.gather [hbm4b:s3+s17], $0x360, $0x38;
	[tilespmem:$0x1F380] =	vst v63  }
0x49: {  	s4 =	sadd.s32 $0x2F40, s2  }
0x4a: {  	[tilespmem:s22], [sflag:$0x1] =	stream.linear.gather [hbm4b:s4+s17], $0x360, $0x38;
	[tilespmem:$0x1F380] =	vst v63  }
0x4b: {  	_ =	swait.ge [sflag:s26], $0x360  }
0x4c: {  	[sflag:s26] =	ssyncset.done $0x0  }
0x4d: {  	[sflag:s26] =	ssyncadd.s32 $0xFFFFFCA0  }
0x4e: {  	_ =	swait.ge [sflag:s26], $0x360  }
0x4f: {  	[sflag:s26] =	ssyncset.done $0x0  }
0x50: {  	s0 =	simm.s32 $0x4;
	[sflag:s26] =	ssyncadd.s32 $0xFFFFFCA0  }
0x51: {  	[tilespmem:s18], [sflag:$0x3] =	stream.indirect.gather [hbm4b:s24+s23], $0x10, s17, s23, $0xb8;
	[tilespmem:$0x1F380] =	vst v63  }
0x52: {  	_ =	swait.ge [sflag:s0], $0x3600  }
0x53: {  	[sflag:s0] =	ssyncset.done $0x0  }
0x54: {  	[sflag:s0] =	ssyncadd.s32 $0xFFFFCA00  }
0x55: {  	[spmem:s12] =	stream.indirect.scatter.add.bf16 [tilespmem:s29], [sflag:$0x5], $0x10, s25, s23, $0xb8;
	[tilespmem:$0x1F380] =	vst v63  }
0x56: {  	_ =	swait.ge [sflag:s19], $0x3600  }
0x57: {  	[sflag:s19] =	ssyncset.done $0x0  }
0x58: {  	s1 =	sadd.s32 $0x2FAC, s1;
	[sflag:s19] =	ssyncadd.s32 $0xFFFFCA00  }
0x59: {  	[tilespmem:s23], [sflag:$0x2] =	stream.linear.gather [hbm4b:s1+s17], $0x360, $0x38;
	[tilespmem:$0x1F380] =	vst v63  }
0x5a: {  	s2 =	sadd.s32 $0x2FAC, s2;
	s20 =	sadd.s32 $0x211C00, s20;
	s1 =	simm.s32 $0xFFFFD270  }
.LBB2_1:
0x5b: {  	[tilespmem:s25], [sflag:$0x2] =	stream.linear.gather [hbm4b:s2+s17], $0x360, $0x38;
	[tilespmem:$0x1F380] =	vst v63  }
0x5c: {  	s2 =	smov.u32 s1  }
0x5d: {  	p0 =	sne.s32 s1, $0xFFFFFF28;
	s1 =	sadd.s32 $0xD8, s1;
	_ =	swait.ge [sflag:s28], $0x360  }
0x5e: {  	[sflag:s28] =	ssyncset.done $0x0  }
0x5f: {  	[sflag:s28] =	ssyncadd.s32 $0xFFFFFCA0  }
0x60: {  	_ =	swait.ge [sflag:s28], $0x360  }
0x61: {  	[sflag:s28] =	ssyncset.done $0x0  }
0x62: {  	[sflag:s28] =	ssyncadd.s32 $0xFFFFFCA0  }
0x63: {  	[tilespmem:s29], [sflag:$0x4] =	stream.indirect.gather [hbm4b:s24+s23], $0x10, s23, s23, $0xb8;
	[tilespmem:$0x1F380] =	vst v63  }
0x64: {  	_ =	swait.ge [sflag:s21], $0x3600  }
0x65: {  	[sflag:s21] =	ssyncset.done $0x0  }
0x66: {  	[sflag:s21] =	ssyncadd.s32 $0xFFFFCA00  }
0x67: {  	[spmem:s12] =	stream.indirect.scatter.add.bf16 [tilespmem:s18], [sflag:$0x5], $0x10, s22, s23, $0xb8;
	[tilespmem:$0x1F380] =	vst v63  }
0x68: {  	_ =	swait.ge [sflag:s19], $0x3600  }
0x69: {  	s3 =	sadd.s32 s2, s30;
	[sflag:s19] =	ssyncset.done $0x0  }
0x6a: {  	s2 =	sadd.s32 s2, s31;
	s4 =	sadd.s32 $0x2F40, s3;
	[sflag:s19] =	ssyncadd.s32 $0xFFFFCA00  }
0x6b: {  	[tilespmem:s17], [sflag:$0x1] =	stream.linear.gather [hbm4b:s4+s17], $0x360, $0x38;
	[tilespmem:$0x1F380] =	vst v63  }
0x6c: {  	s4 =	sadd.s32 $0x2F40, s2  }
0x6d: {  	[tilespmem:s22], [sflag:$0x1] =	stream.linear.gather [hbm4b:s4+s17], $0x360, $0x38;
	[tilespmem:$0x1F380] =	vst v63  }
0x6e: {  	_ =	swait.ge [sflag:s26], $0x360  }
0x6f: {  	[sflag:s26] =	ssyncset.done $0x0  }
0x70: {  	[sflag:s26] =	ssyncadd.s32 $0xFFFFFCA0  }
0x71: {  	_ =	swait.ge [sflag:s26], $0x360  }
0x72: {  	[sflag:s26] =	ssyncset.done $0x0  }
0x73: {  	[sflag:s26] =	ssyncadd.s32 $0xFFFFFCA0  }
0x74: {  	[tilespmem:s18], [sflag:$0x3] =	stream.indirect.gather [hbm4b:s24+s23], $0x10, s17, s23, $0xb8;
	[tilespmem:$0x1F380] =	vst v63  }
0x75: {  	_ =	swait.ge [sflag:s0], $0x3600  }
0x76: {  	[sflag:s0] =	ssyncset.done $0x0  }
0x77: {  	[sflag:s0] =	ssyncadd.s32 $0xFFFFCA00  }
0x78: {  	[spmem:s12] =	stream.indirect.scatter.add.bf16 [tilespmem:s29], [sflag:$0x5], $0x10, s25, s23, $0xb8;
	[tilespmem:$0x1F380] =	vst v63  }
.Ltmp0:
0x79: {  	_ =	swait.ge [sflag:s19], $0x3600;
	(pc) =	sbr.rel @p0 .LBB2_1-.Ltmp0, $4  }
0x7a: {  	[sflag:s19] =	ssyncset.done $0x0  }
0x7b: {  	s3 =	sadd.s32 $0x2FAC, s3;
	[sflag:s19] =	ssyncadd.s32 $0xFFFFCA00  }
0x7c: {  	[tilespmem:s23], [sflag:$0x2] =	stream.linear.gather [hbm4b:s3+s17], $0x360, $0x38;
	[tilespmem:$0x1F380] =	vst v63  }
0x7d: {  	s2 =	sadd.s32 $0x2FAC, s2  }
0x7e: {  	[tilespmem:s25], [sflag:$0x2] =	stream.linear.gather [hbm4b:s2+s17], $0x360, $0x38;
	[tilespmem:$0x1F380] =	vst v63  }
0x7f: {  	s17 =	simm.s32 $0x2  }
0x80: {  	_ =	swait.ge [sflag:s17], $0x360  }
0x81: {  	[sflag:s17] =	ssyncset.done $0x0  }
0x82: {  	[sflag:s17] =	ssyncadd.s32 $0xFFFFFCA0  }
0x83: {  	_ =	swait.ge [sflag:s17], $0x360  }
0x84: {  	s30 =	simm.s32 $0x360;
	[sflag:s17] =	ssyncset.done $0x0  }
0x85: {  	s19 =	simm.s32 $0x4380;
	s0 =	simm.s32 $0x3;
	[sflag:s17] =	ssyncadd.s32 $0xFFFFFCA0  }
0x86: {  	[tilespmem:s19], [sflag:$0x4] =	stream.indirect.gather [hbm4b:s24+s30], $0x10, s30, s30, $0xb8;
	[tilespmem:$0x1F380] =	vst v63  }
0x87: {  	_ =	swait.ge [sflag:s0], $0x3600  }
0x88: {  	s1 =	simm.s32 $0x6C0;
	[sflag:s0] =	ssyncset.done $0x0  }
0x89: {  	s18 =	simm.s32 $0xD80;
	s3 =	simm.s32 $0x5;
	[sflag:s0] =	ssyncadd.s32 $0xFFFFCA00  }
0x8a: {  	[spmem:s12] =	stream.indirect.scatter.add.bf16 [tilespmem:s18], [sflag:$0x5], $0x10, s1, s30, $0xb8;
	[tilespmem:$0x1F380] =	vst v63  }
0x8b: {  	_ =	swait.ge [sflag:s3], $0x3600  }
0x8c: {  	[sflag:s3] =	ssyncset.done $0x0  }
0x8d: {  	s31 =	simm.s32 $0x4;
	[sflag:s3] =	ssyncadd.s32 $0xFFFFCA00  }
0x8e: {  	_ =	swait.ge [sflag:s31], $0x3600  }
0x8f: {  	[sflag:s31] =	ssyncset.done $0x0  }
0x90: {  	s4 =	simm.s32 $0xA20;
	[sflag:s31] =	ssyncadd.s32 $0xFFFFCA00  }
0x91: {  	[spmem:s12] =	stream.indirect.scatter.add.bf16 [tilespmem:s19], [sflag:$0x5], $0x10, s4, s30, $0xb8;
	[tilespmem:$0x1F380] =	vst v63  }
0x92: {  	_ =	swait.ge [sflag:s3], $0x3600  }
0x93: {  	[sflag:s3] =	ssyncset.done $0x0  }
0x94: {  	[sflag:s3] =	ssyncadd.s32 $0xFFFFCA00  }
0x95: {  	[bflag:$0x0] =	sbarrier.arrive $0xFFFF  }
0x96: {  	[tilespmem:s18], [sflag:$0x3] =	stream.linear.gather [spmem:s15], $0x3600, $0x38;
	[tilespmem:$0x1F380] =	vst v63  }
0x97: {  	_ = 	snop  }
0x98: {  	[tilespmem:s19], [sflag:$0x4] =	stream.linear.gather [spmem:s16], $0x3600, $0x38;
	[tilespmem:$0x1F380] =	vst v63  }
0x99: {  	_ =	swait.ge [sflag:s0], $0x3600  }
0x9a: {  	s21 =	sshrl.u32 s11, $0x4;
	s22 =	simm.s32 $0x0;
	[sflag:s0] =	ssyncset.done $0x0  }
0x9b: {  	s23 =	simm.s32 $0x1;
	s2 =	sadd.s32 s20, s21;
	[sflag:s0] =	ssyncadd.s32 $0xFFFFCA00  }
0x9c: {  	[hbm4b:s2+s22] =	stream.linear.scatter [tilespmem:s18], [sflag:$0x1], $0x3600, $0x38;
	[tilespmem:$0x1F380] =	vst v63  }
0x9d: {  	_ =	swait.ge [sflag:s23], $0x3600  }
0x9e: {  	[sflag:s23] =	ssyncset.done $0x0  }
0x9f: {  	[sflag:s23] =	ssyncadd.s32 $0xFFFFCA00  }
0xa0: {  	[tilespmem:s18], [sflag:$0x3] =	stream.linear.gather [spmem:s14], $0x3600, $0x38;
	[tilespmem:$0x1F380] =	vst v63  }
0xa1: {  	_ =	swait.ge [sflag:s31], $0x3600  }
0xa2: {  	s24 =	sshrl.u32 s9, $0x4;
	[sflag:s31] =	ssyncset.done $0x0  }
0xa3: {  	s4 =	sadd.s32 s20, s24;
	[sflag:s31] =	ssyncadd.s32 $0xFFFFCA00  }
0xa4: {  	[hbm4b:s4+s22] =	stream.linear.scatter [tilespmem:s19], [sflag:$0x2], $0x3600, $0x38;
	[tilespmem:$0x1F380] =	vst v63  }
0xa5: {  	_ =	swait.ge [sflag:s17], $0x3600  }
0xa6: {  	[sflag:s17] =	ssyncset.done $0x0  }
0xa7: {  	[sflag:s17] =	ssyncadd.s32 $0xFFFFCA00  }
0xa8: {  	[tilespmem:s19], [sflag:$0x4] =	stream.linear.gather [spmem:s13], $0x3600, $0x38;
	[tilespmem:$0x1F380] =	vst v63  }
0xa9: {  	_ =	swait.ge [sflag:s0], $0x3600  }
0xaa: {  	s25 =	sshrl.u32 s7, $0x4;
	[sflag:s0] =	ssyncset.done $0x0  }
0xab: {  	s4 =	sadd.s32 s20, s25;
	[sflag:s0] =	ssyncadd.s32 $0xFFFFCA00  }
0xac: {  	[hbm4b:s4+s22] =	stream.linear.scatter [tilespmem:s18], [sflag:$0x1], $0x3600, $0x38;
	[tilespmem:$0x1F380] =	vst v63  }
0xad: {  	_ =	swait.ge [sflag:s23], $0x3600  }
0xae: {  	[sflag:s23] =	ssyncset.done $0x0  }
0xaf: {  	[sflag:s23] =	ssyncadd.s32 $0xFFFFCA00  }
0xb0: {  	[tilespmem:s18], [sflag:$0x3] =	stream.linear.gather [spmem:s10], $0x3600, $0x38;
	[tilespmem:$0x1F380] =	vst v63  }
0xb1: {  	_ =	swait.ge [sflag:s31], $0x3600  }
0xb2: {  	s26 =	sshrl.u32 s6, $0x4;
	[sflag:s31] =	ssyncset.done $0x0  }
0xb3: {  	s4 =	sadd.s32 s20, s26;
	[sflag:s31] =	ssyncadd.s32 $0xFFFFCA00  }
0xb4: {  	[hbm4b:s4+s22] =	stream.linear.scatter [tilespmem:s19], [sflag:$0x2], $0x3600, $0x38;
	[tilespmem:$0x1F380] =	vst v63  }
0xb5: {  	_ =	swait.ge [sflag:s17], $0x3600  }
0xb6: {  	[sflag:s17] =	ssyncset.done $0x0  }
0xb7: {  	[sflag:s17] =	ssyncadd.s32 $0xFFFFCA00  }
0xb8: {  	[tilespmem:s19], [sflag:$0x4] =	stream.linear.gather [spmem:s8], $0x3600, $0x38;
	[tilespmem:$0x1F380] =	vst v63  }
0xb9: {  	_ =	swait.ge [sflag:s0], $0x3600  }
0xba: {  	s28 =	rddreg [dreg:$0x5]  }
0xbb: {  	[sflag:s0] =	ssyncset.done $0x0;
	s4 =	sshrl.u32 s28, $0x4  }
0xbc: {  	[sflag:s0] =	ssyncadd.s32 $0xFFFFCA00;
	s4 =	sadd.s32 s20, s4  }
0xbd: {  	[hbm4b:s4+s22] =	stream.linear.scatter [tilespmem:s18], [sflag:$0x1], $0x3600, $0x38;
	[tilespmem:$0x1F380] =	vst v63  }
0xbe: {  	_ =	swait.ge [sflag:s23], $0x3600  }
0xbf: {  	[sflag:s23] =	ssyncset.done $0x0  }
0xc0: {  	[sflag:s23] =	ssyncadd.s32 $0xFFFFCA00  }
0xc1: {  	[tilespmem:s18], [sflag:$0x3] =	stream.linear.gather [spmem:s5], $0x3600, $0x38;
	[tilespmem:$0x1F380] =	vst v63  }
0xc2: {  	_ =	swait.ge [sflag:s31], $0x3600  }
0xc3: {  	s29 =	rddreg [dreg:$0x4]  }
0xc4: {  	[sflag:s31] =	ssyncset.done $0x0;
	s4 =	sshrl.u32 s29, $0x4  }
0xc5: {  	[sflag:s31] =	ssyncadd.s32 $0xFFFFCA00;
	s4 =	sadd.s32 s20, s4  }
0xc6: {  	[hbm4b:s4+s22] =	stream.linear.scatter [tilespmem:s19], [sflag:$0x2], $0x3600, $0x38;
	[tilespmem:$0x1F380] =	vst v63  }
0xc7: {  	_ =	swait.ge [sflag:s17], $0x3600  }
0xc8: {  	[sflag:s17] =	ssyncset.done $0x0  }
0xc9: {  	[sflag:s17] =	ssyncadd.s32 $0xFFFFCA00  }
0xca: {  	_ =	swait.ge [sflag:s0], $0x3600  }
0xcb: {  	s30 =	rddreg [dreg:$0x3]  }
0xcc: {  	[sflag:s0] =	ssyncset.done $0x0;
	s1 =	sshrl.u32 s30, $0x4  }
0xcd: {  	[sflag:s0] =	ssyncadd.s32 $0xFFFFCA00;
	s1 =	sadd.s32 s20, s1  }
0xce: {  	[hbm4b:s1+s22] =	stream.linear.scatter [tilespmem:s18], [sflag:$0x1], $0x3600, $0x38;
	[tilespmem:$0x1F380] =	vst v63  }
0xcf: {  	_ =	swait.ge [sflag:s23], $0x3600  }
0xd0: {  	[sflag:s23] =	ssyncset.done $0x0  }
0xd1: {  	[sflag:s23] =	ssyncadd.s32 $0xFFFFCA00  }
0xd2: {  	_ =	sfence.sel $0x180000  }
0xd3: {  	[bflag:$0x0] =	sbarrier.arrive $0xFFFF  }
0xd4: {  	_ =	strace $0x9000004A  }
0xd5: {  	s31 =	stileid.u32;
	[bflag:$0x2] =	sbarrier.arrive $0xFFFF  }
0xd6: {  	p0 =	sne.s32 s31, $0x0;
	s0 =	rddreg [dreg:$0x2]  }
0xd7: {  	s0 =	sadd.s32 @!p0 $0x100000, s0  }
0xd8: {  	[sflag:s0] =	ssyncadd.tile.s32 @!p0 $0x1;
	_ =	shalt  }
.Lfunc_end2:
_tile_overlayer_lowered:
.L_overlay_start_2:
0xd9: {  	(tag) =	ssettag $0x2  }
0xda: {  	s0 =	rddreg [dreg:$0x0];
	s2 =	stileid.u32  }
0xdb: {  	s1 =	rddreg [dreg:$0x1];
	p0 =	sne.s32 s2, $0x0  }
0xdc: {  	s3 =	rddreg [dreg:$0x2];
	[bflag:$0x3] =	sbarrier.arrive $0xFFFF;
	s2 =	simm.s32 @!p0 $0x1C05  }
0xdd: {  	[timem:s3], [sflag:s2] =	dma.local @!p0 [hbm:s0], s1  }
0xde: {  	s0 =	simm.s32 @!p0 $0x5  }
0xdf: {  	_ =	swait.ge @!p0 [sflag:s0], s1  }
0xe0: {  	s1 =	ssub.s32 @!p0 $0x0, s1;
	[sflag:s0] =	ssyncset.done @!p0 $0x0  }
0xe1: {  	[sflag:s0] =	ssyncadd.s32 @!p0 s1  }
0xe2: {  	[bflag:$0x3] =	sbarrier.arrive $0xFFFF  }
0xe3: {  	_ =	shalt  }

// kernel: kernel.21.cloned.1.call-start
scs
__scs_entry_jumppad:
0x0: {  	(pc) =	sbr.rel $0x88, $3  }
0x1: {  	(tag) =	ssettag $0x0;
	lr =	simm.s32 $0x1  }
0x2: {  	[smem:$0x3F90] =	sst lr;
	_ =	strace $0xD0000000  }
0x3: {  	_ = 	snop  }
0x4: {  	_ = 	snop  }
0x5: {  	_ = 	snop  }
0x6: {  	_ = 	snop  }
0x7: {  	_ = 	snop  }
__scs_overlays_trampoline_lowered:
0x8: {  	[smem:$0x3F9F] =	sst s0  }
0x9: {  	[smem:$0x3FA0] =	sst s1  }
0xa: {  	[smem:$0x3FA1] =	sst s2  }
0xb: {  	[smem:$0x3FA2] =	sst s3  }
0xc: {  	[smem:$0x3FA3] =	sst s4  }
0xd: {  	[smem:$0x3FA4] =	sst s5  }
0xe: {  	[smem:$0x3FA5] =	sst s6  }
0xf: {  	[smem:$0x3FA6] =	sst s7  }
0x10: {  	[smem:$0x3FA7] =	sst s8  }
0x11: {  	[smem:$0x3FA8] =	sst s9;
	s0 =	simm.s32 @!p0 $0x0  }
0x12: {  	s1 =	sld [smem:$0x3F8E];
	s0 =	simm.s32 @p0 $0x1  }
0x13: {  	[smem:$0x3FA9] =	sst s0;
	s0 =	simm.s32 @!p1 $0x0  }
0x14: {  	s2 =	sld [smem:$0x3F8D];
	s0 =	simm.s32 @p1 $0x1  }
0x15: {  	[smem:$0x3FAA] =	sst s0;
	s0 =	simm.s32 @!p2 $0x0  }
0x16: {  	s3 =	sld [smem:$0x3FDB];
	s0 =	simm.s32 @p2 $0x1  }
0x17: {  	s4 =	simm.s32 $0x1BF5;
	[smem:$0x3FAC] =	sst s0  }
0x18: {  	s0 =	sld [smem:$0x3F8F];
	_ =	swait.ge [sflag:s4], $0x0  }
0x19: {  	s7 =	sld [smem:$0x3F90]  }
0x1a: {  	s8 =	sadd.s32 $0xFFFFE003, lr  }
0x1b: {  	s9 =	sadd.s32 $0xFFFFFEF7, lr;
	s5 =	simm.s32 $0xFFFFFFFF;
	p2 =	slt.u32 s8, $0xFFFFF086  }
0x1c: {  	p1 =	slt.u32 s9, $0xF7A;
	s5 =	simm.s32 @!p2 $0x0  }
0x1d: {  	s5 =	simm.s32 @p1 $0x1;
	p0 =	seq.s32 s7, s2  }
0x1e: {  	s7 =	smul.u32 @!p0 $0xF7A, s2;
	p2 =	seq.s32 @!p0 s5, $0x0  }
0x1f: {  	s9 =	smul.u32 $0xF7A, s1;
	s8 =	simm.s32 @!p0 $0x1BF5;
	p2 =	por !p2, p0  }
0x20: {  	[sflag:s8] =	ssyncset.s32 @!p0 $0xFFFFF086;
	s6 =	sadd.s32 @!p0 s3, s7;
	s7 =	simm.s32 @!p0 $0x108  }
0x21: {  	s3 =	sadd.s32 s3, s9;
	s6 =	sadd.s32 @!p0 $0x88, s6;
	s7 =	simm.s32 @p2 $0x1082  }
0x22: {  	[simem:s7], [sflag:s8] =	dma.local @!p0 [hbm:s6], $0xF7A  }
0x23: {  	s9 =	sor.u32 $0xD0000000, s2;
	s6 =	simm.s32 $0x108;
	_ =	swait.ge @!p0 [sflag:s8], $0x0  }
0x24: {  	s3 =	sadd.s32 $0x88, s3;
	s6 =	simm.s32 @!p1 $0x1082;
	[sflag:s4] =	ssyncset.s32 $0xFFFFF086  }
0x25: {  	[simem:s6], [sflag:s4] =	dma.local [hbm:s3], $0xF7A  }
0x26: {  	[smem:$0x3F90] =	sst s1;
	(tag) =	ssettag s2;
	_ =	strace s9  }
0x27: {  	s1 =	sld [smem:$0x3FA0]  }
0x28: {  	s2 =	sld [smem:$0x3FA1]  }
0x29: {  	s4 =	sld [smem:$0x3FA3]  }
0x2a: {  	p0 =	seq.s32 s5, $0x0;
	s5 =	sld [smem:$0x3FA4]  }
0x2b: {  	s6 =	sld [smem:$0x3FA5]  }
0x2c: {  	s7 =	sld [smem:$0x3FA6]  }
0x2d: {  	s3 =	simm.s32 $0x108;
	s8 =	sld [smem:$0x3FA7]  }
0x2e: {  	s3 =	simm.s32 @!p0 $0x1082;
	s9 =	sld [smem:$0x3FA8]  }
0x2f: {  	lr =	sadd.s32 s0, s3;
	s0 =	sld [smem:$0x3F9F]  }
0x30: {  	s3 =	sld [smem:$0x3FA2]  }
0x31: {  	[smem:$0x3FAB] =	sst s10  }
0x32: {  	s10 =	sld [smem:$0x3FA9];
	_ =	sdelay $0x3  }
0x33: {  	p0 =	seq.s32 s10, $0x1;
	s10 =	sld [smem:$0x3FAB];
	_ =	sdelay $0x3  }
0x34: {  	[smem:$0x3FAB] =	sst s10  }
0x35: {  	s10 =	sld [smem:$0x3FAA];
	_ =	sdelay $0x3  }
0x36: {  	p1 =	seq.s32 s10, $0x1;
	s10 =	sld [smem:$0x3FAB];
	_ =	sdelay $0x3  }
0x37: {  	[smem:$0x3FAB] =	sst s10  }
0x38: {  	s10 =	sld [smem:$0x3FAC]  }
0x39: {  	_ = 	snop;
	(pc) =	sbr.ind lr, $3  }
0x3a: {  	_ = 	snop  }
0x3b: {  	_ = 	snop  }
0x3c: {  	p2 =	seq.s32 s10, $0x1;
	s10 =	sld [smem:$0x3FAB]  }
0x3d: {  	_ =	shalt  }
0x3e: {  	_ =	shalt  }
0x3f: {  	_ =	shalt  }
0x40: {  	_ =	shalt  }
0x41: {  	_ =	shalt  }
0x42: {  	_ =	shalt  }
0x43: {  	_ =	shalt  }
0x44: {  	_ =	shalt  }
0x45: {  	_ =	shalt  }
0x46: {  	_ =	shalt  }
0x47: {  	_ =	shalt  }
0x48: {  	_ =	shalt  }
0x49: {  	_ =	shalt  }
0x4a: {  	_ =	shalt  }
0x4b: {  	_ =	shalt  }
0x4c: {  	_ =	shalt  }
0x4d: {  	_ =	shalt  }
0x4e: {  	_ =	shalt  }
0x4f: {  	_ =	shalt  }
0x50: {  	_ =	shalt  }
0x51: {  	_ =	shalt  }
0x52: {  	_ =	shalt  }
0x53: {  	_ =	shalt  }
0x54: {  	_ =	shalt  }
0x55: {  	_ =	shalt  }
0x56: {  	_ =	shalt  }
0x57: {  	_ =	shalt  }
0x58: {  	_ =	shalt  }
0x59: {  	_ =	shalt  }
0x5a: {  	_ =	shalt  }
0x5b: {  	_ =	shalt  }
0x5c: {  	_ =	shalt  }
0x5d: {  	_ =	shalt  }
0x5e: {  	_ =	shalt  }
0x5f: {  	_ =	shalt  }
0x60: {  	_ =	shalt  }
0x61: {  	_ =	shalt  }
0x62: {  	_ =	shalt  }
0x63: {  	_ =	shalt  }
0x64: {  	_ =	shalt  }
0x65: {  	_ =	shalt  }
0x66: {  	_ =	shalt  }
0x67: {  	_ =	shalt  }
0x68: {  	_ =	shalt  }
0x69: {  	_ =	shalt  }
0x6a: {  	_ =	shalt  }
0x6b: {  	_ =	shalt  }
0x6c: {  	_ =	shalt  }
0x6d: {  	_ =	shalt  }
0x6e: {  	_ =	shalt  }
0x6f: {  	_ =	shalt  }
0x70: {  	_ =	shalt  }
0x71: {  	_ =	shalt  }
0x72: {  	_ =	shalt  }
0x73: {  	_ =	shalt  }
0x74: {  	_ =	shalt  }
0x75: {  	_ =	shalt  }
0x76: {  	_ =	shalt  }
0x77: {  	_ =	shalt  }
0x78: {  	_ =	shalt  }
0x79: {  	_ =	shalt  }
0x7a: {  	_ =	shalt  }
0x7b: {  	_ =	shalt  }
0x7c: {  	_ =	shalt  }
0x7d: {  	_ =	shalt  }
0x7e: {  	_ =	shalt  }
0x7f: {  	_ =	shalt  }
0x80: {  	_ =	shalt  }
0x81: {  	_ =	shalt  }
0x82: {  	_ =	shalt  }
0x83: {  	_ =	shalt  }
0x84: {  	_ =	shalt  }
0x85: {  	_ =	shalt  }
0x86: {  	_ =	shalt  }
0x87: {  	_ =	shalt  }
.Lfunc_end0:
.L_simem_size_0:
called_computation.2_lowered:
.L_overlay_start_0:
0x88: {  	s0 =	sld [smem:$0x3FD9]  }
0x89: {  	s1 =	sld [smem:$0x3FFE];
	_ =	sdelay $0x3  }
0x8a: {  	s0 =	sadd.s32 s1, s0  }
0x8b: {  	[smem:$0x3FB7] =	sst s0  }
0x8c: {  	_ = 	snop  }
0x8d: {  	(tm) =	ssettm $0x1  }
0x8e: {  	s15 =	sld [smem:$0x3FFB];
	_ =	sdelay $0x3  }
0x8f: {  	_ =	strace s15  }
0x90: {  	s0 =	sld [smem:$0x3FFC];
	_ =	sdelay $0x3  }
0x91: {  	_ =	strace s0  }
0x92: {  	s0 =	sld [smem:$0x3FFD];
	_ =	sdelay $0x3  }
0x93: {  	_ =	strace s0  }
0x94: {  	_ =	strace $0x8FFFFFFF  }
0x95: {  	s16 =	sld [smem:$0x3FDB];
	_ =	sdelay $0x1  }
0x96: {  	s17 =	simm.s32 $_scs_section_size  }
0x97: {  	s2 =	simm.s32 $_size__tile_overlayer_lowered;
	s3 =	simm.s32 $_tile_overlayer_lowered  }
0x98: {  	s20 =	simm.s32 $0x1BFF;
	s19 =	sshll.u32 s3, $0x1;
	s0 =	sadd.s32 s17, s16  }
0x99: {  	s4 =	simm.s32 $0x0;
	s18 =	sshll.u32 s2, $0x1;
	s2 =	sadd.s32 s19, s0  }
0x9a: {  	[timem:s4], [sflag:s20] =	dma.local [hbm:s2], s18  }
0x9b: {  	_ =	swait.ge [sflag:s20], s18  }
0x9c: {  	s1 =	ssub.s32 $0x0, s18;
	[sflag:s20] =	ssyncset.done $0x0  }
0x9d: {  	[sflag:s20] =	ssyncadd.s32 s1;
	_ =	sdelay $0x1  }
0x9e: {  	s21 =	simm.s32 $0x1B8B  }
0x9f: {  	_ =	swait.ge [sflag:s21], $0x1  }
0xa0: {  	[sflag:s21] =	ssyncset.done $0x0  }
0xa1: {  	s23 =	simm.s32 $0x1B8E;
	s22 =	sld [smem:$0x3FFE];
	[sflag:s21] =	ssyncadd.s32 $0xFFFFFFFF  }
0xa2: {  	s24 =	simm.s32 $execute0_lowered;
	[smem:$0x3FD2] =	sst s23  }
0xa3: {  	s2 =	sshll.u32 s24, $0x1;
	_ =	strace $0x8000004C;
	[dreg:$0x1] =	wrdreg $0xFFFFFFFF  }
0xa4: {  	s25 =	simm.s32 $_size_execute0_lowered;
	s0 =	sadd.s32 s0, s2;
	[dreg:$0x0] =	wrdreg $0x0  }
0xa5: {  	s2 =	sshll.u32 s25, $0x1;
	[dreg:$0x2] =	wrdreg s0  }
0xa6: {  	[dreg:$0x3] =	wrdreg s2  }
0xa7: {  	[dreg:$0x4] =	wrdreg $0xC0  }
0xa8: {  	_ =	task [dreg:s4], $0x5FFFF  }
0xa9: {  	[dreg:$0x1] =	wrdreg $0xFFFFFFFF  }
0xaa: {  	[dreg:$0x0] =	wrdreg $0x60  }
0xab: {  	[dreg:$0x2] =	wrdreg s22  }
0xac: {  	[dreg:$0x3] =	wrdreg $0x79800  }
0xad: {  	[dreg:$0x4] =	wrdreg $0x9  }
0xae: {  	_ =	task.clear_ibuf [dreg:s4], $0x5FFFF;
	_ =	strace $0x9000004C  }
0xaf: {  	s26 =	simm.s32 $0x9;
	_ =	strace $0x8000004E  }
0xb0: {  	_ =	swait.ge [sflag:s26], $0x1  }
0xb1: {  	[sflag:s26] =	ssyncadd.s32 $0xFFFFFFFF  }
0xb2: {  	_ =	strace $0x9000004E  }
0xb3: {  	_ =	sfence  }
0xb4: {  	s28 =	sld [smem:$0x0];
	_ =	sdelay $0x1  }
0xb5: {  	s29 =	srdreg.scid  }
0xb6: {  	s30 =	sshll.u32 s29, $0xD;
	s31 =	sshrl.u32 s29, $0x2  }
0xb7: {  	s1 =	sand.u32 $0x1, s29;
	s2 =	sand.u32 $0x4000, s30;
	s0 =	sadd.s32 s31, s28  }
0xb8: {  	s1 =	sor.u32 s2, s1;
	s0 =	sshll.u32 s0, $0x11  }
0xb9: {  	s0 =	sor.u32 s0, s1  }
0xba: {  	s0 =	sadd.s32 $0x8F2B, s0  }
0xbb: {  	[sflag:s0] =	ssyncadd.remote.s32 $0x1  }
0xbc: {  	_ =	sfence.sel $0xFFFF  }
0xbd: {  	[dreg:$0x0] =	wrdreg $0xFFFFFFFF;
	(pc) =	sbr.abs _section_cstart, $3  }
0xbe: {  	[dreg:$0x1] =	wrdreg $0xFFFFFFFF  }
0xbf: {  	_ =	task.clear_ibuf [dreg:s4], $0x2FFFF;
	_ =	strace $0x9FFFFFFF  }
0xc0: {  	(tm) =	ssettm $0x7FFFFFFF  }
0xc1: {  	_ =	shalt  }
tec
execute0_lowered:
.L_overlay_start_1:
0x0: {  	(tag) =	ssettag $0x1  }
0x1: {  	s20 =	rddreg [dreg:$0x0]  }
0x2: {  	s12 =	rddreg [dreg:$0x1];
	s17 =	simm.s32 $0x0;
	s3 =	stileid.u32  }
0x3: {  	s18 =	simm.s32 $0xD80;
	[smem:$0x7FF] =	sst s17;
	s0 =	sadd.s32 $0x1E1C00, s20  }
0x4: {  	s19 =	simm.s32 $0x5;
	s11 =	smul.u32 $0x2F400, s3;
	_ =	strace $0x8000004D  }
0x5: {  	[tilespmem:s18], [sflag:$0x5] =	stream.linear.gather [hbm4b:s0+s17], $0x3600, $0x38;
	[tilespmem:$0x1F380] =	vst v63  }
0x6: {  	s15 =	sshrl.u32 s11, $0x1;
	s9 =	sadd.s32 $0x6C00, s11;
	_ =	swait.ge [sflag:s19], $0x3600  }
0x7: {  	s7 =	sadd.s32 $0xD800, s11;
	s6 =	sadd.s32 $0x14400, s11;
	[sflag:s19] =	ssyncset.done $0x0  }
0x8: {  	s15 =	sadd.s32 s15, s12;
	s16 =	sshrl.u32 s9, $0x1;
	[sflag:s19] =	ssyncadd.s32 $0xFFFFCA00  }
0x9: {  	[spmem:s15] =	stream.linear.scatter [tilespmem:s18], [sflag:$0x3], $0x3600, $0x38;
	[tilespmem:$0x1F380] =	vst v63  }
0xa: {  	s1 =	sadd.s32 $0x1B000, s11;
	s21 =	sshrl.u32 s7, $0x1;
	s16 =	sadd.s32 s16, s12  }
0xb: {  	[spmem:s16] =	stream.linear.scatter [tilespmem:s18], [sflag:$0x3], $0x3600, $0x38;
	[tilespmem:$0x1F380] =	vst v63  }
0xc: {  	s24 =	sadd.s32 $0x21C00, s11;
	s22 =	sshrl.u32 s6, $0x1;
	s14 =	sadd.s32 s21, s12  }
0xd: {  	[spmem:s14] =	stream.linear.scatter [tilespmem:s18], [sflag:$0x3], $0x3600, $0x38;
	[tilespmem:$0x1F380] =	vst v63  }
0xe: {  	s26 =	sadd.s32 $0x28800, s11;
	s23 =	sshrl.u32 s1, $0x1;
	s13 =	sadd.s32 s22, s12  }
0xf: {  	[spmem:s13] =	stream.linear.scatter [tilespmem:s18], [sflag:$0x3], $0x3600, $0x38;
	[tilespmem:$0x1F380] =	vst v63  }
0x10: {  	[dreg:$0x5] =	wrdreg s1;
	s25 =	sshrl.u32 s24, $0x1;
	s10 =	sadd.s32 s23, s12  }
0x11: {  	[spmem:s10] =	stream.linear.scatter [tilespmem:s18], [sflag:$0x3], $0x3600, $0x38;
	[tilespmem:$0x1F380] =	vst v63  }
0x12: {  	[dreg:$0x4] =	wrdreg s24;
	s1 =	sshrl.u32 s26, $0x1;
	s8 =	sadd.s32 s25, s12  }
0x13: {  	[spmem:s8] =	stream.linear.scatter [tilespmem:s18], [sflag:$0x3], $0x3600, $0x38;
	[tilespmem:$0x1F380] =	vst v63  }
0x14: {  	[dreg:$0x3] =	wrdreg s26;
	s5 =	sadd.s32 s1, s12;
	s21 =	simm.s32 $0x3  }
0x15: {  	[spmem:s5] =	stream.linear.scatter [tilespmem:s18], [sflag:$0x3], $0x3600, $0x38;
	[tilespmem:$0x1F380] =	vst v63  }
0x16: {  	_ =	swait.ge [sflag:s21], $0x3600  }
0x17: {  	[sflag:s21] =	ssyncset.done $0x0  }
0x18: {  	[sflag:s21] =	ssyncadd.s32 $0xFFFFCA00  }
0x19: {  	_ =	swait.ge [sflag:s21], $0x3600  }
0x1a: {  	[sflag:s21] =	ssyncset.done $0x0  }
0x1b: {  	[sflag:s21] =	ssyncadd.s32 $0xFFFFCA00  }
0x1c: {  	_ =	swait.ge [sflag:s21], $0x3600  }
0x1d: {  	[sflag:s21] =	ssyncset.done $0x0  }
0x1e: {  	[sflag:s21] =	ssyncadd.s32 $0xFFFFCA00  }
0x1f: {  	_ =	swait.ge [sflag:s21], $0x3600  }
0x20: {  	[sflag:s21] =	ssyncset.done $0x0  }
0x21: {  	[sflag:s21] =	ssyncadd.s32 $0xFFFFCA00  }
0x22: {  	_ =	swait.ge [sflag:s21], $0x3600  }
0x23: {  	[sflag:s21] =	ssyncset.done $0x0  }
0x24: {  	[sflag:s21] =	ssyncadd.s32 $0xFFFFCA00  }
0x25: {  	_ =	swait.ge [sflag:s21], $0x3600  }
0x26: {  	[sflag:s21] =	ssyncset.done $0x0  }
0x27: {  	[sflag:s21] =	ssyncadd.s32 $0xFFFFCA00  }
0x28: {  	s2 =	smul.u32 $0x17A00, s3;
	_ =	swait.ge [sflag:s21], $0x3600  }
0x29: {  	[sflag:s21] =	ssyncset.done $0x0  }
0x2a: {  	s0 =	sshrl.u32 s2, $0x3;
	s1 =	sadd.s32 $0x34600, s20;
	[sflag:s21] =	ssyncadd.s32 $0xFFFFCA00  }
0x2b: {  	s2 =	sadd.s32 $0x5200, s20;
	s22 =	sadd.s32 s1, s0;
	[bflag:$0x0] =	sbarrier.arrive $0xFFFF  }
0x2c: {  	[tilespmem:s17], [sflag:$0x1] =	stream.linear.gather [hbm4b:s22+s17], $0x360, $0x38;
	[tilespmem:$0x1F380] =	vst v63  }
0x2d: {  	s23 =	sadd.s32 s2, s0;
	s0 =	sadd.s32 $0x6C, s0;
	s22 =	simm.s32 $0x6C0  }
0x2e: {  	[tilespmem:s22], [sflag:$0x1] =	stream.linear.gather [hbm4b:s23+s17], $0x360, $0x38;
	[tilespmem:$0x1F380] =	vst v63  }
0x2f: {  	s24 =	sadd.s32 s1, s0;
	s23 =	simm.s32 $0x360  }
0x30: {  	[tilespmem:s23], [sflag:$0x2] =	stream.linear.gather [hbm4b:s24+s17], $0x360, $0x38;
	[tilespmem:$0x1F380] =	vst v63  }
0x31: {  	s26 =	simm.s32 $0x1;
	s25 =	simm.s32 $0xA20;
	s0 =	sadd.s32 s2, s0  }
0x32: {  	[tilespmem:s25], [sflag:$0x2] =	stream.linear.gather [hbm4b:s0+s17], $0x360, $0x38;
	[tilespmem:$0x1F380] =	vst v63  }
0x33: {  	_ =	swait.ge [sflag:s26], $0x360  }
0x34: {  	[sflag:s26] =	ssyncset.done $0x0  }
0x35: {  	[sflag:s26] =	ssyncadd.s32 $0xFFFFFCA0  }
0x36: {  	_ =	swait.ge [sflag:s26], $0x360  }
0x37: {  	[sflag:s26] =	ssyncset.done $0x0  }
0x38: {  	s28 =	simm.s32 $0x2;
	s24 =	sadd.s32 $0x1E2800, s20;
	[sflag:s26] =	ssyncadd.s32 $0xFFFFFCA0  }
0x39: {  	[tilespmem:s18], [sflag:$0x3] =	stream.indirect.gather [hbm4b:s24+s23], $0x10, s17, s23, $0xb8;
	[tilespmem:$0x1F380] =	vst v63  }
0x3a: {  	_ =	swait.ge [sflag:s28], $0x360  }
0x3b: {  	[sflag:s28] =	ssyncset.done $0x0  }
0x3c: {  	[sflag:s28] =	ssyncadd.s32 $0xFFFFFCA0  }
0x3d: {  	_ =	swait.ge [sflag:s28], $0x360  }
0x3e: {  	[sflag:s28] =	ssyncset.done $0x0  }
0x3f: {  	s29 =	simm.s32 $0x4380;
	[sflag:s28] =	ssyncadd.s32 $0xFFFFFCA0  }
0x40: {  	[tilespmem:s29], [sflag:$0x4] =	stream.indirect.gather [hbm4b:s24+s23], $0x10, s23, s23, $0xb8;
	[tilespmem:$0x1F380] =	vst v63  }
0x41: {  	_ =	swait.ge [sflag:s21], $0x3600  }
0x42: {  	[sflag:s21] =	ssyncset.done $0x0  }
0x43: {  	s4 =	smul.u32 $0x2F40, s3;
	[sflag:s21] =	ssyncadd.s32 $0xFFFFCA00  }
0x44: {  	[spmem:s12] =	stream.indirect.scatter.add.bf16 [tilespmem:s18], [sflag:$0x5], $0x10, s22, s23, $0xb8;
	[tilespmem:$0x1F380] =	vst v63  }
0x45: {  	s30 =	sadd.s32 s4, s1;
	_ =	swait.ge [sflag:s19], $0x3600  }
0x46: {  	s31 =	sadd.s32 s4, s2;
	s1 =	sadd.s32 $0xFFFFD198, s30;
	[sflag:s19] =	ssyncset.done $0x0  }
0x47: {  	s2 =	sadd.s32 $0xFFFFD198, s31;
	s3 =	sadd.s32 $0x2F40, s1;
	[sflag:s19] =	ssyncadd.s32 $0xFFFFCA00  }
0x48: {  	[tilespmem:s17], [sflag:$0x1] =	stream.linear.gather [hbm4b:s3+s17], $0x360, $0x38;
	[tilespmem:$0x1F380] =	vst v63  }
0x49: {  	s4 =	sadd.s32 $0x2F40, s2  }
0x4a: {  	[tilespmem:s22], [sflag:$0x1] =	stream.linear.gather [hbm4b:s4+s17], $0x360, $0x38;
	[tilespmem:$0x1F380] =	vst v63  }
0x4b: {  	_ =	swait.ge [sflag:s26], $0x360  }
0x4c: {  	[sflag:s26] =	ssyncset.done $0x0  }
0x4d: {  	[sflag:s26] =	ssyncadd.s32 $0xFFFFFCA0  }
0x4e: {  	_ =	swait.ge [sflag:s26], $0x360  }
0x4f: {  	[sflag:s26] =	ssyncset.done $0x0  }
0x50: {  	s0 =	simm.s32 $0x4;
	[sflag:s26] =	ssyncadd.s32 $0xFFFFFCA0  }
0x51: {  	[tilespmem:s18], [sflag:$0x3] =	stream.indirect.gather [hbm4b:s24+s23], $0x10, s17, s23, $0xb8;
	[tilespmem:$0x1F380] =	vst v63  }
0x52: {  	_ =	swait.ge [sflag:s0], $0x3600  }
0x53: {  	[sflag:s0] =	ssyncset.done $0x0  }
0x54: {  	[sflag:s0] =	ssyncadd.s32 $0xFFFFCA00  }
0x55: {  	[spmem:s12] =	stream.indirect.scatter.add.bf16 [tilespmem:s29], [sflag:$0x5], $0x10, s25, s23, $0xb8;
	[tilespmem:$0x1F380] =	vst v63  }
0x56: {  	_ =	swait.ge [sflag:s19], $0x3600  }
0x57: {  	[sflag:s19] =	ssyncset.done $0x0  }
0x58: {  	s1 =	sadd.s32 $0x2FAC, s1;
	[sflag:s19] =	ssyncadd.s32 $0xFFFFCA00  }
0x59: {  	[tilespmem:s23], [sflag:$0x2] =	stream.linear.gather [hbm4b:s1+s17], $0x360, $0x38;
	[tilespmem:$0x1F380] =	vst v63  }
0x5a: {  	s2 =	sadd.s32 $0x2FAC, s2;
	s20 =	sadd.s32 $0x211C00, s20;
	s1 =	simm.s32 $0xFFFFD270  }
.LBB2_1:
0x5b: {  	[tilespmem:s25], [sflag:$0x2] =	stream.linear.gather [hbm4b:s2+s17], $0x360, $0x38;
	[tilespmem:$0x1F380] =	vst v63  }
0x5c: {  	s2 =	smov.u32 s1  }
0x5d: {  	p0 =	sne.s32 s1, $0xFFFFFF28;
	s1 =	sadd.s32 $0xD8, s1;
	_ =	swait.ge [sflag:s28], $0x360  }
0x5e: {  	[sflag:s28] =	ssyncset.done $0x0  }
0x5f: {  	[sflag:s28] =	ssyncadd.s32 $0xFFFFFCA0  }
0x60: {  	_ =	swait.ge [sflag:s28], $0x360  }
0x61: {  	[sflag:s28] =	ssyncset.done $0x0  }
0x62: {  	[sflag:s28] =	ssyncadd.s32 $0xFFFFFCA0  }
0x63: {  	[tilespmem:s29], [sflag:$0x4] =	stream.indirect.gather [hbm4b:s24+s23], $0x10, s23, s23, $0xb8;
	[tilespmem:$0x1F380] =	vst v63  }
0x64: {  	_ =	swait.ge [sflag:s21], $0x3600  }
0x65: {  	[sflag:s21] =	ssyncset.done $0x0  }
0x66: {  	[sflag:s21] =	ssyncadd.s32 $0xFFFFCA00  }
0x67: {  	[spmem:s12] =	stream.indirect.scatter.add.bf16 [tilespmem:s18], [sflag:$0x5], $0x10, s22, s23, $0xb8;
	[tilespmem:$0x1F380] =	vst v63  }
0x68: {  	_ =	swait.ge [sflag:s19], $0x3600  }
0x69: {  	s3 =	sadd.s32 s2, s30;
	[sflag:s19] =	ssyncset.done $0x0  }
0x6a: {  	s2 =	sadd.s32 s2, s31;
	s4 =	sadd.s32 $0x2F40, s3;
	[sflag:s19] =	ssyncadd.s32 $0xFFFFCA00  }
0x6b: {  	[tilespmem:s17], [sflag:$0x1] =	stream.linear.gather [hbm4b:s4+s17], $0x360, $0x38;
	[tilespmem:$0x1F380] =	vst v63  }
0x6c: {  	s4 =	sadd.s32 $0x2F40, s2  }
0x6d: {  	[tilespmem:s22], [sflag:$0x1] =	stream.linear.gather [hbm4b:s4+s17], $0x360, $0x38;
	[tilespmem:$0x1F380] =	vst v63  }
0x6e: {  	_ =	swait.ge [sflag:s26], $0x360  }
0x6f: {  	[sflag:s26] =	ssyncset.done $0x0  }
0x70: {  	[sflag:s26] =	ssyncadd.s32 $0xFFFFFCA0  }
0x71: {  	_ =	swait.ge [sflag:s26], $0x360  }
0x72: {  	[sflag:s26] =	ssyncset.done $0x0  }
0x73: {  	[sflag:s26] =	ssyncadd.s32 $0xFFFFFCA0  }
0x74: {  	[tilespmem:s18], [sflag:$0x3] =	stream.indirect.gather [hbm4b:s24+s23], $0x10, s17, s23, $0xb8;
	[tilespmem:$0x1F380] =	vst v63  }
0x75: {  	_ =	swait.ge [sflag:s0], $0x3600  }
0x76: {  	[sflag:s0] =	ssyncset.done $0x0  }
0x77: {  	[sflag:s0] =	ssyncadd.s32 $0xFFFFCA00  }
0x78: {  	[spmem:s12] =	stream.indirect.scatter.add.bf16 [tilespmem:s29], [sflag:$0x5], $0x10, s25, s23, $0xb8;
	[tilespmem:$0x1F380] =	vst v63  }
.Ltmp0:
0x79: {  	_ =	swait.ge [sflag:s19], $0x3600;
	(pc) =	sbr.rel @p0 .LBB2_1-.Ltmp0, $4  }
0x7a: {  	[sflag:s19] =	ssyncset.done $0x0  }
0x7b: {  	s3 =	sadd.s32 $0x2FAC, s3;
	[sflag:s19] =	ssyncadd.s32 $0xFFFFCA00  }
0x7c: {  	[tilespmem:s23], [sflag:$0x2] =	stream.linear.gather [hbm4b:s3+s17], $0x360, $0x38;
	[tilespmem:$0x1F380] =	vst v63  }
0x7d: {  	s2 =	sadd.s32 $0x2FAC, s2  }
0x7e: {  	[tilespmem:s25], [sflag:$0x2] =	stream.linear.gather [hbm4b:s2+s17], $0x360, $0x38;
	[tilespmem:$0x1F380] =	vst v63  }
0x7f: {  	s17 =	simm.s32 $0x2  }
0x80: {  	_ =	swait.ge [sflag:s17], $0x360  }
0x81: {  	[sflag:s17] =	ssyncset.done $0x0  }
0x82: {  	[sflag:s17] =	ssyncadd.s32 $0xFFFFFCA0  }
0x83: {  	_ =	swait.ge [sflag:s17], $0x360  }
0x84: {  	s30 =	simm.s32 $0x360;
	[sflag:s17] =	ssyncset.done $0x0  }
0x85: {  	s19 =	simm.s32 $0x4380;
	s0 =	simm.s32 $0x3;
	[sflag:s17] =	ssyncadd.s32 $0xFFFFFCA0  }
0x86: {  	[tilespmem:s19], [sflag:$0x4] =	stream.indirect.gather [hbm4b:s24+s30], $0x10, s30, s30, $0xb8;
	[tilespmem:$0x1F380] =	vst v63  }
0x87: {  	_ =	swait.ge [sflag:s0], $0x3600  }
0x88: {  	s1 =	simm.s32 $0x6C0;
	[sflag:s0] =	ssyncset.done $0x0  }
0x89: {  	s18 =	simm.s32 $0xD80;
	s3 =	simm.s32 $0x5;
	[sflag:s0] =	ssyncadd.s32 $0xFFFFCA00  }
0x8a: {  	[spmem:s12] =	stream.indirect.scatter.add.bf16 [tilespmem:s18], [sflag:$0x5], $0x10, s1, s30, $0xb8;
	[tilespmem:$0x1F380] =	vst v63  }
0x8b: {  	_ =	swait.ge [sflag:s3], $0x3600  }
0x8c: {  	[sflag:s3] =	ssyncset.done $0x0  }
0x8d: {  	s31 =	simm.s32 $0x4;
	[sflag:s3] =	ssyncadd.s32 $0xFFFFCA00  }
0x8e: {  	_ =	swait.ge [sflag:s31], $0x3600  }
0x8f: {  	[sflag:s31] =	ssyncset.done $0x0  }
0x90: {  	s4 =	simm.s32 $0xA20;
	[sflag:s31] =	ssyncadd.s32 $0xFFFFCA00  }
0x91: {  	[spmem:s12] =	stream.indirect.scatter.add.bf16 [tilespmem:s19], [sflag:$0x5], $0x10, s4, s30, $0xb8;
	[tilespmem:$0x1F380] =	vst v63  }
0x92: {  	_ =	swait.ge [sflag:s3], $0x3600  }
0x93: {  	[sflag:s3] =	ssyncset.done $0x0  }
0x94: {  	[sflag:s3] =	ssyncadd.s32 $0xFFFFCA00  }
0x95: {  	[bflag:$0x0] =	sbarrier.arrive $0xFFFF  }
0x96: {  	[tilespmem:s18], [sflag:$0x3] =	stream.linear.gather [spmem:s15], $0x3600, $0x38;
	[tilespmem:$0x1F380] =	vst v63  }
0x97: {  	_ = 	snop  }
0x98: {  	[tilespmem:s19], [sflag:$0x4] =	stream.linear.gather [spmem:s16], $0x3600, $0x38;
	[tilespmem:$0x1F380] =	vst v63  }
0x99: {  	_ =	swait.ge [sflag:s0], $0x3600  }
0x9a: {  	s21 =	sshrl.u32 s11, $0x4;
	s22 =	simm.s32 $0x0;
	[sflag:s0] =	ssyncset.done $0x0  }
0x9b: {  	s23 =	simm.s32 $0x1;
	s2 =	sadd.s32 s20, s21;
	[sflag:s0] =	ssyncadd.s32 $0xFFFFCA00  }
0x9c: {  	[hbm4b:s2+s22] =	stream.linear.scatter [tilespmem:s18], [sflag:$0x1], $0x3600, $0x38;
	[tilespmem:$0x1F380] =	vst v63  }
0x9d: {  	_ =	swait.ge [sflag:s23], $0x3600  }
0x9e: {  	[sflag:s23] =	ssyncset.done $0x0  }
0x9f: {  	[sflag:s23] =	ssyncadd.s32 $0xFFFFCA00  }
0xa0: {  	[tilespmem:s18], [sflag:$0x3] =	stream.linear.gather [spmem:s14], $0x3600, $0x38;
	[tilespmem:$0x1F380] =	vst v63  }
0xa1: {  	_ =	swait.ge [sflag:s31], $0x3600  }
0xa2: {  	s24 =	sshrl.u32 s9, $0x4;
	[sflag:s31] =	ssyncset.done $0x0  }
0xa3: {  	s4 =	sadd.s32 s20, s24;
	[sflag:s31] =	ssyncadd.s32 $0xFFFFCA00  }
0xa4: {  	[hbm4b:s4+s22] =	stream.linear.scatter [tilespmem:s19], [sflag:$0x2], $0x3600, $0x38;
	[tilespmem:$0x1F380] =	vst v63  }
0xa5: {  	_ =	swait.ge [sflag:s17], $0x3600  }
0xa6: {  	[sflag:s17] =	ssyncset.done $0x0  }
0xa7: {  	[sflag:s17] =	ssyncadd.s32 $0xFFFFCA00  }
0xa8: {  	[tilespmem:s19], [sflag:$0x4] =	stream.linear.gather [spmem:s13], $0x3600, $0x38;
	[tilespmem:$0x1F380] =	vst v63  }
0xa9: {  	_ =	swait.ge [sflag:s0], $0x3600  }
0xaa: {  	s25 =	sshrl.u32 s7, $0x4;
	[sflag:s0] =	ssyncset.done $0x0  }
0xab: {  	s4 =	sadd.s32 s20, s25;
	[sflag:s0] =	ssyncadd.s32 $0xFFFFCA00  }
0xac: {  	[hbm4b:s4+s22] =	stream.linear.scatter [tilespmem:s18], [sflag:$0x1], $0x3600, $0x38;
	[tilespmem:$0x1F380] =	vst v63  }
0xad: {  	_ =	swait.ge [sflag:s23], $0x3600  }
0xae: {  	[sflag:s23] =	ssyncset.done $0x0  }
0xaf: {  	[sflag:s23] =	ssyncadd.s32 $0xFFFFCA00  }
0xb0: {  	[tilespmem:s18], [sflag:$0x3] =	stream.linear.gather [spmem:s10], $0x3600, $0x38;
	[tilespmem:$0x1F380] =	vst v63  }
0xb1: {  	_ =	swait.ge [sflag:s31], $0x3600  }
0xb2: {  	s26 =	sshrl.u32 s6, $0x4;
	[sflag:s31] =	ssyncset.done $0x0  }
0xb3: {  	s4 =	sadd.s32 s20, s26;
	[sflag:s31] =	ssyncadd.s32 $0xFFFFCA00  }
0xb4: {  	[hbm4b:s4+s22] =	stream.linear.scatter [tilespmem:s19], [sflag:$0x2], $0x3600, $0x38;
	[tilespmem:$0x1F380] =	vst v63  }
0xb5: {  	_ =	swait.ge [sflag:s17], $0x3600  }
0xb6: {  	[sflag:s17] =	ssyncset.done $0x0  }
0xb7: {  	[sflag:s17] =	ssyncadd.s32 $0xFFFFCA00  }
0xb8: {  	[tilespmem:s19], [sflag:$0x4] =	stream.linear.gather [spmem:s8], $0x3600, $0x38;
	[tilespmem:$0x1F380] =	vst v63  }
0xb9: {  	_ =	swait.ge [sflag:s0], $0x3600  }
0xba: {  	s28 =	rddreg [dreg:$0x5]  }
0xbb: {  	[sflag:s0] =	ssyncset.done $0x0;
	s4 =	sshrl.u32 s28, $0x4  }
0xbc: {  	[sflag:s0] =	ssyncadd.s32 $0xFFFFCA00;
	s4 =	sadd.s32 s20, s4  }
0xbd: {  	[hbm4b:s4+s22] =	stream.linear.scatter [tilespmem:s18], [sflag:$0x1], $0x3600, $0x38;
	[tilespmem:$0x1F380] =	vst v63  }
0xbe: {  	_ =	swait.ge [sflag:s23], $0x3600  }
0xbf: {  	[sflag:s23] =	ssyncset.done $0x0  }
0xc0: {  	[sflag:s23] =	ssyncadd.s32 $0xFFFFCA00  }
0xc1: {  	[tilespmem:s18], [sflag:$0x3] =	stream.linear.gather [spmem:s5], $0x3600, $0x38;
	[tilespmem:$0x1F380] =	vst v63  }
0xc2: {  	_ =	swait.ge [sflag:s31], $0x3600  }
0xc3: {  	s29 =	rddreg [dreg:$0x4]  }
0xc4: {  	[sflag:s31] =	ssyncset.done $0x0;
	s4 =	sshrl.u32 s29, $0x4  }
0xc5: {  	[sflag:s31] =	ssyncadd.s32 $0xFFFFCA00;
	s4 =	sadd.s32 s20, s4  }
0xc6: {  	[hbm4b:s4+s22] =	stream.linear.scatter [tilespmem:s19], [sflag:$0x2], $0x3600, $0x38;
	[tilespmem:$0x1F380] =	vst v63  }
0xc7: {  	_ =	swait.ge [sflag:s17], $0x3600  }
0xc8: {  	[sflag:s17] =	ssyncset.done $0x0  }
0xc9: {  	[sflag:s17] =	ssyncadd.s32 $0xFFFFCA00  }
0xca: {  	_ =	swait.ge [sflag:s0], $0x3600  }
0xcb: {  	s30 =	rddreg [dreg:$0x3]  }
0xcc: {  	[sflag:s0] =	ssyncset.done $0x0;
	s1 =	sshrl.u32 s30, $0x4  }
0xcd: {  	[sflag:s0] =	ssyncadd.s32 $0xFFFFCA00;
	s1 =	sadd.s32 s20, s1  }
0xce: {  	[hbm4b:s1+s22] =	stream.linear.scatter [tilespmem:s18], [sflag:$0x1], $0x3600, $0x38;
	[tilespmem:$0x1F380] =	vst v63  }
0xcf: {  	_ =	swait.ge [sflag:s23], $0x3600  }
0xd0: {  	[sflag:s23] =	ssyncset.done $0x0  }
0xd1: {  	[sflag:s23] =	ssyncadd.s32 $0xFFFFCA00  }
0xd2: {  	_ =	sfence.sel $0x180000  }
0xd3: {  	[bflag:$0x0] =	sbarrier.arrive $0xFFFF  }
0xd4: {  	_ =	strace $0x9000004D  }
0xd5: {  	s31 =	stileid.u32;
	[bflag:$0x2] =	sbarrier.arrive $0xFFFF  }
0xd6: {  	p0 =	sne.s32 s31, $0x0;
	s0 =	rddreg [dreg:$0x2]  }
0xd7: {  	s0 =	sadd.s32 @!p0 $0x100000, s0  }
0xd8: {  	[sflag:s0] =	ssyncadd.tile.s32 @!p0 $0x1;
	_ =	shalt  }
.Lfunc_end2:
_tile_overlayer_lowered:
.L_overlay_start_2:
0xd9: {  	(tag) =	ssettag $0x2  }
0xda: {  	s0 =	rddreg [dreg:$0x0];
	s2 =	stileid.u32  }
0xdb: {  	s1 =	rddreg [dreg:$0x1];
	p0 =	sne.s32 s2, $0x0  }
0xdc: {  	s3 =	rddreg [dreg:$0x2];
	[bflag:$0x3] =	sbarrier.arrive $0xFFFF;
	s2 =	simm.s32 @!p0 $0x1C05  }
0xdd: {  	[timem:s3], [sflag:s2] =	dma.local @!p0 [hbm:s0], s1  }
0xde: {  	s0 =	simm.s32 @!p0 $0x5  }
0xdf: {  	_ =	swait.ge @!p0 [sflag:s0], s1  }
0xe0: {  	s1 =	ssub.s32 @!p0 $0x0, s1;
	[sflag:s0] =	ssyncset.done @!p0 $0x0  }
0xe1: {  	[sflag:s0] =	ssyncadd.s32 @!p0 s1  }
0xe2: {  	[bflag:$0x3] =	sbarrier.arrive $0xFFFF  }
0xe3: {  	_ =	shalt  }

// kernel: kernel.24.cloned.1.call-start
scs
__scs_entry_jumppad:
0x0: {  	(pc) =	sbr.rel $0x88, $3  }
0x1: {  	(tag) =	ssettag $0x0;
	lr =	simm.s32 $0x1  }
0x2: {  	[smem:$0x3F90] =	sst lr;
	_ =	strace $0xD0000000  }
0x3: {  	_ = 	snop  }
0x4: {  	_ = 	snop  }
0x5: {  	_ = 	snop  }
0x6: {  	_ = 	snop  }
0x7: {  	_ = 	snop  }
__scs_overlays_trampoline_lowered:
0x8: {  	[smem:$0x3F9F] =	sst s0  }
0x9: {  	[smem:$0x3FA0] =	sst s1  }
0xa: {  	[smem:$0x3FA1] =	sst s2  }
0xb: {  	[smem:$0x3FA2] =	sst s3  }
0xc: {  	[smem:$0x3FA3] =	sst s4  }
0xd: {  	[smem:$0x3FA4] =	sst s5  }
0xe: {  	[smem:$0x3FA5] =	sst s6  }
0xf: {  	[smem:$0x3FA6] =	sst s7  }
0x10: {  	[smem:$0x3FA7] =	sst s8  }
0x11: {  	[smem:$0x3FA8] =	sst s9;
	s0 =	simm.s32 @!p0 $0x0  }
0x12: {  	s1 =	sld [smem:$0x3F8E];
	s0 =	simm.s32 @p0 $0x1  }
0x13: {  	[smem:$0x3FA9] =	sst s0;
	s0 =	simm.s32 @!p1 $0x0  }
0x14: {  	s2 =	sld [smem:$0x3F8D];
	s0 =	simm.s32 @p1 $0x1  }
0x15: {  	[smem:$0x3FAA] =	sst s0;
	s0 =	simm.s32 @!p2 $0x0  }
0x16: {  	s3 =	sld [smem:$0x3FDB];
	s0 =	simm.s32 @p2 $0x1  }
0x17: {  	s4 =	simm.s32 $0x1BF5;
	[smem:$0x3FAC] =	sst s0  }
0x18: {  	s0 =	sld [smem:$0x3F8F];
	_ =	swait.ge [sflag:s4], $0x0  }
0x19: {  	s7 =	sld [smem:$0x3F90]  }
0x1a: {  	s8 =	sadd.s32 $0xFFFFE003, lr  }
0x1b: {  	s9 =	sadd.s32 $0xFFFFFEF7, lr;
	s5 =	simm.s32 $0xFFFFFFFF;
	p2 =	slt.u32 s8, $0xFFFFF086  }
0x1c: {  	p1 =	slt.u32 s9, $0xF7A;
	s5 =	simm.s32 @!p2 $0x0  }
0x1d: {  	s5 =	simm.s32 @p1 $0x1;
	p0 =	seq.s32 s7, s2  }
0x1e: {  	s7 =	smul.u32 @!p0 $0xF7A, s2;
	p2 =	seq.s32 @!p0 s5, $0x0  }
0x1f: {  	s9 =	smul.u32 $0xF7A, s1;
	s8 =	simm.s32 @!p0 $0x1BF5;
	p2 =	por !p2, p0  }
0x20: {  	[sflag:s8] =	ssyncset.s32 @!p0 $0xFFFFF086;
	s6 =	sadd.s32 @!p0 s3, s7;
	s7 =	simm.s32 @!p0 $0x108  }
0x21: {  	s3 =	sadd.s32 s3, s9;
	s6 =	sadd.s32 @!p0 $0x88, s6;
	s7 =	simm.s32 @p2 $0x1082  }
0x22: {  	[simem:s7], [sflag:s8] =	dma.local @!p0 [hbm:s6], $0xF7A  }
0x23: {  	s9 =	sor.u32 $0xD0000000, s2;
	s6 =	simm.s32 $0x108;
	_ =	swait.ge @!p0 [sflag:s8], $0x0  }
0x24: {  	s3 =	sadd.s32 $0x88, s3;
	s6 =	simm.s32 @!p1 $0x1082;
	[sflag:s4] =	ssyncset.s32 $0xFFFFF086  }
0x25: {  	[simem:s6], [sflag:s4] =	dma.local [hbm:s3], $0xF7A  }
0x26: {  	[smem:$0x3F90] =	sst s1;
	(tag) =	ssettag s2;
	_ =	strace s9  }
0x27: {  	s1 =	sld [smem:$0x3FA0]  }
0x28: {  	s2 =	sld [smem:$0x3FA1]  }
0x29: {  	s4 =	sld [smem:$0x3FA3]  }
0x2a: {  	p0 =	seq.s32 s5, $0x0;
	s5 =	sld [smem:$0x3FA4]  }
0x2b: {  	s6 =	sld [smem:$0x3FA5]  }
0x2c: {  	s7 =	sld [smem:$0x3FA6]  }
0x2d: {  	s3 =	simm.s32 $0x108;
	s8 =	sld [smem:$0x3FA7]  }
0x2e: {  	s3 =	simm.s32 @!p0 $0x1082;
	s9 =	sld [smem:$0x3FA8]  }
0x2f: {  	lr =	sadd.s32 s0, s3;
	s0 =	sld [smem:$0x3F9F]  }
0x30: {  	s3 =	sld [smem:$0x3FA2]  }
0x31: {  	[smem:$0x3FAB] =	sst s10  }
0x32: {  	s10 =	sld [smem:$0x3FA9];
	_ =	sdelay $0x3  }
0x33: {  	p0 =	seq.s32 s10, $0x1;
	s10 =	sld [smem:$0x3FAB];
	_ =	sdelay $0x3  }
0x34: {  	[smem:$0x3FAB] =	sst s10  }
0x35: {  	s10 =	sld [smem:$0x3FAA];
	_ =	sdelay $0x3  }
0x36: {  	p1 =	seq.s32 s10, $0x1;
	s10 =	sld [smem:$0x3FAB];
	_ =	sdelay $0x3  }
0x37: {  	[smem:$0x3FAB] =	sst s10  }
0x38: {  	s10 =	sld [smem:$0x3FAC]  }
0x39: {  	_ = 	snop;
	(pc) =	sbr.ind lr, $3  }
0x3a: {  	_ = 	snop  }
0x3b: {  	_ = 	snop  }
0x3c: {  	p2 =	seq.s32 s10, $0x1;
	s10 =	sld [smem:$0x3FAB]  }
0x3d: {  	_ =	shalt  }
0x3e: {  	_ =	shalt  }
0x3f: {  	_ =	shalt  }
0x40: {  	_ =	shalt  }
0x41: {  	_ =	shalt  }
0x42: {  	_ =	shalt  }
0x43: {  	_ =	shalt  }
0x44: {  	_ =	shalt  }
0x45: {  	_ =	shalt  }
0x46: {  	_ =	shalt  }
0x47: {  	_ =	shalt  }
0x48: {  	_ =	shalt  }
0x49: {  	_ =	shalt  }
0x4a: {  	_ =	shalt  }
0x4b: {  	_ =	shalt  }
0x4c: {  	_ =	shalt  }
0x4d: {  	_ =	shalt  }
0x4e: {  	_ =	shalt  }
0x4f: {  	_ =	shalt  }
0x50: {  	_ =	shalt  }
0x51: {  	_ =	shalt  }
0x52: {  	_ =	shalt  }
0x53: {  	_ =	shalt  }
0x54: {  	_ =	shalt  }
0x55: {  	_ =	shalt  }
0x56: {  	_ =	shalt  }
0x57: {  	_ =	shalt  }
0x58: {  	_ =	shalt  }
0x59: {  	_ =	shalt  }
0x5a: {  	_ =	shalt  }
0x5b: {  	_ =	shalt  }
0x5c: {  	_ =	shalt  }
0x5d: {  	_ =	shalt  }
0x5e: {  	_ =	shalt  }
0x5f: {  	_ =	shalt  }
0x60: {  	_ =	shalt  }
0x61: {  	_ =	shalt  }
0x62: {  	_ =	shalt  }
0x63: {  	_ =	shalt  }
0x64: {  	_ =	shalt  }
0x65: {  	_ =	shalt  }
0x66: {  	_ =	shalt  }
0x67: {  	_ =	shalt  }
0x68: {  	_ =	shalt  }
0x69: {  	_ =	shalt  }
0x6a: {  	_ =	shalt  }
0x6b: {  	_ =	shalt  }
0x6c: {  	_ =	shalt  }
0x6d: {  	_ =	shalt  }
0x6e: {  	_ =	shalt  }
0x6f: {  	_ =	shalt  }
0x70: {  	_ =	shalt  }
0x71: {  	_ =	shalt  }
0x72: {  	_ =	shalt  }
0x73: {  	_ =	shalt  }
0x74: {  	_ =	shalt  }
0x75: {  	_ =	shalt  }
0x76: {  	_ =	shalt  }
0x77: {  	_ =	shalt  }
0x78: {  	_ =	shalt  }
0x79: {  	_ =	shalt  }
0x7a: {  	_ =	shalt  }
0x7b: {  	_ =	shalt  }
0x7c: {  	_ =	shalt  }
0x7d: {  	_ =	shalt  }
0x7e: {  	_ =	shalt  }
0x7f: {  	_ =	shalt  }
0x80: {  	_ =	shalt  }
0x81: {  	_ =	shalt  }
0x82: {  	_ =	shalt  }
0x83: {  	_ =	shalt  }
0x84: {  	_ =	shalt  }
0x85: {  	_ =	shalt  }
0x86: {  	_ =	shalt  }
0x87: {  	_ =	shalt  }
.Lfunc_end0:
.L_simem_size_0:
called_computation.3_lowered:
.L_overlay_start_0:
0x88: {  	s0 =	sld [smem:$0x3FD9]  }
0x89: {  	s1 =	sld [smem:$0x3FFE];
	_ =	sdelay $0x3  }
0x8a: {  	s0 =	sadd.s32 s1, s0  }
0x8b: {  	[smem:$0x3FB7] =	sst s0  }
0x8c: {  	_ = 	snop  }
0x8d: {  	(tm) =	ssettm $0x1  }
0x8e: {  	s15 =	sld [smem:$0x3FFB];
	_ =	sdelay $0x3  }
0x8f: {  	_ =	strace s15  }
0x90: {  	s0 =	sld [smem:$0x3FFC];
	_ =	sdelay $0x3  }
0x91: {  	_ =	strace s0  }
0x92: {  	s0 =	sld [smem:$0x3FFD];
	_ =	sdelay $0x3  }
0x93: {  	_ =	strace s0  }
0x94: {  	_ =	strace $0x8FFFFFFF  }
0x95: {  	s16 =	sld [smem:$0x3FDB];
	_ =	sdelay $0x1  }
0x96: {  	s17 =	simm.s32 $_scs_section_size  }
0x97: {  	s2 =	simm.s32 $_size__tile_overlayer_lowered;
	s3 =	simm.s32 $_tile_overlayer_lowered  }
0x98: {  	s20 =	simm.s32 $0x1BFF;
	s19 =	sshll.u32 s3, $0x1;
	s0 =	sadd.s32 s17, s16  }
0x99: {  	s4 =	simm.s32 $0x0;
	s18 =	sshll.u32 s2, $0x1;
	s2 =	sadd.s32 s19, s0  }
0x9a: {  	[timem:s4], [sflag:s20] =	dma.local [hbm:s2], s18  }
0x9b: {  	_ =	swait.ge [sflag:s20], s18  }
0x9c: {  	s1 =	ssub.s32 $0x0, s18;
	[sflag:s20] =	ssyncset.done $0x0  }
0x9d: {  	[sflag:s20] =	ssyncadd.s32 s1;
	_ =	sdelay $0x1  }
0x9e: {  	s21 =	simm.s32 $0x1B8B  }
0x9f: {  	_ =	swait.ge [sflag:s21], $0x1  }
0xa0: {  	[sflag:s21] =	ssyncset.done $0x0  }
0xa1: {  	s23 =	simm.s32 $0x1B8E;
	s22 =	sld [smem:$0x3FFE];
	[sflag:s21] =	ssyncadd.s32 $0xFFFFFFFF  }
0xa2: {  	s24 =	simm.s32 $execute0_lowered;
	[smem:$0x3FD2] =	sst s23  }
0xa3: {  	s2 =	sshll.u32 s24, $0x1;
	_ =	strace $0x8000004F;
	[dreg:$0x1] =	wrdreg $0xFFFFFFFF  }
0xa4: {  	s25 =	simm.s32 $_size_execute0_lowered;
	s0 =	sadd.s32 s0, s2;
	[dreg:$0x0] =	wrdreg $0x0  }
0xa5: {  	s2 =	sshll.u32 s25, $0x1;
	[dreg:$0x2] =	wrdreg s0  }
0xa6: {  	[dreg:$0x3] =	wrdreg s2  }
0xa7: {  	[dreg:$0x4] =	wrdreg $0xC0  }
0xa8: {  	_ =	task [dreg:s4], $0x5FFFF  }
0xa9: {  	[dreg:$0x1] =	wrdreg $0xFFFFFFFF  }
0xaa: {  	[dreg:$0x0] =	wrdreg $0x60  }
0xab: {  	[dreg:$0x2] =	wrdreg s22  }
0xac: {  	[dreg:$0x3] =	wrdreg $0x79800  }
0xad: {  	[dreg:$0x4] =	wrdreg $0x9  }
0xae: {  	_ =	task.clear_ibuf [dreg:s4], $0x5FFFF;
	_ =	strace $0x9000004F  }
0xaf: {  	s26 =	simm.s32 $0x9;
	_ =	strace $0x80000051  }
0xb0: {  	_ =	swait.ge [sflag:s26], $0x1  }
0xb1: {  	[sflag:s26] =	ssyncadd.s32 $0xFFFFFFFF  }
0xb2: {  	_ =	strace $0x90000051  }
0xb3: {  	_ =	sfence  }
0xb4: {  	s28 =	sld [smem:$0x0];
	_ =	sdelay $0x1  }
0xb5: {  	s29 =	srdreg.scid  }
0xb6: {  	s30 =	sshll.u32 s29, $0xD;
	s31 =	sshrl.u32 s29, $0x2  }
0xb7: {  	s1 =	sand.u32 $0x1, s29;
	s2 =	sand.u32 $0x4000, s30;
	s0 =	sadd.s32 s31, s28  }
0xb8: {  	s1 =	sor.u32 s2, s1;
	s0 =	sshll.u32 s0, $0x11  }
0xb9: {  	s0 =	sor.u32 s0, s1  }
0xba: {  	s0 =	sadd.s32 $0x8F2B, s0  }
0xbb: {  	[sflag:s0] =	ssyncadd.remote.s32 $0x1  }
0xbc: {  	_ =	sfence.sel $0xFFFF  }
0xbd: {  	[dreg:$0x0] =	wrdreg $0xFFFFFFFF;
	(pc) =	sbr.abs _section_cstart, $3  }
0xbe: {  	[dreg:$0x1] =	wrdreg $0xFFFFFFFF  }
0xbf: {  	_ =	task.clear_ibuf [dreg:s4], $0x2FFFF;
	_ =	strace $0x9FFFFFFF  }
0xc0: {  	(tm) =	ssettm $0x7FFFFFFF  }
0xc1: {  	_ =	shalt  }
tec
execute0_lowered:
.L_overlay_start_1:
0x0: {  	(tag) =	ssettag $0x1  }
0x1: {  	s20 =	rddreg [dreg:$0x0]  }
0x2: {  	s12 =	rddreg [dreg:$0x1];
	s17 =	simm.s32 $0x0;
	s3 =	stileid.u32  }
0x3: {  	s18 =	simm.s32 $0xD80;
	[smem:$0x7FF] =	sst s17;
	s0 =	sadd.s32 $0x1E1C00, s20  }
0x4: {  	s19 =	simm.s32 $0x5;
	s11 =	smul.u32 $0x2F400, s3;
	_ =	strace $0x80000050  }
0x5: {  	[tilespmem:s18], [sflag:$0x5] =	stream.linear.gather [hbm4b:s0+s17], $0x3600, $0x38;
	[tilespmem:$0x1F380] =	vst v63  }
0x6: {  	s15 =	sshrl.u32 s11, $0x1;
	s9 =	sadd.s32 $0x6C00, s11;
	_ =	swait.ge [sflag:s19], $0x3600  }
0x7: {  	s7 =	sadd.s32 $0xD800, s11;
	s6 =	sadd.s32 $0x14400, s11;
	[sflag:s19] =	ssyncset.done $0x0  }
0x8: {  	s15 =	sadd.s32 s15, s12;
	s16 =	sshrl.u32 s9, $0x1;
	[sflag:s19] =	ssyncadd.s32 $0xFFFFCA00  }
0x9: {  	[spmem:s15] =	stream.linear.scatter [tilespmem:s18], [sflag:$0x3], $0x3600, $0x38;
	[tilespmem:$0x1F380] =	vst v63  }
0xa: {  	s1 =	sadd.s32 $0x1B000, s11;
	s21 =	sshrl.u32 s7, $0x1;
	s16 =	sadd.s32 s16, s12  }
0xb: {  	[spmem:s16] =	stream.linear.scatter [tilespmem:s18], [sflag:$0x3], $0x3600, $0x38;
	[tilespmem:$0x1F380] =	vst v63  }
0xc: {  	s24 =	sadd.s32 $0x21C00, s11;
	s22 =	sshrl.u32 s6, $0x1;
	s14 =	sadd.s32 s21, s12  }
0xd: {  	[spmem:s14] =	stream.linear.scatter [tilespmem:s18], [sflag:$0x3], $0x3600, $0x38;
	[tilespmem:$0x1F380] =	vst v63  }
0xe: {  	s26 =	sadd.s32 $0x28800, s11;
	s23 =	sshrl.u32 s1, $0x1;
	s13 =	sadd.s32 s22, s12  }
0xf: {  	[spmem:s13] =	stream.linear.scatter [tilespmem:s18], [sflag:$0x3], $0x3600, $0x38;
	[tilespmem:$0x1F380] =	vst v63  }
0x10: {  	[dreg:$0x5] =	wrdreg s1;
	s25 =	sshrl.u32 s24, $0x1;
	s10 =	sadd.s32 s23, s12  }
0x11: {  	[spmem:s10] =	stream.linear.scatter [tilespmem:s18], [sflag:$0x3], $0x3600, $0x38;
	[tilespmem:$0x1F380] =	vst v63  }
0x12: {  	[dreg:$0x4] =	wrdreg s24;
	s1 =	sshrl.u32 s26, $0x1;
	s8 =	sadd.s32 s25, s12  }
0x13: {  	[spmem:s8] =	stream.linear.scatter [tilespmem:s18], [sflag:$0x3], $0x3600, $0x38;
	[tilespmem:$0x1F380] =	vst v63  }
0x14: {  	[dreg:$0x3] =	wrdreg s26;
	s5 =	sadd.s32 s1, s12;
	s21 =	simm.s32 $0x3  }
0x15: {  	[spmem:s5] =	stream.linear.scatter [tilespmem:s18], [sflag:$0x3], $0x3600, $0x38;
	[tilespmem:$0x1F380] =	vst v63  }
0x16: {  	_ =	swait.ge [sflag:s21], $0x3600  }
0x17: {  	[sflag:s21] =	ssyncset.done $0x0  }
0x18: {  	[sflag:s21] =	ssyncadd.s32 $0xFFFFCA00  }
0x19: {  	_ =	swait.ge [sflag:s21], $0x3600  }
0x1a: {  	[sflag:s21] =	ssyncset.done $0x0  }
0x1b: {  	[sflag:s21] =	ssyncadd.s32 $0xFFFFCA00  }
0x1c: {  	_ =	swait.ge [sflag:s21], $0x3600  }
0x1d: {  	[sflag:s21] =	ssyncset.done $0x0  }
0x1e: {  	[sflag:s21] =	ssyncadd.s32 $0xFFFFCA00  }
0x1f: {  	_ =	swait.ge [sflag:s21], $0x3600  }
0x20: {  	[sflag:s21] =	ssyncset.done $0x0  }
0x21: {  	[sflag:s21] =	ssyncadd.s32 $0xFFFFCA00  }
0x22: {  	_ =	swait.ge [sflag:s21], $0x3600  }
0x23: {  	[sflag:s21] =	ssyncset.done $0x0  }
0x24: {  	[sflag:s21] =	ssyncadd.s32 $0xFFFFCA00  }
0x25: {  	_ =	swait.ge [sflag:s21], $0x3600  }
0x26: {  	[sflag:s21] =	ssyncset.done $0x0  }
0x27: {  	[sflag:s21] =	ssyncadd.s32 $0xFFFFCA00  }
0x28: {  	s2 =	smul.u32 $0x17A00, s3;
	_ =	swait.ge [sflag:s21], $0x3600  }
0x29: {  	[sflag:s21] =	ssyncset.done $0x0  }
0x2a: {  	s0 =	sshrl.u32 s2, $0x3;
	s1 =	sadd.s32 $0x34600, s20;
	[sflag:s21] =	ssyncadd.s32 $0xFFFFCA00  }
0x2b: {  	s2 =	sadd.s32 $0x5200, s20;
	s22 =	sadd.s32 s1, s0;
	[bflag:$0x0] =	sbarrier.arrive $0xFFFF  }
0x2c: {  	[tilespmem:s17], [sflag:$0x1] =	stream.linear.gather [hbm4b:s22+s17], $0x360, $0x38;
	[tilespmem:$0x1F380] =	vst v63  }
0x2d: {  	s23 =	sadd.s32 s2, s0;
	s0 =	sadd.s32 $0x6C, s0;
	s22 =	simm.s32 $0x6C0  }
0x2e: {  	[tilespmem:s22], [sflag:$0x1] =	stream.linear.gather [hbm4b:s23+s17], $0x360, $0x38;
	[tilespmem:$0x1F380] =	vst v63  }
0x2f: {  	s24 =	sadd.s32 s1, s0;
	s23 =	simm.s32 $0x360  }
0x30: {  	[tilespmem:s23], [sflag:$0x2] =	stream.linear.gather [hbm4b:s24+s17], $0x360, $0x38;
	[tilespmem:$0x1F380] =	vst v63  }
0x31: {  	s26 =	simm.s32 $0x1;
	s25 =	simm.s32 $0xA20;
	s0 =	sadd.s32 s2, s0  }
0x32: {  	[tilespmem:s25], [sflag:$0x2] =	stream.linear.gather [hbm4b:s0+s17], $0x360, $0x38;
	[tilespmem:$0x1F380] =	vst v63  }
0x33: {  	_ =	swait.ge [sflag:s26], $0x360  }
0x34: {  	[sflag:s26] =	ssyncset.done $0x0  }
0x35: {  	[sflag:s26] =	ssyncadd.s32 $0xFFFFFCA0  }
0x36: {  	_ =	swait.ge [sflag:s26], $0x360  }
0x37: {  	[sflag:s26] =	ssyncset.done $0x0  }
0x38: {  	s28 =	simm.s32 $0x2;
	s24 =	sadd.s32 $0x1E2800, s20;
	[sflag:s26] =	ssyncadd.s32 $0xFFFFFCA0  }
0x39: {  	[tilespmem:s18], [sflag:$0x3] =	stream.indirect.gather [hbm4b:s24+s23], $0x10, s17, s23, $0xb8;
	[tilespmem:$0x1F380] =	vst v63  }
0x3a: {  	_ =	swait.ge [sflag:s28], $0x360  }
0x3b: {  	[sflag:s28] =	ssyncset.done $0x0  }
0x3c: {  	[sflag:s28] =	ssyncadd.s32 $0xFFFFFCA0  }
0x3d: {  	_ =	swait.ge [sflag:s28], $0x360  }
0x3e: {  	[sflag:s28] =	ssyncset.done $0x0  }
0x3f: {  	s29 =	simm.s32 $0x4380;
	[sflag:s28] =	ssyncadd.s32 $0xFFFFFCA0  }
0x40: {  	[tilespmem:s29], [sflag:$0x4] =	stream.indirect.gather [hbm4b:s24+s23], $0x10, s23, s23, $0xb8;
	[tilespmem:$0x1F380] =	vst v63  }
0x41: {  	_ =	swait.ge [sflag:s21], $0x3600  }
0x42: {  	[sflag:s21] =	ssyncset.done $0x0  }
0x43: {  	s4 =	smul.u32 $0x2F40, s3;
	[sflag:s21] =	ssyncadd.s32 $0xFFFFCA00  }
0x44: {  	[spmem:s12] =	stream.indirect.scatter.add.bf16 [tilespmem:s18], [sflag:$0x5], $0x10, s22, s23, $0xb8;
	[tilespmem:$0x1F380] =	vst v63  }
0x45: {  	s30 =	sadd.s32 s4, s1;
	_ =	swait.ge [sflag:s19], $0x3600  }
0x46: {  	s31 =	sadd.s32 s4, s2;
	s1 =	sadd.s32 $0xFFFFD198, s30;
	[sflag:s19] =	ssyncset.done $0x0  }
0x47: {  	s2 =	sadd.s32 $0xFFFFD198, s31;
	s3 =	sadd.s32 $0x2F40, s1;
	[sflag:s19] =	ssyncadd.s32 $0xFFFFCA00  }
0x48: {  	[tilespmem:s17], [sflag:$0x1] =	stream.linear.gather [hbm4b:s3+s17], $0x360, $0x38;
	[tilespmem:$0x1F380] =	vst v63  }
0x49: {  	s4 =	sadd.s32 $0x2F40, s2  }
0x4a: {  	[tilespmem:s22], [sflag:$0x1] =	stream.linear.gather [hbm4b:s4+s17], $0x360, $0x38;
	[tilespmem:$0x1F380] =	vst v63  }
0x4b: {  	_ =	swait.ge [sflag:s26], $0x360  }
0x4c: {  	[sflag:s26] =	ssyncset.done $0x0  }
0x4d: {  	[sflag:s26] =	ssyncadd.s32 $0xFFFFFCA0  }
0x4e: {  	_ =	swait.ge [sflag:s26], $0x360  }
0x4f: {  	[sflag:s26] =	ssyncset.done $0x0  }
0x50: {  	s0 =	simm.s32 $0x4;
	[sflag:s26] =	ssyncadd.s32 $0xFFFFFCA0  }
0x51: {  	[tilespmem:s18], [sflag:$0x3] =	stream.indirect.gather [hbm4b:s24+s23], $0x10, s17, s23, $0xb8;
	[tilespmem:$0x1F380] =	vst v63  }
0x52: {  	_ =	swait.ge [sflag:s0], $0x3600  }
0x53: {  	[sflag:s0] =	ssyncset.done $0x0  }
0x54: {  	[sflag:s0] =	ssyncadd.s32 $0xFFFFCA00  }
0x55: {  	[spmem:s12] =	stream.indirect.scatter.add.bf16 [tilespmem:s29], [sflag:$0x5], $0x10, s25, s23, $0xb8;
	[tilespmem:$0x1F380] =	vst v63  }
0x56: {  	_ =	swait.ge [sflag:s19], $0x3600  }
0x57: {  	[sflag:s19] =	ssyncset.done $0x0  }
0x58: {  	s1 =	sadd.s32 $0x2FAC, s1;
	[sflag:s19] =	ssyncadd.s32 $0xFFFFCA00  }
0x59: {  	[tilespmem:s23], [sflag:$0x2] =	stream.linear.gather [hbm4b:s1+s17], $0x360, $0x38;
	[tilespmem:$0x1F380] =	vst v63  }
0x5a: {  	s2 =	sadd.s32 $0x2FAC, s2;
	s20 =	sadd.s32 $0x211C00, s20;
	s1 =	simm.s32 $0xFFFFD270  }
.LBB2_1:
0x5b: {  	[tilespmem:s25], [sflag:$0x2] =	stream.linear.gather [hbm4b:s2+s17], $0x360, $0x38;
	[tilespmem:$0x1F380] =	vst v63  }
0x5c: {  	s2 =	smov.u32 s1  }
0x5d: {  	p0 =	sne.s32 s1, $0xFFFFFF28;
	s1 =	sadd.s32 $0xD8, s1;
	_ =	swait.ge [sflag:s28], $0x360  }
0x5e: {  	[sflag:s28] =	ssyncset.done $0x0  }
0x5f: {  	[sflag:s28] =	ssyncadd.s32 $0xFFFFFCA0  }
0x60: {  	_ =	swait.ge [sflag:s28], $0x360  }
0x61: {  	[sflag:s28] =	ssyncset.done $0x0  }
0x62: {  	[sflag:s28] =	ssyncadd.s32 $0xFFFFFCA0  }
0x63: {  	[tilespmem:s29], [sflag:$0x4] =	stream.indirect.gather [hbm4b:s24+s23], $0x10, s23, s23, $0xb8;
	[tilespmem:$0x1F380] =	vst v63  }
0x64: {  	_ =	swait.ge [sflag:s21], $0x3600  }
0x65: {  	[sflag:s21] =	ssyncset.done $0x0  }
0x66: {  	[sflag:s21] =	ssyncadd.s32 $0xFFFFCA00  }
0x67: {  	[spmem:s12] =	stream.indirect.scatter.add.bf16 [tilespmem:s18], [sflag:$0x5], $0x10, s22, s23, $0xb8;
	[tilespmem:$0x1F380] =	vst v63  }
0x68: {  	_ =	swait.ge [sflag:s19], $0x3600  }
0x69: {  	s3 =	sadd.s32 s2, s30;
	[sflag:s19] =	ssyncset.done $0x0  }
0x6a: {  	s2 =	sadd.s32 s2, s31;
	s4 =	sadd.s32 $0x2F40, s3;
	[sflag:s19] =	ssyncadd.s32 $0xFFFFCA00  }
0x6b: {  	[tilespmem:s17], [sflag:$0x1] =	stream.linear.gather [hbm4b:s4+s17], $0x360, $0x38;
	[tilespmem:$0x1F380] =	vst v63  }
0x6c: {  	s4 =	sadd.s32 $0x2F40, s2  }
0x6d: {  	[tilespmem:s22], [sflag:$0x1] =	stream.linear.gather [hbm4b:s4+s17], $0x360, $0x38;
	[tilespmem:$0x1F380] =	vst v63  }
0x6e: {  	_ =	swait.ge [sflag:s26], $0x360  }
0x6f: {  	[sflag:s26] =	ssyncset.done $0x0  }
0x70: {  	[sflag:s26] =	ssyncadd.s32 $0xFFFFFCA0  }
0x71: {  	_ =	swait.ge [sflag:s26], $0x360  }
0x72: {  	[sflag:s26] =	ssyncset.done $0x0  }
0x73: {  	[sflag:s26] =	ssyncadd.s32 $0xFFFFFCA0  }
0x74: {  	[tilespmem:s18], [sflag:$0x3] =	stream.indirect.gather [hbm4b:s24+s23], $0x10, s17, s23, $0xb8;
	[tilespmem:$0x1F380] =	vst v63  }
0x75: {  	_ =	swait.ge [sflag:s0], $0x3600  }
0x76: {  	[sflag:s0] =	ssyncset.done $0x0  }
0x77: {  	[sflag:s0] =	ssyncadd.s32 $0xFFFFCA00  }
0x78: {  	[spmem:s12] =	stream.indirect.scatter.add.bf16 [tilespmem:s29], [sflag:$0x5], $0x10, s25, s23, $0xb8;
	[tilespmem:$0x1F380] =	vst v63  }
.Ltmp0:
0x79: {  	_ =	swait.ge [sflag:s19], $0x3600;
	(pc) =	sbr.rel @p0 .LBB2_1-.Ltmp0, $4  }
0x7a: {  	[sflag:s19] =	ssyncset.done $0x0  }
0x7b: {  	s3 =	sadd.s32 $0x2FAC, s3;
	[sflag:s19] =	ssyncadd.s32 $0xFFFFCA00  }
0x7c: {  	[tilespmem:s23], [sflag:$0x2] =	stream.linear.gather [hbm4b:s3+s17], $0x360, $0x38;
	[tilespmem:$0x1F380] =	vst v63  }
0x7d: {  	s2 =	sadd.s32 $0x2FAC, s2  }
0x7e: {  	[tilespmem:s25], [sflag:$0x2] =	stream.linear.gather [hbm4b:s2+s17], $0x360, $0x38;
	[tilespmem:$0x1F380] =	vst v63  }
0x7f: {  	s17 =	simm.s32 $0x2  }
0x80: {  	_ =	swait.ge [sflag:s17], $0x360  }
0x81: {  	[sflag:s17] =	ssyncset.done $0x0  }
0x82: {  	[sflag:s17] =	ssyncadd.s32 $0xFFFFFCA0  }
0x83: {  	_ =	swait.ge [sflag:s17], $0x360  }
0x84: {  	s30 =	simm.s32 $0x360;
	[sflag:s17] =	ssyncset.done $0x0  }
0x85: {  	s19 =	simm.s32 $0x4380;
	s0 =	simm.s32 $0x3;
	[sflag:s17] =	ssyncadd.s32 $0xFFFFFCA0  }
0x86: {  	[tilespmem:s19], [sflag:$0x4] =	stream.indirect.gather [hbm4b:s24+s30], $0x10, s30, s30, $0xb8;
	[tilespmem:$0x1F380] =	vst v63  }
0x87: {  	_ =	swait.ge [sflag:s0], $0x3600  }
0x88: {  	s1 =	simm.s32 $0x6C0;
	[sflag:s0] =	ssyncset.done $0x0  }
0x89: {  	s18 =	simm.s32 $0xD80;
	s3 =	simm.s32 $0x5;
	[sflag:s0] =	ssyncadd.s32 $0xFFFFCA00  }
0x8a: {  	[spmem:s12] =	stream.indirect.scatter.add.bf16 [tilespmem:s18], [sflag:$0x5], $0x10, s1, s30, $0xb8;
	[tilespmem:$0x1F380] =	vst v63  }
0x8b: {  	_ =	swait.ge [sflag:s3], $0x3600  }
0x8c: {  	[sflag:s3] =	ssyncset.done $0x0  }
0x8d: {  	s31 =	simm.s32 $0x4;
	[sflag:s3] =	ssyncadd.s32 $0xFFFFCA00  }
0x8e: {  	_ =	swait.ge [sflag:s31], $0x3600  }
0x8f: {  	[sflag:s31] =	ssyncset.done $0x0  }
0x90: {  	s4 =	simm.s32 $0xA20;
	[sflag:s31] =	ssyncadd.s32 $0xFFFFCA00  }
0x91: {  	[spmem:s12] =	stream.indirect.scatter.add.bf16 [tilespmem:s19], [sflag:$0x5], $0x10, s4, s30, $0xb8;
	[tilespmem:$0x1F380] =	vst v63  }
0x92: {  	_ =	swait.ge [sflag:s3], $0x3600  }
0x93: {  	[sflag:s3] =	ssyncset.done $0x0  }
0x94: {  	[sflag:s3] =	ssyncadd.s32 $0xFFFFCA00  }
0x95: {  	[bflag:$0x0] =	sbarrier.arrive $0xFFFF  }
0x96: {  	[tilespmem:s18], [sflag:$0x3] =	stream.linear.gather [spmem:s15], $0x3600, $0x38;
	[tilespmem:$0x1F380] =	vst v63  }
0x97: {  	_ = 	snop  }
0x98: {  	[tilespmem:s19], [sflag:$0x4] =	stream.linear.gather [spmem:s16], $0x3600, $0x38;
	[tilespmem:$0x1F380] =	vst v63  }
0x99: {  	_ =	swait.ge [sflag:s0], $0x3600  }
0x9a: {  	s21 =	sshrl.u32 s11, $0x4;
	s22 =	simm.s32 $0x0;
	[sflag:s0] =	ssyncset.done $0x0  }
0x9b: {  	s23 =	simm.s32 $0x1;
	s2 =	sadd.s32 s20, s21;
	[sflag:s0] =	ssyncadd.s32 $0xFFFFCA00  }
0x9c: {  	[hbm4b:s2+s22] =	stream.linear.scatter [tilespmem:s18], [sflag:$0x1], $0x3600, $0x38;
	[tilespmem:$0x1F380] =	vst v63  }
0x9d: {  	_ =	swait.ge [sflag:s23], $0x3600  }
0x9e: {  	[sflag:s23] =	ssyncset.done $0x0  }
0x9f: {  	[sflag:s23] =	ssyncadd.s32 $0xFFFFCA00  }
0xa0: {  	[tilespmem:s18], [sflag:$0x3] =	stream.linear.gather [spmem:s14], $0x3600, $0x38;
	[tilespmem:$0x1F380] =	vst v63  }
0xa1: {  	_ =	swait.ge [sflag:s31], $0x3600  }
0xa2: {  	s24 =	sshrl.u32 s9, $0x4;
	[sflag:s31] =	ssyncset.done $0x0  }
0xa3: {  	s4 =	sadd.s32 s20, s24;
	[sflag:s31] =	ssyncadd.s32 $0xFFFFCA00  }
0xa4: {  	[hbm4b:s4+s22] =	stream.linear.scatter [tilespmem:s19], [sflag:$0x2], $0x3600, $0x38;
	[tilespmem:$0x1F380] =	vst v63  }
0xa5: {  	_ =	swait.ge [sflag:s17], $0x3600  }
0xa6: {  	[sflag:s17] =	ssyncset.done $0x0  }
0xa7: {  	[sflag:s17] =	ssyncadd.s32 $0xFFFFCA00  }
0xa8: {  	[tilespmem:s19], [sflag:$0x4] =	stream.linear.gather [spmem:s13], $0x3600, $0x38;
	[tilespmem:$0x1F380] =	vst v63  }
0xa9: {  	_ =	swait.ge [sflag:s0], $0x3600  }
0xaa: {  	s25 =	sshrl.u32 s7, $0x4;
	[sflag:s0] =	ssyncset.done $0x0  }
0xab: {  	s4 =	sadd.s32 s20, s25;
	[sflag:s0] =	ssyncadd.s32 $0xFFFFCA00  }
0xac: {  	[hbm4b:s4+s22] =	stream.linear.scatter [tilespmem:s18], [sflag:$0x1], $0x3600, $0x38;
	[tilespmem:$0x1F380] =	vst v63  }
0xad: {  	_ =	swait.ge [sflag:s23], $0x3600  }
0xae: {  	[sflag:s23] =	ssyncset.done $0x0  }
0xaf: {  	[sflag:s23] =	ssyncadd.s32 $0xFFFFCA00  }
0xb0: {  	[tilespmem:s18], [sflag:$0x3] =	stream.linear.gather [spmem:s10], $0x3600, $0x38;
	[tilespmem:$0x1F380] =	vst v63  }
0xb1: {  	_ =	swait.ge [sflag:s31], $0x3600  }
0xb2: {  	s26 =	sshrl.u32 s6, $0x4;
	[sflag:s31] =	ssyncset.done $0x0  }
0xb3: {  	s4 =	sadd.s32 s20, s26;
	[sflag:s31] =	ssyncadd.s32 $0xFFFFCA00  }
0xb4: {  	[hbm4b:s4+s22] =	stream.linear.scatter [tilespmem:s19], [sflag:$0x2], $0x3600, $0x38;
	[tilespmem:$0x1F380] =	vst v63  }
0xb5: {  	_ =	swait.ge [sflag:s17], $0x3600  }
0xb6: {  	[sflag:s17] =	ssyncset.done $0x0  }
0xb7: {  	[sflag:s17] =	ssyncadd.s32 $0xFFFFCA00  }
0xb8: {  	[tilespmem:s19], [sflag:$0x4] =	stream.linear.gather [spmem:s8], $0x3600, $0x38;
	[tilespmem:$0x1F380] =	vst v63  }
0xb9: {  	_ =	swait.ge [sflag:s0], $0x3600  }
0xba: {  	s28 =	rddreg [dreg:$0x5]  }
0xbb: {  	[sflag:s0] =	ssyncset.done $0x0;
	s4 =	sshrl.u32 s28, $0x4  }
0xbc: {  	[sflag:s0] =	ssyncadd.s32 $0xFFFFCA00;
	s4 =	sadd.s32 s20, s4  }
0xbd: {  	[hbm4b:s4+s22] =	stream.linear.scatter [tilespmem:s18], [sflag:$0x1], $0x3600, $0x38;
	[tilespmem:$0x1F380] =	vst v63  }
0xbe: {  	_ =	swait.ge [sflag:s23], $0x3600  }
0xbf: {  	[sflag:s23] =	ssyncset.done $0x0  }
0xc0: {  	[sflag:s23] =	ssyncadd.s32 $0xFFFFCA00  }
0xc1: {  	[tilespmem:s18], [sflag:$0x3] =	stream.linear.gather [spmem:s5], $0x3600, $0x38;
	[tilespmem:$0x1F380] =	vst v63  }
0xc2: {  	_ =	swait.ge [sflag:s31], $0x3600  }
0xc3: {  	s29 =	rddreg [dreg:$0x4]  }
0xc4: {  	[sflag:s31] =	ssyncset.done $0x0;
	s4 =	sshrl.u32 s29, $0x4  }
0xc5: {  	[sflag:s31] =	ssyncadd.s32 $0xFFFFCA00;
	s4 =	sadd.s32 s20, s4  }
0xc6: {  	[hbm4b:s4+s22] =	stream.linear.scatter [tilespmem:s19], [sflag:$0x2], $0x3600, $0x38;
	[tilespmem:$0x1F380] =	vst v63  }
0xc7: {  	_ =	swait.ge [sflag:s17], $0x3600  }
0xc8: {  	[sflag:s17] =	ssyncset.done $0x0  }
0xc9: {  	[sflag:s17] =	ssyncadd.s32 $0xFFFFCA00  }
0xca: {  	_ =	swait.ge [sflag:s0], $0x3600  }
0xcb: {  	s30 =	rddreg [dreg:$0x3]  }
0xcc: {  	[sflag:s0] =	ssyncset.done $0x0;
	s1 =	sshrl.u32 s30, $0x4  }
0xcd: {  	[sflag:s0] =	ssyncadd.s32 $0xFFFFCA00;
	s1 =	sadd.s32 s20, s1  }
0xce: {  	[hbm4b:s1+s22] =	stream.linear.scatter [tilespmem:s18], [sflag:$0x1], $0x3600, $0x38;
	[tilespmem:$0x1F380] =	vst v63  }
0xcf: {  	_ =	swait.ge [sflag:s23], $0x3600  }
0xd0: {  	[sflag:s23] =	ssyncset.done $0x0  }
0xd1: {  	[sflag:s23] =	ssyncadd.s32 $0xFFFFCA00  }
0xd2: {  	_ =	sfence.sel $0x180000  }
0xd3: {  	[bflag:$0x0] =	sbarrier.arrive $0xFFFF  }
0xd4: {  	_ =	strace $0x90000050  }
0xd5: {  	s31 =	stileid.u32;
	[bflag:$0x2] =	sbarrier.arrive $0xFFFF  }
0xd6: {  	p0 =	sne.s32 s31, $0x0;
	s0 =	rddreg [dreg:$0x2]  }
0xd7: {  	s0 =	sadd.s32 @!p0 $0x100000, s0  }
0xd8: {  	[sflag:s0] =	ssyncadd.tile.s32 @!p0 $0x1;
	_ =	shalt  }
.Lfunc_end2:
_tile_overlayer_lowered:
.L_overlay_start_2:
0xd9: {  	(tag) =	ssettag $0x2  }
0xda: {  	s0 =	rddreg [dreg:$0x0];
	s2 =	stileid.u32  }
0xdb: {  	s1 =	rddreg [dreg:$0x1];
	p0 =	sne.s32 s2, $0x0  }
0xdc: {  	s3 =	rddreg [dreg:$0x2];
	[bflag:$0x3] =	sbarrier.arrive $0xFFFF;
	s2 =	simm.s32 @!p0 $0x1C05  }
0xdd: {  	[timem:s3], [sflag:s2] =	dma.local @!p0 [hbm:s0], s1  }
0xde: {  	s0 =	simm.s32 @!p0 $0x5  }
0xdf: {  	_ =	swait.ge @!p0 [sflag:s0], s1  }
0xe0: {  	s1 =	ssub.s32 @!p0 $0x0, s1;
	[sflag:s0] =	ssyncset.done @!p0 $0x0  }
0xe1: {  	[sflag:s0] =	ssyncadd.s32 @!p0 s1  }
0xe2: {  	[bflag:$0x3] =	sbarrier.arrive $0xFFFF  }
0xe3: {  	_ =	shalt  }

// kernel: kernel.27.cloned.1.call-start
scs
__scs_entry_jumppad:
0x0: {  	(pc) =	sbr.rel $0x88, $3  }
0x1: {  	(tag) =	ssettag $0x0;
	lr =	simm.s32 $0x1  }
0x2: {  	[smem:$0x3F90] =	sst lr;
	_ =	strace $0xD0000000  }
0x3: {  	_ = 	snop  }
0x4: {  	_ = 	snop  }
0x5: {  	_ = 	snop  }
0x6: {  	_ = 	snop  }
0x7: {  	_ = 	snop  }
__scs_overlays_trampoline_lowered:
0x8: {  	[smem:$0x3F9F] =	sst s0  }
0x9: {  	[smem:$0x3FA0] =	sst s1  }
0xa: {  	[smem:$0x3FA1] =	sst s2  }
0xb: {  	[smem:$0x3FA2] =	sst s3  }
0xc: {  	[smem:$0x3FA3] =	sst s4  }
0xd: {  	[smem:$0x3FA4] =	sst s5  }
0xe: {  	[smem:$0x3FA5] =	sst s6  }
0xf: {  	[smem:$0x3FA6] =	sst s7  }
0x10: {  	[smem:$0x3FA7] =	sst s8  }
0x11: {  	[smem:$0x3FA8] =	sst s9;
	s0 =	simm.s32 @!p0 $0x0  }
0x12: {  	s1 =	sld [smem:$0x3F8E];
	s0 =	simm.s32 @p0 $0x1  }
0x13: {  	[smem:$0x3FA9] =	sst s0;
	s0 =	simm.s32 @!p1 $0x0  }
0x14: {  	s2 =	sld [smem:$0x3F8D];
	s0 =	simm.s32 @p1 $0x1  }
0x15: {  	[smem:$0x3FAA] =	sst s0;
	s0 =	simm.s32 @!p2 $0x0  }
0x16: {  	s3 =	sld [smem:$0x3FDB];
	s0 =	simm.s32 @p2 $0x1  }
0x17: {  	s4 =	simm.s32 $0x1BF5;
	[smem:$0x3FAC] =	sst s0  }
0x18: {  	s0 =	sld [smem:$0x3F8F];
	_ =	swait.ge [sflag:s4], $0x0  }
0x19: {  	s7 =	sld [smem:$0x3F90]  }
0x1a: {  	s8 =	sadd.s32 $0xFFFFE003, lr  }
0x1b: {  	s9 =	sadd.s32 $0xFFFFFEF7, lr;
	s5 =	simm.s32 $0xFFFFFFFF;
	p2 =	slt.u32 s8, $0xFFFFF086  }
0x1c: {  	p1 =	slt.u32 s9, $0xF7A;
	s5 =	simm.s32 @!p2 $0x0  }
0x1d: {  	s5 =	simm.s32 @p1 $0x1;
	p0 =	seq.s32 s7, s2  }
0x1e: {  	s7 =	smul.u32 @!p0 $0xF7A, s2;
	p2 =	seq.s32 @!p0 s5, $0x0  }
0x1f: {  	s9 =	smul.u32 $0xF7A, s1;
	s8 =	simm.s32 @!p0 $0x1BF5;
	p2 =	por !p2, p0  }
0x20: {  	[sflag:s8] =	ssyncset.s32 @!p0 $0xFFFFF086;
	s6 =	sadd.s32 @!p0 s3, s7;
	s7 =	simm.s32 @!p0 $0x108  }
0x21: {  	s3 =	sadd.s32 s3, s9;
	s6 =	sadd.s32 @!p0 $0x88, s6;
	s7 =	simm.s32 @p2 $0x1082  }
0x22: {  	[simem:s7], [sflag:s8] =	dma.local @!p0 [hbm:s6], $0xF7A  }
0x23: {  	s9 =	sor.u32 $0xD0000000, s2;
	s6 =	simm.s32 $0x108;
	_ =	swait.ge @!p0 [sflag:s8], $0x0  }
0x24: {  	s3 =	sadd.s32 $0x88, s3;
	s6 =	simm.s32 @!p1 $0x1082;
	[sflag:s4] =	ssyncset.s32 $0xFFFFF086  }
0x25: {  	[simem:s6], [sflag:s4] =	dma.local [hbm:s3], $0xF7A  }
0x26: {  	[smem:$0x3F90] =	sst s1;
	(tag) =	ssettag s2;
	_ =	strace s9  }
0x27: {  	s1 =	sld [smem:$0x3FA0]  }
0x28: {  	s2 =	sld [smem:$0x3FA1]  }
0x29: {  	s4 =	sld [smem:$0x3FA3]  }
0x2a: {  	p0 =	seq.s32 s5, $0x0;
	s5 =	sld [smem:$0x3FA4]  }
0x2b: {  	s6 =	sld [smem:$0x3FA5]  }
0x2c: {  	s7 =	sld [smem:$0x3FA6]  }
0x2d: {  	s3 =	simm.s32 $0x108;
	s8 =	sld [smem:$0x3FA7]  }
0x2e: {  	s3 =	simm.s32 @!p0 $0x1082;
	s9 =	sld [smem:$0x3FA8]  }
0x2f: {  	lr =	sadd.s32 s0, s3;
	s0 =	sld [smem:$0x3F9F]  }
0x30: {  	s3 =	sld [smem:$0x3FA2]  }
0x31: {  	[smem:$0x3FAB] =	sst s10  }
0x32: {  	s10 =	sld [smem:$0x3FA9];
	_ =	sdelay $0x3  }
0x33: {  	p0 =	seq.s32 s10, $0x1;
	s10 =	sld [smem:$0x3FAB];
	_ =	sdelay $0x3  }
0x34: {  	[smem:$0x3FAB] =	sst s10  }
0x35: {  	s10 =	sld [smem:$0x3FAA];
	_ =	sdelay $0x3  }
0x36: {  	p1 =	seq.s32 s10, $0x1;
	s10 =	sld [smem:$0x3FAB];
	_ =	sdelay $0x3  }
0x37: {  	[smem:$0x3FAB] =	sst s10  }
0x38: {  	s10 =	sld [smem:$0x3FAC]  }
0x39: {  	_ = 	snop;
	(pc) =	sbr.ind lr, $3  }
0x3a: {  	_ = 	snop  }
0x3b: {  	_ = 	snop  }
0x3c: {  	p2 =	seq.s32 s10, $0x1;
	s10 =	sld [smem:$0x3FAB]  }
0x3d: {  	_ =	shalt  }
0x3e: {  	_ =	shalt  }
0x3f: {  	_ =	shalt  }
0x40: {  	_ =	shalt  }
0x41: {  	_ =	shalt  }
0x42: {  	_ =	shalt  }
0x43: {  	_ =	shalt  }
0x44: {  	_ =	shalt  }
0x45: {  	_ =	shalt  }
0x46: {  	_ =	shalt  }
0x47: {  	_ =	shalt  }
0x48: {  	_ =	shalt  }
0x49: {  	_ =	shalt  }
0x4a: {  	_ =	shalt  }
0x4b: {  	_ =	shalt  }
0x4c: {  	_ =	shalt  }
0x4d: {  	_ =	shalt  }
0x4e: {  	_ =	shalt  }
0x4f: {  	_ =	shalt  }
0x50: {  	_ =	shalt  }
0x51: {  	_ =	shalt  }
0x52: {  	_ =	shalt  }
0x53: {  	_ =	shalt  }
0x54: {  	_ =	shalt  }
0x55: {  	_ =	shalt  }
0x56: {  	_ =	shalt  }
0x57: {  	_ =	shalt  }
0x58: {  	_ =	shalt  }
0x59: {  	_ =	shalt  }
0x5a: {  	_ =	shalt  }
0x5b: {  	_ =	shalt  }
0x5c: {  	_ =	shalt  }
0x5d: {  	_ =	shalt  }
0x5e: {  	_ =	shalt  }
0x5f: {  	_ =	shalt  }
0x60: {  	_ =	shalt  }
0x61: {  	_ =	shalt  }
0x62: {  	_ =	shalt  }
0x63: {  	_ =	shalt  }
0x64: {  	_ =	shalt  }
0x65: {  	_ =	shalt  }
0x66: {  	_ =	shalt  }
0x67: {  	_ =	shalt  }
0x68: {  	_ =	shalt  }
0x69: {  	_ =	shalt  }
0x6a: {  	_ =	shalt  }
0x6b: {  	_ =	shalt  }
0x6c: {  	_ =	shalt  }
0x6d: {  	_ =	shalt  }
0x6e: {  	_ =	shalt  }
0x6f: {  	_ =	shalt  }
0x70: {  	_ =	shalt  }
0x71: {  	_ =	shalt  }
0x72: {  	_ =	shalt  }
0x73: {  	_ =	shalt  }
0x74: {  	_ =	shalt  }
0x75: {  	_ =	shalt  }
0x76: {  	_ =	shalt  }
0x77: {  	_ =	shalt  }
0x78: {  	_ =	shalt  }
0x79: {  	_ =	shalt  }
0x7a: {  	_ =	shalt  }
0x7b: {  	_ =	shalt  }
0x7c: {  	_ =	shalt  }
0x7d: {  	_ =	shalt  }
0x7e: {  	_ =	shalt  }
0x7f: {  	_ =	shalt  }
0x80: {  	_ =	shalt  }
0x81: {  	_ =	shalt  }
0x82: {  	_ =	shalt  }
0x83: {  	_ =	shalt  }
0x84: {  	_ =	shalt  }
0x85: {  	_ =	shalt  }
0x86: {  	_ =	shalt  }
0x87: {  	_ =	shalt  }
.Lfunc_end0:
.L_simem_size_0:
called_computation.4_lowered:
.L_overlay_start_0:
0x88: {  	s0 =	sld [smem:$0x3FD9]  }
0x89: {  	s1 =	sld [smem:$0x3FFE];
	_ =	sdelay $0x3  }
0x8a: {  	s0 =	sadd.s32 s1, s0  }
0x8b: {  	[smem:$0x3FB7] =	sst s0  }
0x8c: {  	_ = 	snop  }
0x8d: {  	(tm) =	ssettm $0x1  }
0x8e: {  	s15 =	sld [smem:$0x3FFB];
	_ =	sdelay $0x3  }
0x8f: {  	_ =	strace s15  }
0x90: {  	s0 =	sld [smem:$0x3FFC];
	_ =	sdelay $0x3  }
0x91: {  	_ =	strace s0  }
0x92: {  	s0 =	sld [smem:$0x3FFD];
	_ =	sdelay $0x3  }
0x93: {  	_ =	strace s0  }
0x94: {  	_ =	strace $0x8FFFFFFF  }
0x95: {  	s16 =	sld [smem:$0x3FDB];
	_ =	sdelay $0x1  }
0x96: {  	s17 =	simm.s32 $_scs_section_size  }
0x97: {  	s2 =	simm.s32 $_size__tile_overlayer_lowered;
	s3 =	simm.s32 $_tile_overlayer_lowered  }
0x98: {  	s20 =	simm.s32 $0x1BFF;
	s19 =	sshll.u32 s3, $0x1;
	s0 =	sadd.s32 s17, s16  }
0x99: {  	s4 =	simm.s32 $0x0;
	s18 =	sshll.u32 s2, $0x1;
	s2 =	sadd.s32 s19, s0  }
0x9a: {  	[timem:s4], [sflag:s20] =	dma.local [hbm:s2], s18  }
0x9b: {  	_ =	swait.ge [sflag:s20], s18  }
0x9c: {  	s1 =	ssub.s32 $0x0, s18;
	[sflag:s20] =	ssyncset.done $0x0  }
0x9d: {  	[sflag:s20] =	ssyncadd.s32 s1;
	_ =	sdelay $0x1  }
0x9e: {  	s21 =	simm.s32 $0x1B8B  }
0x9f: {  	_ =	swait.ge [sflag:s21], $0x1  }
0xa0: {  	[sflag:s21] =	ssyncset.done $0x0  }
0xa1: {  	s23 =	simm.s32 $0x1B8E;
	s22 =	sld [smem:$0x3FFE];
	[sflag:s21] =	ssyncadd.s32 $0xFFFFFFFF  }
0xa2: {  	s24 =	simm.s32 $execute0_lowered;
	[smem:$0x3FD2] =	sst s23  }
0xa3: {  	s2 =	sshll.u32 s24, $0x1;
	_ =	strace $0x80000052;
	[dreg:$0x1] =	wrdreg $0xFFFFFFFF  }
0xa4: {  	s25 =	simm.s32 $_size_execute0_lowered;
	s0 =	sadd.s32 s0, s2;
	[dreg:$0x0] =	wrdreg $0x0  }
0xa5: {  	s2 =	sshll.u32 s25, $0x1;
	[dreg:$0x2] =	wrdreg s0  }
0xa6: {  	[dreg:$0x3] =	wrdreg s2  }
0xa7: {  	[dreg:$0x4] =	wrdreg $0xC0  }
0xa8: {  	_ =	task [dreg:s4], $0x5FFFF  }
0xa9: {  	[dreg:$0x1] =	wrdreg $0xFFFFFFFF  }
0xaa: {  	[dreg:$0x0] =	wrdreg $0x60  }
0xab: {  	[dreg:$0x2] =	wrdreg s22  }
0xac: {  	[dreg:$0x3] =	wrdreg $0x79800  }
0xad: {  	[dreg:$0x4] =	wrdreg $0x9  }
0xae: {  	_ =	task.clear_ibuf [dreg:s4], $0x5FFFF;
	_ =	strace $0x90000052  }
0xaf: {  	s26 =	simm.s32 $0x9;
	_ =	strace $0x80000054  }
0xb0: {  	_ =	swait.ge [sflag:s26], $0x1  }
0xb1: {  	[sflag:s26] =	ssyncadd.s32 $0xFFFFFFFF  }
0xb2: {  	_ =	strace $0x90000054  }
0xb3: {  	_ =	sfence  }
0xb4: {  	s28 =	sld [smem:$0x0];
	_ =	sdelay $0x1  }
0xb5: {  	s29 =	srdreg.scid  }
0xb6: {  	s30 =	sshll.u32 s29, $0xD;
	s31 =	sshrl.u32 s29, $0x2  }
0xb7: {  	s1 =	sand.u32 $0x1, s29;
	s2 =	sand.u32 $0x4000, s30;
	s0 =	sadd.s32 s31, s28  }
0xb8: {  	s1 =	sor.u32 s2, s1;
	s0 =	sshll.u32 s0, $0x11  }
0xb9: {  	s0 =	sor.u32 s0, s1  }
0xba: {  	s0 =	sadd.s32 $0x8F2B, s0  }
0xbb: {  	[sflag:s0] =	ssyncadd.remote.s32 $0x1  }
0xbc: {  	_ =	sfence.sel $0xFFFF  }
0xbd: {  	[dreg:$0x0] =	wrdreg $0xFFFFFFFF;
	(pc) =	sbr.abs _section_cstart, $3  }
0xbe: {  	[dreg:$0x1] =	wrdreg $0xFFFFFFFF  }
0xbf: {  	_ =	task.clear_ibuf [dreg:s4], $0x2FFFF;
	_ =	strace $0x9FFFFFFF  }
0xc0: {  	(tm) =	ssettm $0x7FFFFFFF  }
0xc1: {  	_ =	shalt  }
tec
execute0_lowered:
.L_overlay_start_1:
0x0: {  	(tag) =	ssettag $0x1  }
0x1: {  	s20 =	rddreg [dreg:$0x0]  }
0x2: {  	s12 =	rddreg [dreg:$0x1];
	s17 =	simm.s32 $0x0;
	s3 =	stileid.u32  }
0x3: {  	s18 =	simm.s32 $0xD80;
	[smem:$0x7FF] =	sst s17;
	s0 =	sadd.s32 $0x1E1C00, s20  }
0x4: {  	s19 =	simm.s32 $0x5;
	s11 =	smul.u32 $0x2F400, s3;
	_ =	strace $0x80000053  }
0x5: {  	[tilespmem:s18], [sflag:$0x5] =	stream.linear.gather [hbm4b:s0+s17], $0x3600, $0x38;
	[tilespmem:$0x1F380] =	vst v63  }
0x6: {  	s15 =	sshrl.u32 s11, $0x1;
	s9 =	sadd.s32 $0x6C00, s11;
	_ =	swait.ge [sflag:s19], $0x3600  }
0x7: {  	s7 =	sadd.s32 $0xD800, s11;
	s6 =	sadd.s32 $0x14400, s11;
	[sflag:s19] =	ssyncset.done $0x0  }
0x8: {  	s15 =	sadd.s32 s15, s12;
	s16 =	sshrl.u32 s9, $0x1;
	[sflag:s19] =	ssyncadd.s32 $0xFFFFCA00  }
0x9: {  	[spmem:s15] =	stream.linear.scatter [tilespmem:s18], [sflag:$0x3], $0x3600, $0x38;
	[tilespmem:$0x1F380] =	vst v63  }
0xa: {  	s1 =	sadd.s32 $0x1B000, s11;
	s21 =	sshrl.u32 s7, $0x1;
	s16 =	sadd.s32 s16, s12  }
0xb: {  	[spmem:s16] =	stream.linear.scatter [tilespmem:s18], [sflag:$0x3], $0x3600, $0x38;
	[tilespmem:$0x1F380] =	vst v63  }
0xc: {  	s24 =	sadd.s32 $0x21C00, s11;
	s22 =	sshrl.u32 s6, $0x1;
	s14 =	sadd.s32 s21, s12  }
0xd: {  	[spmem:s14] =	stream.linear.scatter [tilespmem:s18], [sflag:$0x3], $0x3600, $0x38;
	[tilespmem:$0x1F380] =	vst v63  }
0xe: {  	s26 =	sadd.s32 $0x28800, s11;
	s23 =	sshrl.u32 s1, $0x1;
	s13 =	sadd.s32 s22, s12  }
0xf: {  	[spmem:s13] =	stream.linear.scatter [tilespmem:s18], [sflag:$0x3], $0x3600, $0x38;
	[tilespmem:$0x1F380] =	vst v63  }
0x10: {  	[dreg:$0x5] =	wrdreg s1;
	s25 =	sshrl.u32 s24, $0x1;
	s10 =	sadd.s32 s23, s12  }
0x11: {  	[spmem:s10] =	stream.linear.scatter [tilespmem:s18], [sflag:$0x3], $0x3600, $0x38;
	[tilespmem:$0x1F380] =	vst v63  }
0x12: {  	[dreg:$0x4] =	wrdreg s24;
	s1 =	sshrl.u32 s26, $0x1;
	s8 =	sadd.s32 s25, s12  }
0x13: {  	[spmem:s8] =	stream.linear.scatter [tilespmem:s18], [sflag:$0x3], $0x3600, $0x38;
	[tilespmem:$0x1F380] =	vst v63  }
0x14: {  	[dreg:$0x3] =	wrdreg s26;
	s5 =	sadd.s32 s1, s12;
	s21 =	simm.s32 $0x3  }
0x15: {  	[spmem:s5] =	stream.linear.scatter [tilespmem:s18], [sflag:$0x3], $0x3600, $0x38;
	[tilespmem:$0x1F380] =	vst v63  }
0x16: {  	_ =	swait.ge [sflag:s21], $0x3600  }
0x17: {  	[sflag:s21] =	ssyncset.done $0x0  }
0x18: {  	[sflag:s21] =	ssyncadd.s32 $0xFFFFCA00  }
0x19: {  	_ =	swait.ge [sflag:s21], $0x3600  }
0x1a: {  	[sflag:s21] =	ssyncset.done $0x0  }
0x1b: {  	[sflag:s21] =	ssyncadd.s32 $0xFFFFCA00  }
0x1c: {  	_ =	swait.ge [sflag:s21], $0x3600  }
0x1d: {  	[sflag:s21] =	ssyncset.done $0x0  }
0x1e: {  	[sflag:s21] =	ssyncadd.s32 $0xFFFFCA00  }
0x1f: {  	_ =	swait.ge [sflag:s21], $0x3600  }
0x20: {  	[sflag:s21] =	ssyncset.done $0x0  }
0x21: {  	[sflag:s21] =	ssyncadd.s32 $0xFFFFCA00  }
0x22: {  	_ =	swait.ge [sflag:s21], $0x3600  }
0x23: {  	[sflag:s21] =	ssyncset.done $0x0  }
0x24: {  	[sflag:s21] =	ssyncadd.s32 $0xFFFFCA00  }
0x25: {  	_ =	swait.ge [sflag:s21], $0x3600  }
0x26: {  	[sflag:s21] =	ssyncset.done $0x0  }
0x27: {  	[sflag:s21] =	ssyncadd.s32 $0xFFFFCA00  }
0x28: {  	s2 =	smul.u32 $0x17A00, s3;
	_ =	swait.ge [sflag:s21], $0x3600  }
0x29: {  	[sflag:s21] =	ssyncset.done $0x0  }
0x2a: {  	s0 =	sshrl.u32 s2, $0x3;
	s1 =	sadd.s32 $0x34600, s20;
	[sflag:s21] =	ssyncadd.s32 $0xFFFFCA00  }
0x2b: {  	s2 =	sadd.s32 $0x5200, s20;
	s22 =	sadd.s32 s1, s0;
	[bflag:$0x0] =	sbarrier.arrive $0xFFFF  }
0x2c: {  	[tilespmem:s17], [sflag:$0x1] =	stream.linear.gather [hbm4b:s22+s17], $0x360, $0x38;
	[tilespmem:$0x1F380] =	vst v63  }
0x2d: {  	s23 =	sadd.s32 s2, s0;
	s0 =	sadd.s32 $0x6C, s0;
	s22 =	simm.s32 $0x6C0  }
0x2e: {  	[tilespmem:s22], [sflag:$0x1] =	stream.linear.gather [hbm4b:s23+s17], $0x360, $0x38;
	[tilespmem:$0x1F380] =	vst v63  }
0x2f: {  	s24 =	sadd.s32 s1, s0;
	s23 =	simm.s32 $0x360  }
0x30: {  	[tilespmem:s23], [sflag:$0x2] =	stream.linear.gather [hbm4b:s24+s17], $0x360, $0x38;
	[tilespmem:$0x1F380] =	vst v63  }
0x31: {  	s26 =	simm.s32 $0x1;
	s25 =	simm.s32 $0xA20;
	s0 =	sadd.s32 s2, s0  }
0x32: {  	[tilespmem:s25], [sflag:$0x2] =	stream.linear.gather [hbm4b:s0+s17], $0x360, $0x38;
	[tilespmem:$0x1F380] =	vst v63  }
0x33: {  	_ =	swait.ge [sflag:s26], $0x360  }
0x34: {  	[sflag:s26] =	ssyncset.done $0x0  }
0x35: {  	[sflag:s26] =	ssyncadd.s32 $0xFFFFFCA0  }
0x36: {  	_ =	swait.ge [sflag:s26], $0x360  }
0x37: {  	[sflag:s26] =	ssyncset.done $0x0  }
0x38: {  	s28 =	simm.s32 $0x2;
	s24 =	sadd.s32 $0x35C800, s20;
	[sflag:s26] =	ssyncadd.s32 $0xFFFFFCA0  }
0x39: {  	[tilespmem:s18], [sflag:$0x3] =	stream.indirect.gather [hbm4b:s24+s23], $0x10, s17, s23, $0xb8;
	[tilespmem:$0x1F380] =	vst v63  }
0x3a: {  	_ =	swait.ge [sflag:s28], $0x360  }
0x3b: {  	[sflag:s28] =	ssyncset.done $0x0  }
0x3c: {  	[sflag:s28] =	ssyncadd.s32 $0xFFFFFCA0  }
0x3d: {  	_ =	swait.ge [sflag:s28], $0x360  }
0x3e: {  	[sflag:s28] =	ssyncset.done $0x0  }
0x3f: {  	s29 =	simm.s32 $0x4380;
	[sflag:s28] =	ssyncadd.s32 $0xFFFFFCA0  }
0x40: {  	[tilespmem:s29], [sflag:$0x4] =	stream.indirect.gather [hbm4b:s24+s23], $0x10, s23, s23, $0xb8;
	[tilespmem:$0x1F380] =	vst v63  }
0x41: {  	_ =	swait.ge [sflag:s21], $0x3600  }
0x42: {  	[sflag:s21] =	ssyncset.done $0x0  }
0x43: {  	s4 =	smul.u32 $0x2F40, s3;
	[sflag:s21] =	ssyncadd.s32 $0xFFFFCA00  }
0x44: {  	[spmem:s12] =	stream.indirect.scatter.add.bf16 [tilespmem:s18], [sflag:$0x5], $0x10, s22, s23, $0xb8;
	[tilespmem:$0x1F380] =	vst v63  }
0x45: {  	s30 =	sadd.s32 s4, s1;
	_ =	swait.ge [sflag:s19], $0x3600  }
0x46: {  	s31 =	sadd.s32 s4, s2;
	s1 =	sadd.s32 $0xFFFFD198, s30;
	[sflag:s19] =	ssyncset.done $0x0  }
0x47: {  	s2 =	sadd.s32 $0xFFFFD198, s31;
	s3 =	sadd.s32 $0x2F40, s1;
	[sflag:s19] =	ssyncadd.s32 $0xFFFFCA00  }
0x48: {  	[tilespmem:s17], [sflag:$0x1] =	stream.linear.gather [hbm4b:s3+s17], $0x360, $0x38;
	[tilespmem:$0x1F380] =	vst v63  }
0x49: {  	s4 =	sadd.s32 $0x2F40, s2  }
0x4a: {  	[tilespmem:s22], [sflag:$0x1] =	stream.linear.gather [hbm4b:s4+s17], $0x360, $0x38;
	[tilespmem:$0x1F380] =	vst v63  }
0x4b: {  	_ =	swait.ge [sflag:s26], $0x360  }
0x4c: {  	[sflag:s26] =	ssyncset.done $0x0  }
0x4d: {  	[sflag:s26] =	ssyncadd.s32 $0xFFFFFCA0  }
0x4e: {  	_ =	swait.ge [sflag:s26], $0x360  }
0x4f: {  	[sflag:s26] =	ssyncset.done $0x0  }
0x50: {  	s0 =	simm.s32 $0x4;
	[sflag:s26] =	ssyncadd.s32 $0xFFFFFCA0  }
0x51: {  	[tilespmem:s18], [sflag:$0x3] =	stream.indirect.gather [hbm4b:s24+s23], $0x10, s17, s23, $0xb8;
	[tilespmem:$0x1F380] =	vst v63  }
0x52: {  	_ =	swait.ge [sflag:s0], $0x3600  }
0x53: {  	[sflag:s0] =	ssyncset.done $0x0  }
0x54: {  	[sflag:s0] =	ssyncadd.s32 $0xFFFFCA00  }
0x55: {  	[spmem:s12] =	stream.indirect.scatter.add.bf16 [tilespmem:s29], [sflag:$0x5], $0x10, s25, s23, $0xb8;
	[tilespmem:$0x1F380] =	vst v63  }
0x56: {  	_ =	swait.ge [sflag:s19], $0x3600  }
0x57: {  	[sflag:s19] =	ssyncset.done $0x0  }
0x58: {  	s1 =	sadd.s32 $0x2FAC, s1;
	[sflag:s19] =	ssyncadd.s32 $0xFFFFCA00  }
0x59: {  	[tilespmem:s23], [sflag:$0x2] =	stream.linear.gather [hbm4b:s1+s17], $0x360, $0x38;
	[tilespmem:$0x1F380] =	vst v63  }
0x5a: {  	s2 =	sadd.s32 $0x2FAC, s2;
	s20 =	sadd.s32 $0x38BC00, s20;
	s1 =	simm.s32 $0xFFFFD270  }
.LBB2_1:
0x5b: {  	[tilespmem:s25], [sflag:$0x2] =	stream.linear.gather [hbm4b:s2+s17], $0x360, $0x38;
	[tilespmem:$0x1F380] =	vst v63  }
0x5c: {  	s2 =	smov.u32 s1  }
0x5d: {  	p0 =	sne.s32 s1, $0xFFFFFF28;
	s1 =	sadd.s32 $0xD8, s1;
	_ =	swait.ge [sflag:s28], $0x360  }
0x5e: {  	[sflag:s28] =	ssyncset.done $0x0  }
0x5f: {  	[sflag:s28] =	ssyncadd.s32 $0xFFFFFCA0  }
0x60: {  	_ =	swait.ge [sflag:s28], $0x360  }
0x61: {  	[sflag:s28] =	ssyncset.done $0x0  }
0x62: {  	[sflag:s28] =	ssyncadd.s32 $0xFFFFFCA0  }
0x63: {  	[tilespmem:s29], [sflag:$0x4] =	stream.indirect.gather [hbm4b:s24+s23], $0x10, s23, s23, $0xb8;
	[tilespmem:$0x1F380] =	vst v63  }
0x64: {  	_ =	swait.ge [sflag:s21], $0x3600  }
0x65: {  	[sflag:s21] =	ssyncset.done $0x0  }
0x66: {  	[sflag:s21] =	ssyncadd.s32 $0xFFFFCA00  }
0x67: {  	[spmem:s12] =	stream.indirect.scatter.add.bf16 [tilespmem:s18], [sflag:$0x5], $0x10, s22, s23, $0xb8;
	[tilespmem:$0x1F380] =	vst v63  }
0x68: {  	_ =	swait.ge [sflag:s19], $0x3600  }
0x69: {  	s3 =	sadd.s32 s2, s30;
	[sflag:s19] =	ssyncset.done $0x0  }
0x6a: {  	s2 =	sadd.s32 s2, s31;
	s4 =	sadd.s32 $0x2F40, s3;
	[sflag:s19] =	ssyncadd.s32 $0xFFFFCA00  }
0x6b: {  	[tilespmem:s17], [sflag:$0x1] =	stream.linear.gather [hbm4b:s4+s17], $0x360, $0x38;
	[tilespmem:$0x1F380] =	vst v63  }
0x6c: {  	s4 =	sadd.s32 $0x2F40, s2  }
0x6d: {  	[tilespmem:s22], [sflag:$0x1] =	stream.linear.gather [hbm4b:s4+s17], $0x360, $0x38;
	[tilespmem:$0x1F380] =	vst v63  }
0x6e: {  	_ =	swait.ge [sflag:s26], $0x360  }
0x6f: {  	[sflag:s26] =	ssyncset.done $0x0  }
0x70: {  	[sflag:s26] =	ssyncadd.s32 $0xFFFFFCA0  }
0x71: {  	_ =	swait.ge [sflag:s26], $0x360  }
0x72: {  	[sflag:s26] =	ssyncset.done $0x0  }
0x73: {  	[sflag:s26] =	ssyncadd.s32 $0xFFFFFCA0  }
0x74: {  	[tilespmem:s18], [sflag:$0x3] =	stream.indirect.gather [hbm4b:s24+s23], $0x10, s17, s23, $0xb8;
	[tilespmem:$0x1F380] =	vst v63  }
0x75: {  	_ =	swait.ge [sflag:s0], $0x3600  }
0x76: {  	[sflag:s0] =	ssyncset.done $0x0  }
0x77: {  	[sflag:s0] =	ssyncadd.s32 $0xFFFFCA00  }
0x78: {  	[spmem:s12] =	stream.indirect.scatter.add.bf16 [tilespmem:s29], [sflag:$0x5], $0x10, s25, s23, $0xb8;
	[tilespmem:$0x1F380] =	vst v63  }
.Ltmp0:
0x79: {  	_ =	swait.ge [sflag:s19], $0x3600;
	(pc) =	sbr.rel @p0 .LBB2_1-.Ltmp0, $4  }
0x7a: {  	[sflag:s19] =	ssyncset.done $0x0  }
0x7b: {  	s3 =	sadd.s32 $0x2FAC, s3;
	[sflag:s19] =	ssyncadd.s32 $0xFFFFCA00  }
0x7c: {  	[tilespmem:s23], [sflag:$0x2] =	stream.linear.gather [hbm4b:s3+s17], $0x360, $0x38;
	[tilespmem:$0x1F380] =	vst v63  }
0x7d: {  	s2 =	sadd.s32 $0x2FAC, s2  }
0x7e: {  	[tilespmem:s25], [sflag:$0x2] =	stream.linear.gather [hbm4b:s2+s17], $0x360, $0x38;
	[tilespmem:$0x1F380] =	vst v63  }
0x7f: {  	s17 =	simm.s32 $0x2  }
0x80: {  	_ =	swait.ge [sflag:s17], $0x360  }
0x81: {  	[sflag:s17] =	ssyncset.done $0x0  }
0x82: {  	[sflag:s17] =	ssyncadd.s32 $0xFFFFFCA0  }
0x83: {  	_ =	swait.ge [sflag:s17], $0x360  }
0x84: {  	s30 =	simm.s32 $0x360;
	[sflag:s17] =	ssyncset.done $0x0  }
0x85: {  	s19 =	simm.s32 $0x4380;
	s0 =	simm.s32 $0x3;
	[sflag:s17] =	ssyncadd.s32 $0xFFFFFCA0  }
0x86: {  	[tilespmem:s19], [sflag:$0x4] =	stream.indirect.gather [hbm4b:s24+s30], $0x10, s30, s30, $0xb8;
	[tilespmem:$0x1F380] =	vst v63  }
0x87: {  	_ =	swait.ge [sflag:s0], $0x3600  }
0x88: {  	s1 =	simm.s32 $0x6C0;
	[sflag:s0] =	ssyncset.done $0x0  }
0x89: {  	s18 =	simm.s32 $0xD80;
	s3 =	simm.s32 $0x5;
	[sflag:s0] =	ssyncadd.s32 $0xFFFFCA00  }
0x8a: {  	[spmem:s12] =	stream.indirect.scatter.add.bf16 [tilespmem:s18], [sflag:$0x5], $0x10, s1, s30, $0xb8;
	[tilespmem:$0x1F380] =	vst v63  }
0x8b: {  	_ =	swait.ge [sflag:s3], $0x3600  }
0x8c: {  	[sflag:s3] =	ssyncset.done $0x0  }
0x8d: {  	s31 =	simm.s32 $0x4;
	[sflag:s3] =	ssyncadd.s32 $0xFFFFCA00  }
0x8e: {  	_ =	swait.ge [sflag:s31], $0x3600  }
0x8f: {  	[sflag:s31] =	ssyncset.done $0x0  }
0x90: {  	s4 =	simm.s32 $0xA20;
	[sflag:s31] =	ssyncadd.s32 $0xFFFFCA00  }
0x91: {  	[spmem:s12] =	stream.indirect.scatter.add.bf16 [tilespmem:s19], [sflag:$0x5], $0x10, s4, s30, $0xb8;
	[tilespmem:$0x1F380] =	vst v63  }
0x92: {  	_ =	swait.ge [sflag:s3], $0x3600  }
0x93: {  	[sflag:s3] =	ssyncset.done $0x0  }
0x94: {  	[sflag:s3] =	ssyncadd.s32 $0xFFFFCA00  }
0x95: {  	[bflag:$0x0] =	sbarrier.arrive $0xFFFF  }
0x96: {  	[tilespmem:s18], [sflag:$0x3] =	stream.linear.gather [spmem:s15], $0x3600, $0x38;
	[tilespmem:$0x1F380] =	vst v63  }
0x97: {  	_ = 	snop  }
0x98: {  	[tilespmem:s19], [sflag:$0x4] =	stream.linear.gather [spmem:s16], $0x3600, $0x38;
	[tilespmem:$0x1F380] =	vst v63  }
0x99: {  	_ =	swait.ge [sflag:s0], $0x3600  }
0x9a: {  	s21 =	sshrl.u32 s11, $0x4;
	s22 =	simm.s32 $0x0;
	[sflag:s0] =	ssyncset.done $0x0  }
0x9b: {  	s23 =	simm.s32 $0x1;
	s2 =	sadd.s32 s20, s21;
	[sflag:s0] =	ssyncadd.s32 $0xFFFFCA00  }
0x9c: {  	[hbm4b:s2+s22] =	stream.linear.scatter [tilespmem:s18], [sflag:$0x1], $0x3600, $0x38;
	[tilespmem:$0x1F380] =	vst v63  }
0x9d: {  	_ =	swait.ge [sflag:s23], $0x3600  }
0x9e: {  	[sflag:s23] =	ssyncset.done $0x0  }
0x9f: {  	[sflag:s23] =	ssyncadd.s32 $0xFFFFCA00  }
0xa0: {  	[tilespmem:s18], [sflag:$0x3] =	stream.linear.gather [spmem:s14], $0x3600, $0x38;
	[tilespmem:$0x1F380] =	vst v63  }
0xa1: {  	_ =	swait.ge [sflag:s31], $0x3600  }
0xa2: {  	s24 =	sshrl.u32 s9, $0x4;
	[sflag:s31] =	ssyncset.done $0x0  }
0xa3: {  	s4 =	sadd.s32 s20, s24;
	[sflag:s31] =	ssyncadd.s32 $0xFFFFCA00  }
0xa4: {  	[hbm4b:s4+s22] =	stream.linear.scatter [tilespmem:s19], [sflag:$0x2], $0x3600, $0x38;
	[tilespmem:$0x1F380] =	vst v63  }
0xa5: {  	_ =	swait.ge [sflag:s17], $0x3600  }
0xa6: {  	[sflag:s17] =	ssyncset.done $0x0  }
0xa7: {  	[sflag:s17] =	ssyncadd.s32 $0xFFFFCA00  }
0xa8: {  	[tilespmem:s19], [sflag:$0x4] =	stream.linear.gather [spmem:s13], $0x3600, $0x38;
	[tilespmem:$0x1F380] =	vst v63  }
0xa9: {  	_ =	swait.ge [sflag:s0], $0x3600  }
0xaa: {  	s25 =	sshrl.u32 s7, $0x4;
	[sflag:s0] =	ssyncset.done $0x0  }
0xab: {  	s4 =	sadd.s32 s20, s25;
	[sflag:s0] =	ssyncadd.s32 $0xFFFFCA00  }
0xac: {  	[hbm4b:s4+s22] =	stream.linear.scatter [tilespmem:s18], [sflag:$0x1], $0x3600, $0x38;
	[tilespmem:$0x1F380] =	vst v63  }
0xad: {  	_ =	swait.ge [sflag:s23], $0x3600  }
0xae: {  	[sflag:s23] =	ssyncset.done $0x0  }
0xaf: {  	[sflag:s23] =	ssyncadd.s32 $0xFFFFCA00  }
0xb0: {  	[tilespmem:s18], [sflag:$0x3] =	stream.linear.gather [spmem:s10], $0x3600, $0x38;
	[tilespmem:$0x1F380] =	vst v63  }
0xb1: {  	_ =	swait.ge [sflag:s31], $0x3600  }
0xb2: {  	s26 =	sshrl.u32 s6, $0x4;
	[sflag:s31] =	ssyncset.done $0x0  }
0xb3: {  	s4 =	sadd.s32 s20, s26;
	[sflag:s31] =	ssyncadd.s32 $0xFFFFCA00  }
0xb4: {  	[hbm4b:s4+s22] =	stream.linear.scatter [tilespmem:s19], [sflag:$0x2], $0x3600, $0x38;
	[tilespmem:$0x1F380] =	vst v63  }
0xb5: {  	_ =	swait.ge [sflag:s17], $0x3600  }
0xb6: {  	[sflag:s17] =	ssyncset.done $0x0  }
0xb7: {  	[sflag:s17] =	ssyncadd.s32 $0xFFFFCA00  }
0xb8: {  	[tilespmem:s19], [sflag:$0x4] =	stream.linear.gather [spmem:s8], $0x3600, $0x38;
	[tilespmem:$0x1F380] =	vst v63  }
0xb9: {  	_ =	swait.ge [sflag:s0], $0x3600  }
0xba: {  	s28 =	rddreg [dreg:$0x5]  }
0xbb: {  	[sflag:s0] =	ssyncset.done $0x0;
	s4 =	sshrl.u32 s28, $0x4  }
0xbc: {  	[sflag:s0] =	ssyncadd.s32 $0xFFFFCA00;
	s4 =	sadd.s32 s20, s4  }
0xbd: {  	[hbm4b:s4+s22] =	stream.linear.scatter [tilespmem:s18], [sflag:$0x1], $0x3600, $0x38;
	[tilespmem:$0x1F380] =	vst v63  }
0xbe: {  	_ =	swait.ge [sflag:s23], $0x3600  }
0xbf: {  	[sflag:s23] =	ssyncset.done $0x0  }
0xc0: {  	[sflag:s23] =	ssyncadd.s32 $0xFFFFCA00  }
0xc1: {  	[tilespmem:s18], [sflag:$0x3] =	stream.linear.gather [spmem:s5], $0x3600, $0x38;
	[tilespmem:$0x1F380] =	vst v63  }
0xc2: {  	_ =	swait.ge [sflag:s31], $0x3600  }
0xc3: {  	s29 =	rddreg [dreg:$0x4]  }
0xc4: {  	[sflag:s31] =	ssyncset.done $0x0;
	s4 =	sshrl.u32 s29, $0x4  }
0xc5: {  	[sflag:s31] =	ssyncadd.s32 $0xFFFFCA00;
	s4 =	sadd.s32 s20, s4  }
0xc6: {  	[hbm4b:s4+s22] =	stream.linear.scatter [tilespmem:s19], [sflag:$0x2], $0x3600, $0x38;
	[tilespmem:$0x1F380] =	vst v63  }
0xc7: {  	_ =	swait.ge [sflag:s17], $0x3600  }
0xc8: {  	[sflag:s17] =	ssyncset.done $0x0  }
0xc9: {  	[sflag:s17] =	ssyncadd.s32 $0xFFFFCA00  }
0xca: {  	_ =	swait.ge [sflag:s0], $0x3600  }
0xcb: {  	s30 =	rddreg [dreg:$0x3]  }
0xcc: {  	[sflag:s0] =	ssyncset.done $0x0;
	s1 =	sshrl.u32 s30, $0x4  }
0xcd: {  	[sflag:s0] =	ssyncadd.s32 $0xFFFFCA00;
	s1 =	sadd.s32 s20, s1  }
0xce: {  	[hbm4b:s1+s22] =	stream.linear.scatter [tilespmem:s18], [sflag:$0x1], $0x3600, $0x38;
	[tilespmem:$0x1F380] =	vst v63  }
0xcf: {  	_ =	swait.ge [sflag:s23], $0x3600  }
0xd0: {  	[sflag:s23] =	ssyncset.done $0x0  }
0xd1: {  	[sflag:s23] =	ssyncadd.s32 $0xFFFFCA00  }
0xd2: {  	_ =	sfence.sel $0x180000  }
0xd3: {  	[bflag:$0x0] =	sbarrier.arrive $0xFFFF  }
0xd4: {  	_ =	strace $0x90000053  }
0xd5: {  	s31 =	stileid.u32;
	[bflag:$0x2] =	sbarrier.arrive $0xFFFF  }
0xd6: {  	p0 =	sne.s32 s31, $0x0;
	s0 =	rddreg [dreg:$0x2]  }
0xd7: {  	s0 =	sadd.s32 @!p0 $0x100000, s0  }
0xd8: {  	[sflag:s0] =	ssyncadd.tile.s32 @!p0 $0x1;
	_ =	shalt  }
.Lfunc_end2:
_tile_overlayer_lowered:
.L_overlay_start_2:
0xd9: {  	(tag) =	ssettag $0x2  }
0xda: {  	s0 =	rddreg [dreg:$0x0];
	s2 =	stileid.u32  }
0xdb: {  	s1 =	rddreg [dreg:$0x1];
	p0 =	sne.s32 s2, $0x0  }
0xdc: {  	s3 =	rddreg [dreg:$0x2];
	[bflag:$0x3] =	sbarrier.arrive $0xFFFF;
	s2 =	simm.s32 @!p0 $0x1C05  }
0xdd: {  	[timem:s3], [sflag:s2] =	dma.local @!p0 [hbm:s0], s1  }
0xde: {  	s0 =	simm.s32 @!p0 $0x5  }
0xdf: {  	_ =	swait.ge @!p0 [sflag:s0], s1  }
0xe0: {  	s1 =	ssub.s32 @!p0 $0x0, s1;
	[sflag:s0] =	ssyncset.done @!p0 $0x0  }
0xe1: {  	[sflag:s0] =	ssyncadd.s32 @!p0 s1  }
0xe2: {  	[bflag:$0x3] =	sbarrier.arrive $0xFFFF  }
0xe3: {  	_ =	shalt  }

</sc_bundles>
